<compile_context>
chip_gen: v7x
topology: tpu7x:2x2x1
jax: 0.10.2.dev20260603
libtpu: 0.0.44.dev20260713+nightly
codegen_flags: <defaults>
</compile_context>

<pallas_src>
import functools

import jax
import jax.numpy as jnp
from jax import lax
from jax.experimental import pallas as pl
from jax.experimental.pallas import tpu as pltpu
from jax.experimental.pallas import tpu_sc as plsc

E = 3200000
N_NODES = 100000
NPAD = 102400
NC, NS = 2, 16
NW = NC * NS
CH = 640
K = 5
ES = E // K
NCHUNK_S = ES // CH
CHUNKS_PER_TILE = NCHUNK_S // NW + 1
BLK = 25600
GRID_S = ES // BLK
G = BLK // 8


def _silu(x):
    return x * jax.nn.sigmoid(x)


def _edge_mlp_body(x_ref, w1_ref, b1_ref, w2_ref, b2_ref, o_ref):
    xb = x_ref[...]
    xt = jnp.concatenate([xb[:, s * G:(s + 1) * G] for s in range(8)], axis=0)
    xt = xt.astype(jnp.bfloat16)
    w1 = w1_ref[...].astype(jnp.bfloat16)
    w2 = w2_ref[...].astype(jnp.bfloat16)
    y = lax.dot_general(xt, w1, (((0,), (0,)), ((), ())),
                        preferred_element_type=jnp.float32)
    y = _silu(y + b1_ref[...])
    z = jnp.dot(y.astype(jnp.bfloat16), w2,
                preferred_element_type=jnp.float32) + b2_ref[...]
    o_ref[...] = _silu(z)


def _edge_mlp(xT, bd1, b1t, bd2, b2t, s):
    return pl.pallas_call(
        _edge_mlp_body,
        grid=(GRID_S,),
        in_specs=[
            pl.BlockSpec((16, BLK), lambda i, s=s: (0, s * GRID_S + i)),
            pl.BlockSpec((128, 128), lambda i: (0, 0)),
            pl.BlockSpec((1, 128), lambda i: (0, 0)),
            pl.BlockSpec((128, 128), lambda i: (0, 0)),
            pl.BlockSpec((1, 128), lambda i: (0, 0)),
        ],
        out_specs=pl.BlockSpec((G, 128), lambda i: (i, 0)),
        out_shape=jax.ShapeDtypeStruct((ES // 8, 128), jnp.float32),
    )(xT, bd1, b1t, bd2, b2t)


def _sc_scatter_body(slice_id, e_hbm, row2d_hbm, out_hbm, agg_sh,
                     ebuf0, ebuf1, ibuf0, ibuf1, sem0, sem1):
    c = lax.axis_index("c")
    s = lax.axis_index("s")
    w = s * NC + c
    ebufs = (ebuf0, ebuf1)
    ibufs = (ibuf0, ibuf1)
    sems = (sem0, sem1)

    def _zrow(i, carry):
        ebuf0[i] = jnp.zeros((16,), jnp.float32)
        return carry

    lax.fori_loop(0, CH, _zrow, 0)
    base = s * (NPAD // NS)
    for z in range(NPAD // NS // CH):
        pltpu.sync_copy(ebuf0, agg_sh.at[pl.ds(base + z * CH, CH)])
    plsc.subcore_barrier()

    def _start(k, b):
        j = w + NW * k

        @pl.when(j < NCHUNK_S)
        def _():
            start_edge = pl.multiple_of(j * CH, CH)
            pltpu.make_async_copy(
                e_hbm.at[pl.ds(start_edge, CH)], ebufs[b], sems[b]).start()
            row_off = slice_id * (NCHUNK_S * (CH // 128)) + j * (CH // 128)
            pltpu.make_async_copy(
                row2d_hbm.at[pl.ds(pl.multiple_of(row_off, CH // 128), CH // 128)],
                ibufs[b], sems[b]).start()

    def _drain_scatter(k, b):
        j = w + NW * k

        @pl.when(j < NCHUNK_S)
        def _():
            pltpu.make_async_copy(
                e_hbm.at[pl.ds(0, CH)], ebufs[b], sems[b]).wait()
            pltpu.make_async_copy(
                row2d_hbm.at[pl.ds(0, CH // 128)], ibufs[b], sems[b]).wait()
            for sub in range(CH // 128):
                pltpu.sync_copy(
                    ebufs[b].at[pl.ds(sub * 128, 128)],
                    agg_sh.at[ibufs[b].at[sub]],
                    add=True,
                )

    _start(0, 0)

    def _loop(kk, carry):
        k0 = kk * 2
        _start(k0 + 1, 1)
        _drain_scatter(k0, 0)
        _start(k0 + 2, 0)
        _drain_scatter(k0 + 1, 1)
        return carry

    lax.fori_loop(0, CHUNKS_PER_TILE // 2, _loop, 0)
    plsc.subcore_barrier()

    pltpu.sync_copy(
        agg_sh.at[pl.ds(base, NPAD // NS)],
        out_hbm.at[c].at[pl.ds(base, NPAD // NS)],
    )


def _sc_scatter(e, row2d, slice_id):
    mesh = plsc.VectorSubcoreMesh(core_axis_name="c", subcore_axis_name="s")
    f = pl.kernel(
        functools.partial(_sc_scatter_body, slice_id),
        out_type=jax.ShapeDtypeStruct((NC, NPAD, 16), jnp.float32),
        mesh=mesh,
        scratch_types=[
            pltpu.VMEM_SHARED((NPAD, 16), jnp.float32),
            pltpu.VMEM((CH, 16), jnp.float32),
            pltpu.VMEM((CH, 16), jnp.float32),
            pltpu.VMEM((CH // 128, 128), jnp.int32),
            pltpu.VMEM((CH // 128, 128), jnp.int32),
            pltpu.SemaphoreType.DMA,
            pltpu.SemaphoreType.DMA,
        ],
        compiler_params=pltpu.CompilerParams(use_tc_tiling_on_sc=False),
    )
    return f(e, row2d)


def _node_mlp_body(p0, p1, p2, p3, p4, w3_ref, b3_ref, w4_ref, b4_ref, o_ref):
    x = (p0[0] + p0[1] + p1[0] + p1[1] + p2[0] + p2[1]
         + p3[0] + p3[1] + p4[0] + p4[1])
    y = _silu(jnp.dot(x.astype(jnp.bfloat16), w3_ref[...].astype(jnp.bfloat16),
                      preferred_element_type=jnp.float32) + b3_ref[...])
    z = jnp.dot(y.astype(jnp.bfloat16), w4_ref[...].astype(jnp.bfloat16),
                preferred_element_type=jnp.float32) + b4_ref[...]
    o_ref[...] = z.reshape(o_ref.shape)


def _node_mlp(parts, bd3, b3t, bd4, b4t):
    blk = 1600
    grid = (NPAD // 8) // blk
    pspec = pl.BlockSpec((NC, blk, 128), lambda i: (0, i, 0))
    return pl.pallas_call(
        _node_mlp_body,
        grid=(grid,),
        in_specs=[pspec] * K + [
            pl.BlockSpec((128, 128), lambda i: (0, 0)),
            pl.BlockSpec((1, 128), lambda i: (0, 0)),
            pl.BlockSpec((128, 1024), lambda i: (0, 0)),
            pl.BlockSpec((1, 1024), lambda i: (0, 0)),
        ],
        out_specs=pl.BlockSpec((8 * blk, 128), lambda i: (i, 0)),
        out_shape=jax.ShapeDtypeStruct((NPAD, 128), jnp.float32),
    )(*parts, bd3, b3t, bd4, b4t)


def _perm_body(x_ref, o_ref):
    x = x_ref[...]
    z = x.reshape(8, BLK // 128, 16)
    o_ref[...] = z.transpose(1, 2, 0).reshape(BLK // 128, 128)


def _perm(ei2d):
    return pl.pallas_call(
        _perm_body,
        grid=(E // BLK,),
        in_specs=[pl.BlockSpec((8, BLK // 8), lambda i: (i, 0))],
        out_specs=pl.BlockSpec((BLK // 128, 128), lambda i: (i, 0)),
        out_shape=jax.ShapeDtypeStruct((E // 128, 128), jnp.int32),
    )(ei2d)


def kernel(edge_index, edge_attr, W1, b1, W2, b2, W3, b3, W4, b4):
    eye8 = jnp.eye(8, dtype=jnp.float32)
    bd1 = jnp.kron(eye8, W1)
    bd2 = jnp.kron(eye8, W2)
    bd3 = jnp.kron(eye8, W3)
    bd4 = jnp.kron(eye8, W4)
    b1t = jnp.tile(b1, 8)[None, :]
    b2t = jnp.tile(b2, 8)[None, :]
    b3t = jnp.tile(b3, 8)[None, :]
    b4t = jnp.tile(b4, 8)[None, :]

    xT = edge_attr.T

    row2d = _perm(edge_index.reshape(2 * E // G, G))

    parts = []
    for s in range(K):
        e2 = _edge_mlp(xT, bd1, b1t, bd2, b2t, s)
        e = e2.reshape(ES, 16)
        parts.append(_sc_scatter(e, row2d, s))

    parts_packed = [p.reshape(NC, NPAD // 8, 128) for p in parts]
    h = _node_mlp(parts_packed, bd3, b3t, bd4, b4t)
    return h[:N_NODES]

# --- scband reference (transcript-rebuilt; emitter-appended) ---
"""Pipeline reference for scband-intro-gnlayer-34505767256114 (READ-ONLY COPY).

The authoritative reference and input builder live on the scoring server;
editing this copy changes nothing except your own understanding.
"""

import jax, jax.numpy as jnp
import numpy as np

E = 3200000
N_NODES = 100000
EDGES_IN_D = 16
HIDDEN_NF = 16
OUTPUT_NF = 128


def silu(x):
    return x * jax.nn.sigmoid(x)


def setup_inputs(seed: int = 0) -> dict:
    key = jax.random.key(seed)
    ks = jax.random.split(key, 10)
    edge_index = jax.random.randint(ks[0], (2, E), 0, N_NODES, dtype=jnp.int32)
    edge_attr = jax.random.normal(ks[1], (E, EDGES_IN_D), dtype=jnp.float32)
    # edge_mlp: Linear(edges_in_d, hidden), SiLU, Linear(hidden, hidden), SiLU
    W1 = jax.random.normal(ks[2], (EDGES_IN_D, HIDDEN_NF), dtype=jnp.float32) * (1.0 / np.sqrt(EDGES_IN_D))
    b1 = jnp.zeros((HIDDEN_NF,), dtype=jnp.float32)
    W2 = jax.random.normal(ks[3], (HIDDEN_NF, HIDDEN_NF), dtype=jnp.float32) * (1.0 / np.sqrt(HIDDEN_NF))
    b2 = jnp.zeros((HIDDEN_NF,), dtype=jnp.float32)
    # node_mlp: Linear(hidden, hidden), SiLU, Linear(hidden, output_nf)
    W3 = jax.random.normal(ks[4], (HIDDEN_NF, HIDDEN_NF), dtype=jnp.float32) * (1.0 / np.sqrt(HIDDEN_NF))
    b3 = jnp.zeros((HIDDEN_NF,), dtype=jnp.float32)
    W4 = jax.random.normal(ks[5], (HIDDEN_NF, OUTPUT_NF), dtype=jnp.float32) * (1.0 / np.sqrt(HIDDEN_NF))
    b4 = jnp.zeros((OUTPUT_NF,), dtype=jnp.float32)
    return {"edge_index": edge_index, "edge_attr": edge_attr,
            "W1": W1, "b1": b1, "W2": W2, "b2": b2,
            "W3": W3, "b3": b3, "W4": W4, "b4": b4}


def reference(edge_index, edge_attr, W1, b1, W2, b2, W3, b3, W4, b4):
    # edge_model
    e = silu(edge_attr @ W1 + b1)
    e = silu(e @ W2 + b2)
    # node_model: unsorted_segment_sum over row = edge_index[0]
    row = edge_index[0]
    num_segments = N_NODES
    agg = jax.ops.segment_sum(e, row, num_segments=num_segments)
    h = silu(agg @ W3 + b3) @ W4 + b4
    return h

if __name__ == "__main__":
    import jax
    _d = setup_inputs()
    print(jax.jit(kernel)(*tuple(_d.values())))

</pallas_src>

<mosaic_0001>
#map = affine_map<(d0, d1) -> (0, 0)>
#map1 = affine_map<(d0, d1) -> (0, 0, 0)>
module attributes {stable_mosaic.version = 14 : i64} {
  func.func @_sc_scatter_body(%arg0: i32, %arg1: i32, %arg2: memref<640000x16xf32, #tpu.memory_space<hbm>>, %arg3: memref<25000x128xi32, #tpu.memory_space<hbm>>, %arg4: memref<2x102400x16xf32, #tpu.memory_space<hbm>>, %arg5: memref<102400x16xf32, #tpu.memory_space<vmem_shared>>, %arg6: memref<640x16xf32, #tpu.memory_space<vmem>>, %arg7: memref<640x16xf32, #tpu.memory_space<vmem>>, %arg8: memref<5x128xi32, #tpu.memory_space<vmem>>, %arg9: memref<5x128xi32, #tpu.memory_space<vmem>>, %arg10: memref<!tpu.dma_semaphore, #tpu.memory_space<semaphore_mem>>, %arg11: memref<!tpu.dma_semaphore, #tpu.memory_space<semaphore_mem>>) attributes {dimension_semantics = [#tpu.dimension_semantics<core_parallel>, #tpu.dimension_semantics<subcore_parallel>], iteration_bounds = array<i64: 2, 16>, scalar_prefetch = 0 : i64, scratch_operands = 7 : i64, tpu.core_type = #tpu.core_type<sc_vector_subcore>, window_params = [{transform_indices = #map}, {transform_indices = #map}, {transform_indices = #map1}]} {
    %mul3A = arith.constant 2 : i32
    %mul3A_0 = arith.muli %arg1, %mul3A : i32
    %add3A = arith.addi %mul3A_0, %arg0 : i32
    %scan3A = arith.constant 0 : i32
    %scan3A_1 = arith.constant 0 : i32
    %scan3A_2 = arith.constant 640 : i32
    %scan3A_3 = arith.addi %scan3A_1, %scan3A_2 : i32
    %scan3A_4 = arith.constant 1 : i32
    scf.for %scan3A_39 = %scan3A_1 to %scan3A_3 step %scan3A_4  : i32 {
      %broadcast_in_dim3A = arith.constant 0.000000e+00 : f32
      %broadcast_in_dim3A_40 = vector.broadcast %broadcast_in_dim3A : f32 to vector<16xf32>
      %swap3A = arith.index_cast %scan3A_39 : i32 to index
      %swap3A_41 = arith.constant 0 : index
      %swap3A_42 = tpu.vector_load %arg6[%swap3A, %swap3A_41] {strides = array<i32>} : memref<640x16xf32, #tpu.memory_space<vmem>>, vector<1x16xf32>,
      %swap3A_43 = vector.shape_cast %swap3A_42 : vector<1x16xf32> to vector<16xf32>
      %swap3A_44 = vector.shape_cast %broadcast_in_dim3A_40 : vector<16xf32> to vector<1x16xf32>
      tpu.vector_store %arg6[%swap3A, %swap3A_41], %swap3A_44 {strides = array<i32>} : memref<640x16xf32, #tpu.memory_space<vmem>>, vector<1x16xf32>,
    }
    %scan3A_5 = arith.constant 640 : i32
    %mul3A_6 = arith.constant 6400 : i32
    %mul3A_7 = arith.muli %arg1, %mul3A_6 : i32
    %add3A_8 = arith.constant 0 : i32
    %add3A_9 = arith.addi %mul3A_7, %add3A_8 : i32
    "tpu.region"() ({
      %run_scoped3A = tpu.sem_alloc : memref<!tpu.dma_semaphore, #tpu.memory_space<semaphore_mem>>
      %dma_start3A = arith.constant 0 : i32
      %dma_start3A_39 = tpu.memref_slice %arg5[%add3A_9, %dma_start3A] : memref<102400x16xf32, #tpu.memory_space<vmem_shared>> -> memref<640x16xf32, #tpu.memory_space<vmem_shared>>
      %dma_start3A_40 = arith.constant 0 : i32
      %dma_start3A_41 = tpu.memref_slice %arg5[%add3A_9, %dma_start3A_40] : memref<102400x16xf32, #tpu.memory_space<vmem_shared>> -> memref<640x16xf32, #tpu.memory_space<vmem_shared>>
      tpu.enqueue_dma source(%arg6 : memref<640x16xf32, #tpu.memory_space<vmem>>) target(%dma_start3A_41 : memref<640x16xf32, #tpu.memory_space<vmem_shared>>) target_semaphore(%run_scoped3A : memref<!tpu.dma_semaphore, #tpu.memory_space<semaphore_mem>>)
      %dma_wait3A = arith.constant 0 : i32
      %dma_wait3A_42 = tpu.memref_slice %arg5[%add3A_9, %dma_wait3A] : memref<102400x16xf32, #tpu.memory_space<vmem_shared>> -> memref<640x16xf32, #tpu.memory_space<vmem_shared>>
      %dma_wait3A_43 = arith.constant 0 : i32
      %dma_wait3A_44 = tpu.memref_slice %arg5[%add3A_9, %dma_wait3A_43] : memref<102400x16xf32, #tpu.memory_space<vmem_shared>> -> memref<640x16xf32, #tpu.memory_space<vmem_shared>>
      tpu.wait_dma2 semaphore(%run_scoped3A : memref<!tpu.dma_semaphore, #tpu.memory_space<semaphore_mem>>) src(%arg6 : memref<640x16xf32, #tpu.memory_space<vmem>>) dst(%dma_wait3A_44 : memref<640x16xf32, #tpu.memory_space<vmem_shared>>)
      tpu.yield
    }) : () -> ()
    %add3A_10 = arith.constant 640 : i32
    %add3A_11 = arith.addi %mul3A_7, %add3A_10 : i32
    "tpu.region"() ({
      %run_scoped3A = tpu.sem_alloc : memref<!tpu.dma_semaphore, #tpu.memory_space<semaphore_mem>>
      %dma_start3A = arith.constant 0 : i32
      %dma_start3A_39 = tpu.memref_slice %arg5[%add3A_11, %dma_start3A] : memref<102400x16xf32, #tpu.memory_space<vmem_shared>> -> memref<640x16xf32, #tpu.memory_space<vmem_shared>>
      %dma_start3A_40 = arith.constant 0 : i32
      %dma_start3A_41 = tpu.memref_slice %arg5[%add3A_11, %dma_start3A_40] : memref<102400x16xf32, #tpu.memory_space<vmem_shared>> -> memref<640x16xf32, #tpu.memory_space<vmem_shared>>
      tpu.enqueue_dma source(%arg6 : memref<640x16xf32, #tpu.memory_space<vmem>>) target(%dma_start3A_41 : memref<640x16xf32, #tpu.memory_space<vmem_shared>>) target_semaphore(%run_scoped3A : memref<!tpu.dma_semaphore, #tpu.memory_space<semaphore_mem>>)
      %dma_wait3A = arith.constant 0 : i32
      %dma_wait3A_42 = tpu.memref_slice %arg5[%add3A_11, %dma_wait3A] : memref<102400x16xf32, #tpu.memory_space<vmem_shared>> -> memref<640x16xf32, #tpu.memory_space<vmem_shared>>
      %dma_wait3A_43 = arith.constant 0 : i32
      %dma_wait3A_44 = tpu.memref_slice %arg5[%add3A_11, %dma_wait3A_43] : memref<102400x16xf32, #tpu.memory_space<vmem_shared>> -> memref<640x16xf32, #tpu.memory_space<vmem_shared>>
      tpu.wait_dma2 semaphore(%run_scoped3A : memref<!tpu.dma_semaphore, #tpu.memory_space<semaphore_mem>>) src(%arg6 : memref<640x16xf32, #tpu.memory_space<vmem>>) dst(%dma_wait3A_44 : memref<640x16xf32, #tpu.memory_space<vmem_shared>>)
      tpu.yield
    }) : () -> ()
    %add3A_12 = arith.constant 1280 : i32
    %add3A_13 = arith.addi %mul3A_7, %add3A_12 : i32
    "tpu.region"() ({
      %run_scoped3A = tpu.sem_alloc : memref<!tpu.dma_semaphore, #tpu.memory_space<semaphore_mem>>
      %dma_start3A = arith.constant 0 : i32
      %dma_start3A_39 = tpu.memref_slice %arg5[%add3A_13, %dma_start3A] : memref<102400x16xf32, #tpu.memory_space<vmem_shared>> -> memref<640x16xf32, #tpu.memory_space<vmem_shared>>
      %dma_start3A_40 = arith.constant 0 : i32
      %dma_start3A_41 = tpu.memref_slice %arg5[%add3A_13, %dma_start3A_40] : memref<102400x16xf32, #tpu.memory_space<vmem_shared>> -> memref<640x16xf32, #tpu.memory_space<vmem_shared>>
      tpu.enqueue_dma source(%arg6 : memref<640x16xf32, #tpu.memory_space<vmem>>) target(%dma_start3A_41 : memref<640x16xf32, #tpu.memory_space<vmem_shared>>) target_semaphore(%run_scoped3A : memref<!tpu.dma_semaphore, #tpu.memory_space<semaphore_mem>>)
      %dma_wait3A = arith.constant 0 : i32
      %dma_wait3A_42 = tpu.memref_slice %arg5[%add3A_13, %dma_wait3A] : memref<102400x16xf32, #tpu.memory_space<vmem_shared>> -> memref<640x16xf32, #tpu.memory_space<vmem_shared>>
      %dma_wait3A_43 = arith.constant 0 : i32
      %dma_wait3A_44 = tpu.memref_slice %arg5[%add3A_13, %dma_wait3A_43] : memref<102400x16xf32, #tpu.memory_space<vmem_shared>> -> memref<640x16xf32, #tpu.memory_space<vmem_shared>>
      tpu.wait_dma2 semaphore(%run_scoped3A : memref<!tpu.dma_semaphore, #tpu.memory_space<semaphore_mem>>) src(%arg6 : memref<640x16xf32, #tpu.memory_space<vmem>>) dst(%dma_wait3A_44 : memref<640x16xf32, #tpu.memory_space<vmem_shared>>)
      tpu.yield
    }) : () -> ()
    %add3A_14 = arith.constant 1920 : i32
    %add3A_15 = arith.addi %mul3A_7, %add3A_14 : i32
    "tpu.region"() ({
      %run_scoped3A = tpu.sem_alloc : memref<!tpu.dma_semaphore, #tpu.memory_space<semaphore_mem>>
      %dma_start3A = arith.constant 0 : i32
      %dma_start3A_39 = tpu.memref_slice %arg5[%add3A_15, %dma_start3A] : memref<102400x16xf32, #tpu.memory_space<vmem_shared>> -> memref<640x16xf32, #tpu.memory_space<vmem_shared>>
      %dma_start3A_40 = arith.constant 0 : i32
      %dma_start3A_41 = tpu.memref_slice %arg5[%add3A_15, %dma_start3A_40] : memref<102400x16xf32, #tpu.memory_space<vmem_shared>> -> memref<640x16xf32, #tpu.memory_space<vmem_shared>>
      tpu.enqueue_dma source(%arg6 : memref<640x16xf32, #tpu.memory_space<vmem>>) target(%dma_start3A_41 : memref<640x16xf32, #tpu.memory_space<vmem_shared>>) target_semaphore(%run_scoped3A : memref<!tpu.dma_semaphore, #tpu.memory_space<semaphore_mem>>)
      %dma_wait3A = arith.constant 0 : i32
      %dma_wait3A_42 = tpu.memref_slice %arg5[%add3A_15, %dma_wait3A] : memref<102400x16xf32, #tpu.memory_space<vmem_shared>> -> memref<640x16xf32, #tpu.memory_space<vmem_shared>>
      %dma_wait3A_43 = arith.constant 0 : i32
      %dma_wait3A_44 = tpu.memref_slice %arg5[%add3A_15, %dma_wait3A_43] : memref<102400x16xf32, #tpu.memory_space<vmem_shared>> -> memref<640x16xf32, #tpu.memory_space<vmem_shared>>
      tpu.wait_dma2 semaphore(%run_scoped3A : memref<!tpu.dma_semaphore, #tpu.memory_space<semaphore_mem>>) src(%arg6 : memref<640x16xf32, #tpu.memory_space<vmem>>) dst(%dma_wait3A_44 : memref<640x16xf32, #tpu.memory_space<vmem_shared>>)
      tpu.yield
    }) : () -> ()
    %add3A_16 = arith.constant 2560 : i32
    %add3A_17 = arith.addi %mul3A_7, %add3A_16 : i32
    "tpu.region"() ({
      %run_scoped3A = tpu.sem_alloc : memref<!tpu.dma_semaphore, #tpu.memory_space<semaphore_mem>>
      %dma_start3A = arith.constant 0 : i32
      %dma_start3A_39 = tpu.memref_slice %arg5[%add3A_17, %dma_start3A] : memref<102400x16xf32, #tpu.memory_space<vmem_shared>> -> memref<640x16xf32, #tpu.memory_space<vmem_shared>>
      %dma_start3A_40 = arith.constant 0 : i32
      %dma_start3A_41 = tpu.memref_slice %arg5[%add3A_17, %dma_start3A_40] : memref<102400x16xf32, #tpu.memory_space<vmem_shared>> -> memref<640x16xf32, #tpu.memory_space<vmem_shared>>
      tpu.enqueue_dma source(%arg6 : memref<640x16xf32, #tpu.memory_space<vmem>>) target(%dma_start3A_41 : memref<640x16xf32, #tpu.memory_space<vmem_shared>>) target_semaphore(%run_scoped3A : memref<!tpu.dma_semaphore, #tpu.memory_space<semaphore_mem>>)
      %dma_wait3A = arith.constant 0 : i32
      %dma_wait3A_42 = tpu.memref_slice %arg5[%add3A_17, %dma_wait3A] : memref<102400x16xf32, #tpu.memory_space<vmem_shared>> -> memref<640x16xf32, #tpu.memory_space<vmem_shared>>
      %dma_wait3A_43 = arith.constant 0 : i32
      %dma_wait3A_44 = tpu.memref_slice %arg5[%add3A_17, %dma_wait3A_43] : memref<102400x16xf32, #tpu.memory_space<vmem_shared>> -> memref<640x16xf32, #tpu.memory_space<vmem_shared>>
      tpu.wait_dma2 semaphore(%run_scoped3A : memref<!tpu.dma_semaphore, #tpu.memory_space<semaphore_mem>>) src(%arg6 : memref<640x16xf32, #tpu.memory_space<vmem>>) dst(%dma_wait3A_44 : memref<640x16xf32, #tpu.memory_space<vmem_shared>>)
      tpu.yield
    }) : () -> ()
    %add3A_18 = arith.constant 3200 : i32
    %add3A_19 = arith.addi %mul3A_7, %add3A_18 : i32
    "tpu.region"() ({
      %run_scoped3A = tpu.sem_alloc : memref<!tpu.dma_semaphore, #tpu.memory_space<semaphore_mem>>
      %dma_start3A = arith.constant 0 : i32
      %dma_start3A_39 = tpu.memref_slice %arg5[%add3A_19, %dma_start3A] : memref<102400x16xf32, #tpu.memory_space<vmem_shared>> -> memref<640x16xf32, #tpu.memory_space<vmem_shared>>
      %dma_start3A_40 = arith.constant 0 : i32
      %dma_start3A_41 = tpu.memref_slice %arg5[%add3A_19, %dma_start3A_40] : memref<102400x16xf32, #tpu.memory_space<vmem_shared>> -> memref<640x16xf32, #tpu.memory_space<vmem_shared>>
      tpu.enqueue_dma source(%arg6 : memref<640x16xf32, #tpu.memory_space<vmem>>) target(%dma_start3A_41 : memref<640x16xf32, #tpu.memory_space<vmem_shared>>) target_semaphore(%run_scoped3A : memref<!tpu.dma_semaphore, #tpu.memory_space<semaphore_mem>>)
      %dma_wait3A = arith.constant 0 : i32
      %dma_wait3A_42 = tpu.memref_slice %arg5[%add3A_19, %dma_wait3A] : memref<102400x16xf32, #tpu.memory_space<vmem_shared>> -> memref<640x16xf32, #tpu.memory_space<vmem_shared>>
      %dma_wait3A_43 = arith.constant 0 : i32
      %dma_wait3A_44 = tpu.memref_slice %arg5[%add3A_19, %dma_wait3A_43] : memref<102400x16xf32, #tpu.memory_space<vmem_shared>> -> memref<640x16xf32, #tpu.memory_space<vmem_shared>>
      tpu.wait_dma2 semaphore(%run_scoped3A : memref<!tpu.dma_semaphore, #tpu.memory_space<semaphore_mem>>) src(%arg6 : memref<640x16xf32, #tpu.memory_space<vmem>>) dst(%dma_wait3A_44 : memref<640x16xf32, #tpu.memory_space<vmem_shared>>)
      tpu.yield
    }) : () -> ()
    %add3A_20 = arith.constant 3840 : i32
    %add3A_21 = arith.addi %mul3A_7, %add3A_20 : i32
    "tpu.region"() ({
      %run_scoped3A = tpu.sem_alloc : memref<!tpu.dma_semaphore, #tpu.memory_space<semaphore_mem>>
      %dma_start3A = arith.constant 0 : i32
      %dma_start3A_39 = tpu.memref_slice %arg5[%add3A_21, %dma_start3A] : memref<102400x16xf32, #tpu.memory_space<vmem_shared>> -> memref<640x16xf32, #tpu.memory_space<vmem_shared>>
      %dma_start3A_40 = arith.constant 0 : i32
      %dma_start3A_41 = tpu.memref_slice %arg5[%add3A_21, %dma_start3A_40] : memref<102400x16xf32, #tpu.memory_space<vmem_shared>> -> memref<640x16xf32, #tpu.memory_space<vmem_shared>>
      tpu.enqueue_dma source(%arg6 : memref<640x16xf32, #tpu.memory_space<vmem>>) target(%dma_start3A_41 : memref<640x16xf32, #tpu.memory_space<vmem_shared>>) target_semaphore(%run_scoped3A : memref<!tpu.dma_semaphore, #tpu.memory_space<semaphore_mem>>)
      %dma_wait3A = arith.constant 0 : i32
      %dma_wait3A_42 = tpu.memref_slice %arg5[%add3A_21, %dma_wait3A] : memref<102400x16xf32, #tpu.memory_space<vmem_shared>> -> memref<640x16xf32, #tpu.memory_space<vmem_shared>>
      %dma_wait3A_43 = arith.constant 0 : i32
      %dma_wait3A_44 = tpu.memref_slice %arg5[%add3A_21, %dma_wait3A_43] : memref<102400x16xf32, #tpu.memory_space<vmem_shared>> -> memref<640x16xf32, #tpu.memory_space<vmem_shared>>
      tpu.wait_dma2 semaphore(%run_scoped3A : memref<!tpu.dma_semaphore, #tpu.memory_space<semaphore_mem>>) src(%arg6 : memref<640x16xf32, #tpu.memory_space<vmem>>) dst(%dma_wait3A_44 : memref<640x16xf32, #tpu.memory_space<vmem_shared>>)
      tpu.yield
    }) : () -> ()
    %add3A_22 = arith.constant 4480 : i32
    %add3A_23 = arith.addi %mul3A_7, %add3A_22 : i32
    "tpu.region"() ({
      %run_scoped3A = tpu.sem_alloc : memref<!tpu.dma_semaphore, #tpu.memory_space<semaphore_mem>>
      %dma_start3A = arith.constant 0 : i32
      %dma_start3A_39 = tpu.memref_slice %arg5[%add3A_23, %dma_start3A] : memref<102400x16xf32, #tpu.memory_space<vmem_shared>> -> memref<640x16xf32, #tpu.memory_space<vmem_shared>>
      %dma_start3A_40 = arith.constant 0 : i32
      %dma_start3A_41 = tpu.memref_slice %arg5[%add3A_23, %dma_start3A_40] : memref<102400x16xf32, #tpu.memory_space<vmem_shared>> -> memref<640x16xf32, #tpu.memory_space<vmem_shared>>
      tpu.enqueue_dma source(%arg6 : memref<640x16xf32, #tpu.memory_space<vmem>>) target(%dma_start3A_41 : memref<640x16xf32, #tpu.memory_space<vmem_shared>>) target_semaphore(%run_scoped3A : memref<!tpu.dma_semaphore, #tpu.memory_space<semaphore_mem>>)
      %dma_wait3A = arith.constant 0 : i32
      %dma_wait3A_42 = tpu.memref_slice %arg5[%add3A_23, %dma_wait3A] : memref<102400x16xf32, #tpu.memory_space<vmem_shared>> -> memref<640x16xf32, #tpu.memory_space<vmem_shared>>
      %dma_wait3A_43 = arith.constant 0 : i32
      %dma_wait3A_44 = tpu.memref_slice %arg5[%add3A_23, %dma_wait3A_43] : memref<102400x16xf32, #tpu.memory_space<vmem_shared>> -> memref<640x16xf32, #tpu.memory_space<vmem_shared>>
      tpu.wait_dma2 semaphore(%run_scoped3A : memref<!tpu.dma_semaphore, #tpu.memory_space<semaphore_mem>>) src(%arg6 : memref<640x16xf32, #tpu.memory_space<vmem>>) dst(%dma_wait3A_44 : memref<640x16xf32, #tpu.memory_space<vmem_shared>>)
      tpu.yield
    }) : () -> ()
    %add3A_24 = arith.constant 5120 : i32
    %add3A_25 = arith.addi %mul3A_7, %add3A_24 : i32
    "tpu.region"() ({
      %run_scoped3A = tpu.sem_alloc : memref<!tpu.dma_semaphore, #tpu.memory_space<semaphore_mem>>
      %dma_start3A = arith.constant 0 : i32
      %dma_start3A_39 = tpu.memref_slice %arg5[%add3A_25, %dma_start3A] : memref<102400x16xf32, #tpu.memory_space<vmem_shared>> -> memref<640x16xf32, #tpu.memory_space<vmem_shared>>
      %dma_start3A_40 = arith.constant 0 : i32
      %dma_start3A_41 = tpu.memref_slice %arg5[%add3A_25, %dma_start3A_40] : memref<102400x16xf32, #tpu.memory_space<vmem_shared>> -> memref<640x16xf32, #tpu.memory_space<vmem_shared>>
      tpu.enqueue_dma source(%arg6 : memref<640x16xf32, #tpu.memory_space<vmem>>) target(%dma_start3A_41 : memref<640x16xf32, #tpu.memory_space<vmem_shared>>) target_semaphore(%run_scoped3A : memref<!tpu.dma_semaphore, #tpu.memory_space<semaphore_mem>>)
      %dma_wait3A = arith.constant 0 : i32
      %dma_wait3A_42 = tpu.memref_slice %arg5[%add3A_25, %dma_wait3A] : memref<102400x16xf32, #tpu.memory_space<vmem_shared>> -> memref<640x16xf32, #tpu.memory_space<vmem_shared>>
      %dma_wait3A_43 = arith.constant 0 : i32
      %dma_wait3A_44 = tpu.memref_slice %arg5[%add3A_25, %dma_wait3A_43] : memref<102400x16xf32, #tpu.memory_space<vmem_shared>> -> memref<640x16xf32, #tpu.memory_space<vmem_shared>>
      tpu.wait_dma2 semaphore(%run_scoped3A : memref<!tpu.dma_semaphore, #tpu.memory_space<semaphore_mem>>) src(%arg6 : memref<640x16xf32, #tpu.memory_space<vmem>>) dst(%dma_wait3A_44 : memref<640x16xf32, #tpu.memory_space<vmem_shared>>)
      tpu.yield
    }) : () -> ()
    %add3A_26 = arith.constant 5760 : i32
    %add3A_27 = arith.addi %mul3A_7, %add3A_26 : i32
    "tpu.region"() ({
      %run_scoped3A = tpu.sem_alloc : memref<!tpu.dma_semaphore, #tpu.memory_space<semaphore_mem>>
      %dma_start3A = arith.constant 0 : i32
      %dma_start3A_39 = tpu.memref_slice %arg5[%add3A_27, %dma_start3A] : memref<102400x16xf32, #tpu.memory_space<vmem_shared>> -> memref<640x16xf32, #tpu.memory_space<vmem_shared>>
      %dma_start3A_40 = arith.constant 0 : i32
      %dma_start3A_41 = tpu.memref_slice %arg5[%add3A_27, %dma_start3A_40] : memref<102400x16xf32, #tpu.memory_space<vmem_shared>> -> memref<640x16xf32, #tpu.memory_space<vmem_shared>>
      tpu.enqueue_dma source(%arg6 : memref<640x16xf32, #tpu.memory_space<vmem>>) target(%dma_start3A_41 : memref<640x16xf32, #tpu.memory_space<vmem_shared>>) target_semaphore(%run_scoped3A : memref<!tpu.dma_semaphore, #tpu.memory_space<semaphore_mem>>)
      %dma_wait3A = arith.constant 0 : i32
      %dma_wait3A_42 = tpu.memref_slice %arg5[%add3A_27, %dma_wait3A] : memref<102400x16xf32, #tpu.memory_space<vmem_shared>> -> memref<640x16xf32, #tpu.memory_space<vmem_shared>>
      %dma_wait3A_43 = arith.constant 0 : i32
      %dma_wait3A_44 = tpu.memref_slice %arg5[%add3A_27, %dma_wait3A_43] : memref<102400x16xf32, #tpu.memory_space<vmem_shared>> -> memref<640x16xf32, #tpu.memory_space<vmem_shared>>
      tpu.wait_dma2 semaphore(%run_scoped3A : memref<!tpu.dma_semaphore, #tpu.memory_space<semaphore_mem>>) src(%arg6 : memref<640x16xf32, #tpu.memory_space<vmem>>) dst(%dma_wait3A_44 : memref<640x16xf32, #tpu.memory_space<vmem_shared>>)
      tpu.yield
    }) : () -> ()
    %barrier3A = arith.constant 0 : index
    tpu.barrier barrier_id(%barrier3A)
    %add3A_28 = arith.constant 0 : i32
    %add3A_29 = arith.addi %add3A, %add3A_28 : i32
    %lt3A = arith.constant 1000 : i32
    %lt3A_30 = arith.cmpi slt, %add3A_29, %lt3A : i32
    %convert_element_type3A = arith.extui %lt3A_30 : i1 to i32
    %cond3A = arith.constant 0 : i32
    %cond3A_31 = arith.cmpi ne, %convert_element_type3A, %cond3A : i32
    scf.if %cond3A_31 {
      %mul3A_39 = arith.constant 640 : i32
      %mul3A_40 = arith.muli %add3A_29, %mul3A_39 : i32
      %multiple_of3A = tpu.assume_multiple %mul3A_40, 640 : i32
      %dma_start3A = arith.constant 0 : i32
      %dma_start3A_41 = tpu.memref_slice %arg2[%multiple_of3A, %dma_start3A] : memref<640000x16xf32, #tpu.memory_space<hbm>> -> memref<640x16xf32, #tpu.memory_space<hbm>>
      %dma_start3A_42 = arith.constant 0 : i32
      %dma_start3A_43 = tpu.memref_slice %arg2[%multiple_of3A, %dma_start3A_42] : memref<640000x16xf32, #tpu.memory_space<hbm>> -> memref<640x16xf32, #tpu.memory_space<hbm>>
      tpu.enqueue_dma source(%dma_start3A_43 : memref<640x16xf32, #tpu.memory_space<hbm>>) target(%arg6 : memref<640x16xf32, #tpu.memory_space<vmem>>) target_semaphore(%arg10 : memref<!tpu.dma_semaphore, #tpu.memory_space<semaphore_mem>>)
      %mul3A_44 = arith.constant 5 : i32
      %mul3A_45 = arith.muli %add3A_29, %mul3A_44 : i32
      %add3A_46 = arith.constant 5000 : i32
      %add3A_47 = arith.addi %add3A_46, %mul3A_45 : i32
      %multiple_of3A_48 = tpu.assume_multiple %add3A_47, 5 : i32
      %dma_start3A_49 = arith.constant 0 : i32
      %dma_start3A_50 = tpu.memref_slice %arg3[%multiple_of3A_48, %dma_start3A_49] : memref<25000x128xi32, #tpu.memory_space<hbm>> -> memref<5x128xi32, #tpu.memory_space<hbm>>
      %dma_start3A_51 = arith.constant 0 : i32
      %dma_start3A_52 = tpu.memref_slice %arg3[%multiple_of3A_48, %dma_start3A_51] : memref<25000x128xi32, #tpu.memory_space<hbm>> -> memref<5x128xi32, #tpu.memory_space<hbm>>
      tpu.enqueue_dma source(%dma_start3A_52 : memref<5x128xi32, #tpu.memory_space<hbm>>) target(%arg8 : memref<5x128xi32, #tpu.memory_space<vmem>>) target_semaphore(%arg10 : memref<!tpu.dma_semaphore, #tpu.memory_space<semaphore_mem>>)
    } else {
    }
    %scan3A_32 = arith.constant 0 : i32
    %scan3A_33 = arith.constant 0 : i32
    %scan3A_34 = arith.constant 16 : i32
    %scan3A_35 = arith.addi %scan3A_33, %scan3A_34 : i32
    %scan3A_36 = arith.constant 1 : i32
    scf.for %scan3A_39 = %scan3A_33 to %scan3A_35 step %scan3A_36  : i32 {
      %mul3A_40 = arith.constant 2 : i32
      %mul3A_41 = arith.muli %scan3A_39, %mul3A_40 : i32
      %add3A_42 = arith.constant 1 : i32
      %add3A_43 = arith.addi %mul3A_41, %add3A_42 : i32
      %mul3A_44 = arith.constant 32 : i32
      %mul3A_45 = arith.muli %mul3A_44, %add3A_43 : i32
      %add3A_46 = arith.addi %add3A, %mul3A_45 : i32
      %lt3A_47 = arith.constant 1000 : i32
      %lt3A_48 = arith.cmpi slt, %add3A_46, %lt3A_47 : i32
      %convert_element_type3A_49 = arith.extui %lt3A_48 : i1 to i32
      %cond3A_50 = arith.constant 0 : i32
      %cond3A_51 = arith.cmpi ne, %convert_element_type3A_49, %cond3A_50 : i32
      scf.if %cond3A_51 {
        %mul3A_80 = arith.constant 640 : i32
        %mul3A_81 = arith.muli %add3A_46, %mul3A_80 : i32
        %multiple_of3A = tpu.assume_multiple %mul3A_81, 640 : i32
        %dma_start3A = arith.constant 0 : i32
        %dma_start3A_82 = tpu.memref_slice %arg2[%multiple_of3A, %dma_start3A] : memref<640000x16xf32, #tpu.memory_space<hbm>> -> memref<640x16xf32, #tpu.memory_space<hbm>>
        %dma_start3A_83 = arith.constant 0 : i32
        %dma_start3A_84 = tpu.memref_slice %arg2[%multiple_of3A, %dma_start3A_83] : memref<640000x16xf32, #tpu.memory_space<hbm>> -> memref<640x16xf32, #tpu.memory_space<hbm>>
        tpu.enqueue_dma source(%dma_start3A_84 : memref<640x16xf32, #tpu.memory_space<hbm>>) target(%arg7 : memref<640x16xf32, #tpu.memory_space<vmem>>) target_semaphore(%arg11 : memref<!tpu.dma_semaphore, #tpu.memory_space<semaphore_mem>>)
        %mul3A_85 = arith.constant 5 : i32
        %mul3A_86 = arith.muli %add3A_46, %mul3A_85 : i32
        %add3A_87 = arith.constant 5000 : i32
        %add3A_88 = arith.addi %add3A_87, %mul3A_86 : i32
        %multiple_of3A_89 = tpu.assume_multiple %add3A_88, 5 : i32
        %dma_start3A_90 = arith.constant 0 : i32
        %dma_start3A_91 = tpu.memref_slice %arg3[%multiple_of3A_89, %dma_start3A_90] : memref<25000x128xi32, #tpu.memory_space<hbm>> -> memref<5x128xi32, #tpu.memory_space<hbm>>
        %dma_start3A_92 = arith.constant 0 : i32
        %dma_start3A_93 = tpu.memref_slice %arg3[%multiple_of3A_89, %dma_start3A_92] : memref<25000x128xi32, #tpu.memory_space<hbm>> -> memref<5x128xi32, #tpu.memory_space<hbm>>
        tpu.enqueue_dma source(%dma_start3A_93 : memref<5x128xi32, #tpu.memory_space<hbm>>) target(%arg9 : memref<5x128xi32, #tpu.memory_space<vmem>>) target_semaphore(%arg11 : memref<!tpu.dma_semaphore, #tpu.memory_space<semaphore_mem>>)
      } else {
      }
      %mul3A_52 = arith.constant 32 : i32
      %mul3A_53 = arith.muli %mul3A_52, %mul3A_41 : i32
      %add3A_54 = arith.addi %add3A, %mul3A_53 : i32
      %lt3A_55 = arith.constant 1000 : i32
      %lt3A_56 = arith.cmpi slt, %add3A_54, %lt3A_55 : i32
      %convert_element_type3A_57 = arith.extui %lt3A_56 : i1 to i32
      %cond3A_58 = arith.constant 0 : i32
      %cond3A_59 = arith.cmpi ne, %convert_element_type3A_57, %cond3A_58 : i32
      scf.if %cond3A_59 {
        %dma_wait3A = arith.constant 0 : i32
        %dma_wait3A_80 = arith.constant 0 : i32
        %dma_wait3A_81 = tpu.memref_slice %arg2[%dma_wait3A, %dma_wait3A_80] : memref<640000x16xf32, #tpu.memory_space<hbm>> -> memref<640x16xf32, #tpu.memory_space<hbm>>
        %dma_wait3A_82 = arith.constant 0 : i32
        %dma_wait3A_83 = arith.constant 0 : i32
        %dma_wait3A_84 = tpu.memref_slice %arg2[%dma_wait3A_82, %dma_wait3A_83] : memref<640000x16xf32, #tpu.memory_space<hbm>> -> memref<640x16xf32, #tpu.memory_space<hbm>>
        tpu.wait_dma2 semaphore(%arg10 : memref<!tpu.dma_semaphore, #tpu.memory_space<semaphore_mem>>) src(%dma_wait3A_84 : memref<640x16xf32, #tpu.memory_space<hbm>>) dst(%arg6 : memref<640x16xf32, #tpu.memory_space<vmem>>)
        %dma_wait3A_85 = arith.constant 0 : i32
        %dma_wait3A_86 = arith.constant 0 : i32
        %dma_wait3A_87 = tpu.memref_slice %arg3[%dma_wait3A_85, %dma_wait3A_86] : memref<25000x128xi32, #tpu.memory_space<hbm>> -> memref<5x128xi32, #tpu.memory_space<hbm>>
        %dma_wait3A_88 = arith.constant 0 : i32
        %dma_wait3A_89 = arith.constant 0 : i32
        %dma_wait3A_90 = tpu.memref_slice %arg3[%dma_wait3A_88, %dma_wait3A_89] : memref<25000x128xi32, #tpu.memory_space<hbm>> -> memref<5x128xi32, #tpu.memory_space<hbm>>
        tpu.wait_dma2 semaphore(%arg10 : memref<!tpu.dma_semaphore, #tpu.memory_space<semaphore_mem>>) src(%dma_wait3A_90 : memref<5x128xi32, #tpu.memory_space<hbm>>) dst(%arg8 : memref<5x128xi32, #tpu.memory_space<vmem>>)
        %run_scoped3A = arith.constant 0 : i32
        "tpu.region"() ({
          %run_scoped3A_95 = tpu.sem_alloc : memref<!tpu.dma_semaphore, #tpu.memory_space<semaphore_mem>>
          %dma_start3A = arith.constant 0 : i32
          %dma_start3A_96 = arith.constant 0 : i32
          %dma_start3A_97 = tpu.memref_slice %arg6[%dma_start3A, %dma_start3A_96] : memref<640x16xf32, #tpu.memory_space<vmem>> -> memref<128x16xf32, #tpu.memory_space<vmem>>
          %dma_start3A_98 = arith.constant 0 : i32
          %dma_start3A_99 = tpu.memref_slice %arg8[%run_scoped3A, %dma_start3A_98] : memref<5x128xi32, #tpu.memory_space<vmem>> -> memref<1x128xi32, #tpu.memory_space<vmem>>
          %dma_start3A_100 = tpu.memref_squeeze %dma_start3A_99 : memref<1x128xi32, #tpu.memory_space<vmem>> -> memref<128xi32, #tpu.memory_space<vmem>>
          %dma_start3A_101 = arith.constant 0 : i32
          %dma_start3A_102 = arith.constant 0 : i32
          %dma_start3A_103 = tpu.memref_slice %arg5[%dma_start3A_101, %dma_start3A_102] : memref<102400x16xf32, #tpu.memory_space<vmem_shared>> -> memref<102400x16xf32, #tpu.memory_space<vmem_shared>>
          tpu.enqueue_indirect_dma source(%dma_start3A_97 : memref<128x16xf32, #tpu.memory_space<vmem>>) target(%dma_start3A_103 : memref<102400x16xf32, #tpu.memory_space<vmem_shared>>) offsets(%dma_start3A_100 : memref<128xi32, #tpu.memory_space<vmem>>) semaphore(%run_scoped3A_95 : memref<!tpu.dma_semaphore, #tpu.memory_space<semaphore_mem>>) {add = true}
          %dma_wait3A_104 = arith.constant 0 : i32
          %dma_wait3A_105 = arith.constant 0 : i32
          %dma_wait3A_106 = tpu.memref_slice %arg6[%dma_wait3A_104, %dma_wait3A_105] : memref<640x16xf32, #tpu.memory_space<vmem>> -> memref<128x16xf32, #tpu.memory_space<vmem>>
          %dma_wait3A_107 = arith.constant 0 : i32
          %dma_wait3A_108 = tpu.memref_slice %arg8[%run_scoped3A, %dma_wait3A_107] : memref<5x128xi32, #tpu.memory_space<vmem>> -> memref<1x128xi32, #tpu.memory_space<vmem>>
          %dma_wait3A_109 = tpu.memref_squeeze %dma_wait3A_108 : memref<1x128xi32, #tpu.memory_space<vmem>> -> memref<128xi32, #tpu.memory_space<vmem>>
          %dma_wait3A_110 = arith.constant 0 : i32
          %dma_wait3A_111 = arith.constant 0 : i32
          %dma_wait3A_112 = tpu.memref_slice %arg5[%dma_wait3A_110, %dma_wait3A_111] : memref<102400x16xf32, #tpu.memory_space<vmem_shared>> -> memref<102400x16xf32, #tpu.memory_space<vmem_shared>>
          tpu.wait_indirect_dma semaphore(%run_scoped3A_95 : memref<!tpu.dma_semaphore, #tpu.memory_space<semaphore_mem>>) src(%dma_wait3A_106 : memref<128x16xf32, #tpu.memory_space<vmem>>) dst(%dma_wait3A_112 : memref<102400x16xf32, #tpu.memory_space<vmem_shared>>)
          tpu.yield
        }) : () -> ()
        %run_scoped3A_91 = arith.constant 1 : i32
        "tpu.region"() ({
          %run_scoped3A_95 = tpu.sem_alloc : memref<!tpu.dma_semaphore, #tpu.memory_space<semaphore_mem>>
          %dma_start3A = arith.constant 128 : i32
          %dma_start3A_96 = arith.constant 0 : i32
          %dma_start3A_97 = tpu.memref_slice %arg6[%dma_start3A, %dma_start3A_96] : memref<640x16xf32, #tpu.memory_space<vmem>> -> memref<128x16xf32, #tpu.memory_space<vmem>>
          %dma_start3A_98 = arith.constant 0 : i32
          %dma_start3A_99 = tpu.memref_slice %arg8[%run_scoped3A_91, %dma_start3A_98] : memref<5x128xi32, #tpu.memory_space<vmem>> -> memref<1x128xi32, #tpu.memory_space<vmem>>
          %dma_start3A_100 = tpu.memref_squeeze %dma_start3A_99 : memref<1x128xi32, #tpu.memory_space<vmem>> -> memref<128xi32, #tpu.memory_space<vmem>>
          %dma_start3A_101 = arith.constant 0 : i32
          %dma_start3A_102 = arith.constant 0 : i32
          %dma_start3A_103 = tpu.memref_slice %arg5[%dma_start3A_101, %dma_start3A_102] : memref<102400x16xf32, #tpu.memory_space<vmem_shared>> -> memref<102400x16xf32, #tpu.memory_space<vmem_shared>>
          tpu.enqueue_indirect_dma source(%dma_start3A_97 : memref<128x16xf32, #tpu.memory_space<vmem>>) target(%dma_start3A_103 : memref<102400x16xf32, #tpu.memory_space<vmem_shared>>) offsets(%dma_start3A_100 : memref<128xi32, #tpu.memory_space<vmem>>) semaphore(%run_scoped3A_95 : memref<!tpu.dma_semaphore, #tpu.memory_space<semaphore_mem>>) {add = true}
          %dma_wait3A_104 = arith.constant 128 : i32
          %dma_wait3A_105 = arith.constant 0 : i32
          %dma_wait3A_106 = tpu.memref_slice %arg6[%dma_wait3A_104, %dma_wait3A_105] : memref<640x16xf32, #tpu.memory_space<vmem>> -> memref<128x16xf32, #tpu.memory_space<vmem>>
          %dma_wait3A_107 = arith.constant 0 : i32
          %dma_wait3A_108 = tpu.memref_slice %arg8[%run_scoped3A_91, %dma_wait3A_107] : memref<5x128xi32, #tpu.memory_space<vmem>> -> memref<1x128xi32, #tpu.memory_space<vmem>>
          %dma_wait3A_109 = tpu.memref_squeeze %dma_wait3A_108 : memref<1x128xi32, #tpu.memory_space<vmem>> -> memref<128xi32, #tpu.memory_space<vmem>>
          %dma_wait3A_110 = arith.constant 0 : i32
          %dma_wait3A_111 = arith.constant 0 : i32
          %dma_wait3A_112 = tpu.memref_slice %arg5[%dma_wait3A_110, %dma_wait3A_111] : memref<102400x16xf32, #tpu.memory_space<vmem_shared>> -> memref<102400x16xf32, #tpu.memory_space<vmem_shared>>
          tpu.wait_indirect_dma semaphore(%run_scoped3A_95 : memref<!tpu.dma_semaphore, #tpu.memory_space<semaphore_mem>>) src(%dma_wait3A_106 : memref<128x16xf32, #tpu.memory_space<vmem>>) dst(%dma_wait3A_112 : memref<102400x16xf32, #tpu.memory_space<vmem_shared>>)
          tpu.yield
        }) : () -> ()
        %run_scoped3A_92 = arith.constant 2 : i32
        "tpu.region"() ({
          %run_scoped3A_95 = tpu.sem_alloc : memref<!tpu.dma_semaphore, #tpu.memory_space<semaphore_mem>>
          %dma_start3A = arith.constant 256 : i32
          %dma_start3A_96 = arith.constant 0 : i32
          %dma_start3A_97 = tpu.memref_slice %arg6[%dma_start3A, %dma_start3A_96] : memref<640x16xf32, #tpu.memory_space<vmem>> -> memref<128x16xf32, #tpu.memory_space<vmem>>
          %dma_start3A_98 = arith.constant 0 : i32
          %dma_start3A_99 = tpu.memref_slice %arg8[%run_scoped3A_92, %dma_start3A_98] : memref<5x128xi32, #tpu.memory_space<vmem>> -> memref<1x128xi32, #tpu.memory_space<vmem>>
          %dma_start3A_100 = tpu.memref_squeeze %dma_start3A_99 : memref<1x128xi32, #tpu.memory_space<vmem>> -> memref<128xi32, #tpu.memory_space<vmem>>
          %dma_start3A_101 = arith.constant 0 : i32
          %dma_start3A_102 = arith.constant 0 : i32
          %dma_start3A_103 = tpu.memref_slice %arg5[%dma_start3A_101, %dma_start3A_102] : memref<102400x16xf32, #tpu.memory_space<vmem_shared>> -> memref<102400x16xf32, #tpu.memory_space<vmem_shared>>
          tpu.enqueue_indirect_dma source(%dma_start3A_97 : memref<128x16xf32, #tpu.memory_space<vmem>>) target(%dma_start3A_103 : memref<102400x16xf32, #tpu.memory_space<vmem_shared>>) offsets(%dma_start3A_100 : memref<128xi32, #tpu.memory_space<vmem>>) semaphore(%run_scoped3A_95 : memref<!tpu.dma_semaphore, #tpu.memory_space<semaphore_mem>>) {add = true}
          %dma_wait3A_104 = arith.constant 256 : i32
          %dma_wait3A_105 = arith.constant 0 : i32
          %dma_wait3A_106 = tpu.memref_slice %arg6[%dma_wait3A_104, %dma_wait3A_105] : memref<640x16xf32, #tpu.memory_space<vmem>> -> memref<128x16xf32, #tpu.memory_space<vmem>>
          %dma_wait3A_107 = arith.constant 0 : i32
          %dma_wait3A_108 = tpu.memref_slice %arg8[%run_scoped3A_92, %dma_wait3A_107] : memref<5x128xi32, #tpu.memory_space<vmem>> -> memref<1x128xi32, #tpu.memory_space<vmem>>
          %dma_wait3A_109 = tpu.memref_squeeze %dma_wait3A_108 : memref<1x128xi32, #tpu.memory_space<vmem>> -> memref<128xi32, #tpu.memory_space<vmem>>
          %dma_wait3A_110 = arith.constant 0 : i32
          %dma_wait3A_111 = arith.constant 0 : i32
          %dma_wait3A_112 = tpu.memref_slice %arg5[%dma_wait3A_110, %dma_wait3A_111] : memref<102400x16xf32, #tpu.memory_space<vmem_shared>> -> memref<102400x16xf32, #tpu.memory_space<vmem_shared>>
          tpu.wait_indirect_dma semaphore(%run_scoped3A_95 : memref<!tpu.dma_semaphore, #tpu.memory_space<semaphore_mem>>) src(%dma_wait3A_106 : memref<128x16xf32, #tpu.memory_space<vmem>>) dst(%dma_wait3A_112 : memref<102400x16xf32, #tpu.memory_space<vmem_shared>>)
          tpu.yield
        }) : () -> ()
        %run_scoped3A_93 = arith.constant 3 : i32
        "tpu.region"() ({
          %run_scoped3A_95 = tpu.sem_alloc : memref<!tpu.dma_semaphore, #tpu.memory_space<semaphore_mem>>
          %dma_start3A = arith.constant 384 : i32
          %dma_start3A_96 = arith.constant 0 : i32
          %dma_start3A_97 = tpu.memref_slice %arg6[%dma_start3A, %dma_start3A_96] : memref<640x16xf32, #tpu.memory_space<vmem>> -> memref<128x16xf32, #tpu.memory_space<vmem>>
          %dma_start3A_98 = arith.constant 0 : i32
          %dma_start3A_99 = tpu.memref_slice %arg8[%run_scoped3A_93, %dma_start3A_98] : memref<5x128xi32, #tpu.memory_space<vmem>> -> memref<1x128xi32, #tpu.memory_space<vmem>>
          %dma_start3A_100 = tpu.memref_squeeze %dma_start3A_99 : memref<1x128xi32, #tpu.memory_space<vmem>> -> memref<128xi32, #tpu.memory_space<vmem>>
          %dma_start3A_101 = arith.constant 0 : i32
          %dma_start3A_102 = arith.constant 0 : i32
          %dma_start3A_103 = tpu.memref_slice %arg5[%dma_start3A_101, %dma_start3A_102] : memref<102400x16xf32, #tpu.memory_space<vmem_shared>> -> memref<102400x16xf32, #tpu.memory_space<vmem_shared>>
          tpu.enqueue_indirect_dma source(%dma_start3A_97 : memref<128x16xf32, #tpu.memory_space<vmem>>) target(%dma_start3A_103 : memref<102400x16xf32, #tpu.memory_space<vmem_shared>>) offsets(%dma_start3A_100 : memref<128xi32, #tpu.memory_space<vmem>>) semaphore(%run_scoped3A_95 : memref<!tpu.dma_semaphore, #tpu.memory_space<semaphore_mem>>) {add = true}
          %dma_wait3A_104 = arith.constant 384 : i32
          %dma_wait3A_105 = arith.constant 0 : i32
          %dma_wait3A_106 = tpu.memref_slice %arg6[%dma_wait3A_104, %dma_wait3A_105] : memref<640x16xf32, #tpu.memory_space<vmem>> -> memref<128x16xf32, #tpu.memory_space<vmem>>
          %dma_wait3A_107 = arith.constant 0 : i32
          %dma_wait3A_108 = tpu.memref_slice %arg8[%run_scoped3A_93, %dma_wait3A_107] : memref<5x128xi32, #tpu.memory_space<vmem>> -> memref<1x128xi32, #tpu.memory_space<vmem>>
          %dma_wait3A_109 = tpu.memref_squeeze %dma_wait3A_108 : memref<1x128xi32, #tpu.memory_space<vmem>> -> memref<128xi32, #tpu.memory_space<vmem>>
          %dma_wait3A_110 = arith.constant 0 : i32
          %dma_wait3A_111 = arith.constant 0 : i32
          %dma_wait3A_112 = tpu.memref_slice %arg5[%dma_wait3A_110, %dma_wait3A_111] : memref<102400x16xf32, #tpu.memory_space<vmem_shared>> -> memref<102400x16xf32, #tpu.memory_space<vmem_shared>>
          tpu.wait_indirect_dma semaphore(%run_scoped3A_95 : memref<!tpu.dma_semaphore, #tpu.memory_space<semaphore_mem>>) src(%dma_wait3A_106 : memref<128x16xf32, #tpu.memory_space<vmem>>) dst(%dma_wait3A_112 : memref<102400x16xf32, #tpu.memory_space<vmem_shared>>)
          tpu.yield
        }) : () -> ()
        %run_scoped3A_94 = arith.constant 4 : i32
        "tpu.region"() ({
          %run_scoped3A_95 = tpu.sem_alloc : memref<!tpu.dma_semaphore, #tpu.memory_space<semaphore_mem>>
          %dma_start3A = arith.constant 512 : i32
          %dma_start3A_96 = arith.constant 0 : i32
          %dma_start3A_97 = tpu.memref_slice %arg6[%dma_start3A, %dma_start3A_96] : memref<640x16xf32, #tpu.memory_space<vmem>> -> memref<128x16xf32, #tpu.memory_space<vmem>>
          %dma_start3A_98 = arith.constant 0 : i32
          %dma_start3A_99 = tpu.memref_slice %arg8[%run_scoped3A_94, %dma_start3A_98] : memref<5x128xi32, #tpu.memory_space<vmem>> -> memref<1x128xi32, #tpu.memory_space<vmem>>
          %dma_start3A_100 = tpu.memref_squeeze %dma_start3A_99 : memref<1x128xi32, #tpu.memory_space<vmem>> -> memref<128xi32, #tpu.memory_space<vmem>>
          %dma_start3A_101 = arith.constant 0 : i32
          %dma_start3A_102 = arith.constant 0 : i32
          %dma_start3A_103 = tpu.memref_slice %arg5[%dma_start3A_101, %dma_start3A_102] : memref<102400x16xf32, #tpu.memory_space<vmem_shared>> -> memref<102400x16xf32, #tpu.memory_space<vmem_shared>>
          tpu.enqueue_indirect_dma source(%dma_start3A_97 : memref<128x16xf32, #tpu.memory_space<vmem>>) target(%dma_start3A_103 : memref<102400x16xf32, #tpu.memory_space<vmem_shared>>) offsets(%dma_start3A_100 : memref<128xi32, #tpu.memory_space<vmem>>) semaphore(%run_scoped3A_95 : memref<!tpu.dma_semaphore, #tpu.memory_space<semaphore_mem>>) {add = true}
          %dma_wait3A_104 = arith.constant 512 : i32
          %dma_wait3A_105 = arith.constant 0 : i32
          %dma_wait3A_106 = tpu.memref_slice %arg6[%dma_wait3A_104, %dma_wait3A_105] : memref<640x16xf32, #tpu.memory_space<vmem>> -> memref<128x16xf32, #tpu.memory_space<vmem>>
          %dma_wait3A_107 = arith.constant 0 : i32
          %dma_wait3A_108 = tpu.memref_slice %arg8[%run_scoped3A_94, %dma_wait3A_107] : memref<5x128xi32, #tpu.memory_space<vmem>> -> memref<1x128xi32, #tpu.memory_space<vmem>>
          %dma_wait3A_109 = tpu.memref_squeeze %dma_wait3A_108 : memref<1x128xi32, #tpu.memory_space<vmem>> -> memref<128xi32, #tpu.memory_space<vmem>>
          %dma_wait3A_110 = arith.constant 0 : i32
          %dma_wait3A_111 = arith.constant 0 : i32
          %dma_wait3A_112 = tpu.memref_slice %arg5[%dma_wait3A_110, %dma_wait3A_111] : memref<102400x16xf32, #tpu.memory_space<vmem_shared>> -> memref<102400x16xf32, #tpu.memory_space<vmem_shared>>
          tpu.wait_indirect_dma semaphore(%run_scoped3A_95 : memref<!tpu.dma_semaphore, #tpu.memory_space<semaphore_mem>>) src(%dma_wait3A_106 : memref<128x16xf32, #tpu.memory_space<vmem>>) dst(%dma_wait3A_112 : memref<102400x16xf32, #tpu.memory_space<vmem_shared>>)
          tpu.yield
        }) : () -> ()
      } else {
      }
      %add3A_60 = arith.constant 2 : i32
      %add3A_61 = arith.addi %mul3A_41, %add3A_60 : i32
      %mul3A_62 = arith.constant 32 : i32
      %mul3A_63 = arith.muli %mul3A_62, %add3A_61 : i32
      %add3A_64 = arith.addi %add3A, %mul3A_63 : i32
      %lt3A_65 = arith.constant 1000 : i32
      %lt3A_66 = arith.cmpi slt, %add3A_64, %lt3A_65 : i32
      %convert_element_type3A_67 = arith.extui %lt3A_66 : i1 to i32
      %cond3A_68 = arith.constant 0 : i32
      %cond3A_69 = arith.cmpi ne, %convert_element_type3A_67, %cond3A_68 : i32
      scf.if %cond3A_69 {
        %mul3A_80 = arith.constant 640 : i32
        %mul3A_81 = arith.muli %add3A_64, %mul3A_80 : i32
        %multiple_of3A = tpu.assume_multiple %mul3A_81, 640 : i32
        %dma_start3A = arith.constant 0 : i32
        %dma_start3A_82 = tpu.memref_slice %arg2[%multiple_of3A, %dma_start3A] : memref<640000x16xf32, #tpu.memory_space<hbm>> -> memref<640x16xf32, #tpu.memory_space<hbm>>
        %dma_start3A_83 = arith.constant 0 : i32
        %dma_start3A_84 = tpu.memref_slice %arg2[%multiple_of3A, %dma_start3A_83] : memref<640000x16xf32, #tpu.memory_space<hbm>> -> memref<640x16xf32, #tpu.memory_space<hbm>>
        tpu.enqueue_dma source(%dma_start3A_84 : memref<640x16xf32, #tpu.memory_space<hbm>>) target(%arg6 : memref<640x16xf32, #tpu.memory_space<vmem>>) target_semaphore(%arg10 : memref<!tpu.dma_semaphore, #tpu.memory_space<semaphore_mem>>)
        %mul3A_85 = arith.constant 5 : i32
        %mul3A_86 = arith.muli %add3A_64, %mul3A_85 : i32
        %add3A_87 = arith.constant 5000 : i32
        %add3A_88 = arith.addi %add3A_87, %mul3A_86 : i32
        %multiple_of3A_89 = tpu.assume_multiple %add3A_88, 5 : i32
        %dma_start3A_90 = arith.constant 0 : i32
        %dma_start3A_91 = tpu.memref_slice %arg3[%multiple_of3A_89, %dma_start3A_90] : memref<25000x128xi32, #tpu.memory_space<hbm>> -> memref<5x128xi32, #tpu.memory_space<hbm>>
        %dma_start3A_92 = arith.constant 0 : i32
        %dma_start3A_93 = tpu.memref_slice %arg3[%multiple_of3A_89, %dma_start3A_92] : memref<25000x128xi32, #tpu.memory_space<hbm>> -> memref<5x128xi32, #tpu.memory_space<hbm>>
        tpu.enqueue_dma source(%dma_start3A_93 : memref<5x128xi32, #tpu.memory_space<hbm>>) target(%arg8 : memref<5x128xi32, #tpu.memory_space<vmem>>) target_semaphore(%arg10 : memref<!tpu.dma_semaphore, #tpu.memory_space<semaphore_mem>>)
      } else {
      }
      %add3A_70 = arith.constant 1 : i32
      %add3A_71 = arith.addi %mul3A_41, %add3A_70 : i32
      %mul3A_72 = arith.constant 32 : i32
      %mul3A_73 = arith.muli %mul3A_72, %add3A_71 : i32
      %add3A_74 = arith.addi %add3A, %mul3A_73 : i32
      %lt3A_75 = arith.constant 1000 : i32
      %lt3A_76 = arith.cmpi slt, %add3A_74, %lt3A_75 : i32
      %convert_element_type3A_77 = arith.extui %lt3A_76 : i1 to i32
      %cond3A_78 = arith.constant 0 : i32
      %cond3A_79 = arith.cmpi ne, %convert_element_type3A_77, %cond3A_78 : i32
      scf.if %cond3A_79 {
        %dma_wait3A = arith.constant 0 : i32
        %dma_wait3A_80 = arith.constant 0 : i32
        %dma_wait3A_81 = tpu.memref_slice %arg2[%dma_wait3A, %dma_wait3A_80] : memref<640000x16xf32, #tpu.memory_space<hbm>> -> memref<640x16xf32, #tpu.memory_space<hbm>>
        %dma_wait3A_82 = arith.constant 0 : i32
        %dma_wait3A_83 = arith.constant 0 : i32
        %dma_wait3A_84 = tpu.memref_slice %arg2[%dma_wait3A_82, %dma_wait3A_83] : memref<640000x16xf32, #tpu.memory_space<hbm>> -> memref<640x16xf32, #tpu.memory_space<hbm>>
        tpu.wait_dma2 semaphore(%arg11 : memref<!tpu.dma_semaphore, #tpu.memory_space<semaphore_mem>>) src(%dma_wait3A_84 : memref<640x16xf32, #tpu.memory_space<hbm>>) dst(%arg7 : memref<640x16xf32, #tpu.memory_space<vmem>>)
        %dma_wait3A_85 = arith.constant 0 : i32
        %dma_wait3A_86 = arith.constant 0 : i32
        %dma_wait3A_87 = tpu.memref_slice %arg3[%dma_wait3A_85, %dma_wait3A_86] : memref<25000x128xi32, #tpu.memory_space<hbm>> -> memref<5x128xi32, #tpu.memory_space<hbm>>
        %dma_wait3A_88 = arith.constant 0 : i32
        %dma_wait3A_89 = arith.constant 0 : i32
        %dma_wait3A_90 = tpu.memref_slice %arg3[%dma_wait3A_88, %dma_wait3A_89] : memref<25000x128xi32, #tpu.memory_space<hbm>> -> memref<5x128xi32, #tpu.memory_space<hbm>>
        tpu.wait_dma2 semaphore(%arg11 : memref<!tpu.dma_semaphore, #tpu.memory_space<semaphore_mem>>) src(%dma_wait3A_90 : memref<5x128xi32, #tpu.memory_space<hbm>>) dst(%arg9 : memref<5x128xi32, #tpu.memory_space<vmem>>)
        %run_scoped3A = arith.constant 0 : i32
        "tpu.region"() ({
          %run_scoped3A_95 = tpu.sem_alloc : memref<!tpu.dma_semaphore, #tpu.memory_space<semaphore_mem>>
          %dma_start3A = arith.constant 0 : i32
          %dma_start3A_96 = arith.constant 0 : i32
          %dma_start3A_97 = tpu.memref_slice %arg7[%dma_start3A, %dma_start3A_96] : memref<640x16xf32, #tpu.memory_space<vmem>> -> memref<128x16xf32, #tpu.memory_space<vmem>>
          %dma_start3A_98 = arith.constant 0 : i32
          %dma_start3A_99 = tpu.memref_slice %arg9[%run_scoped3A, %dma_start3A_98] : memref<5x128xi32, #tpu.memory_space<vmem>> -> memref<1x128xi32, #tpu.memory_space<vmem>>
          %dma_start3A_100 = tpu.memref_squeeze %dma_start3A_99 : memref<1x128xi32, #tpu.memory_space<vmem>> -> memref<128xi32, #tpu.memory_space<vmem>>
          %dma_start3A_101 = arith.constant 0 : i32
          %dma_start3A_102 = arith.constant 0 : i32
          %dma_start3A_103 = tpu.memref_slice %arg5[%dma_start3A_101, %dma_start3A_102] : memref<102400x16xf32, #tpu.memory_space<vmem_shared>> -> memref<102400x16xf32, #tpu.memory_space<vmem_shared>>
          tpu.enqueue_indirect_dma source(%dma_start3A_97 : memref<128x16xf32, #tpu.memory_space<vmem>>) target(%dma_start3A_103 : memref<102400x16xf32, #tpu.memory_space<vmem_shared>>) offsets(%dma_start3A_100 : memref<128xi32, #tpu.memory_space<vmem>>) semaphore(%run_scoped3A_95 : memref<!tpu.dma_semaphore, #tpu.memory_space<semaphore_mem>>) {add = true}
          %dma_wait3A_104 = arith.constant 0 : i32
          %dma_wait3A_105 = arith.constant 0 : i32
          %dma_wait3A_106 = tpu.memref_slice %arg7[%dma_wait3A_104, %dma_wait3A_105] : memref<640x16xf32, #tpu.memory_space<vmem>> -> memref<128x16xf32, #tpu.memory_space<vmem>>
          %dma_wait3A_107 = arith.constant 0 : i32
          %dma_wait3A_108 = tpu.memref_slice %arg9[%run_scoped3A, %dma_wait3A_107] : memref<5x128xi32, #tpu.memory_space<vmem>> -> memref<1x128xi32, #tpu.memory_space<vmem>>
          %dma_wait3A_109 = tpu.memref_squeeze %dma_wait3A_108 : memref<1x128xi32, #tpu.memory_space<vmem>> -> memref<128xi32, #tpu.memory_space<vmem>>
          %dma_wait3A_110 = arith.constant 0 : i32
          %dma_wait3A_111 = arith.constant 0 : i32
          %dma_wait3A_112 = tpu.memref_slice %arg5[%dma_wait3A_110, %dma_wait3A_111] : memref<102400x16xf32, #tpu.memory_space<vmem_shared>> -> memref<102400x16xf32, #tpu.memory_space<vmem_shared>>
          tpu.wait_indirect_dma semaphore(%run_scoped3A_95 : memref<!tpu.dma_semaphore, #tpu.memory_space<semaphore_mem>>) src(%dma_wait3A_106 : memref<128x16xf32, #tpu.memory_space<vmem>>) dst(%dma_wait3A_112 : memref<102400x16xf32, #tpu.memory_space<vmem_shared>>)
          tpu.yield
        }) : () -> ()
        %run_scoped3A_91 = arith.constant 1 : i32
        "tpu.region"() ({
          %run_scoped3A_95 = tpu.sem_alloc : memref<!tpu.dma_semaphore, #tpu.memory_space<semaphore_mem>>
          %dma_start3A = arith.constant 128 : i32
          %dma_start3A_96 = arith.constant 0 : i32
          %dma_start3A_97 = tpu.memref_slice %arg7[%dma_start3A, %dma_start3A_96] : memref<640x16xf32, #tpu.memory_space<vmem>> -> memref<128x16xf32, #tpu.memory_space<vmem>>
          %dma_start3A_98 = arith.constant 0 : i32
          %dma_start3A_99 = tpu.memref_slice %arg9[%run_scoped3A_91, %dma_start3A_98] : memref<5x128xi32, #tpu.memory_space<vmem>> -> memref<1x128xi32, #tpu.memory_space<vmem>>
          %dma_start3A_100 = tpu.memref_squeeze %dma_start3A_99 : memref<1x128xi32, #tpu.memory_space<vmem>> -> memref<128xi32, #tpu.memory_space<vmem>>
          %dma_start3A_101 = arith.constant 0 : i32
          %dma_start3A_102 = arith.constant 0 : i32
          %dma_start3A_103 = tpu.memref_slice %arg5[%dma_start3A_101, %dma_start3A_102] : memref<102400x16xf32, #tpu.memory_space<vmem_shared>> -> memref<102400x16xf32, #tpu.memory_space<vmem_shared>>
          tpu.enqueue_indirect_dma source(%dma_start3A_97 : memref<128x16xf32, #tpu.memory_space<vmem>>) target(%dma_start3A_103 : memref<102400x16xf32, #tpu.memory_space<vmem_shared>>) offsets(%dma_start3A_100 : memref<128xi32, #tpu.memory_space<vmem>>) semaphore(%run_scoped3A_95 : memref<!tpu.dma_semaphore, #tpu.memory_space<semaphore_mem>>) {add = true}
          %dma_wait3A_104 = arith.constant 128 : i32
          %dma_wait3A_105 = arith.constant 0 : i32
          %dma_wait3A_106 = tpu.memref_slice %arg7[%dma_wait3A_104, %dma_wait3A_105] : memref<640x16xf32, #tpu.memory_space<vmem>> -> memref<128x16xf32, #tpu.memory_space<vmem>>
          %dma_wait3A_107 = arith.constant 0 : i32
          %dma_wait3A_108 = tpu.memref_slice %arg9[%run_scoped3A_91, %dma_wait3A_107] : memref<5x128xi32, #tpu.memory_space<vmem>> -> memref<1x128xi32, #tpu.memory_space<vmem>>
          %dma_wait3A_109 = tpu.memref_squeeze %dma_wait3A_108 : memref<1x128xi32, #tpu.memory_space<vmem>> -> memref<128xi32, #tpu.memory_space<vmem>>
          %dma_wait3A_110 = arith.constant 0 : i32
          %dma_wait3A_111 = arith.constant 0 : i32
          %dma_wait3A_112 = tpu.memref_slice %arg5[%dma_wait3A_110, %dma_wait3A_111] : memref<102400x16xf32, #tpu.memory_space<vmem_shared>> -> memref<102400x16xf32, #tpu.memory_space<vmem_shared>>
          tpu.wait_indirect_dma semaphore(%run_scoped3A_95 : memref<!tpu.dma_semaphore, #tpu.memory_space<semaphore_mem>>) src(%dma_wait3A_106 : memref<128x16xf32, #tpu.memory_space<vmem>>) dst(%dma_wait3A_112 : memref<102400x16xf32, #tpu.memory_space<vmem_shared>>)
          tpu.yield
        }) : () -> ()
        %run_scoped3A_92 = arith.constant 2 : i32
        "tpu.region"() ({
          %run_scoped3A_95 = tpu.sem_alloc : memref<!tpu.dma_semaphore, #tpu.memory_space<semaphore_mem>>
          %dma_start3A = arith.constant 256 : i32
          %dma_start3A_96 = arith.constant 0 : i32
          %dma_start3A_97 = tpu.memref_slice %arg7[%dma_start3A, %dma_start3A_96] : memref<640x16xf32, #tpu.memory_space<vmem>> -> memref<128x16xf32, #tpu.memory_space<vmem>>
          %dma_start3A_98 = arith.constant 0 : i32
          %dma_start3A_99 = tpu.memref_slice %arg9[%run_scoped3A_92, %dma_start3A_98] : memref<5x128xi32, #tpu.memory_space<vmem>> -> memref<1x128xi32, #tpu.memory_space<vmem>>
          %dma_start3A_100 = tpu.memref_squeeze %dma_start3A_99 : memref<1x128xi32, #tpu.memory_space<vmem>> -> memref<128xi32, #tpu.memory_space<vmem>>
          %dma_start3A_101 = arith.constant 0 : i32
          %dma_start3A_102 = arith.constant 0 : i32
          %dma_start3A_103 = tpu.memref_slice %arg5[%dma_start3A_101, %dma_start3A_102] : memref<102400x16xf32, #tpu.memory_space<vmem_shared>> -> memref<102400x16xf32, #tpu.memory_space<vmem_shared>>
          tpu.enqueue_indirect_dma source(%dma_start3A_97 : memref<128x16xf32, #tpu.memory_space<vmem>>) target(%dma_start3A_103 : memref<102400x16xf32, #tpu.memory_space<vmem_shared>>) offsets(%dma_start3A_100 : memref<128xi32, #tpu.memory_space<vmem>>) semaphore(%run_scoped3A_95 : memref<!tpu.dma_semaphore, #tpu.memory_space<semaphore_mem>>) {add = true}
          %dma_wait3A_104 = arith.constant 256 : i32
          %dma_wait3A_105 = arith.constant 0 : i32
          %dma_wait3A_106 = tpu.memref_slice %arg7[%dma_wait3A_104, %dma_wait3A_105] : memref<640x16xf32, #tpu.memory_space<vmem>> -> memref<128x16xf32, #tpu.memory_space<vmem>>
          %dma_wait3A_107 = arith.constant 0 : i32
          %dma_wait3A_108 = tpu.memref_slice %arg9[%run_scoped3A_92, %dma_wait3A_107] : memref<5x128xi32, #tpu.memory_space<vmem>> -> memref<1x128xi32, #tpu.memory_space<vmem>>
          %dma_wait3A_109 = tpu.memref_squeeze %dma_wait3A_108 : memref<1x128xi32, #tpu.memory_space<vmem>> -> memref<128xi32, #tpu.memory_space<vmem>>
          %dma_wait3A_110 = arith.constant 0 : i32
          %dma_wait3A_111 = arith.constant 0 : i32
          %dma_wait3A_112 = tpu.memref_slice %arg5[%dma_wait3A_110, %dma_wait3A_111] : memref<102400x16xf32, #tpu.memory_space<vmem_shared>> -> memref<102400x16xf32, #tpu.memory_space<vmem_shared>>
          tpu.wait_indirect_dma semaphore(%run_scoped3A_95 : memref<!tpu.dma_semaphore, #tpu.memory_space<semaphore_mem>>) src(%dma_wait3A_106 : memref<128x16xf32, #tpu.memory_space<vmem>>) dst(%dma_wait3A_112 : memref<102400x16xf32, #tpu.memory_space<vmem_shared>>)
          tpu.yield
        }) : () -> ()
        %run_scoped3A_93 = arith.constant 3 : i32
        "tpu.region"() ({
          %run_scoped3A_95 = tpu.sem_alloc : memref<!tpu.dma_semaphore, #tpu.memory_space<semaphore_mem>>
          %dma_start3A = arith.constant 384 : i32
          %dma_start3A_96 = arith.constant 0 : i32
          %dma_start3A_97 = tpu.memref_slice %arg7[%dma_start3A, %dma_start3A_96] : memref<640x16xf32, #tpu.memory_space<vmem>> -> memref<128x16xf32, #tpu.memory_space<vmem>>
          %dma_start3A_98 = arith.constant 0 : i32
          %dma_start3A_99 = tpu.memref_slice %arg9[%run_scoped3A_93, %dma_start3A_98] : memref<5x128xi32, #tpu.memory_space<vmem>> -> memref<1x128xi32, #tpu.memory_space<vmem>>
          %dma_start3A_100 = tpu.memref_squeeze %dma_start3A_99 : memref<1x128xi32, #tpu.memory_space<vmem>> -> memref<128xi32, #tpu.memory_space<vmem>>
          %dma_start3A_101 = arith.constant 0 : i32
          %dma_start3A_102 = arith.constant 0 : i32
          %dma_start3A_103 = tpu.memref_slice %arg5[%dma_start3A_101, %dma_start3A_102] : memref<102400x16xf32, #tpu.memory_space<vmem_shared>> -> memref<102400x16xf32, #tpu.memory_space<vmem_shared>>
          tpu.enqueue_indirect_dma source(%dma_start3A_97 : memref<128x16xf32, #tpu.memory_space<vmem>>) target(%dma_start3A_103 : memref<102400x16xf32, #tpu.memory_space<vmem_shared>>) offsets(%dma_start3A_100 : memref<128xi32, #tpu.memory_space<vmem>>) semaphore(%run_scoped3A_95 : memref<!tpu.dma_semaphore, #tpu.memory_space<semaphore_mem>>) {add = true}
          %dma_wait3A_104 = arith.constant 384 : i32
          %dma_wait3A_105 = arith.constant 0 : i32
          %dma_wait3A_106 = tpu.memref_slice %arg7[%dma_wait3A_104, %dma_wait3A_105] : memref<640x16xf32, #tpu.memory_space<vmem>> -> memref<128x16xf32, #tpu.memory_space<vmem>>
          %dma_wait3A_107 = arith.constant 0 : i32
          %dma_wait3A_108 = tpu.memref_slice %arg9[%run_scoped3A_93, %dma_wait3A_107] : memref<5x128xi32, #tpu.memory_space<vmem>> -> memref<1x128xi32, #tpu.memory_space<vmem>>
          %dma_wait3A_109 = tpu.memref_squeeze %dma_wait3A_108 : memref<1x128xi32, #tpu.memory_space<vmem>> -> memref<128xi32, #tpu.memory_space<vmem>>
          %dma_wait3A_110 = arith.constant 0 : i32
          %dma_wait3A_111 = arith.constant 0 : i32
          %dma_wait3A_112 = tpu.memref_slice %arg5[%dma_wait3A_110, %dma_wait3A_111] : memref<102400x16xf32, #tpu.memory_space<vmem_shared>> -> memref<102400x16xf32, #tpu.memory_space<vmem_shared>>
          tpu.wait_indirect_dma semaphore(%run_scoped3A_95 : memref<!tpu.dma_semaphore, #tpu.memory_space<semaphore_mem>>) src(%dma_wait3A_106 : memref<128x16xf32, #tpu.memory_space<vmem>>) dst(%dma_wait3A_112 : memref<102400x16xf32, #tpu.memory_space<vmem_shared>>)
          tpu.yield
        }) : () -> ()
        %run_scoped3A_94 = arith.constant 4 : i32
        "tpu.region"() ({
          %run_scoped3A_95 = tpu.sem_alloc : memref<!tpu.dma_semaphore, #tpu.memory_space<semaphore_mem>>
          %dma_start3A = arith.constant 512 : i32
          %dma_start3A_96 = arith.constant 0 : i32
          %dma_start3A_97 = tpu.memref_slice %arg7[%dma_start3A, %dma_start3A_96] : memref<640x16xf32, #tpu.memory_space<vmem>> -> memref<128x16xf32, #tpu.memory_space<vmem>>
          %dma_start3A_98 = arith.constant 0 : i32
          %dma_start3A_99 = tpu.memref_slice %arg9[%run_scoped3A_94, %dma_start3A_98] : memref<5x128xi32, #tpu.memory_space<vmem>> -> memref<1x128xi32, #tpu.memory_space<vmem>>
          %dma_start3A_100 = tpu.memref_squeeze %dma_start3A_99 : memref<1x128xi32, #tpu.memory_space<vmem>> -> memref<128xi32, #tpu.memory_space<vmem>>
          %dma_start3A_101 = arith.constant 0 : i32
          %dma_start3A_102 = arith.constant 0 : i32
          %dma_start3A_103 = tpu.memref_slice %arg5[%dma_start3A_101, %dma_start3A_102] : memref<102400x16xf32, #tpu.memory_space<vmem_shared>> -> memref<102400x16xf32, #tpu.memory_space<vmem_shared>>
          tpu.enqueue_indirect_dma source(%dma_start3A_97 : memref<128x16xf32, #tpu.memory_space<vmem>>) target(%dma_start3A_103 : memref<102400x16xf32, #tpu.memory_space<vmem_shared>>) offsets(%dma_start3A_100 : memref<128xi32, #tpu.memory_space<vmem>>) semaphore(%run_scoped3A_95 : memref<!tpu.dma_semaphore, #tpu.memory_space<semaphore_mem>>) {add = true}
          %dma_wait3A_104 = arith.constant 512 : i32
          %dma_wait3A_105 = arith.constant 0 : i32
          %dma_wait3A_106 = tpu.memref_slice %arg7[%dma_wait3A_104, %dma_wait3A_105] : memref<640x16xf32, #tpu.memory_space<vmem>> -> memref<128x16xf32, #tpu.memory_space<vmem>>
          %dma_wait3A_107 = arith.constant 0 : i32
          %dma_wait3A_108 = tpu.memref_slice %arg9[%run_scoped3A_94, %dma_wait3A_107] : memref<5x128xi32, #tpu.memory_space<vmem>> -> memref<1x128xi32, #tpu.memory_space<vmem>>
          %dma_wait3A_109 = tpu.memref_squeeze %dma_wait3A_108 : memref<1x128xi32, #tpu.memory_space<vmem>> -> memref<128xi32, #tpu.memory_space<vmem>>
          %dma_wait3A_110 = arith.constant 0 : i32
          %dma_wait3A_111 = arith.constant 0 : i32
          %dma_wait3A_112 = tpu.memref_slice %arg5[%dma_wait3A_110, %dma_wait3A_111] : memref<102400x16xf32, #tpu.memory_space<vmem_shared>> -> memref<102400x16xf32, #tpu.memory_space<vmem_shared>>
          tpu.wait_indirect_dma semaphore(%run_scoped3A_95 : memref<!tpu.dma_semaphore, #tpu.memory_space<semaphore_mem>>) src(%dma_wait3A_106 : memref<128x16xf32, #tpu.memory_space<vmem>>) dst(%dma_wait3A_112 : memref<102400x16xf32, #tpu.memory_space<vmem_shared>>)
          tpu.yield
        }) : () -> ()
      } else {
      }
    }
    %scan3A_37 = arith.constant 16 : i32
    %barrier3A_38 = arith.constant 0 : index
    tpu.barrier barrier_id(%barrier3A_38)
    "tpu.region"() ({
      %run_scoped3A = tpu.sem_alloc : memref<!tpu.dma_semaphore, #tpu.memory_space<semaphore_mem>>
      %dma_start3A = arith.constant 0 : i32
      %dma_start3A_39 = arith.constant 0 : i32
      %dma_start3A_40 = tpu.memref_slice %arg4[%arg0, %dma_start3A, %dma_start3A_39] : memref<2x102400x16xf32, #tpu.memory_space<hbm>> -> memref<1x102400x16xf32, #tpu.memory_space<hbm>>
      %dma_start3A_41 = tpu.memref_squeeze %dma_start3A_40 : memref<1x102400x16xf32, #tpu.memory_space<hbm>> -> memref<102400x16xf32, #tpu.memory_space<hbm>>
      %dma_start3A_42 = arith.constant 0 : i32
      %dma_start3A_43 = tpu.memref_slice %dma_start3A_41[%mul3A_7, %dma_start3A_42] : memref<102400x16xf32, #tpu.memory_space<hbm>> -> memref<6400x16xf32, #tpu.memory_space<hbm>>
      %dma_start3A_44 = arith.constant 0 : i32
      %dma_start3A_45 = tpu.memref_slice %arg5[%mul3A_7, %dma_start3A_44] : memref<102400x16xf32, #tpu.memory_space<vmem_shared>> -> memref<6400x16xf32, #tpu.memory_space<vmem_shared>>
      tpu.enqueue_dma source(%dma_start3A_45 : memref<6400x16xf32, #tpu.memory_space<vmem_shared>>) target(%dma_start3A_43 : memref<6400x16xf32, #tpu.memory_space<hbm>>) target_semaphore(%run_scoped3A : memref<!tpu.dma_semaphore, #tpu.memory_space<semaphore_mem>>)
      %dma_wait3A = arith.constant 0 : i32
      %dma_wait3A_46 = arith.constant 0 : i32
      %dma_wait3A_47 = tpu.memref_slice %arg4[%arg0, %dma_wait3A, %dma_wait3A_46] : memref<2x102400x16xf32, #tpu.memory_space<hbm>> -> memref<1x102400x16xf32, #tpu.memory_space<hbm>>
      %dma_wait3A_48 = tpu.memref_squeeze %dma_wait3A_47 : memref<1x102400x16xf32, #tpu.memory_space<hbm>> -> memref<102400x16xf32, #tpu.memory_space<hbm>>
      %dma_wait3A_49 = arith.constant 0 : i32
      %dma_wait3A_50 = tpu.memref_slice %dma_wait3A_48[%mul3A_7, %dma_wait3A_49] : memref<102400x16xf32, #tpu.memory_space<hbm>> -> memref<6400x16xf32, #tpu.memory_space<hbm>>
      %dma_wait3A_51 = arith.constant 0 : i32
      %dma_wait3A_52 = tpu.memref_slice %arg5[%mul3A_7, %dma_wait3A_51] : memref<102400x16xf32, #tpu.memory_space<vmem_shared>> -> memref<6400x16xf32, #tpu.memory_space<vmem_shared>>
      tpu.wait_dma2 semaphore(%run_scoped3A : memref<!tpu.dma_semaphore, #tpu.memory_space<semaphore_mem>>) src(%dma_wait3A_52 : memref<6400x16xf32, #tpu.memory_space<vmem_shared>>) dst(%dma_wait3A_50 : memref<6400x16xf32, #tpu.memory_space<hbm>>)
      tpu.yield
    }) : () -> ()
    return
  }
}

#map = affine_map<(d0, d1) -> (0, 0)>
#map1 = affine_map<(d0, d1) -> (0, 0, 0)>
module attributes {stable_mosaic.version = 14 : i64} {
  func.func @_sc_scatter_body(%arg0: i32, %arg1: i32, %arg2: memref<640000x16xf32, #tpu.memory_space<hbm>>, %arg3: memref<25000x128xi32, #tpu.memory_space<hbm>>, %arg4: memref<2x102400x16xf32, #tpu.memory_space<hbm>>, %arg5: memref<102400x16xf32, #tpu.memory_space<vmem_shared>>, %arg6: memref<640x16xf32, #tpu.memory_space<vmem>>, %arg7: memref<640x16xf32, #tpu.memory_space<vmem>>, %arg8: memref<5x128xi32, #tpu.memory_space<vmem>>, %arg9: memref<5x128xi32, #tpu.memory_space<vmem>>, %arg10: memref<!tpu.dma_semaphore, #tpu.memory_space<semaphore_mem>>, %arg11: memref<!tpu.dma_semaphore, #tpu.memory_space<semaphore_mem>>) attributes {dimension_semantics = [#tpu.dimension_semantics<core_parallel>, #tpu.dimension_semantics<subcore_parallel>], iteration_bounds = array<i64: 2, 16>, scalar_prefetch = 0 : i64, scratch_operands = 7 : i64, tpu.core_type = #tpu.core_type<sc_vector_subcore>, window_params = [{transform_indices = #map}, {transform_indices = #map}, {transform_indices = #map1}]} {
    %mul3A = arith.constant 2 : i32
    %mul3A_0 = arith.muli %arg1, %mul3A : i32
    %add3A = arith.addi %mul3A_0, %arg0 : i32
    %scan3A = arith.constant 0 : i32
    %scan3A_1 = arith.constant 0 : i32
    %scan3A_2 = arith.constant 640 : i32
    %scan3A_3 = arith.addi %scan3A_1, %scan3A_2 : i32
    %scan3A_4 = arith.constant 1 : i32
    scf.for %scan3A_39 = %scan3A_1 to %scan3A_3 step %scan3A_4  : i32 {
      %broadcast_in_dim3A = arith.constant 0.000000e+00 : f32
      %broadcast_in_dim3A_40 = vector.broadcast %broadcast_in_dim3A : f32 to vector<16xf32>
      %swap3A = arith.index_cast %scan3A_39 : i32 to index
      %swap3A_41 = arith.constant 0 : index
      %swap3A_42 = tpu.vector_load %arg6[%swap3A, %swap3A_41] {strides = array<i32>} : memref<640x16xf32, #tpu.memory_space<vmem>>, vector<1x16xf32>,
      %swap3A_43 = vector.shape_cast %swap3A_42 : vector<1x16xf32> to vector<16xf32>
      %swap3A_44 = vector.shape_cast %broadcast_in_dim3A_40 : vector<16xf32> to vector<1x16xf32>
      tpu.vector_store %arg6[%swap3A, %swap3A_41], %swap3A_44 {strides = array<i32>} : memref<640x16xf32, #tpu.memory_space<vmem>>, vector<1x16xf32>,
    }
    %scan3A_5 = arith.constant 640 : i32
    %mul3A_6 = arith.constant 6400 : i32
    %mul3A_7 = arith.muli %arg1, %mul3A_6 : i32
    %add3A_8 = arith.constant 0 : i32
    %add3A_9 = arith.addi %mul3A_7, %add3A_8 : i32
    "tpu.region"() ({
      %run_scoped3A = tpu.sem_alloc : memref<!tpu.dma_semaphore, #tpu.memory_space<semaphore_mem>>
      %dma_start3A = arith.constant 0 : i32
      %dma_start3A_39 = tpu.memref_slice %arg5[%add3A_9, %dma_start3A] : memref<102400x16xf32, #tpu.memory_space<vmem_shared>> -> memref<640x16xf32, #tpu.memory_space<vmem_shared>>
      %dma_start3A_40 = arith.constant 0 : i32
      %dma_start3A_41 = tpu.memref_slice %arg5[%add3A_9, %dma_start3A_40] : memref<102400x16xf32, #tpu.memory_space<vmem_shared>> -> memref<640x16xf32, #tpu.memory_space<vmem_shared>>
      tpu.enqueue_dma source(%arg6 : memref<640x16xf32, #tpu.memory_space<vmem>>) target(%dma_start3A_41 : memref<640x16xf32, #tpu.memory_space<vmem_shared>>) target_semaphore(%run_scoped3A : memref<!tpu.dma_semaphore, #tpu.memory_space<semaphore_mem>>)
      %dma_wait3A = arith.constant 0 : i32
      %dma_wait3A_42 = tpu.memref_slice %arg5[%add3A_9, %dma_wait3A] : memref<102400x16xf32, #tpu.memory_space<vmem_shared>> -> memref<640x16xf32, #tpu.memory_space<vmem_shared>>
      %dma_wait3A_43 = arith.constant 0 : i32
      %dma_wait3A_44 = tpu.memref_slice %arg5[%add3A_9, %dma_wait3A_43] : memref<102400x16xf32, #tpu.memory_space<vmem_shared>> -> memref<640x16xf32, #tpu.memory_space<vmem_shared>>
      tpu.wait_dma2 semaphore(%run_scoped3A : memref<!tpu.dma_semaphore, #tpu.memory_space<semaphore_mem>>) src(%arg6 : memref<640x16xf32, #tpu.memory_space<vmem>>) dst(%dma_wait3A_44 : memref<640x16xf32, #tpu.memory_space<vmem_shared>>)
      tpu.yield
    }) : () -> ()
    %add3A_10 = arith.constant 640 : i32
    %add3A_11 = arith.addi %mul3A_7, %add3A_10 : i32
    "tpu.region"() ({
      %run_scoped3A = tpu.sem_alloc : memref<!tpu.dma_semaphore, #tpu.memory_space<semaphore_mem>>
      %dma_start3A = arith.constant 0 : i32
      %dma_start3A_39 = tpu.memref_slice %arg5[%add3A_11, %dma_start3A] : memref<102400x16xf32, #tpu.memory_space<vmem_shared>> -> memref<640x16xf32, #tpu.memory_space<vmem_shared>>
      %dma_start3A_40 = arith.constant 0 : i32
      %dma_start3A_41 = tpu.memref_slice %arg5[%add3A_11, %dma_start3A_40] : memref<102400x16xf32, #tpu.memory_space<vmem_shared>> -> memref<640x16xf32, #tpu.memory_space<vmem_shared>>
      tpu.enqueue_dma source(%arg6 : memref<640x16xf32, #tpu.memory_space<vmem>>) target(%dma_start3A_41 : memref<640x16xf32, #tpu.memory_space<vmem_shared>>) target_semaphore(%run_scoped3A : memref<!tpu.dma_semaphore, #tpu.memory_space<semaphore_mem>>)
      %dma_wait3A = arith.constant 0 : i32
      %dma_wait3A_42 = tpu.memref_slice %arg5[%add3A_11, %dma_wait3A] : memref<102400x16xf32, #tpu.memory_space<vmem_shared>> -> memref<640x16xf32, #tpu.memory_space<vmem_shared>>
      %dma_wait3A_43 = arith.constant 0 : i32
      %dma_wait3A_44 = tpu.memref_slice %arg5[%add3A_11, %dma_wait3A_43] : memref<102400x16xf32, #tpu.memory_space<vmem_shared>> -> memref<640x16xf32, #tpu.memory_space<vmem_shared>>
      tpu.wait_dma2 semaphore(%run_scoped3A : memref<!tpu.dma_semaphore, #tpu.memory_space<semaphore_mem>>) src(%arg6 : memref<640x16xf32, #tpu.memory_space<vmem>>) dst(%dma_wait3A_44 : memref<640x16xf32, #tpu.memory_space<vmem_shared>>)
      tpu.yield
    }) : () -> ()
    %add3A_12 = arith.constant 1280 : i32
    %add3A_13 = arith.addi %mul3A_7, %add3A_12 : i32
    "tpu.region"() ({
      %run_scoped3A = tpu.sem_alloc : memref<!tpu.dma_semaphore, #tpu.memory_space<semaphore_mem>>
      %dma_start3A = arith.constant 0 : i32
      %dma_start3A_39 = tpu.memref_slice %arg5[%add3A_13, %dma_start3A] : memref<102400x16xf32, #tpu.memory_space<vmem_shared>> -> memref<640x16xf32, #tpu.memory_space<vmem_shared>>
      %dma_start3A_40 = arith.constant 0 : i32
      %dma_start3A_41 = tpu.memref_slice %arg5[%add3A_13, %dma_start3A_40] : memref<102400x16xf32, #tpu.memory_space<vmem_shared>> -> memref<640x16xf32, #tpu.memory_space<vmem_shared>>
      tpu.enqueue_dma source(%arg6 : memref<640x16xf32, #tpu.memory_space<vmem>>) target(%dma_start3A_41 : memref<640x16xf32, #tpu.memory_space<vmem_shared>>) target_semaphore(%run_scoped3A : memref<!tpu.dma_semaphore, #tpu.memory_space<semaphore_mem>>)
      %dma_wait3A = arith.constant 0 : i32
      %dma_wait3A_42 = tpu.memref_slice %arg5[%add3A_13, %dma_wait3A] : memref<102400x16xf32, #tpu.memory_space<vmem_shared>> -> memref<640x16xf32, #tpu.memory_space<vmem_shared>>
      %dma_wait3A_43 = arith.constant 0 : i32
      %dma_wait3A_44 = tpu.memref_slice %arg5[%add3A_13, %dma_wait3A_43] : memref<102400x16xf32, #tpu.memory_space<vmem_shared>> -> memref<640x16xf32, #tpu.memory_space<vmem_shared>>
      tpu.wait_dma2 semaphore(%run_scoped3A : memref<!tpu.dma_semaphore, #tpu.memory_space<semaphore_mem>>) src(%arg6 : memref<640x16xf32, #tpu.memory_space<vmem>>) dst(%dma_wait3A_44 : memref<640x16xf32, #tpu.memory_space<vmem_shared>>)
      tpu.yield
    }) : () -> ()
    %add3A_14 = arith.constant 1920 : i32
    %add3A_15 = arith.addi %mul3A_7, %add3A_14 : i32
    "tpu.region"() ({
      %run_scoped3A = tpu.sem_alloc : memref<!tpu.dma_semaphore, #tpu.memory_space<semaphore_mem>>
      %dma_start3A = arith.constant 0 : i32
      %dma_start3A_39 = tpu.memref_slice %arg5[%add3A_15, %dma_start3A] : memref<102400x16xf32, #tpu.memory_space<vmem_shared>> -> memref<640x16xf32, #tpu.memory_space<vmem_shared>>
      %dma_start3A_40 = arith.constant 0 : i32
      %dma_start3A_41 = tpu.memref_slice %arg5[%add3A_15, %dma_start3A_40] : memref<102400x16xf32, #tpu.memory_space<vmem_shared>> -> memref<640x16xf32, #tpu.memory_space<vmem_shared>>
      tpu.enqueue_dma source(%arg6 : memref<640x16xf32, #tpu.memory_space<vmem>>) target(%dma_start3A_41 : memref<640x16xf32, #tpu.memory_space<vmem_shared>>) target_semaphore(%run_scoped3A : memref<!tpu.dma_semaphore, #tpu.memory_space<semaphore_mem>>)
      %dma_wait3A = arith.constant 0 : i32
      %dma_wait3A_42 = tpu.memref_slice %arg5[%add3A_15, %dma_wait3A] : memref<102400x16xf32, #tpu.memory_space<vmem_shared>> -> memref<640x16xf32, #tpu.memory_space<vmem_shared>>
      %dma_wait3A_43 = arith.constant 0 : i32
      %dma_wait3A_44 = tpu.memref_slice %arg5[%add3A_15, %dma_wait3A_43] : memref<102400x16xf32, #tpu.memory_space<vmem_shared>> -> memref<640x16xf32, #tpu.memory_space<vmem_shared>>
      tpu.wait_dma2 semaphore(%run_scoped3A : memref<!tpu.dma_semaphore, #tpu.memory_space<semaphore_mem>>) src(%arg6 : memref<640x16xf32, #tpu.memory_space<vmem>>) dst(%dma_wait3A_44 : memref<640x16xf32, #tpu.memory_space<vmem_shared>>)
      tpu.yield
    }) : () -> ()
    %add3A_16 = arith.constant 2560 : i32
    %add3A_17 = arith.addi %mul3A_7, %add3A_16 : i32
    "tpu.region"() ({
      %run_scoped3A = tpu.sem_alloc : memref<!tpu.dma_semaphore, #tpu.memory_space<semaphore_mem>>
      %dma_start3A = arith.constant 0 : i32
      %dma_start3A_39 = tpu.memref_slice %arg5[%add3A_17, %dma_start3A] : memref<102400x16xf32, #tpu.memory_space<vmem_shared>> -> memref<640x16xf32, #tpu.memory_space<vmem_shared>>
      %dma_start3A_40 = arith.constant 0 : i32
      %dma_start3A_41 = tpu.memref_slice %arg5[%add3A_17, %dma_start3A_40] : memref<102400x16xf32, #tpu.memory_space<vmem_shared>> -> memref<640x16xf32, #tpu.memory_space<vmem_shared>>
      tpu.enqueue_dma source(%arg6 : memref<640x16xf32, #tpu.memory_space<vmem>>) target(%dma_start3A_41 : memref<640x16xf32, #tpu.memory_space<vmem_shared>>) target_semaphore(%run_scoped3A : memref<!tpu.dma_semaphore, #tpu.memory_space<semaphore_mem>>)
      %dma_wait3A = arith.constant 0 : i32
      %dma_wait3A_42 = tpu.memref_slice %arg5[%add3A_17, %dma_wait3A] : memref<102400x16xf32, #tpu.memory_space<vmem_shared>> -> memref<640x16xf32, #tpu.memory_space<vmem_shared>>
      %dma_wait3A_43 = arith.constant 0 : i32
      %dma_wait3A_44 = tpu.memref_slice %arg5[%add3A_17, %dma_wait3A_43] : memref<102400x16xf32, #tpu.memory_space<vmem_shared>> -> memref<640x16xf32, #tpu.memory_space<vmem_shared>>
      tpu.wait_dma2 semaphore(%run_scoped3A : memref<!tpu.dma_semaphore, #tpu.memory_space<semaphore_mem>>) src(%arg6 : memref<640x16xf32, #tpu.memory_space<vmem>>) dst(%dma_wait3A_44 : memref<640x16xf32, #tpu.memory_space<vmem_shared>>)
      tpu.yield
    }) : () -> ()
    %add3A_18 = arith.constant 3200 : i32
    %add3A_19 = arith.addi %mul3A_7, %add3A_18 : i32
    "tpu.region"() ({
      %run_scoped3A = tpu.sem_alloc : memref<!tpu.dma_semaphore, #tpu.memory_space<semaphore_mem>>
      %dma_start3A = arith.constant 0 : i32
      %dma_start3A_39 = tpu.memref_slice %arg5[%add3A_19, %dma_start3A] : memref<102400x16xf32, #tpu.memory_space<vmem_shared>> -> memref<640x16xf32, #tpu.memory_space<vmem_shared>>
      %dma_start3A_40 = arith.constant 0 : i32
      %dma_start3A_41 = tpu.memref_slice %arg5[%add3A_19, %dma_start3A_40] : memref<102400x16xf32, #tpu.memory_space<vmem_shared>> -> memref<640x16xf32, #tpu.memory_space<vmem_shared>>
      tpu.enqueue_dma source(%arg6 : memref<640x16xf32, #tpu.memory_space<vmem>>) target(%dma_start3A_41 : memref<640x16xf32, #tpu.memory_space<vmem_shared>>) target_semaphore(%run_scoped3A : memref<!tpu.dma_semaphore, #tpu.memory_space<semaphore_mem>>)
      %dma_wait3A = arith.constant 0 : i32
      %dma_wait3A_42 = tpu.memref_slice %arg5[%add3A_19, %dma_wait3A] : memref<102400x16xf32, #tpu.memory_space<vmem_shared>> -> memref<640x16xf32, #tpu.memory_space<vmem_shared>>
      %dma_wait3A_43 = arith.constant 0 : i32
      %dma_wait3A_44 = tpu.memref_slice %arg5[%add3A_19, %dma_wait3A_43] : memref<102400x16xf32, #tpu.memory_space<vmem_shared>> -> memref<640x16xf32, #tpu.memory_space<vmem_shared>>
      tpu.wait_dma2 semaphore(%run_scoped3A : memref<!tpu.dma_semaphore, #tpu.memory_space<semaphore_mem>>) src(%arg6 : memref<640x16xf32, #tpu.memory_space<vmem>>) dst(%dma_wait3A_44 : memref<640x16xf32, #tpu.memory_space<vmem_shared>>)
      tpu.yield
    }) : () -> ()
    %add3A_20 = arith.constant 3840 : i32
    %add3A_21 = arith.addi %mul3A_7, %add3A_20 : i32
    "tpu.region"() ({
      %run_scoped3A = tpu.sem_alloc : memref<!tpu.dma_semaphore, #tpu.memory_space<semaphore_mem>>
      %dma_start3A = arith.constant 0 : i32
      %dma_start3A_39 = tpu.memref_slice %arg5[%add3A_21, %dma_start3A] : memref<102400x16xf32, #tpu.memory_space<vmem_shared>> -> memref<640x16xf32, #tpu.memory_space<vmem_shared>>
      %dma_start3A_40 = arith.constant 0 : i32
      %dma_start3A_41 = tpu.memref_slice %arg5[%add3A_21, %dma_start3A_40] : memref<102400x16xf32, #tpu.memory_space<vmem_shared>> -> memref<640x16xf32, #tpu.memory_space<vmem_shared>>
      tpu.enqueue_dma source(%arg6 : memref<640x16xf32, #tpu.memory_space<vmem>>) target(%dma_start3A_41 : memref<640x16xf32, #tpu.memory_space<vmem_shared>>) target_semaphore(%run_scoped3A : memref<!tpu.dma_semaphore, #tpu.memory_space<semaphore_mem>>)
      %dma_wait3A = arith.constant 0 : i32
      %dma_wait3A_42 = tpu.memref_slice %arg5[%add3A_21, %dma_wait3A] : memref<102400x16xf32, #tpu.memory_space<vmem_shared>> -> memref<640x16xf32, #tpu.memory_space<vmem_shared>>
      %dma_wait3A_43 = arith.constant 0 : i32
      %dma_wait3A_44 = tpu.memref_slice %arg5[%add3A_21, %dma_wait3A_43] : memref<102400x16xf32, #tpu.memory_space<vmem_shared>> -> memref<640x16xf32, #tpu.memory_space<vmem_shared>>
      tpu.wait_dma2 semaphore(%run_scoped3A : memref<!tpu.dma_semaphore, #tpu.memory_space<semaphore_mem>>) src(%arg6 : memref<640x16xf32, #tpu.memory_space<vmem>>) dst(%dma_wait3A_44 : memref<640x16xf32, #tpu.memory_space<vmem_shared>>)
      tpu.yield
    }) : () -> ()
    %add3A_22 = arith.constant 4480 : i32
    %add3A_23 = arith.addi %mul3A_7, %add3A_22 : i32
    "tpu.region"() ({
      %run_scoped3A = tpu.sem_alloc : memref<!tpu.dma_semaphore, #tpu.memory_space<semaphore_mem>>
      %dma_start3A = arith.constant 0 : i32
      %dma_start3A_39 = tpu.memref_slice %arg5[%add3A_23, %dma_start3A] : memref<102400x16xf32, #tpu.memory_space<vmem_shared>> -> memref<640x16xf32, #tpu.memory_space<vmem_shared>>
      %dma_start3A_40 = arith.constant 0 : i32
      %dma_start3A_41 = tpu.memref_slice %arg5[%add3A_23, %dma_start3A_40] : memref<102400x16xf32, #tpu.memory_space<vmem_shared>> -> memref<640x16xf32, #tpu.memory_space<vmem_shared>>
      tpu.enqueue_dma source(%arg6 : memref<640x16xf32, #tpu.memory_space<vmem>>) target(%dma_start3A_41 : memref<640x16xf32, #tpu.memory_space<vmem_shared>>) target_semaphore(%run_scoped3A : memref<!tpu.dma_semaphore, #tpu.memory_space<semaphore_mem>>)
      %dma_wait3A = arith.constant 0 : i32
      %dma_wait3A_42 = tpu.memref_slice %arg5[%add3A_23, %dma_wait3A] : memref<102400x16xf32, #tpu.memory_space<vmem_shared>> -> memref<640x16xf32, #tpu.memory_space<vmem_shared>>
      %dma_wait3A_43 = arith.constant 0 : i32
      %dma_wait3A_44 = tpu.memref_slice %arg5[%add3A_23, %dma_wait3A_43] : memref<102400x16xf32, #tpu.memory_space<vmem_shared>> -> memref<640x16xf32, #tpu.memory_space<vmem_shared>>
      tpu.wait_dma2 semaphore(%run_scoped3A : memref<!tpu.dma_semaphore, #tpu.memory_space<semaphore_mem>>) src(%arg6 : memref<640x16xf32, #tpu.memory_space<vmem>>) dst(%dma_wait3A_44 : memref<640x16xf32, #tpu.memory_space<vmem_shared>>)
      tpu.yield
    }) : () -> ()
    %add3A_24 = arith.constant 5120 : i32
    %add3A_25 = arith.addi %mul3A_7, %add3A_24 : i32
    "tpu.region"() ({
      %run_scoped3A = tpu.sem_alloc : memref<!tpu.dma_semaphore, #tpu.memory_space<semaphore_mem>>
      %dma_start3A = arith.constant 0 : i32
      %dma_start3A_39 = tpu.memref_slice %arg5[%add3A_25, %dma_start3A] : memref<102400x16xf32, #tpu.memory_space<vmem_shared>> -> memref<640x16xf32, #tpu.memory_space<vmem_shared>>
      %dma_start3A_40 = arith.constant 0 : i32
      %dma_start3A_41 = tpu.memref_slice %arg5[%add3A_25, %dma_start3A_40] : memref<102400x16xf32, #tpu.memory_space<vmem_shared>> -> memref<640x16xf32, #tpu.memory_space<vmem_shared>>
      tpu.enqueue_dma source(%arg6 : memref<640x16xf32, #tpu.memory_space<vmem>>) target(%dma_start3A_41 : memref<640x16xf32, #tpu.memory_space<vmem_shared>>) target_semaphore(%run_scoped3A : memref<!tpu.dma_semaphore, #tpu.memory_space<semaphore_mem>>)
      %dma_wait3A = arith.constant 0 : i32
      %dma_wait3A_42 = tpu.memref_slice %arg5[%add3A_25, %dma_wait3A] : memref<102400x16xf32, #tpu.memory_space<vmem_shared>> -> memref<640x16xf32, #tpu.memory_space<vmem_shared>>
      %dma_wait3A_43 = arith.constant 0 : i32
      %dma_wait3A_44 = tpu.memref_slice %arg5[%add3A_25, %dma_wait3A_43] : memref<102400x16xf32, #tpu.memory_space<vmem_shared>> -> memref<640x16xf32, #tpu.memory_space<vmem_shared>>
      tpu.wait_dma2 semaphore(%run_scoped3A : memref<!tpu.dma_semaphore, #tpu.memory_space<semaphore_mem>>) src(%arg6 : memref<640x16xf32, #tpu.memory_space<vmem>>) dst(%dma_wait3A_44 : memref<640x16xf32, #tpu.memory_space<vmem_shared>>)
      tpu.yield
    }) : () -> ()
    %add3A_26 = arith.constant 5760 : i32
    %add3A_27 = arith.addi %mul3A_7, %add3A_26 : i32
    "tpu.region"() ({
      %run_scoped3A = tpu.sem_alloc : memref<!tpu.dma_semaphore, #tpu.memory_space<semaphore_mem>>
      %dma_start3A = arith.constant 0 : i32
      %dma_start3A_39 = tpu.memref_slice %arg5[%add3A_27, %dma_start3A] : memref<102400x16xf32, #tpu.memory_space<vmem_shared>> -> memref<640x16xf32, #tpu.memory_space<vmem_shared>>
      %dma_start3A_40 = arith.constant 0 : i32
      %dma_start3A_41 = tpu.memref_slice %arg5[%add3A_27, %dma_start3A_40] : memref<102400x16xf32, #tpu.memory_space<vmem_shared>> -> memref<640x16xf32, #tpu.memory_space<vmem_shared>>
      tpu.enqueue_dma source(%arg6 : memref<640x16xf32, #tpu.memory_space<vmem>>) target(%dma_start3A_41 : memref<640x16xf32, #tpu.memory_space<vmem_shared>>) target_semaphore(%run_scoped3A : memref<!tpu.dma_semaphore, #tpu.memory_space<semaphore_mem>>)
      %dma_wait3A = arith.constant 0 : i32
      %dma_wait3A_42 = tpu.memref_slice %arg5[%add3A_27, %dma_wait3A] : memref<102400x16xf32, #tpu.memory_space<vmem_shared>> -> memref<640x16xf32, #tpu.memory_space<vmem_shared>>
      %dma_wait3A_43 = arith.constant 0 : i32
      %dma_wait3A_44 = tpu.memref_slice %arg5[%add3A_27, %dma_wait3A_43] : memref<102400x16xf32, #tpu.memory_space<vmem_shared>> -> memref<640x16xf32, #tpu.memory_space<vmem_shared>>
      tpu.wait_dma2 semaphore(%run_scoped3A : memref<!tpu.dma_semaphore, #tpu.memory_space<semaphore_mem>>) src(%arg6 : memref<640x16xf32, #tpu.memory_space<vmem>>) dst(%dma_wait3A_44 : memref<640x16xf32, #tpu.memory_space<vmem_shared>>)
      tpu.yield
    }) : () -> ()
    %barrier3A = arith.constant 0 : index
    tpu.barrier barrier_id(%barrier3A)
    %add3A_28 = arith.constant 0 : i32
    %add3A_29 = arith.addi %add3A, %add3A_28 : i32
    %lt3A = arith.constant 1000 : i32
    %lt3A_30 = arith.cmpi slt, %add3A_29, %lt3A : i32
    %convert_element_type3A = arith.extui %lt3A_30 : i1 to i32
    %cond3A = arith.constant 0 : i32
    %cond3A_31 = arith.cmpi ne, %convert_element_type3A, %cond3A : i32
    scf.if %cond3A_31 {
      %mul3A_39 = arith.constant 640 : i32
      %mul3A_40 = arith.muli %add3A_29, %mul3A_39 : i32
      %multiple_of3A = tpu.assume_multiple %mul3A_40, 640 : i32
      %dma_start3A = arith.constant 0 : i32
      %dma_start3A_41 = tpu.memref_slice %arg2[%multiple_of3A, %dma_start3A] : memref<640000x16xf32, #tpu.memory_space<hbm>> -> memref<640x16xf32, #tpu.memory_space<hbm>>
      %dma_start3A_42 = arith.constant 0 : i32
      %dma_start3A_43 = tpu.memref_slice %arg2[%multiple_of3A, %dma_start3A_42] : memref<640000x16xf32, #tpu.memory_space<hbm>> -> memref<640x16xf32, #tpu.memory_space<hbm>>
      tpu.enqueue_dma source(%dma_start3A_43 : memref<640x16xf32, #tpu.memory_space<hbm>>) target(%arg6 : memref<640x16xf32, #tpu.memory_space<vmem>>) target_semaphore(%arg10 : memref<!tpu.dma_semaphore, #tpu.memory_space<semaphore_mem>>)
      %mul3A_44 = arith.constant 5 : i32
      %mul3A_45 = arith.muli %add3A_29, %mul3A_44 : i32
      %add3A_46 = arith.constant 20000 : i32
      %add3A_47 = arith.addi %add3A_46, %mul3A_45 : i32
      %multiple_of3A_48 = tpu.assume_multiple %add3A_47, 5 : i32
      %dma_start3A_49 = arith.constant 0 : i32
      %dma_start3A_50 = tpu.memref_slice %arg3[%multiple_of3A_48, %dma_start3A_49] : memref<25000x128xi32, #tpu.memory_space<hbm>> -> memref<5x128xi32, #tpu.memory_space<hbm>>
      %dma_start3A_51 = arith.constant 0 : i32
      %dma_start3A_52 = tpu.memref_slice %arg3[%multiple_of3A_48, %dma_start3A_51] : memref<25000x128xi32, #tpu.memory_space<hbm>> -> memref<5x128xi32, #tpu.memory_space<hbm>>
      tpu.enqueue_dma source(%dma_start3A_52 : memref<5x128xi32, #tpu.memory_space<hbm>>) target(%arg8 : memref<5x128xi32, #tpu.memory_space<vmem>>) target_semaphore(%arg10 : memref<!tpu.dma_semaphore, #tpu.memory_space<semaphore_mem>>)
    } else {
    }
    %scan3A_32 = arith.constant 0 : i32
    %scan3A_33 = arith.constant 0 : i32
    %scan3A_34 = arith.constant 16 : i32
    %scan3A_35 = arith.addi %scan3A_33, %scan3A_34 : i32
    %scan3A_36 = arith.constant 1 : i32
    scf.for %scan3A_39 = %scan3A_33 to %scan3A_35 step %scan3A_36  : i32 {
      %mul3A_40 = arith.constant 2 : i32
      %mul3A_41 = arith.muli %scan3A_39, %mul3A_40 : i32
      %add3A_42 = arith.constant 1 : i32
      %add3A_43 = arith.addi %mul3A_41, %add3A_42 : i32
      %mul3A_44 = arith.constant 32 : i32
      %mul3A_45 = arith.muli %mul3A_44, %add3A_43 : i32
      %add3A_46 = arith.addi %add3A, %mul3A_45 : i32
      %lt3A_47 = arith.constant 1000 : i32
      %lt3A_48 = arith.cmpi slt, %add3A_46, %lt3A_47 : i32
      %convert_element_type3A_49 = arith.extui %lt3A_48 : i1 to i32
      %cond3A_50 = arith.constant 0 : i32
      %cond3A_51 = arith.cmpi ne, %convert_element_type3A_49, %cond3A_50 : i32
      scf.if %cond3A_51 {
        %mul3A_80 = arith.constant 640 : i32
        %mul3A_81 = arith.muli %add3A_46, %mul3A_80 : i32
        %multiple_of3A = tpu.assume_multiple %mul3A_81, 640 : i32
        %dma_start3A = arith.constant 0 : i32
        %dma_start3A_82 = tpu.memref_slice %arg2[%multiple_of3A, %dma_start3A] : memref<640000x16xf32, #tpu.memory_space<hbm>> -> memref<640x16xf32, #tpu.memory_space<hbm>>
        %dma_start3A_83 = arith.constant 0 : i32
        %dma_start3A_84 = tpu.memref_slice %arg2[%multiple_of3A, %dma_start3A_83] : memref<640000x16xf32, #tpu.memory_space<hbm>> -> memref<640x16xf32, #tpu.memory_space<hbm>>
        tpu.enqueue_dma source(%dma_start3A_84 : memref<640x16xf32, #tpu.memory_space<hbm>>) target(%arg7 : memref<640x16xf32, #tpu.memory_space<vmem>>) target_semaphore(%arg11 : memref<!tpu.dma_semaphore, #tpu.memory_space<semaphore_mem>>)
        %mul3A_85 = arith.constant 5 : i32
        %mul3A_86 = arith.muli %add3A_46, %mul3A_85 : i32
        %add3A_87 = arith.constant 20000 : i32
        %add3A_88 = arith.addi %add3A_87, %mul3A_86 : i32
        %multiple_of3A_89 = tpu.assume_multiple %add3A_88, 5 : i32
        %dma_start3A_90 = arith.constant 0 : i32
        %dma_start3A_91 = tpu.memref_slice %arg3[%multiple_of3A_89, %dma_start3A_90] : memref<25000x128xi32, #tpu.memory_space<hbm>> -> memref<5x128xi32, #tpu.memory_space<hbm>>
        %dma_start3A_92 = arith.constant 0 : i32
        %dma_start3A_93 = tpu.memref_slice %arg3[%multiple_of3A_89, %dma_start3A_92] : memref<25000x128xi32, #tpu.memory_space<hbm>> -> memref<5x128xi32, #tpu.memory_space<hbm>>
        tpu.enqueue_dma source(%dma_start3A_93 : memref<5x128xi32, #tpu.memory_space<hbm>>) target(%arg9 : memref<5x128xi32, #tpu.memory_space<vmem>>) target_semaphore(%arg11 : memref<!tpu.dma_semaphore, #tpu.memory_space<semaphore_mem>>)
      } else {
      }
      %mul3A_52 = arith.constant 32 : i32
      %mul3A_53 = arith.muli %mul3A_52, %mul3A_41 : i32
      %add3A_54 = arith.addi %add3A, %mul3A_53 : i32
      %lt3A_55 = arith.constant 1000 : i32
      %lt3A_56 = arith.cmpi slt, %add3A_54, %lt3A_55 : i32
      %convert_element_type3A_57 = arith.extui %lt3A_56 : i1 to i32
      %cond3A_58 = arith.constant 0 : i32
      %cond3A_59 = arith.cmpi ne, %convert_element_type3A_57, %cond3A_58 : i32
      scf.if %cond3A_59 {
        %dma_wait3A = arith.constant 0 : i32
        %dma_wait3A_80 = arith.constant 0 : i32
        %dma_wait3A_81 = tpu.memref_slice %arg2[%dma_wait3A, %dma_wait3A_80] : memref<640000x16xf32, #tpu.memory_space<hbm>> -> memref<640x16xf32, #tpu.memory_space<hbm>>
        %dma_wait3A_82 = arith.constant 0 : i32
        %dma_wait3A_83 = arith.constant 0 : i32
        %dma_wait3A_84 = tpu.memref_slice %arg2[%dma_wait3A_82, %dma_wait3A_83] : memref<640000x16xf32, #tpu.memory_space<hbm>> -> memref<640x16xf32, #tpu.memory_space<hbm>>
        tpu.wait_dma2 semaphore(%arg10 : memref<!tpu.dma_semaphore, #tpu.memory_space<semaphore_mem>>) src(%dma_wait3A_84 : memref<640x16xf32, #tpu.memory_space<hbm>>) dst(%arg6 : memref<640x16xf32, #tpu.memory_space<vmem>>)
        %dma_wait3A_85 = arith.constant 0 : i32
        %dma_wait3A_86 = arith.constant 0 : i32
        %dma_wait3A_87 = tpu.memref_slice %arg3[%dma_wait3A_85, %dma_wait3A_86] : memref<25000x128xi32, #tpu.memory_space<hbm>> -> memref<5x128xi32, #tpu.memory_space<hbm>>
        %dma_wait3A_88 = arith.constant 0 : i32
        %dma_wait3A_89 = arith.constant 0 : i32
        %dma_wait3A_90 = tpu.memref_slice %arg3[%dma_wait3A_88, %dma_wait3A_89] : memref<25000x128xi32, #tpu.memory_space<hbm>> -> memref<5x128xi32, #tpu.memory_space<hbm>>
        tpu.wait_dma2 semaphore(%arg10 : memref<!tpu.dma_semaphore, #tpu.memory_space<semaphore_mem>>) src(%dma_wait3A_90 : memref<5x128xi32, #tpu.memory_space<hbm>>) dst(%arg8 : memref<5x128xi32, #tpu.memory_space<vmem>>)
        %run_scoped3A = arith.constant 0 : i32
        "tpu.region"() ({
          %run_scoped3A_95 = tpu.sem_alloc : memref<!tpu.dma_semaphore, #tpu.memory_space<semaphore_mem>>
          %dma_start3A = arith.constant 0 : i32
          %dma_start3A_96 = arith.constant 0 : i32
          %dma_start3A_97 = tpu.memref_slice %arg6[%dma_start3A, %dma_start3A_96] : memref<640x16xf32, #tpu.memory_space<vmem>> -> memref<128x16xf32, #tpu.memory_space<vmem>>
          %dma_start3A_98 = arith.constant 0 : i32
          %dma_start3A_99 = tpu.memref_slice %arg8[%run_scoped3A, %dma_start3A_98] : memref<5x128xi32, #tpu.memory_space<vmem>> -> memref<1x128xi32, #tpu.memory_space<vmem>>
          %dma_start3A_100 = tpu.memref_squeeze %dma_start3A_99 : memref<1x128xi32, #tpu.memory_space<vmem>> -> memref<128xi32, #tpu.memory_space<vmem>>
          %dma_start3A_101 = arith.constant 0 : i32
          %dma_start3A_102 = arith.constant 0 : i32
          %dma_start3A_103 = tpu.memref_slice %arg5[%dma_start3A_101, %dma_start3A_102] : memref<102400x16xf32, #tpu.memory_space<vmem_shared>> -> memref<102400x16xf32, #tpu.memory_space<vmem_shared>>
          tpu.enqueue_indirect_dma source(%dma_start3A_97 : memref<128x16xf32, #tpu.memory_space<vmem>>) target(%dma_start3A_103 : memref<102400x16xf32, #tpu.memory_space<vmem_shared>>) offsets(%dma_start3A_100 : memref<128xi32, #tpu.memory_space<vmem>>) semaphore(%run_scoped3A_95 : memref<!tpu.dma_semaphore, #tpu.memory_space<semaphore_mem>>) {add = true}
          %dma_wait3A_104 = arith.constant 0 : i32
          %dma_wait3A_105 = arith.constant 0 : i32
          %dma_wait3A_106 = tpu.memref_slice %arg6[%dma_wait3A_104, %dma_wait3A_105] : memref<640x16xf32, #tpu.memory_space<vmem>> -> memref<128x16xf32, #tpu.memory_space<vmem>>
          %dma_wait3A_107 = arith.constant 0 : i32
          %dma_wait3A_108 = tpu.memref_slice %arg8[%run_scoped3A, %dma_wait3A_107] : memref<5x128xi32, #tpu.memory_space<vmem>> -> memref<1x128xi32, #tpu.memory_space<vmem>>
          %dma_wait3A_109 = tpu.memref_squeeze %dma_wait3A_108 : memref<1x128xi32, #tpu.memory_space<vmem>> -> memref<128xi32, #tpu.memory_space<vmem>>
          %dma_wait3A_110 = arith.constant 0 : i32
          %dma_wait3A_111 = arith.constant 0 : i32
          %dma_wait3A_112 = tpu.memref_slice %arg5[%dma_wait3A_110, %dma_wait3A_111] : memref<102400x16xf32, #tpu.memory_space<vmem_shared>> -> memref<102400x16xf32, #tpu.memory_space<vmem_shared>>
          tpu.wait_indirect_dma semaphore(%run_scoped3A_95 : memref<!tpu.dma_semaphore, #tpu.memory_space<semaphore_mem>>) src(%dma_wait3A_106 : memref<128x16xf32, #tpu.memory_space<vmem>>) dst(%dma_wait3A_112 : memref<102400x16xf32, #tpu.memory_space<vmem_shared>>)
          tpu.yield
        }) : () -> ()
        %run_scoped3A_91 = arith.constant 1 : i32
        "tpu.region"() ({
          %run_scoped3A_95 = tpu.sem_alloc : memref<!tpu.dma_semaphore, #tpu.memory_space<semaphore_mem>>
          %dma_start3A = arith.constant 128 : i32
          %dma_start3A_96 = arith.constant 0 : i32
          %dma_start3A_97 = tpu.memref_slice %arg6[%dma_start3A, %dma_start3A_96] : memref<640x16xf32, #tpu.memory_space<vmem>> -> memref<128x16xf32, #tpu.memory_space<vmem>>
          %dma_start3A_98 = arith.constant 0 : i32
          %dma_start3A_99 = tpu.memref_slice %arg8[%run_scoped3A_91, %dma_start3A_98] : memref<5x128xi32, #tpu.memory_space<vmem>> -> memref<1x128xi32, #tpu.memory_space<vmem>>
          %dma_start3A_100 = tpu.memref_squeeze %dma_start3A_99 : memref<1x128xi32, #tpu.memory_space<vmem>> -> memref<128xi32, #tpu.memory_space<vmem>>
          %dma_start3A_101 = arith.constant 0 : i32
          %dma_start3A_102 = arith.constant 0 : i32
          %dma_start3A_103 = tpu.memref_slice %arg5[%dma_start3A_101, %dma_start3A_102] : memref<102400x16xf32, #tpu.memory_space<vmem_shared>> -> memref<102400x16xf32, #tpu.memory_space<vmem_shared>>
          tpu.enqueue_indirect_dma source(%dma_start3A_97 : memref<128x16xf32, #tpu.memory_space<vmem>>) target(%dma_start3A_103 : memref<102400x16xf32, #tpu.memory_space<vmem_shared>>) offsets(%dma_start3A_100 : memref<128xi32, #tpu.memory_space<vmem>>) semaphore(%run_scoped3A_95 : memref<!tpu.dma_semaphore, #tpu.memory_space<semaphore_mem>>) {add = true}
          %dma_wait3A_104 = arith.constant 128 : i32
          %dma_wait3A_105 = arith.constant 0 : i32
          %dma_wait3A_106 = tpu.memref_slice %arg6[%dma_wait3A_104, %dma_wait3A_105] : memref<640x16xf32, #tpu.memory_space<vmem>> -> memref<128x16xf32, #tpu.memory_space<vmem>>
          %dma_wait3A_107 = arith.constant 0 : i32
          %dma_wait3A_108 = tpu.memref_slice %arg8[%run_scoped3A_91, %dma_wait3A_107] : memref<5x128xi32, #tpu.memory_space<vmem>> -> memref<1x128xi32, #tpu.memory_space<vmem>>
          %dma_wait3A_109 = tpu.memref_squeeze %dma_wait3A_108 : memref<1x128xi32, #tpu.memory_space<vmem>> -> memref<128xi32, #tpu.memory_space<vmem>>
          %dma_wait3A_110 = arith.constant 0 : i32
          %dma_wait3A_111 = arith.constant 0 : i32
          %dma_wait3A_112 = tpu.memref_slice %arg5[%dma_wait3A_110, %dma_wait3A_111] : memref<102400x16xf32, #tpu.memory_space<vmem_shared>> -> memref<102400x16xf32, #tpu.memory_space<vmem_shared>>
          tpu.wait_indirect_dma semaphore(%run_scoped3A_95 : memref<!tpu.dma_semaphore, #tpu.memory_space<semaphore_mem>>) src(%dma_wait3A_106 : memref<128x16xf32, #tpu.memory_space<vmem>>) dst(%dma_wait3A_112 : memref<102400x16xf32, #tpu.memory_space<vmem_shared>>)
          tpu.yield
        }) : () -> ()
        %run_scoped3A_92 = arith.constant 2 : i32
        "tpu.region"() ({
          %run_scoped3A_95 = tpu.sem_alloc : memref<!tpu.dma_semaphore, #tpu.memory_space<semaphore_mem>>
          %dma_start3A = arith.constant 256 : i32
          %dma_start3A_96 = arith.constant 0 : i32
          %dma_start3A_97 = tpu.memref_slice %arg6[%dma_start3A, %dma_start3A_96] : memref<640x16xf32, #tpu.memory_space<vmem>> -> memref<128x16xf32, #tpu.memory_space<vmem>>
          %dma_start3A_98 = arith.constant 0 : i32
          %dma_start3A_99 = tpu.memref_slice %arg8[%run_scoped3A_92, %dma_start3A_98] : memref<5x128xi32, #tpu.memory_space<vmem>> -> memref<1x128xi32, #tpu.memory_space<vmem>>
          %dma_start3A_100 = tpu.memref_squeeze %dma_start3A_99 : memref<1x128xi32, #tpu.memory_space<vmem>> -> memref<128xi32, #tpu.memory_space<vmem>>
          %dma_start3A_101 = arith.constant 0 : i32
          %dma_start3A_102 = arith.constant 0 : i32
          %dma_start3A_103 = tpu.memref_slice %arg5[%dma_start3A_101, %dma_start3A_102] : memref<102400x16xf32, #tpu.memory_space<vmem_shared>> -> memref<102400x16xf32, #tpu.memory_space<vmem_shared>>
          tpu.enqueue_indirect_dma source(%dma_start3A_97 : memref<128x16xf32, #tpu.memory_space<vmem>>) target(%dma_start3A_103 : memref<102400x16xf32, #tpu.memory_space<vmem_shared>>) offsets(%dma_start3A_100 : memref<128xi32, #tpu.memory_space<vmem>>) semaphore(%run_scoped3A_95 : memref<!tpu.dma_semaphore, #tpu.memory_space<semaphore_mem>>) {add = true}
          %dma_wait3A_104 = arith.constant 256 : i32
          %dma_wait3A_105 = arith.constant 0 : i32
          %dma_wait3A_106 = tpu.memref_slice %arg6[%dma_wait3A_104, %dma_wait3A_105] : memref<640x16xf32, #tpu.memory_space<vmem>> -> memref<128x16xf32, #tpu.memory_space<vmem>>
          %dma_wait3A_107 = arith.constant 0 : i32
          %dma_wait3A_108 = tpu.memref_slice %arg8[%run_scoped3A_92, %dma_wait3A_107] : memref<5x128xi32, #tpu.memory_space<vmem>> -> memref<1x128xi32, #tpu.memory_space<vmem>>
          %dma_wait3A_109 = tpu.memref_squeeze %dma_wait3A_108 : memref<1x128xi32, #tpu.memory_space<vmem>> -> memref<128xi32, #tpu.memory_space<vmem>>
          %dma_wait3A_110 = arith.constant 0 : i32
          %dma_wait3A_111 = arith.constant 0 : i32
          %dma_wait3A_112 = tpu.memref_slice %arg5[%dma_wait3A_110, %dma_wait3A_111] : memref<102400x16xf32, #tpu.memory_space<vmem_shared>> -> memref<102400x16xf32, #tpu.memory_space<vmem_shared>>
          tpu.wait_indirect_dma semaphore(%run_scoped3A_95 : memref<!tpu.dma_semaphore, #tpu.memory_space<semaphore_mem>>) src(%dma_wait3A_106 : memref<128x16xf32, #tpu.memory_space<vmem>>) dst(%dma_wait3A_112 : memref<102400x16xf32, #tpu.memory_space<vmem_shared>>)
          tpu.yield
        }) : () -> ()
        %run_scoped3A_93 = arith.constant 3 : i32
        "tpu.region"() ({
          %run_scoped3A_95 = tpu.sem_alloc : memref<!tpu.dma_semaphore, #tpu.memory_space<semaphore_mem>>
          %dma_start3A = arith.constant 384 : i32
          %dma_start3A_96 = arith.constant 0 : i32
          %dma_start3A_97 = tpu.memref_slice %arg6[%dma_start3A, %dma_start3A_96] : memref<640x16xf32, #tpu.memory_space<vmem>> -> memref<128x16xf32, #tpu.memory_space<vmem>>
          %dma_start3A_98 = arith.constant 0 : i32
          %dma_start3A_99 = tpu.memref_slice %arg8[%run_scoped3A_93, %dma_start3A_98] : memref<5x128xi32, #tpu.memory_space<vmem>> -> memref<1x128xi32, #tpu.memory_space<vmem>>
          %dma_start3A_100 = tpu.memref_squeeze %dma_start3A_99 : memref<1x128xi32, #tpu.memory_space<vmem>> -> memref<128xi32, #tpu.memory_space<vmem>>
          %dma_start3A_101 = arith.constant 0 : i32
          %dma_start3A_102 = arith.constant 0 : i32
          %dma_start3A_103 = tpu.memref_slice %arg5[%dma_start3A_101, %dma_start3A_102] : memref<102400x16xf32, #tpu.memory_space<vmem_shared>> -> memref<102400x16xf32, #tpu.memory_space<vmem_shared>>
          tpu.enqueue_indirect_dma source(%dma_start3A_97 : memref<128x16xf32, #tpu.memory_space<vmem>>) target(%dma_start3A_103 : memref<102400x16xf32, #tpu.memory_space<vmem_shared>>) offsets(%dma_start3A_100 : memref<128xi32, #tpu.memory_space<vmem>>) semaphore(%run_scoped3A_95 : memref<!tpu.dma_semaphore, #tpu.memory_space<semaphore_mem>>) {add = true}
          %dma_wait3A_104 = arith.constant 384 : i32
          %dma_wait3A_105 = arith.constant 0 : i32
          %dma_wait3A_106 = tpu.memref_slice %arg6[%dma_wait3A_104, %dma_wait3A_105] : memref<640x16xf32, #tpu.memory_space<vmem>> -> memref<128x16xf32, #tpu.memory_space<vmem>>
          %dma_wait3A_107 = arith.constant 0 : i32
          %dma_wait3A_108 = tpu.memref_slice %arg8[%run_scoped3A_93, %dma_wait3A_107] : memref<5x128xi32, #tpu.memory_space<vmem>> -> memref<1x128xi32, #tpu.memory_space<vmem>>
          %dma_wait3A_109 = tpu.memref_squeeze %dma_wait3A_108 : memref<1x128xi32, #tpu.memory_space<vmem>> -> memref<128xi32, #tpu.memory_space<vmem>>
          %dma_wait3A_110 = arith.constant 0 : i32
          %dma_wait3A_111 = arith.constant 0 : i32
          %dma_wait3A_112 = tpu.memref_slice %arg5[%dma_wait3A_110, %dma_wait3A_111] : memref<102400x16xf32, #tpu.memory_space<vmem_shared>> -> memref<102400x16xf32, #tpu.memory_space<vmem_shared>>
          tpu.wait_indirect_dma semaphore(%run_scoped3A_95 : memref<!tpu.dma_semaphore, #tpu.memory_space<semaphore_mem>>) src(%dma_wait3A_106 : memref<128x16xf32, #tpu.memory_space<vmem>>) dst(%dma_wait3A_112 : memref<102400x16xf32, #tpu.memory_space<vmem_shared>>)
          tpu.yield
        }) : () -> ()
        %run_scoped3A_94 = arith.constant 4 : i32
        "tpu.region"() ({
          %run_scoped3A_95 = tpu.sem_alloc : memref<!tpu.dma_semaphore, #tpu.memory_space<semaphore_mem>>
          %dma_start3A = arith.constant 512 : i32
          %dma_start3A_96 = arith.constant 0 : i32
          %dma_start3A_97 = tpu.memref_slice %arg6[%dma_start3A, %dma_start3A_96] : memref<640x16xf32, #tpu.memory_space<vmem>> -> memref<128x16xf32, #tpu.memory_space<vmem>>
          %dma_start3A_98 = arith.constant 0 : i32
          %dma_start3A_99 = tpu.memref_slice %arg8[%run_scoped3A_94, %dma_start3A_98] : memref<5x128xi32, #tpu.memory_space<vmem>> -> memref<1x128xi32, #tpu.memory_space<vmem>>
          %dma_start3A_100 = tpu.memref_squeeze %dma_start3A_99 : memref<1x128xi32, #tpu.memory_space<vmem>> -> memref<128xi32, #tpu.memory_space<vmem>>
          %dma_start3A_101 = arith.constant 0 : i32
          %dma_start3A_102 = arith.constant 0 : i32
          %dma_start3A_103 = tpu.memref_slice %arg5[%dma_start3A_101, %dma_start3A_102] : memref<102400x16xf32, #tpu.memory_space<vmem_shared>> -> memref<102400x16xf32, #tpu.memory_space<vmem_shared>>
          tpu.enqueue_indirect_dma source(%dma_start3A_97 : memref<128x16xf32, #tpu.memory_space<vmem>>) target(%dma_start3A_103 : memref<102400x16xf32, #tpu.memory_space<vmem_shared>>) offsets(%dma_start3A_100 : memref<128xi32, #tpu.memory_space<vmem>>) semaphore(%run_scoped3A_95 : memref<!tpu.dma_semaphore, #tpu.memory_space<semaphore_mem>>) {add = true}
          %dma_wait3A_104 = arith.constant 512 : i32
          %dma_wait3A_105 = arith.constant 0 : i32
          %dma_wait3A_106 = tpu.memref_slice %arg6[%dma_wait3A_104, %dma_wait3A_105] : memref<640x16xf32, #tpu.memory_space<vmem>> -> memref<128x16xf32, #tpu.memory_space<vmem>>
          %dma_wait3A_107 = arith.constant 0 : i32
          %dma_wait3A_108 = tpu.memref_slice %arg8[%run_scoped3A_94, %dma_wait3A_107] : memref<5x128xi32, #tpu.memory_space<vmem>> -> memref<1x128xi32, #tpu.memory_space<vmem>>
          %dma_wait3A_109 = tpu.memref_squeeze %dma_wait3A_108 : memref<1x128xi32, #tpu.memory_space<vmem>> -> memref<128xi32, #tpu.memory_space<vmem>>
          %dma_wait3A_110 = arith.constant 0 : i32
          %dma_wait3A_111 = arith.constant 0 : i32
          %dma_wait3A_112 = tpu.memref_slice %arg5[%dma_wait3A_110, %dma_wait3A_111] : memref<102400x16xf32, #tpu.memory_space<vmem_shared>> -> memref<102400x16xf32, #tpu.memory_space<vmem_shared>>
          tpu.wait_indirect_dma semaphore(%run_scoped3A_95 : memref<!tpu.dma_semaphore, #tpu.memory_space<semaphore_mem>>) src(%dma_wait3A_106 : memref<128x16xf32, #tpu.memory_space<vmem>>) dst(%dma_wait3A_112 : memref<102400x16xf32, #tpu.memory_space<vmem_shared>>)
          tpu.yield
        }) : () -> ()
      } else {
      }
      %add3A_60 = arith.constant 2 : i32
      %add3A_61 = arith.addi %mul3A_41, %add3A_60 : i32
      %mul3A_62 = arith.constant 32 : i32
      %mul3A_63 = arith.muli %mul3A_62, %add3A_61 : i32
      %add3A_64 = arith.addi %add3A, %mul3A_63 : i32
      %lt3A_65 = arith.constant 1000 : i32
      %lt3A_66 = arith.cmpi slt, %add3A_64, %lt3A_65 : i32
      %convert_element_type3A_67 = arith.extui %lt3A_66 : i1 to i32
      %cond3A_68 = arith.constant 0 : i32
      %cond3A_69 = arith.cmpi ne, %convert_element_type3A_67, %cond3A_68 : i32
      scf.if %cond3A_69 {
        %mul3A_80 = arith.constant 640 : i32
        %mul3A_81 = arith.muli %add3A_64, %mul3A_80 : i32
        %multiple_of3A = tpu.assume_multiple %mul3A_81, 640 : i32
        %dma_start3A = arith.constant 0 : i32
        %dma_start3A_82 = tpu.memref_slice %arg2[%multiple_of3A, %dma_start3A] : memref<640000x16xf32, #tpu.memory_space<hbm>> -> memref<640x16xf32, #tpu.memory_space<hbm>>
        %dma_start3A_83 = arith.constant 0 : i32
        %dma_start3A_84 = tpu.memref_slice %arg2[%multiple_of3A, %dma_start3A_83] : memref<640000x16xf32, #tpu.memory_space<hbm>> -> memref<640x16xf32, #tpu.memory_space<hbm>>
        tpu.enqueue_dma source(%dma_start3A_84 : memref<640x16xf32, #tpu.memory_space<hbm>>) target(%arg6 : memref<640x16xf32, #tpu.memory_space<vmem>>) target_semaphore(%arg10 : memref<!tpu.dma_semaphore, #tpu.memory_space<semaphore_mem>>)
        %mul3A_85 = arith.constant 5 : i32
        %mul3A_86 = arith.muli %add3A_64, %mul3A_85 : i32
        %add3A_87 = arith.constant 20000 : i32
        %add3A_88 = arith.addi %add3A_87, %mul3A_86 : i32
        %multiple_of3A_89 = tpu.assume_multiple %add3A_88, 5 : i32
        %dma_start3A_90 = arith.constant 0 : i32
        %dma_start3A_91 = tpu.memref_slice %arg3[%multiple_of3A_89, %dma_start3A_90] : memref<25000x128xi32, #tpu.memory_space<hbm>> -> memref<5x128xi32, #tpu.memory_space<hbm>>
        %dma_start3A_92 = arith.constant 0 : i32
        %dma_start3A_93 = tpu.memref_slice %arg3[%multiple_of3A_89, %dma_start3A_92] : memref<25000x128xi32, #tpu.memory_space<hbm>> -> memref<5x128xi32, #tpu.memory_space<hbm>>
        tpu.enqueue_dma source(%dma_start3A_93 : memref<5x128xi32, #tpu.memory_space<hbm>>) target(%arg8 : memref<5x128xi32, #tpu.memory_space<vmem>>) target_semaphore(%arg10 : memref<!tpu.dma_semaphore, #tpu.memory_space<semaphore_mem>>)
      } else {
      }
      %add3A_70 = arith.constant 1 : i32
      %add3A_71 = arith.addi %mul3A_41, %add3A_70 : i32
      %mul3A_72 = arith.constant 32 : i32
      %mul3A_73 = arith.muli %mul3A_72, %add3A_71 : i32
      %add3A_74 = arith.addi %add3A, %mul3A_73 : i32
      %lt3A_75 = arith.constant 1000 : i32
      %lt3A_76 = arith.cmpi slt, %add3A_74, %lt3A_75 : i32
      %convert_element_type3A_77 = arith.extui %lt3A_76 : i1 to i32
      %cond3A_78 = arith.constant 0 : i32
      %cond3A_79 = arith.cmpi ne, %convert_element_type3A_77, %cond3A_78 : i32
      scf.if %cond3A_79 {
        %dma_wait3A = arith.constant 0 : i32
        %dma_wait3A_80 = arith.constant 0 : i32
        %dma_wait3A_81 = tpu.memref_slice %arg2[%dma_wait3A, %dma_wait3A_80] : memref<640000x16xf32, #tpu.memory_space<hbm>> -> memref<640x16xf32, #tpu.memory_space<hbm>>
        %dma_wait3A_82 = arith.constant 0 : i32
        %dma_wait3A_83 = arith.constant 0 : i32
        %dma_wait3A_84 = tpu.memref_slice %arg2[%dma_wait3A_82, %dma_wait3A_83] : memref<640000x16xf32, #tpu.memory_space<hbm>> -> memref<640x16xf32, #tpu.memory_space<hbm>>
        tpu.wait_dma2 semaphore(%arg11 : memref<!tpu.dma_semaphore, #tpu.memory_space<semaphore_mem>>) src(%dma_wait3A_84 : memref<640x16xf32, #tpu.memory_space<hbm>>) dst(%arg7 : memref<640x16xf32, #tpu.memory_space<vmem>>)
        %dma_wait3A_85 = arith.constant 0 : i32
        %dma_wait3A_86 = arith.constant 0 : i32
        %dma_wait3A_87 = tpu.memref_slice %arg3[%dma_wait3A_85, %dma_wait3A_86] : memref<25000x128xi32, #tpu.memory_space<hbm>> -> memref<5x128xi32, #tpu.memory_space<hbm>>
        %dma_wait3A_88 = arith.constant 0 : i32
        %dma_wait3A_89 = arith.constant 0 : i32
        %dma_wait3A_90 = tpu.memref_slice %arg3[%dma_wait3A_88, %dma_wait3A_89] : memref<25000x128xi32, #tpu.memory_space<hbm>> -> memref<5x128xi32, #tpu.memory_space<hbm>>
        tpu.wait_dma2 semaphore(%arg11 : memref<!tpu.dma_semaphore, #tpu.memory_space<semaphore_mem>>) src(%dma_wait3A_90 : memref<5x128xi32, #tpu.memory_space<hbm>>) dst(%arg9 : memref<5x128xi32, #tpu.memory_space<vmem>>)
        %run_scoped3A = arith.constant 0 : i32
        "tpu.region"() ({
          %run_scoped3A_95 = tpu.sem_alloc : memref<!tpu.dma_semaphore, #tpu.memory_space<semaphore_mem>>
          %dma_start3A = arith.constant 0 : i32
          %dma_start3A_96 = arith.constant 0 : i32
          %dma_start3A_97 = tpu.memref_slice %arg7[%dma_start3A, %dma_start3A_96] : memref<640x16xf32, #tpu.memory_space<vmem>> -> memref<128x16xf32, #tpu.memory_space<vmem>>
          %dma_start3A_98 = arith.constant 0 : i32
          %dma_start3A_99 = tpu.memref_slice %arg9[%run_scoped3A, %dma_start3A_98] : memref<5x128xi32, #tpu.memory_space<vmem>> -> memref<1x128xi32, #tpu.memory_space<vmem>>
          %dma_start3A_100 = tpu.memref_squeeze %dma_start3A_99 : memref<1x128xi32, #tpu.memory_space<vmem>> -> memref<128xi32, #tpu.memory_space<vmem>>
          %dma_start3A_101 = arith.constant 0 : i32
          %dma_start3A_102 = arith.constant 0 : i32
          %dma_start3A_103 = tpu.memref_slice %arg5[%dma_start3A_101, %dma_start3A_102] : memref<102400x16xf32, #tpu.memory_space<vmem_shared>> -> memref<102400x16xf32, #tpu.memory_space<vmem_shared>>
          tpu.enqueue_indirect_dma source(%dma_start3A_97 : memref<128x16xf32, #tpu.memory_space<vmem>>) target(%dma_start3A_103 : memref<102400x16xf32, #tpu.memory_space<vmem_shared>>) offsets(%dma_start3A_100 : memref<128xi32, #tpu.memory_space<vmem>>) semaphore(%run_scoped3A_95 : memref<!tpu.dma_semaphore, #tpu.memory_space<semaphore_mem>>) {add = true}
          %dma_wait3A_104 = arith.constant 0 : i32
          %dma_wait3A_105 = arith.constant 0 : i32
          %dma_wait3A_106 = tpu.memref_slice %arg7[%dma_wait3A_104, %dma_wait3A_105] : memref<640x16xf32, #tpu.memory_space<vmem>> -> memref<128x16xf32, #tpu.memory_space<vmem>>
          %dma_wait3A_107 = arith.constant 0 : i32
          %dma_wait3A_108 = tpu.memref_slice %arg9[%run_scoped3A, %dma_wait3A_107] : memref<5x128xi32, #tpu.memory_space<vmem>> -> memref<1x128xi32, #tpu.memory_space<vmem>>
          %dma_wait3A_109 = tpu.memref_squeeze %dma_wait3A_108 : memref<1x128xi32, #tpu.memory_space<vmem>> -> memref<128xi32, #tpu.memory_space<vmem>>
          %dma_wait3A_110 = arith.constant 0 : i32
          %dma_wait3A_111 = arith.constant 0 : i32
          %dma_wait3A_112 = tpu.memref_slice %arg5[%dma_wait3A_110, %dma_wait3A_111] : memref<102400x16xf32, #tpu.memory_space<vmem_shared>> -> memref<102400x16xf32, #tpu.memory_space<vmem_shared>>
          tpu.wait_indirect_dma semaphore(%run_scoped3A_95 : memref<!tpu.dma_semaphore, #tpu.memory_space<semaphore_mem>>) src(%dma_wait3A_106 : memref<128x16xf32, #tpu.memory_space<vmem>>) dst(%dma_wait3A_112 : memref<102400x16xf32, #tpu.memory_space<vmem_shared>>)
          tpu.yield
        }) : () -> ()
        %run_scoped3A_91 = arith.constant 1 : i32
        "tpu.region"() ({
          %run_scoped3A_95 = tpu.sem_alloc : memref<!tpu.dma_semaphore, #tpu.memory_space<semaphore_mem>>
          %dma_start3A = arith.constant 128 : i32
          %dma_start3A_96 = arith.constant 0 : i32
          %dma_start3A_97 = tpu.memref_slice %arg7[%dma_start3A, %dma_start3A_96] : memref<640x16xf32, #tpu.memory_space<vmem>> -> memref<128x16xf32, #tpu.memory_space<vmem>>
          %dma_start3A_98 = arith.constant 0 : i32
          %dma_start3A_99 = tpu.memref_slice %arg9[%run_scoped3A_91, %dma_start3A_98] : memref<5x128xi32, #tpu.memory_space<vmem>> -> memref<1x128xi32, #tpu.memory_space<vmem>>
          %dma_start3A_100 = tpu.memref_squeeze %dma_start3A_99 : memref<1x128xi32, #tpu.memory_space<vmem>> -> memref<128xi32, #tpu.memory_space<vmem>>
          %dma_start3A_101 = arith.constant 0 : i32
          %dma_start3A_102 = arith.constant 0 : i32
          %dma_start3A_103 = tpu.memref_slice %arg5[%dma_start3A_101, %dma_start3A_102] : memref<102400x16xf32, #tpu.memory_space<vmem_shared>> -> memref<102400x16xf32, #tpu.memory_space<vmem_shared>>
          tpu.enqueue_indirect_dma source(%dma_start3A_97 : memref<128x16xf32, #tpu.memory_space<vmem>>) target(%dma_start3A_103 : memref<102400x16xf32, #tpu.memory_space<vmem_shared>>) offsets(%dma_start3A_100 : memref<128xi32, #tpu.memory_space<vmem>>) semaphore(%run_scoped3A_95 : memref<!tpu.dma_semaphore, #tpu.memory_space<semaphore_mem>>) {add = true}
          %dma_wait3A_104 = arith.constant 128 : i32
          %dma_wait3A_105 = arith.constant 0 : i32
          %dma_wait3A_106 = tpu.memref_slice %arg7[%dma_wait3A_104, %dma_wait3A_105] : memref<640x16xf32, #tpu.memory_space<vmem>> -> memref<128x16xf32, #tpu.memory_space<vmem>>
          %dma_wait3A_107 = arith.constant 0 : i32
          %dma_wait3A_108 = tpu.memref_slice %arg9[%run_scoped3A_91, %dma_wait3A_107] : memref<5x128xi32, #tpu.memory_space<vmem>> -> memref<1x128xi32, #tpu.memory_space<vmem>>
          %dma_wait3A_109 = tpu.memref_squeeze %dma_wait3A_108 : memref<1x128xi32, #tpu.memory_space<vmem>> -> memref<128xi32, #tpu.memory_space<vmem>>
          %dma_wait3A_110 = arith.constant 0 : i32
          %dma_wait3A_111 = arith.constant 0 : i32
          %dma_wait3A_112 = tpu.memref_slice %arg5[%dma_wait3A_110, %dma_wait3A_111] : memref<102400x16xf32, #tpu.memory_space<vmem_shared>> -> memref<102400x16xf32, #tpu.memory_space<vmem_shared>>
          tpu.wait_indirect_dma semaphore(%run_scoped3A_95 : memref<!tpu.dma_semaphore, #tpu.memory_space<semaphore_mem>>) src(%dma_wait3A_106 : memref<128x16xf32, #tpu.memory_space<vmem>>) dst(%dma_wait3A_112 : memref<102400x16xf32, #tpu.memory_space<vmem_shared>>)
          tpu.yield
        }) : () -> ()
        %run_scoped3A_92 = arith.constant 2 : i32
        "tpu.region"() ({
          %run_scoped3A_95 = tpu.sem_alloc : memref<!tpu.dma_semaphore, #tpu.memory_space<semaphore_mem>>
          %dma_start3A = arith.constant 256 : i32
          %dma_start3A_96 = arith.constant 0 : i32
          %dma_start3A_97 = tpu.memref_slice %arg7[%dma_start3A, %dma_start3A_96] : memref<640x16xf32, #tpu.memory_space<vmem>> -> memref<128x16xf32, #tpu.memory_space<vmem>>
          %dma_start3A_98 = arith.constant 0 : i32
          %dma_start3A_99 = tpu.memref_slice %arg9[%run_scoped3A_92, %dma_start3A_98] : memref<5x128xi32, #tpu.memory_space<vmem>> -> memref<1x128xi32, #tpu.memory_space<vmem>>
          %dma_start3A_100 = tpu.memref_squeeze %dma_start3A_99 : memref<1x128xi32, #tpu.memory_space<vmem>> -> memref<128xi32, #tpu.memory_space<vmem>>
          %dma_start3A_101 = arith.constant 0 : i32
          %dma_start3A_102 = arith.constant 0 : i32
          %dma_start3A_103 = tpu.memref_slice %arg5[%dma_start3A_101, %dma_start3A_102] : memref<102400x16xf32, #tpu.memory_space<vmem_shared>> -> memref<102400x16xf32, #tpu.memory_space<vmem_shared>>
          tpu.enqueue_indirect_dma source(%dma_start3A_97 : memref<128x16xf32, #tpu.memory_space<vmem>>) target(%dma_start3A_103 : memref<102400x16xf32, #tpu.memory_space<vmem_shared>>) offsets(%dma_start3A_100 : memref<128xi32, #tpu.memory_space<vmem>>) semaphore(%run_scoped3A_95 : memref<!tpu.dma_semaphore, #tpu.memory_space<semaphore_mem>>) {add = true}
          %dma_wait3A_104 = arith.constant 256 : i32
          %dma_wait3A_105 = arith.constant 0 : i32
          %dma_wait3A_106 = tpu.memref_slice %arg7[%dma_wait3A_104, %dma_wait3A_105] : memref<640x16xf32, #tpu.memory_space<vmem>> -> memref<128x16xf32, #tpu.memory_space<vmem>>
          %dma_wait3A_107 = arith.constant 0 : i32
          %dma_wait3A_108 = tpu.memref_slice %arg9[%run_scoped3A_92, %dma_wait3A_107] : memref<5x128xi32, #tpu.memory_space<vmem>> -> memref<1x128xi32, #tpu.memory_space<vmem>>
          %dma_wait3A_109 = tpu.memref_squeeze %dma_wait3A_108 : memref<1x128xi32, #tpu.memory_space<vmem>> -> memref<128xi32, #tpu.memory_space<vmem>>
          %dma_wait3A_110 = arith.constant 0 : i32
          %dma_wait3A_111 = arith.constant 0 : i32
          %dma_wait3A_112 = tpu.memref_slice %arg5[%dma_wait3A_110, %dma_wait3A_111] : memref<102400x16xf32, #tpu.memory_space<vmem_shared>> -> memref<102400x16xf32, #tpu.memory_space<vmem_shared>>
          tpu.wait_indirect_dma semaphore(%run_scoped3A_95 : memref<!tpu.dma_semaphore, #tpu.memory_space<semaphore_mem>>) src(%dma_wait3A_106 : memref<128x16xf32, #tpu.memory_space<vmem>>) dst(%dma_wait3A_112 : memref<102400x16xf32, #tpu.memory_space<vmem_shared>>)
          tpu.yield
        }) : () -> ()
        %run_scoped3A_93 = arith.constant 3 : i32
        "tpu.region"() ({
          %run_scoped3A_95 = tpu.sem_alloc : memref<!tpu.dma_semaphore, #tpu.memory_space<semaphore_mem>>
          %dma_start3A = arith.constant 384 : i32
          %dma_start3A_96 = arith.constant 0 : i32
          %dma_start3A_97 = tpu.memref_slice %arg7[%dma_start3A, %dma_start3A_96] : memref<640x16xf32, #tpu.memory_space<vmem>> -> memref<128x16xf32, #tpu.memory_space<vmem>>
          %dma_start3A_98 = arith.constant 0 : i32
          %dma_start3A_99 = tpu.memref_slice %arg9[%run_scoped3A_93, %dma_start3A_98] : memref<5x128xi32, #tpu.memory_space<vmem>> -> memref<1x128xi32, #tpu.memory_space<vmem>>
          %dma_start3A_100 = tpu.memref_squeeze %dma_start3A_99 : memref<1x128xi32, #tpu.memory_space<vmem>> -> memref<128xi32, #tpu.memory_space<vmem>>
          %dma_start3A_101 = arith.constant 0 : i32
          %dma_start3A_102 = arith.constant 0 : i32
          %dma_start3A_103 = tpu.memref_slice %arg5[%dma_start3A_101, %dma_start3A_102] : memref<102400x16xf32, #tpu.memory_space<vmem_shared>> -> memref<102400x16xf32, #tpu.memory_space<vmem_shared>>
          tpu.enqueue_indirect_dma source(%dma_start3A_97 : memref<128x16xf32, #tpu.memory_space<vmem>>) target(%dma_start3A_103 : memref<102400x16xf32, #tpu.memory_space<vmem_shared>>) offsets(%dma_start3A_100 : memref<128xi32, #tpu.memory_space<vmem>>) semaphore(%run_scoped3A_95 : memref<!tpu.dma_semaphore, #tpu.memory_space<semaphore_mem>>) {add = true}
          %dma_wait3A_104 = arith.constant 384 : i32
          %dma_wait3A_105 = arith.constant 0 : i32
          %dma_wait3A_106 = tpu.memref_slice %arg7[%dma_wait3A_104, %dma_wait3A_105] : memref<640x16xf32, #tpu.memory_space<vmem>> -> memref<128x16xf32, #tpu.memory_space<vmem>>
          %dma_wait3A_107 = arith.constant 0 : i32
          %dma_wait3A_108 = tpu.memref_slice %arg9[%run_scoped3A_93, %dma_wait3A_107] : memref<5x128xi32, #tpu.memory_space<vmem>> -> memref<1x128xi32, #tpu.memory_space<vmem>>
          %dma_wait3A_109 = tpu.memref_squeeze %dma_wait3A_108 : memref<1x128xi32, #tpu.memory_space<vmem>> -> memref<128xi32, #tpu.memory_space<vmem>>
          %dma_wait3A_110 = arith.constant 0 : i32
          %dma_wait3A_111 = arith.constant 0 : i32
          %dma_wait3A_112 = tpu.memref_slice %arg5[%dma_wait3A_110, %dma_wait3A_111] : memref<102400x16xf32, #tpu.memory_space<vmem_shared>> -> memref<102400x16xf32, #tpu.memory_space<vmem_shared>>
          tpu.wait_indirect_dma semaphore(%run_scoped3A_95 : memref<!tpu.dma_semaphore, #tpu.memory_space<semaphore_mem>>) src(%dma_wait3A_106 : memref<128x16xf32, #tpu.memory_space<vmem>>) dst(%dma_wait3A_112 : memref<102400x16xf32, #tpu.memory_space<vmem_shared>>)
          tpu.yield
        }) : () -> ()
        %run_scoped3A_94 = arith.constant 4 : i32
        "tpu.region"() ({
          %run_scoped3A_95 = tpu.sem_alloc : memref<!tpu.dma_semaphore, #tpu.memory_space<semaphore_mem>>
          %dma_start3A = arith.constant 512 : i32
          %dma_start3A_96 = arith.constant 0 : i32
          %dma_start3A_97 = tpu.memref_slice %arg7[%dma_start3A, %dma_start3A_96] : memref<640x16xf32, #tpu.memory_space<vmem>> -> memref<128x16xf32, #tpu.memory_space<vmem>>
          %dma_start3A_98 = arith.constant 0 : i32
          %dma_start3A_99 = tpu.memref_slice %arg9[%run_scoped3A_94, %dma_start3A_98] : memref<5x128xi32, #tpu.memory_space<vmem>> -> memref<1x128xi32, #tpu.memory_space<vmem>>
          %dma_start3A_100 = tpu.memref_squeeze %dma_start3A_99 : memref<1x128xi32, #tpu.memory_space<vmem>> -> memref<128xi32, #tpu.memory_space<vmem>>
          %dma_start3A_101 = arith.constant 0 : i32
          %dma_start3A_102 = arith.constant 0 : i32
          %dma_start3A_103 = tpu.memref_slice %arg5[%dma_start3A_101, %dma_start3A_102] : memref<102400x16xf32, #tpu.memory_space<vmem_shared>> -> memref<102400x16xf32, #tpu.memory_space<vmem_shared>>
          tpu.enqueue_indirect_dma source(%dma_start3A_97 : memref<128x16xf32, #tpu.memory_space<vmem>>) target(%dma_start3A_103 : memref<102400x16xf32, #tpu.memory_space<vmem_shared>>) offsets(%dma_start3A_100 : memref<128xi32, #tpu.memory_space<vmem>>) semaphore(%run_scoped3A_95 : memref<!tpu.dma_semaphore, #tpu.memory_space<semaphore_mem>>) {add = true}
          %dma_wait3A_104 = arith.constant 512 : i32
          %dma_wait3A_105 = arith.constant 0 : i32
          %dma_wait3A_106 = tpu.memref_slice %arg7[%dma_wait3A_104, %dma_wait3A_105] : memref<640x16xf32, #tpu.memory_space<vmem>> -> memref<128x16xf32, #tpu.memory_space<vmem>>
          %dma_wait3A_107 = arith.constant 0 : i32
          %dma_wait3A_108 = tpu.memref_slice %arg9[%run_scoped3A_94, %dma_wait3A_107] : memref<5x128xi32, #tpu.memory_space<vmem>> -> memref<1x128xi32, #tpu.memory_space<vmem>>
          %dma_wait3A_109 = tpu.memref_squeeze %dma_wait3A_108 : memref<1x128xi32, #tpu.memory_space<vmem>> -> memref<128xi32, #tpu.memory_space<vmem>>
          %dma_wait3A_110 = arith.constant 0 : i32
          %dma_wait3A_111 = arith.constant 0 : i32
          %dma_wait3A_112 = tpu.memref_slice %arg5[%dma_wait3A_110, %dma_wait3A_111] : memref<102400x16xf32, #tpu.memory_space<vmem_shared>> -> memref<102400x16xf32, #tpu.memory_space<vmem_shared>>
          tpu.wait_indirect_dma semaphore(%run_scoped3A_95 : memref<!tpu.dma_semaphore, #tpu.memory_space<semaphore_mem>>) src(%dma_wait3A_106 : memref<128x16xf32, #tpu.memory_space<vmem>>) dst(%dma_wait3A_112 : memref<102400x16xf32, #tpu.memory_space<vmem_shared>>)
          tpu.yield
        }) : () -> ()
      } else {
      }
    }
    %scan3A_37 = arith.constant 16 : i32
    %barrier3A_38 = arith.constant 0 : index
    tpu.barrier barrier_id(%barrier3A_38)
    "tpu.region"() ({
      %run_scoped3A = tpu.sem_alloc : memref<!tpu.dma_semaphore, #tpu.memory_space<semaphore_mem>>
      %dma_start3A = arith.constant 0 : i32
      %dma_start3A_39 = arith.constant 0 : i32
      %dma_start3A_40 = tpu.memref_slice %arg4[%arg0, %dma_start3A, %dma_start3A_39] : memref<2x102400x16xf32, #tpu.memory_space<hbm>> -> memref<1x102400x16xf32, #tpu.memory_space<hbm>>
      %dma_start3A_41 = tpu.memref_squeeze %dma_start3A_40 : memref<1x102400x16xf32, #tpu.memory_space<hbm>> -> memref<102400x16xf32, #tpu.memory_space<hbm>>
      %dma_start3A_42 = arith.constant 0 : i32
      %dma_start3A_43 = tpu.memref_slice %dma_start3A_41[%mul3A_7, %dma_start3A_42] : memref<102400x16xf32, #tpu.memory_space<hbm>> -> memref<6400x16xf32, #tpu.memory_space<hbm>>
      %dma_start3A_44 = arith.constant 0 : i32
      %dma_start3A_45 = tpu.memref_slice %arg5[%mul3A_7, %dma_start3A_44] : memref<102400x16xf32, #tpu.memory_space<vmem_shared>> -> memref<6400x16xf32, #tpu.memory_space<vmem_shared>>
      tpu.enqueue_dma source(%dma_start3A_45 : memref<6400x16xf32, #tpu.memory_space<vmem_shared>>) target(%dma_start3A_43 : memref<6400x16xf32, #tpu.memory_space<hbm>>) target_semaphore(%run_scoped3A : memref<!tpu.dma_semaphore, #tpu.memory_space<semaphore_mem>>)
      %dma_wait3A = arith.constant 0 : i32
      %dma_wait3A_46 = arith.constant 0 : i32
      %dma_wait3A_47 = tpu.memref_slice %arg4[%arg0, %dma_wait3A, %dma_wait3A_46] : memref<2x102400x16xf32, #tpu.memory_space<hbm>> -> memref<1x102400x16xf32, #tpu.memory_space<hbm>>
      %dma_wait3A_48 = tpu.memref_squeeze %dma_wait3A_47 : memref<1x102400x16xf32, #tpu.memory_space<hbm>> -> memref<102400x16xf32, #tpu.memory_space<hbm>>
      %dma_wait3A_49 = arith.constant 0 : i32
      %dma_wait3A_50 = tpu.memref_slice %dma_wait3A_48[%mul3A_7, %dma_wait3A_49] : memref<102400x16xf32, #tpu.memory_space<hbm>> -> memref<6400x16xf32, #tpu.memory_space<hbm>>
      %dma_wait3A_51 = arith.constant 0 : i32
      %dma_wait3A_52 = tpu.memref_slice %arg5[%mul3A_7, %dma_wait3A_51] : memref<102400x16xf32, #tpu.memory_space<vmem_shared>> -> memref<6400x16xf32, #tpu.memory_space<vmem_shared>>
      tpu.wait_dma2 semaphore(%run_scoped3A : memref<!tpu.dma_semaphore, #tpu.memory_space<semaphore_mem>>) src(%dma_wait3A_52 : memref<6400x16xf32, #tpu.memory_space<vmem_shared>>) dst(%dma_wait3A_50 : memref<6400x16xf32, #tpu.memory_space<hbm>>)
      tpu.yield
    }) : () -> ()
    return
  }
}

#map = affine_map<(d0, d1) -> (0, 0)>
#map1 = affine_map<(d0, d1) -> (0, 0, 0)>
module attributes {stable_mosaic.version = 14 : i64} {
  func.func @_sc_scatter_body(%arg0: i32, %arg1: i32, %arg2: memref<640000x16xf32, #tpu.memory_space<hbm>>, %arg3: memref<25000x128xi32, #tpu.memory_space<hbm>>, %arg4: memref<2x102400x16xf32, #tpu.memory_space<hbm>>, %arg5: memref<102400x16xf32, #tpu.memory_space<vmem_shared>>, %arg6: memref<640x16xf32, #tpu.memory_space<vmem>>, %arg7: memref<640x16xf32, #tpu.memory_space<vmem>>, %arg8: memref<5x128xi32, #tpu.memory_space<vmem>>, %arg9: memref<5x128xi32, #tpu.memory_space<vmem>>, %arg10: memref<!tpu.dma_semaphore, #tpu.memory_space<semaphore_mem>>, %arg11: memref<!tpu.dma_semaphore, #tpu.memory_space<semaphore_mem>>) attributes {dimension_semantics = [#tpu.dimension_semantics<core_parallel>, #tpu.dimension_semantics<subcore_parallel>], iteration_bounds = array<i64: 2, 16>, scalar_prefetch = 0 : i64, scratch_operands = 7 : i64, tpu.core_type = #tpu.core_type<sc_vector_subcore>, window_params = [{transform_indices = #map}, {transform_indices = #map}, {transform_indices = #map1}]} {
    %mul3A = arith.constant 2 : i32
    %mul3A_0 = arith.muli %arg1, %mul3A : i32
    %add3A = arith.addi %mul3A_0, %arg0 : i32
    %scan3A = arith.constant 0 : i32
    %scan3A_1 = arith.constant 0 : i32
    %scan3A_2 = arith.constant 640 : i32
    %scan3A_3 = arith.addi %scan3A_1, %scan3A_2 : i32
    %scan3A_4 = arith.constant 1 : i32
    scf.for %scan3A_39 = %scan3A_1 to %scan3A_3 step %scan3A_4  : i32 {
      %broadcast_in_dim3A = arith.constant 0.000000e+00 : f32
      %broadcast_in_dim3A_40 = vector.broadcast %broadcast_in_dim3A : f32 to vector<16xf32>
      %swap3A = arith.index_cast %scan3A_39 : i32 to index
      %swap3A_41 = arith.constant 0 : index
      %swap3A_42 = tpu.vector_load %arg6[%swap3A, %swap3A_41] {strides = array<i32>} : memref<640x16xf32, #tpu.memory_space<vmem>>, vector<1x16xf32>,
      %swap3A_43 = vector.shape_cast %swap3A_42 : vector<1x16xf32> to vector<16xf32>
      %swap3A_44 = vector.shape_cast %broadcast_in_dim3A_40 : vector<16xf32> to vector<1x16xf32>
      tpu.vector_store %arg6[%swap3A, %swap3A_41], %swap3A_44 {strides = array<i32>} : memref<640x16xf32, #tpu.memory_space<vmem>>, vector<1x16xf32>,
    }
    %scan3A_5 = arith.constant 640 : i32
    %mul3A_6 = arith.constant 6400 : i32
    %mul3A_7 = arith.muli %arg1, %mul3A_6 : i32
    %add3A_8 = arith.constant 0 : i32
    %add3A_9 = arith.addi %mul3A_7, %add3A_8 : i32
    "tpu.region"() ({
      %run_scoped3A = tpu.sem_alloc : memref<!tpu.dma_semaphore, #tpu.memory_space<semaphore_mem>>
      %dma_start3A = arith.constant 0 : i32
      %dma_start3A_39 = tpu.memref_slice %arg5[%add3A_9, %dma_start3A] : memref<102400x16xf32, #tpu.memory_space<vmem_shared>> -> memref<640x16xf32, #tpu.memory_space<vmem_shared>>
      %dma_start3A_40 = arith.constant 0 : i32
      %dma_start3A_41 = tpu.memref_slice %arg5[%add3A_9, %dma_start3A_40] : memref<102400x16xf32, #tpu.memory_space<vmem_shared>> -> memref<640x16xf32, #tpu.memory_space<vmem_shared>>
      tpu.enqueue_dma source(%arg6 : memref<640x16xf32, #tpu.memory_space<vmem>>) target(%dma_start3A_41 : memref<640x16xf32, #tpu.memory_space<vmem_shared>>) target_semaphore(%run_scoped3A : memref<!tpu.dma_semaphore, #tpu.memory_space<semaphore_mem>>)
      %dma_wait3A = arith.constant 0 : i32
      %dma_wait3A_42 = tpu.memref_slice %arg5[%add3A_9, %dma_wait3A] : memref<102400x16xf32, #tpu.memory_space<vmem_shared>> -> memref<640x16xf32, #tpu.memory_space<vmem_shared>>
      %dma_wait3A_43 = arith.constant 0 : i32
      %dma_wait3A_44 = tpu.memref_slice %arg5[%add3A_9, %dma_wait3A_43] : memref<102400x16xf32, #tpu.memory_space<vmem_shared>> -> memref<640x16xf32, #tpu.memory_space<vmem_shared>>
      tpu.wait_dma2 semaphore(%run_scoped3A : memref<!tpu.dma_semaphore, #tpu.memory_space<semaphore_mem>>) src(%arg6 : memref<640x16xf32, #tpu.memory_space<vmem>>) dst(%dma_wait3A_44 : memref<640x16xf32, #tpu.memory_space<vmem_shared>>)
      tpu.yield
    }) : () -> ()
    %add3A_10 = arith.constant 640 : i32
    %add3A_11 = arith.addi %mul3A_7, %add3A_10 : i32
    "tpu.region"() ({
      %run_scoped3A = tpu.sem_alloc : memref<!tpu.dma_semaphore, #tpu.memory_space<semaphore_mem>>
      %dma_start3A = arith.constant 0 : i32
      %dma_start3A_39 = tpu.memref_slice %arg5[%add3A_11, %dma_start3A] : memref<102400x16xf32, #tpu.memory_space<vmem_shared>> -> memref<640x16xf32, #tpu.memory_space<vmem_shared>>
      %dma_start3A_40 = arith.constant 0 : i32
      %dma_start3A_41 = tpu.memref_slice %arg5[%add3A_11, %dma_start3A_40] : memref<102400x16xf32, #tpu.memory_space<vmem_shared>> -> memref<640x16xf32, #tpu.memory_space<vmem_shared>>
      tpu.enqueue_dma source(%arg6 : memref<640x16xf32, #tpu.memory_space<vmem>>) target(%dma_start3A_41 : memref<640x16xf32, #tpu.memory_space<vmem_shared>>) target_semaphore(%run_scoped3A : memref<!tpu.dma_semaphore, #tpu.memory_space<semaphore_mem>>)
      %dma_wait3A = arith.constant 0 : i32
      %dma_wait3A_42 = tpu.memref_slice %arg5[%add3A_11, %dma_wait3A] : memref<102400x16xf32, #tpu.memory_space<vmem_shared>> -> memref<640x16xf32, #tpu.memory_space<vmem_shared>>
      %dma_wait3A_43 = arith.constant 0 : i32
      %dma_wait3A_44 = tpu.memref_slice %arg5[%add3A_11, %dma_wait3A_43] : memref<102400x16xf32, #tpu.memory_space<vmem_shared>> -> memref<640x16xf32, #tpu.memory_space<vmem_shared>>
      tpu.wait_dma2 semaphore(%run_scoped3A : memref<!tpu.dma_semaphore, #tpu.memory_space<semaphore_mem>>) src(%arg6 : memref<640x16xf32, #tpu.memory_space<vmem>>) dst(%dma_wait3A_44 : memref<640x16xf32, #tpu.memory_space<vmem_shared>>)
      tpu.yield
    }) : () -> ()
    %add3A_12 = arith.constant 1280 : i32
    %add3A_13 = arith.addi %mul3A_7, %add3A_12 : i32
    "tpu.region"() ({
      %run_scoped3A = tpu.sem_alloc : memref<!tpu.dma_semaphore, #tpu.memory_space<semaphore_mem>>
      %dma_start3A = arith.constant 0 : i32
      %dma_start3A_39 = tpu.memref_slice %arg5[%add3A_13, %dma_start3A] : memref<102400x16xf32, #tpu.memory_space<vmem_shared>> -> memref<640x16xf32, #tpu.memory_space<vmem_shared>>
      %dma_start3A_40 = arith.constant 0 : i32
      %dma_start3A_41 = tpu.memref_slice %arg5[%add3A_13, %dma_start3A_40] : memref<102400x16xf32, #tpu.memory_space<vmem_shared>> -> memref<640x16xf32, #tpu.memory_space<vmem_shared>>
      tpu.enqueue_dma source(%arg6 : memref<640x16xf32, #tpu.memory_space<vmem>>) target(%dma_start3A_41 : memref<640x16xf32, #tpu.memory_space<vmem_shared>>) target_semaphore(%run_scoped3A : memref<!tpu.dma_semaphore, #tpu.memory_space<semaphore_mem>>)
      %dma_wait3A = arith.constant 0 : i32
      %dma_wait3A_42 = tpu.memref_slice %arg5[%add3A_13, %dma_wait3A] : memref<102400x16xf32, #tpu.memory_space<vmem_shared>> -> memref<640x16xf32, #tpu.memory_space<vmem_shared>>
      %dma_wait3A_43 = arith.constant 0 : i32
      %dma_wait3A_44 = tpu.memref_slice %arg5[%add3A_13, %dma_wait3A_43] : memref<102400x16xf32, #tpu.memory_space<vmem_shared>> -> memref<640x16xf32, #tpu.memory_space<vmem_shared>>
      tpu.wait_dma2 semaphore(%run_scoped3A : memref<!tpu.dma_semaphore, #tpu.memory_space<semaphore_mem>>) src(%arg6 : memref<640x16xf32, #tpu.memory_space<vmem>>) dst(%dma_wait3A_44 : memref<640x16xf32, #tpu.memory_space<vmem_shared>>)
      tpu.yield
    }) : () -> ()
    %add3A_14 = arith.constant 1920 : i32
    %add3A_15 = arith.addi %mul3A_7, %add3A_14 : i32
    "tpu.region"() ({
      %run_scoped3A = tpu.sem_alloc : memref<!tpu.dma_semaphore, #tpu.memory_space<semaphore_mem>>
      %dma_start3A = arith.constant 0 : i32
      %dma_start3A_39 = tpu.memref_slice %arg5[%add3A_15, %dma_start3A] : memref<102400x16xf32, #tpu.memory_space<vmem_shared>> -> memref<640x16xf32, #tpu.memory_space<vmem_shared>>
      %dma_start3A_40 = arith.constant 0 : i32
      %dma_start3A_41 = tpu.memref_slice %arg5[%add3A_15, %dma_start3A_40] : memref<102400x16xf32, #tpu.memory_space<vmem_shared>> -> memref<640x16xf32, #tpu.memory_space<vmem_shared>>
      tpu.enqueue_dma source(%arg6 : memref<640x16xf32, #tpu.memory_space<vmem>>) target(%dma_start3A_41 : memref<640x16xf32, #tpu.memory_space<vmem_shared>>) target_semaphore(%run_scoped3A : memref<!tpu.dma_semaphore, #tpu.memory_space<semaphore_mem>>)
      %dma_wait3A = arith.constant 0 : i32
      %dma_wait3A_42 = tpu.memref_slice %arg5[%add3A_15, %dma_wait3A] : memref<102400x16xf32, #tpu.memory_space<vmem_shared>> -> memref<640x16xf32, #tpu.memory_space<vmem_shared>>
      %dma_wait3A_43 = arith.constant 0 : i32
      %dma_wait3A_44 = tpu.memref_slice %arg5[%add3A_15, %dma_wait3A_43] : memref<102400x16xf32, #tpu.memory_space<vmem_shared>> -> memref<640x16xf32, #tpu.memory_space<vmem_shared>>
      tpu.wait_dma2 semaphore(%run_scoped3A : memref<!tpu.dma_semaphore, #tpu.memory_space<semaphore_mem>>) src(%arg6 : memref<640x16xf32, #tpu.memory_space<vmem>>) dst(%dma_wait3A_44 : memref<640x16xf32, #tpu.memory_space<vmem_shared>>)
      tpu.yield
    }) : () -> ()
    %add3A_16 = arith.constant 2560 : i32
    %add3A_17 = arith.addi %mul3A_7, %add3A_16 : i32
    "tpu.region"() ({
      %run_scoped3A = tpu.sem_alloc : memref<!tpu.dma_semaphore, #tpu.memory_space<semaphore_mem>>
      %dma_start3A = arith.constant 0 : i32
      %dma_start3A_39 = tpu.memref_slice %arg5[%add3A_17, %dma_start3A] : memref<102400x16xf32, #tpu.memory_space<vmem_shared>> -> memref<640x16xf32, #tpu.memory_space<vmem_shared>>
      %dma_start3A_40 = arith.constant 0 : i32
      %dma_start3A_41 = tpu.memref_slice %arg5[%add3A_17, %dma_start3A_40] : memref<102400x16xf32, #tpu.memory_space<vmem_shared>> -> memref<640x16xf32, #tpu.memory_space<vmem_shared>>
      tpu.enqueue_dma source(%arg6 : memref<640x16xf32, #tpu.memory_space<vmem>>) target(%dma_start3A_41 : memref<640x16xf32, #tpu.memory_space<vmem_shared>>) target_semaphore(%run_scoped3A : memref<!tpu.dma_semaphore, #tpu.memory_space<semaphore_mem>>)
      %dma_wait3A = arith.constant 0 : i32
      %dma_wait3A_42 = tpu.memref_slice %arg5[%add3A_17, %dma_wait3A] : memref<102400x16xf32, #tpu.memory_space<vmem_shared>> -> memref<640x16xf32, #tpu.memory_space<vmem_shared>>
      %dma_wait3A_43 = arith.constant 0 : i32
      %dma_wait3A_44 = tpu.memref_slice %arg5[%add3A_17, %dma_wait3A_43] : memref<102400x16xf32, #tpu.memory_space<vmem_shared>> -> memref<640x16xf32, #tpu.memory_space<vmem_shared>>
      tpu.wait_dma2 semaphore(%run_scoped3A : memref<!tpu.dma_semaphore, #tpu.memory_space<semaphore_mem>>) src(%arg6 : memref<640x16xf32, #tpu.memory_space<vmem>>) dst(%dma_wait3A_44 : memref<640x16xf32, #tpu.memory_space<vmem_shared>>)
      tpu.yield
    }) : () -> ()
    %add3A_18 = arith.constant 3200 : i32
    %add3A_19 = arith.addi %mul3A_7, %add3A_18 : i32
    "tpu.region"() ({
      %run_scoped3A = tpu.sem_alloc : memref<!tpu.dma_semaphore, #tpu.memory_space<semaphore_mem>>
      %dma_start3A = arith.constant 0 : i32
      %dma_start3A_39 = tpu.memref_slice %arg5[%add3A_19, %dma_start3A] : memref<102400x16xf32, #tpu.memory_space<vmem_shared>> -> memref<640x16xf32, #tpu.memory_space<vmem_shared>>
      %dma_start3A_40 = arith.constant 0 : i32
      %dma_start3A_41 = tpu.memref_slice %arg5[%add3A_19, %dma_start3A_40] : memref<102400x16xf32, #tpu.memory_space<vmem_shared>> -> memref<640x16xf32, #tpu.memory_space<vmem_shared>>
      tpu.enqueue_dma source(%arg6 : memref<640x16xf32, #tpu.memory_space<vmem>>) target(%dma_start3A_41 : memref<640x16xf32, #tpu.memory_space<vmem_shared>>) target_semaphore(%run_scoped3A : memref<!tpu.dma_semaphore, #tpu.memory_space<semaphore_mem>>)
      %dma_wait3A = arith.constant 0 : i32
      %dma_wait3A_42 = tpu.memref_slice %arg5[%add3A_19, %dma_wait3A] : memref<102400x16xf32, #tpu.memory_space<vmem_shared>> -> memref<640x16xf32, #tpu.memory_space<vmem_shared>>
      %dma_wait3A_43 = arith.constant 0 : i32
      %dma_wait3A_44 = tpu.memref_slice %arg5[%add3A_19, %dma_wait3A_43] : memref<102400x16xf32, #tpu.memory_space<vmem_shared>> -> memref<640x16xf32, #tpu.memory_space<vmem_shared>>
      tpu.wait_dma2 semaphore(%run_scoped3A : memref<!tpu.dma_semaphore, #tpu.memory_space<semaphore_mem>>) src(%arg6 : memref<640x16xf32, #tpu.memory_space<vmem>>) dst(%dma_wait3A_44 : memref<640x16xf32, #tpu.memory_space<vmem_shared>>)
      tpu.yield
    }) : () -> ()
    %add3A_20 = arith.constant 3840 : i32
    %add3A_21 = arith.addi %mul3A_7, %add3A_20 : i32
    "tpu.region"() ({
      %run_scoped3A = tpu.sem_alloc : memref<!tpu.dma_semaphore, #tpu.memory_space<semaphore_mem>>
      %dma_start3A = arith.constant 0 : i32
      %dma_start3A_39 = tpu.memref_slice %arg5[%add3A_21, %dma_start3A] : memref<102400x16xf32, #tpu.memory_space<vmem_shared>> -> memref<640x16xf32, #tpu.memory_space<vmem_shared>>
      %dma_start3A_40 = arith.constant 0 : i32
      %dma_start3A_41 = tpu.memref_slice %arg5[%add3A_21, %dma_start3A_40] : memref<102400x16xf32, #tpu.memory_space<vmem_shared>> -> memref<640x16xf32, #tpu.memory_space<vmem_shared>>
      tpu.enqueue_dma source(%arg6 : memref<640x16xf32, #tpu.memory_space<vmem>>) target(%dma_start3A_41 : memref<640x16xf32, #tpu.memory_space<vmem_shared>>) target_semaphore(%run_scoped3A : memref<!tpu.dma_semaphore, #tpu.memory_space<semaphore_mem>>)
      %dma_wait3A = arith.constant 0 : i32
      %dma_wait3A_42 = tpu.memref_slice %arg5[%add3A_21, %dma_wait3A] : memref<102400x16xf32, #tpu.memory_space<vmem_shared>> -> memref<640x16xf32, #tpu.memory_space<vmem_shared>>
      %dma_wait3A_43 = arith.constant 0 : i32
      %dma_wait3A_44 = tpu.memref_slice %arg5[%add3A_21, %dma_wait3A_43] : memref<102400x16xf32, #tpu.memory_space<vmem_shared>> -> memref<640x16xf32, #tpu.memory_space<vmem_shared>>
      tpu.wait_dma2 semaphore(%run_scoped3A : memref<!tpu.dma_semaphore, #tpu.memory_space<semaphore_mem>>) src(%arg6 : memref<640x16xf32, #tpu.memory_space<vmem>>) dst(%dma_wait3A_44 : memref<640x16xf32, #tpu.memory_space<vmem_shared>>)
      tpu.yield
    }) : () -> ()
    %add3A_22 = arith.constant 4480 : i32
    %add3A_23 = arith.addi %mul3A_7, %add3A_22 : i32
    "tpu.region"() ({
      %run_scoped3A = tpu.sem_alloc : memref<!tpu.dma_semaphore, #tpu.memory_space<semaphore_mem>>
      %dma_start3A = arith.constant 0 : i32
      %dma_start3A_39 = tpu.memref_slice %arg5[%add3A_23, %dma_start3A] : memref<102400x16xf32, #tpu.memory_space<vmem_shared>> -> memref<640x16xf32, #tpu.memory_space<vmem_shared>>
      %dma_start3A_40 = arith.constant 0 : i32
      %dma_start3A_41 = tpu.memref_slice %arg5[%add3A_23, %dma_start3A_40] : memref<102400x16xf32, #tpu.memory_space<vmem_shared>> -> memref<640x16xf32, #tpu.memory_space<vmem_shared>>
      tpu.enqueue_dma source(%arg6 : memref<640x16xf32, #tpu.memory_space<vmem>>) target(%dma_start3A_41 : memref<640x16xf32, #tpu.memory_space<vmem_shared>>) target_semaphore(%run_scoped3A : memref<!tpu.dma_semaphore, #tpu.memory_space<semaphore_mem>>)
      %dma_wait3A = arith.constant 0 : i32
      %dma_wait3A_42 = tpu.memref_slice %arg5[%add3A_23, %dma_wait3A] : memref<102400x16xf32, #tpu.memory_space<vmem_shared>> -> memref<640x16xf32, #tpu.memory_space<vmem_shared>>
      %dma_wait3A_43 = arith.constant 0 : i32
      %dma_wait3A_44 = tpu.memref_slice %arg5[%add3A_23, %dma_wait3A_43] : memref<102400x16xf32, #tpu.memory_space<vmem_shared>> -> memref<640x16xf32, #tpu.memory_space<vmem_shared>>
      tpu.wait_dma2 semaphore(%run_scoped3A : memref<!tpu.dma_semaphore, #tpu.memory_space<semaphore_mem>>) src(%arg6 : memref<640x16xf32, #tpu.memory_space<vmem>>) dst(%dma_wait3A_44 : memref<640x16xf32, #tpu.memory_space<vmem_shared>>)
      tpu.yield
    }) : () -> ()
    %add3A_24 = arith.constant 5120 : i32
    %add3A_25 = arith.addi %mul3A_7, %add3A_24 : i32
    "tpu.region"() ({
      %run_scoped3A = tpu.sem_alloc : memref<!tpu.dma_semaphore, #tpu.memory_space<semaphore_mem>>
      %dma_start3A = arith.constant 0 : i32
      %dma_start3A_39 = tpu.memref_slice %arg5[%add3A_25, %dma_start3A] : memref<102400x16xf32, #tpu.memory_space<vmem_shared>> -> memref<640x16xf32, #tpu.memory_space<vmem_shared>>
      %dma_start3A_40 = arith.constant 0 : i32
      %dma_start3A_41 = tpu.memref_slice %arg5[%add3A_25, %dma_start3A_40] : memref<102400x16xf32, #tpu.memory_space<vmem_shared>> -> memref<640x16xf32, #tpu.memory_space<vmem_shared>>
      tpu.enqueue_dma source(%arg6 : memref<640x16xf32, #tpu.memory_space<vmem>>) target(%dma_start3A_41 : memref<640x16xf32, #tpu.memory_space<vmem_shared>>) target_semaphore(%run_scoped3A : memref<!tpu.dma_semaphore, #tpu.memory_space<semaphore_mem>>)
      %dma_wait3A = arith.constant 0 : i32
      %dma_wait3A_42 = tpu.memref_slice %arg5[%add3A_25, %dma_wait3A] : memref<102400x16xf32, #tpu.memory_space<vmem_shared>> -> memref<640x16xf32, #tpu.memory_space<vmem_shared>>
      %dma_wait3A_43 = arith.constant 0 : i32
      %dma_wait3A_44 = tpu.memref_slice %arg5[%add3A_25, %dma_wait3A_43] : memref<102400x16xf32, #tpu.memory_space<vmem_shared>> -> memref<640x16xf32, #tpu.memory_space<vmem_shared>>
      tpu.wait_dma2 semaphore(%run_scoped3A : memref<!tpu.dma_semaphore, #tpu.memory_space<semaphore_mem>>) src(%arg6 : memref<640x16xf32, #tpu.memory_space<vmem>>) dst(%dma_wait3A_44 : memref<640x16xf32, #tpu.memory_space<vmem_shared>>)
      tpu.yield
    }) : () -> ()
    %add3A_26 = arith.constant 5760 : i32
    %add3A_27 = arith.addi %mul3A_7, %add3A_26 : i32
    "tpu.region"() ({
      %run_scoped3A = tpu.sem_alloc : memref<!tpu.dma_semaphore, #tpu.memory_space<semaphore_mem>>
      %dma_start3A = arith.constant 0 : i32
      %dma_start3A_39 = tpu.memref_slice %arg5[%add3A_27, %dma_start3A] : memref<102400x16xf32, #tpu.memory_space<vmem_shared>> -> memref<640x16xf32, #tpu.memory_space<vmem_shared>>
      %dma_start3A_40 = arith.constant 0 : i32
      %dma_start3A_41 = tpu.memref_slice %arg5[%add3A_27, %dma_start3A_40] : memref<102400x16xf32, #tpu.memory_space<vmem_shared>> -> memref<640x16xf32, #tpu.memory_space<vmem_shared>>
      tpu.enqueue_dma source(%arg6 : memref<640x16xf32, #tpu.memory_space<vmem>>) target(%dma_start3A_41 : memref<640x16xf32, #tpu.memory_space<vmem_shared>>) target_semaphore(%run_scoped3A : memref<!tpu.dma_semaphore, #tpu.memory_space<semaphore_mem>>)
      %dma_wait3A = arith.constant 0 : i32
      %dma_wait3A_42 = tpu.memref_slice %arg5[%add3A_27, %dma_wait3A] : memref<102400x16xf32, #tpu.memory_space<vmem_shared>> -> memref<640x16xf32, #tpu.memory_space<vmem_shared>>
      %dma_wait3A_43 = arith.constant 0 : i32
      %dma_wait3A_44 = tpu.memref_slice %arg5[%add3A_27, %dma_wait3A_43] : memref<102400x16xf32, #tpu.memory_space<vmem_shared>> -> memref<640x16xf32, #tpu.memory_space<vmem_shared>>
      tpu.wait_dma2 semaphore(%run_scoped3A : memref<!tpu.dma_semaphore, #tpu.memory_space<semaphore_mem>>) src(%arg6 : memref<640x16xf32, #tpu.memory_space<vmem>>) dst(%dma_wait3A_44 : memref<640x16xf32, #tpu.memory_space<vmem_shared>>)
      tpu.yield
    }) : () -> ()
    %barrier3A = arith.constant 0 : index
    tpu.barrier barrier_id(%barrier3A)
    %add3A_28 = arith.constant 0 : i32
    %add3A_29 = arith.addi %add3A, %add3A_28 : i32
    %lt3A = arith.constant 1000 : i32
    %lt3A_30 = arith.cmpi slt, %add3A_29, %lt3A : i32
    %convert_element_type3A = arith.extui %lt3A_30 : i1 to i32
    %cond3A = arith.constant 0 : i32
    %cond3A_31 = arith.cmpi ne, %convert_element_type3A, %cond3A : i32
    scf.if %cond3A_31 {
      %mul3A_39 = arith.constant 640 : i32
      %mul3A_40 = arith.muli %add3A_29, %mul3A_39 : i32
      %multiple_of3A = tpu.assume_multiple %mul3A_40, 640 : i32
      %dma_start3A = arith.constant 0 : i32
      %dma_start3A_41 = tpu.memref_slice %arg2[%multiple_of3A, %dma_start3A] : memref<640000x16xf32, #tpu.memory_space<hbm>> -> memref<640x16xf32, #tpu.memory_space<hbm>>
      %dma_start3A_42 = arith.constant 0 : i32
      %dma_start3A_43 = tpu.memref_slice %arg2[%multiple_of3A, %dma_start3A_42] : memref<640000x16xf32, #tpu.memory_space<hbm>> -> memref<640x16xf32, #tpu.memory_space<hbm>>
      tpu.enqueue_dma source(%dma_start3A_43 : memref<640x16xf32, #tpu.memory_space<hbm>>) target(%arg6 : memref<640x16xf32, #tpu.memory_space<vmem>>) target_semaphore(%arg10 : memref<!tpu.dma_semaphore, #tpu.memory_space<semaphore_mem>>)
      %mul3A_44 = arith.constant 5 : i32
      %mul3A_45 = arith.muli %add3A_29, %mul3A_44 : i32
      %add3A_46 = arith.constant 10000 : i32
      %add3A_47 = arith.addi %add3A_46, %mul3A_45 : i32
      %multiple_of3A_48 = tpu.assume_multiple %add3A_47, 5 : i32
      %dma_start3A_49 = arith.constant 0 : i32
      %dma_start3A_50 = tpu.memref_slice %arg3[%multiple_of3A_48, %dma_start3A_49] : memref<25000x128xi32, #tpu.memory_space<hbm>> -> memref<5x128xi32, #tpu.memory_space<hbm>>
      %dma_start3A_51 = arith.constant 0 : i32
      %dma_start3A_52 = tpu.memref_slice %arg3[%multiple_of3A_48, %dma_start3A_51] : memref<25000x128xi32, #tpu.memory_space<hbm>> -> memref<5x128xi32, #tpu.memory_space<hbm>>
      tpu.enqueue_dma source(%dma_start3A_52 : memref<5x128xi32, #tpu.memory_space<hbm>>) target(%arg8 : memref<5x128xi32, #tpu.memory_space<vmem>>) target_semaphore(%arg10 : memref<!tpu.dma_semaphore, #tpu.memory_space<semaphore_mem>>)
    } else {
    }
    %scan3A_32 = arith.constant 0 : i32
    %scan3A_33 = arith.constant 0 : i32
    %scan3A_34 = arith.constant 16 : i32
    %scan3A_35 = arith.addi %scan3A_33, %scan3A_34 : i32
    %scan3A_36 = arith.constant 1 : i32
    scf.for %scan3A_39 = %scan3A_33 to %scan3A_35 step %scan3A_36  : i32 {
      %mul3A_40 = arith.constant 2 : i32
      %mul3A_41 = arith.muli %scan3A_39, %mul3A_40 : i32
      %add3A_42 = arith.constant 1 : i32
      %add3A_43 = arith.addi %mul3A_41, %add3A_42 : i32
      %mul3A_44 = arith.constant 32 : i32
      %mul3A_45 = arith.muli %mul3A_44, %add3A_43 : i32
      %add3A_46 = arith.addi %add3A, %mul3A_45 : i32
      %lt3A_47 = arith.constant 1000 : i32
      %lt3A_48 = arith.cmpi slt, %add3A_46, %lt3A_47 : i32
      %convert_element_type3A_49 = arith.extui %lt3A_48 : i1 to i32
      %cond3A_50 = arith.constant 0 : i32
      %cond3A_51 = arith.cmpi ne, %convert_element_type3A_49, %cond3A_50 : i32
      scf.if %cond3A_51 {
        %mul3A_80 = arith.constant 640 : i32
        %mul3A_81 = arith.muli %add3A_46, %mul3A_80 : i32
        %multiple_of3A = tpu.assume_multiple %mul3A_81, 640 : i32
        %dma_start3A = arith.constant 0 : i32
        %dma_start3A_82 = tpu.memref_slice %arg2[%multiple_of3A, %dma_start3A] : memref<640000x16xf32, #tpu.memory_space<hbm>> -> memref<640x16xf32, #tpu.memory_space<hbm>>
        %dma_start3A_83 = arith.constant 0 : i32
        %dma_start3A_84 = tpu.memref_slice %arg2[%multiple_of3A, %dma_start3A_83] : memref<640000x16xf32, #tpu.memory_space<hbm>> -> memref<640x16xf32, #tpu.memory_space<hbm>>
        tpu.enqueue_dma source(%dma_start3A_84 : memref<640x16xf32, #tpu.memory_space<hbm>>) target(%arg7 : memref<640x16xf32, #tpu.memory_space<vmem>>) target_semaphore(%arg11 : memref<!tpu.dma_semaphore, #tpu.memory_space<semaphore_mem>>)
        %mul3A_85 = arith.constant 5 : i32
        %mul3A_86 = arith.muli %add3A_46, %mul3A_85 : i32
        %add3A_87 = arith.constant 10000 : i32
        %add3A_88 = arith.addi %add3A_87, %mul3A_86 : i32
        %multiple_of3A_89 = tpu.assume_multiple %add3A_88, 5 : i32
        %dma_start3A_90 = arith.constant 0 : i32
        %dma_start3A_91 = tpu.memref_slice %arg3[%multiple_of3A_89, %dma_start3A_90] : memref<25000x128xi32, #tpu.memory_space<hbm>> -> memref<5x128xi32, #tpu.memory_space<hbm>>
        %dma_start3A_92 = arith.constant 0 : i32
        %dma_start3A_93 = tpu.memref_slice %arg3[%multiple_of3A_89, %dma_start3A_92] : memref<25000x128xi32, #tpu.memory_space<hbm>> -> memref<5x128xi32, #tpu.memory_space<hbm>>
        tpu.enqueue_dma source(%dma_start3A_93 : memref<5x128xi32, #tpu.memory_space<hbm>>) target(%arg9 : memref<5x128xi32, #tpu.memory_space<vmem>>) target_semaphore(%arg11 : memref<!tpu.dma_semaphore, #tpu.memory_space<semaphore_mem>>)
      } else {
      }
      %mul3A_52 = arith.constant 32 : i32
      %mul3A_53 = arith.muli %mul3A_52, %mul3A_41 : i32
      %add3A_54 = arith.addi %add3A, %mul3A_53 : i32
      %lt3A_55 = arith.constant 1000 : i32
      %lt3A_56 = arith.cmpi slt, %add3A_54, %lt3A_55 : i32
      %convert_element_type3A_57 = arith.extui %lt3A_56 : i1 to i32
      %cond3A_58 = arith.constant 0 : i32
      %cond3A_59 = arith.cmpi ne, %convert_element_type3A_57, %cond3A_58 : i32
      scf.if %cond3A_59 {
        %dma_wait3A = arith.constant 0 : i32
        %dma_wait3A_80 = arith.constant 0 : i32
        %dma_wait3A_81 = tpu.memref_slice %arg2[%dma_wait3A, %dma_wait3A_80] : memref<640000x16xf32, #tpu.memory_space<hbm>> -> memref<640x16xf32, #tpu.memory_space<hbm>>
        %dma_wait3A_82 = arith.constant 0 : i32
        %dma_wait3A_83 = arith.constant 0 : i32
        %dma_wait3A_84 = tpu.memref_slice %arg2[%dma_wait3A_82, %dma_wait3A_83] : memref<640000x16xf32, #tpu.memory_space<hbm>> -> memref<640x16xf32, #tpu.memory_space<hbm>>
        tpu.wait_dma2 semaphore(%arg10 : memref<!tpu.dma_semaphore, #tpu.memory_space<semaphore_mem>>) src(%dma_wait3A_84 : memref<640x16xf32, #tpu.memory_space<hbm>>) dst(%arg6 : memref<640x16xf32, #tpu.memory_space<vmem>>)
        %dma_wait3A_85 = arith.constant 0 : i32
        %dma_wait3A_86 = arith.constant 0 : i32
        %dma_wait3A_87 = tpu.memref_slice %arg3[%dma_wait3A_85, %dma_wait3A_86] : memref<25000x128xi32, #tpu.memory_space<hbm>> -> memref<5x128xi32, #tpu.memory_space<hbm>>
        %dma_wait3A_88 = arith.constant 0 : i32
        %dma_wait3A_89 = arith.constant 0 : i32
        %dma_wait3A_90 = tpu.memref_slice %arg3[%dma_wait3A_88, %dma_wait3A_89] : memref<25000x128xi32, #tpu.memory_space<hbm>> -> memref<5x128xi32, #tpu.memory_space<hbm>>
        tpu.wait_dma2 semaphore(%arg10 : memref<!tpu.dma_semaphore, #tpu.memory_space<semaphore_mem>>) src(%dma_wait3A_90 : memref<5x128xi32, #tpu.memory_space<hbm>>) dst(%arg8 : memref<5x128xi32, #tpu.memory_space<vmem>>)
        %run_scoped3A = arith.constant 0 : i32
        "tpu.region"() ({
          %run_scoped3A_95 = tpu.sem_alloc : memref<!tpu.dma_semaphore, #tpu.memory_space<semaphore_mem>>
          %dma_start3A = arith.constant 0 : i32
          %dma_start3A_96 = arith.constant 0 : i32
          %dma_start3A_97 = tpu.memref_slice %arg6[%dma_start3A, %dma_start3A_96] : memref<640x16xf32, #tpu.memory_space<vmem>> -> memref<128x16xf32, #tpu.memory_space<vmem>>
          %dma_start3A_98 = arith.constant 0 : i32
          %dma_start3A_99 = tpu.memref_slice %arg8[%run_scoped3A, %dma_start3A_98] : memref<5x128xi32, #tpu.memory_space<vmem>> -> memref<1x128xi32, #tpu.memory_space<vmem>>
          %dma_start3A_100 = tpu.memref_squeeze %dma_start3A_99 : memref<1x128xi32, #tpu.memory_space<vmem>> -> memref<128xi32, #tpu.memory_space<vmem>>
          %dma_start3A_101 = arith.constant 0 : i32
          %dma_start3A_102 = arith.constant 0 : i32
          %dma_start3A_103 = tpu.memref_slice %arg5[%dma_start3A_101, %dma_start3A_102] : memref<102400x16xf32, #tpu.memory_space<vmem_shared>> -> memref<102400x16xf32, #tpu.memory_space<vmem_shared>>
          tpu.enqueue_indirect_dma source(%dma_start3A_97 : memref<128x16xf32, #tpu.memory_space<vmem>>) target(%dma_start3A_103 : memref<102400x16xf32, #tpu.memory_space<vmem_shared>>) offsets(%dma_start3A_100 : memref<128xi32, #tpu.memory_space<vmem>>) semaphore(%run_scoped3A_95 : memref<!tpu.dma_semaphore, #tpu.memory_space<semaphore_mem>>) {add = true}
          %dma_wait3A_104 = arith.constant 0 : i32
          %dma_wait3A_105 = arith.constant 0 : i32
          %dma_wait3A_106 = tpu.memref_slice %arg6[%dma_wait3A_104, %dma_wait3A_105] : memref<640x16xf32, #tpu.memory_space<vmem>> -> memref<128x16xf32, #tpu.memory_space<vmem>>
          %dma_wait3A_107 = arith.constant 0 : i32
          %dma_wait3A_108 = tpu.memref_slice %arg8[%run_scoped3A, %dma_wait3A_107] : memref<5x128xi32, #tpu.memory_space<vmem>> -> memref<1x128xi32, #tpu.memory_space<vmem>>
          %dma_wait3A_109 = tpu.memref_squeeze %dma_wait3A_108 : memref<1x128xi32, #tpu.memory_space<vmem>> -> memref<128xi32, #tpu.memory_space<vmem>>
          %dma_wait3A_110 = arith.constant 0 : i32
          %dma_wait3A_111 = arith.constant 0 : i32
          %dma_wait3A_112 = tpu.memref_slice %arg5[%dma_wait3A_110, %dma_wait3A_111] : memref<102400x16xf32, #tpu.memory_space<vmem_shared>> -> memref<102400x16xf32, #tpu.memory_space<vmem_shared>>
          tpu.wait_indirect_dma semaphore(%run_scoped3A_95 : memref<!tpu.dma_semaphore, #tpu.memory_space<semaphore_mem>>) src(%dma_wait3A_106 : memref<128x16xf32, #tpu.memory_space<vmem>>) dst(%dma_wait3A_112 : memref<102400x16xf32, #tpu.memory_space<vmem_shared>>)
          tpu.yield
        }) : () -> ()
        %run_scoped3A_91 = arith.constant 1 : i32
        "tpu.region"() ({
          %run_scoped3A_95 = tpu.sem_alloc : memref<!tpu.dma_semaphore, #tpu.memory_space<semaphore_mem>>
          %dma_start3A = arith.constant 128 : i32
          %dma_start3A_96 = arith.constant 0 : i32
          %dma_start3A_97 = tpu.memref_slice %arg6[%dma_start3A, %dma_start3A_96] : memref<640x16xf32, #tpu.memory_space<vmem>> -> memref<128x16xf32, #tpu.memory_space<vmem>>
          %dma_start3A_98 = arith.constant 0 : i32
          %dma_start3A_99 = tpu.memref_slice %arg8[%run_scoped3A_91, %dma_start3A_98] : memref<5x128xi32, #tpu.memory_space<vmem>> -> memref<1x128xi32, #tpu.memory_space<vmem>>
          %dma_start3A_100 = tpu.memref_squeeze %dma_start3A_99 : memref<1x128xi32, #tpu.memory_space<vmem>> -> memref<128xi32, #tpu.memory_space<vmem>>
          %dma_start3A_101 = arith.constant 0 : i32
          %dma_start3A_102 = arith.constant 0 : i32
          %dma_start3A_103 = tpu.memref_slice %arg5[%dma_start3A_101, %dma_start3A_102] : memref<102400x16xf32, #tpu.memory_space<vmem_shared>> -> memref<102400x16xf32, #tpu.memory_space<vmem_shared>>
          tpu.enqueue_indirect_dma source(%dma_start3A_97 : memref<128x16xf32, #tpu.memory_space<vmem>>) target(%dma_start3A_103 : memref<102400x16xf32, #tpu.memory_space<vmem_shared>>) offsets(%dma_start3A_100 : memref<128xi32, #tpu.memory_space<vmem>>) semaphore(%run_scoped3A_95 : memref<!tpu.dma_semaphore, #tpu.memory_space<semaphore_mem>>) {add = true}
          %dma_wait3A_104 = arith.constant 128 : i32
          %dma_wait3A_105 = arith.constant 0 : i32
          %dma_wait3A_106 = tpu.memref_slice %arg6[%dma_wait3A_104, %dma_wait3A_105] : memref<640x16xf32, #tpu.memory_space<vmem>> -> memref<128x16xf32, #tpu.memory_space<vmem>>
          %dma_wait3A_107 = arith.constant 0 : i32
          %dma_wait3A_108 = tpu.memref_slice %arg8[%run_scoped3A_91, %dma_wait3A_107] : memref<5x128xi32, #tpu.memory_space<vmem>> -> memref<1x128xi32, #tpu.memory_space<vmem>>
          %dma_wait3A_109 = tpu.memref_squeeze %dma_wait3A_108 : memref<1x128xi32, #tpu.memory_space<vmem>> -> memref<128xi32, #tpu.memory_space<vmem>>
          %dma_wait3A_110 = arith.constant 0 : i32
          %dma_wait3A_111 = arith.constant 0 : i32
          %dma_wait3A_112 = tpu.memref_slice %arg5[%dma_wait3A_110, %dma_wait3A_111] : memref<102400x16xf32, #tpu.memory_space<vmem_shared>> -> memref<102400x16xf32, #tpu.memory_space<vmem_shared>>
          tpu.wait_indirect_dma semaphore(%run_scoped3A_95 : memref<!tpu.dma_semaphore, #tpu.memory_space<semaphore_mem>>) src(%dma_wait3A_106 : memref<128x16xf32, #tpu.memory_space<vmem>>) dst(%dma_wait3A_112 : memref<102400x16xf32, #tpu.memory_space<vmem_shared>>)
          tpu.yield
        }) : () -> ()
        %run_scoped3A_92 = arith.constant 2 : i32
        "tpu.region"() ({
          %run_scoped3A_95 = tpu.sem_alloc : memref<!tpu.dma_semaphore, #tpu.memory_space<semaphore_mem>>
          %dma_start3A = arith.constant 256 : i32
          %dma_start3A_96 = arith.constant 0 : i32
          %dma_start3A_97 = tpu.memref_slice %arg6[%dma_start3A, %dma_start3A_96] : memref<640x16xf32, #tpu.memory_space<vmem>> -> memref<128x16xf32, #tpu.memory_space<vmem>>
          %dma_start3A_98 = arith.constant 0 : i32
          %dma_start3A_99 = tpu.memref_slice %arg8[%run_scoped3A_92, %dma_start3A_98] : memref<5x128xi32, #tpu.memory_space<vmem>> -> memref<1x128xi32, #tpu.memory_space<vmem>>
          %dma_start3A_100 = tpu.memref_squeeze %dma_start3A_99 : memref<1x128xi32, #tpu.memory_space<vmem>> -> memref<128xi32, #tpu.memory_space<vmem>>
          %dma_start3A_101 = arith.constant 0 : i32
          %dma_start3A_102 = arith.constant 0 : i32
          %dma_start3A_103 = tpu.memref_slice %arg5[%dma_start3A_101, %dma_start3A_102] : memref<102400x16xf32, #tpu.memory_space<vmem_shared>> -> memref<102400x16xf32, #tpu.memory_space<vmem_shared>>
          tpu.enqueue_indirect_dma source(%dma_start3A_97 : memref<128x16xf32, #tpu.memory_space<vmem>>) target(%dma_start3A_103 : memref<102400x16xf32, #tpu.memory_space<vmem_shared>>) offsets(%dma_start3A_100 : memref<128xi32, #tpu.memory_space<vmem>>) semaphore(%run_scoped3A_95 : memref<!tpu.dma_semaphore, #tpu.memory_space<semaphore_mem>>) {add = true}
          %dma_wait3A_104 = arith.constant 256 : i32
          %dma_wait3A_105 = arith.constant 0 : i32
          %dma_wait3A_106 = tpu.memref_slice %arg6[%dma_wait3A_104, %dma_wait3A_105] : memref<640x16xf32, #tpu.memory_space<vmem>> -> memref<128x16xf32, #tpu.memory_space<vmem>>
          %dma_wait3A_107 = arith.constant 0 : i32
          %dma_wait3A_108 = tpu.memref_slice %arg8[%run_scoped3A_92, %dma_wait3A_107] : memref<5x128xi32, #tpu.memory_space<vmem>> -> memref<1x128xi32, #tpu.memory_space<vmem>>
          %dma_wait3A_109 = tpu.memref_squeeze %dma_wait3A_108 : memref<1x128xi32, #tpu.memory_space<vmem>> -> memref<128xi32, #tpu.memory_space<vmem>>
          %dma_wait3A_110 = arith.constant 0 : i32
          %dma_wait3A_111 = arith.constant 0 : i32
          %dma_wait3A_112 = tpu.memref_slice %arg5[%dma_wait3A_110, %dma_wait3A_111] : memref<102400x16xf32, #tpu.memory_space<vmem_shared>> -> memref<102400x16xf32, #tpu.memory_space<vmem_shared>>
          tpu.wait_indirect_dma semaphore(%run_scoped3A_95 : memref<!tpu.dma_semaphore, #tpu.memory_space<semaphore_mem>>) src(%dma_wait3A_106 : memref<128x16xf32, #tpu.memory_space<vmem>>) dst(%dma_wait3A_112 : memref<102400x16xf32, #tpu.memory_space<vmem_shared>>)
          tpu.yield
        }) : () -> ()
        %run_scoped3A_93 = arith.constant 3 : i32
        "tpu.region"() ({
          %run_scoped3A_95 = tpu.sem_alloc : memref<!tpu.dma_semaphore, #tpu.memory_space<semaphore_mem>>
          %dma_start3A = arith.constant 384 : i32
          %dma_start3A_96 = arith.constant 0 : i32
          %dma_start3A_97 = tpu.memref_slice %arg6[%dma_start3A, %dma_start3A_96] : memref<640x16xf32, #tpu.memory_space<vmem>> -> memref<128x16xf32, #tpu.memory_space<vmem>>
          %dma_start3A_98 = arith.constant 0 : i32
          %dma_start3A_99 = tpu.memref_slice %arg8[%run_scoped3A_93, %dma_start3A_98] : memref<5x128xi32, #tpu.memory_space<vmem>> -> memref<1x128xi32, #tpu.memory_space<vmem>>
          %dma_start3A_100 = tpu.memref_squeeze %dma_start3A_99 : memref<1x128xi32, #tpu.memory_space<vmem>> -> memref<128xi32, #tpu.memory_space<vmem>>
          %dma_start3A_101 = arith.constant 0 : i32
          %dma_start3A_102 = arith.constant 0 : i32
          %dma_start3A_103 = tpu.memref_slice %arg5[%dma_start3A_101, %dma_start3A_102] : memref<102400x16xf32, #tpu.memory_space<vmem_shared>> -> memref<102400x16xf32, #tpu.memory_space<vmem_shared>>
          tpu.enqueue_indirect_dma source(%dma_start3A_97 : memref<128x16xf32, #tpu.memory_space<vmem>>) target(%dma_start3A_103 : memref<102400x16xf32, #tpu.memory_space<vmem_shared>>) offsets(%dma_start3A_100 : memref<128xi32, #tpu.memory_space<vmem>>) semaphore(%run_scoped3A_95 : memref<!tpu.dma_semaphore, #tpu.memory_space<semaphore_mem>>) {add = true}
          %dma_wait3A_104 = arith.constant 384 : i32
          %dma_wait3A_105 = arith.constant 0 : i32
          %dma_wait3A_106 = tpu.memref_slice %arg6[%dma_wait3A_104, %dma_wait3A_105] : memref<640x16xf32, #tpu.memory_space<vmem>> -> memref<128x16xf32, #tpu.memory_space<vmem>>
          %dma_wait3A_107 = arith.constant 0 : i32
          %dma_wait3A_108 = tpu.memref_slice %arg8[%run_scoped3A_93, %dma_wait3A_107] : memref<5x128xi32, #tpu.memory_space<vmem>> -> memref<1x128xi32, #tpu.memory_space<vmem>>
          %dma_wait3A_109 = tpu.memref_squeeze %dma_wait3A_108 : memref<1x128xi32, #tpu.memory_space<vmem>> -> memref<128xi32, #tpu.memory_space<vmem>>
          %dma_wait3A_110 = arith.constant 0 : i32
          %dma_wait3A_111 = arith.constant 0 : i32
          %dma_wait3A_112 = tpu.memref_slice %arg5[%dma_wait3A_110, %dma_wait3A_111] : memref<102400x16xf32, #tpu.memory_space<vmem_shared>> -> memref<102400x16xf32, #tpu.memory_space<vmem_shared>>
          tpu.wait_indirect_dma semaphore(%run_scoped3A_95 : memref<!tpu.dma_semaphore, #tpu.memory_space<semaphore_mem>>) src(%dma_wait3A_106 : memref<128x16xf32, #tpu.memory_space<vmem>>) dst(%dma_wait3A_112 : memref<102400x16xf32, #tpu.memory_space<vmem_shared>>)
          tpu.yield
        }) : () -> ()
        %run_scoped3A_94 = arith.constant 4 : i32
        "tpu.region"() ({
          %run_scoped3A_95 = tpu.sem_alloc : memref<!tpu.dma_semaphore, #tpu.memory_space<semaphore_mem>>
          %dma_start3A = arith.constant 512 : i32
          %dma_start3A_96 = arith.constant 0 : i32
          %dma_start3A_97 = tpu.memref_slice %arg6[%dma_start3A, %dma_start3A_96] : memref<640x16xf32, #tpu.memory_space<vmem>> -> memref<128x16xf32, #tpu.memory_space<vmem>>
          %dma_start3A_98 = arith.constant 0 : i32
          %dma_start3A_99 = tpu.memref_slice %arg8[%run_scoped3A_94, %dma_start3A_98] : memref<5x128xi32, #tpu.memory_space<vmem>> -> memref<1x128xi32, #tpu.memory_space<vmem>>
          %dma_start3A_100 = tpu.memref_squeeze %dma_start3A_99 : memref<1x128xi32, #tpu.memory_space<vmem>> -> memref<128xi32, #tpu.memory_space<vmem>>
          %dma_start3A_101 = arith.constant 0 : i32
          %dma_start3A_102 = arith.constant 0 : i32
          %dma_start3A_103 = tpu.memref_slice %arg5[%dma_start3A_101, %dma_start3A_102] : memref<102400x16xf32, #tpu.memory_space<vmem_shared>> -> memref<102400x16xf32, #tpu.memory_space<vmem_shared>>
          tpu.enqueue_indirect_dma source(%dma_start3A_97 : memref<128x16xf32, #tpu.memory_space<vmem>>) target(%dma_start3A_103 : memref<102400x16xf32, #tpu.memory_space<vmem_shared>>) offsets(%dma_start3A_100 : memref<128xi32, #tpu.memory_space<vmem>>) semaphore(%run_scoped3A_95 : memref<!tpu.dma_semaphore, #tpu.memory_space<semaphore_mem>>) {add = true}
          %dma_wait3A_104 = arith.constant 512 : i32
          %dma_wait3A_105 = arith.constant 0 : i32
          %dma_wait3A_106 = tpu.memref_slice %arg6[%dma_wait3A_104, %dma_wait3A_105] : memref<640x16xf32, #tpu.memory_space<vmem>> -> memref<128x16xf32, #tpu.memory_space<vmem>>
          %dma_wait3A_107 = arith.constant 0 : i32
          %dma_wait3A_108 = tpu.memref_slice %arg8[%run_scoped3A_94, %dma_wait3A_107] : memref<5x128xi32, #tpu.memory_space<vmem>> -> memref<1x128xi32, #tpu.memory_space<vmem>>
          %dma_wait3A_109 = tpu.memref_squeeze %dma_wait3A_108 : memref<1x128xi32, #tpu.memory_space<vmem>> -> memref<128xi32, #tpu.memory_space<vmem>>
          %dma_wait3A_110 = arith.constant 0 : i32
          %dma_wait3A_111 = arith.constant 0 : i32
          %dma_wait3A_112 = tpu.memref_slice %arg5[%dma_wait3A_110, %dma_wait3A_111] : memref<102400x16xf32, #tpu.memory_space<vmem_shared>> -> memref<102400x16xf32, #tpu.memory_space<vmem_shared>>
          tpu.wait_indirect_dma semaphore(%run_scoped3A_95 : memref<!tpu.dma_semaphore, #tpu.memory_space<semaphore_mem>>) src(%dma_wait3A_106 : memref<128x16xf32, #tpu.memory_space<vmem>>) dst(%dma_wait3A_112 : memref<102400x16xf32, #tpu.memory_space<vmem_shared>>)
          tpu.yield
        }) : () -> ()
      } else {
      }
      %add3A_60 = arith.constant 2 : i32
      %add3A_61 = arith.addi %mul3A_41, %add3A_60 : i32
      %mul3A_62 = arith.constant 32 : i32
      %mul3A_63 = arith.muli %mul3A_62, %add3A_61 : i32
      %add3A_64 = arith.addi %add3A, %mul3A_63 : i32
      %lt3A_65 = arith.constant 1000 : i32
      %lt3A_66 = arith.cmpi slt, %add3A_64, %lt3A_65 : i32
      %convert_element_type3A_67 = arith.extui %lt3A_66 : i1 to i32
      %cond3A_68 = arith.constant 0 : i32
      %cond3A_69 = arith.cmpi ne, %convert_element_type3A_67, %cond3A_68 : i32
      scf.if %cond3A_69 {
        %mul3A_80 = arith.constant 640 : i32
        %mul3A_81 = arith.muli %add3A_64, %mul3A_80 : i32
        %multiple_of3A = tpu.assume_multiple %mul3A_81, 640 : i32
        %dma_start3A = arith.constant 0 : i32
        %dma_start3A_82 = tpu.memref_slice %arg2[%multiple_of3A, %dma_start3A] : memref<640000x16xf32, #tpu.memory_space<hbm>> -> memref<640x16xf32, #tpu.memory_space<hbm>>
        %dma_start3A_83 = arith.constant 0 : i32
        %dma_start3A_84 = tpu.memref_slice %arg2[%multiple_of3A, %dma_start3A_83] : memref<640000x16xf32, #tpu.memory_space<hbm>> -> memref<640x16xf32, #tpu.memory_space<hbm>>
        tpu.enqueue_dma source(%dma_start3A_84 : memref<640x16xf32, #tpu.memory_space<hbm>>) target(%arg6 : memref<640x16xf32, #tpu.memory_space<vmem>>) target_semaphore(%arg10 : memref<!tpu.dma_semaphore, #tpu.memory_space<semaphore_mem>>)
        %mul3A_85 = arith.constant 5 : i32
        %mul3A_86 = arith.muli %add3A_64, %mul3A_85 : i32
        %add3A_87 = arith.constant 10000 : i32
        %add3A_88 = arith.addi %add3A_87, %mul3A_86 : i32
        %multiple_of3A_89 = tpu.assume_multiple %add3A_88, 5 : i32
        %dma_start3A_90 = arith.constant 0 : i32
        %dma_start3A_91 = tpu.memref_slice %arg3[%multiple_of3A_89, %dma_start3A_90] : memref<25000x128xi32, #tpu.memory_space<hbm>> -> memref<5x128xi32, #tpu.memory_space<hbm>>
        %dma_start3A_92 = arith.constant 0 : i32
        %dma_start3A_93 = tpu.memref_slice %arg3[%multiple_of3A_89, %dma_start3A_92] : memref<25000x128xi32, #tpu.memory_space<hbm>> -> memref<5x128xi32, #tpu.memory_space<hbm>>
        tpu.enqueue_dma source(%dma_start3A_93 : memref<5x128xi32, #tpu.memory_space<hbm>>) target(%arg8 : memref<5x128xi32, #tpu.memory_space<vmem>>) target_semaphore(%arg10 : memref<!tpu.dma_semaphore, #tpu.memory_space<semaphore_mem>>)
      } else {
      }
      %add3A_70 = arith.constant 1 : i32
      %add3A_71 = arith.addi %mul3A_41, %add3A_70 : i32
      %mul3A_72 = arith.constant 32 : i32
      %mul3A_73 = arith.muli %mul3A_72, %add3A_71 : i32
      %add3A_74 = arith.addi %add3A, %mul3A_73 : i32
      %lt3A_75 = arith.constant 1000 : i32
      %lt3A_76 = arith.cmpi slt, %add3A_74, %lt3A_75 : i32
      %convert_element_type3A_77 = arith.extui %lt3A_76 : i1 to i32
      %cond3A_78 = arith.constant 0 : i32
      %cond3A_79 = arith.cmpi ne, %convert_element_type3A_77, %cond3A_78 : i32
      scf.if %cond3A_79 {
        %dma_wait3A = arith.constant 0 : i32
        %dma_wait3A_80 = arith.constant 0 : i32
        %dma_wait3A_81 = tpu.memref_slice %arg2[%dma_wait3A, %dma_wait3A_80] : memref<640000x16xf32, #tpu.memory_space<hbm>> -> memref<640x16xf32, #tpu.memory_space<hbm>>
        %dma_wait3A_82 = arith.constant 0 : i32
        %dma_wait3A_83 = arith.constant 0 : i32
        %dma_wait3A_84 = tpu.memref_slice %arg2[%dma_wait3A_82, %dma_wait3A_83] : memref<640000x16xf32, #tpu.memory_space<hbm>> -> memref<640x16xf32, #tpu.memory_space<hbm>>
        tpu.wait_dma2 semaphore(%arg11 : memref<!tpu.dma_semaphore, #tpu.memory_space<semaphore_mem>>) src(%dma_wait3A_84 : memref<640x16xf32, #tpu.memory_space<hbm>>) dst(%arg7 : memref<640x16xf32, #tpu.memory_space<vmem>>)
        %dma_wait3A_85 = arith.constant 0 : i32
        %dma_wait3A_86 = arith.constant 0 : i32
        %dma_wait3A_87 = tpu.memref_slice %arg3[%dma_wait3A_85, %dma_wait3A_86] : memref<25000x128xi32, #tpu.memory_space<hbm>> -> memref<5x128xi32, #tpu.memory_space<hbm>>
        %dma_wait3A_88 = arith.constant 0 : i32
        %dma_wait3A_89 = arith.constant 0 : i32
        %dma_wait3A_90 = tpu.memref_slice %arg3[%dma_wait3A_88, %dma_wait3A_89] : memref<25000x128xi32, #tpu.memory_space<hbm>> -> memref<5x128xi32, #tpu.memory_space<hbm>>
        tpu.wait_dma2 semaphore(%arg11 : memref<!tpu.dma_semaphore, #tpu.memory_space<semaphore_mem>>) src(%dma_wait3A_90 : memref<5x128xi32, #tpu.memory_space<hbm>>) dst(%arg9 : memref<5x128xi32, #tpu.memory_space<vmem>>)
        %run_scoped3A = arith.constant 0 : i32
        "tpu.region"() ({
          %run_scoped3A_95 = tpu.sem_alloc : memref<!tpu.dma_semaphore, #tpu.memory_space<semaphore_mem>>
          %dma_start3A = arith.constant 0 : i32
          %dma_start3A_96 = arith.constant 0 : i32
          %dma_start3A_97 = tpu.memref_slice %arg7[%dma_start3A, %dma_start3A_96] : memref<640x16xf32, #tpu.memory_space<vmem>> -> memref<128x16xf32, #tpu.memory_space<vmem>>
          %dma_start3A_98 = arith.constant 0 : i32
          %dma_start3A_99 = tpu.memref_slice %arg9[%run_scoped3A, %dma_start3A_98] : memref<5x128xi32, #tpu.memory_space<vmem>> -> memref<1x128xi32, #tpu.memory_space<vmem>>
          %dma_start3A_100 = tpu.memref_squeeze %dma_start3A_99 : memref<1x128xi32, #tpu.memory_space<vmem>> -> memref<128xi32, #tpu.memory_space<vmem>>
          %dma_start3A_101 = arith.constant 0 : i32
          %dma_start3A_102 = arith.constant 0 : i32
          %dma_start3A_103 = tpu.memref_slice %arg5[%dma_start3A_101, %dma_start3A_102] : memref<102400x16xf32, #tpu.memory_space<vmem_shared>> -> memref<102400x16xf32, #tpu.memory_space<vmem_shared>>
          tpu.enqueue_indirect_dma source(%dma_start3A_97 : memref<128x16xf32, #tpu.memory_space<vmem>>) target(%dma_start3A_103 : memref<102400x16xf32, #tpu.memory_space<vmem_shared>>) offsets(%dma_start3A_100 : memref<128xi32, #tpu.memory_space<vmem>>) semaphore(%run_scoped3A_95 : memref<!tpu.dma_semaphore, #tpu.memory_space<semaphore_mem>>) {add = true}
          %dma_wait3A_104 = arith.constant 0 : i32
          %dma_wait3A_105 = arith.constant 0 : i32
          %dma_wait3A_106 = tpu.memref_slice %arg7[%dma_wait3A_104, %dma_wait3A_105] : memref<640x16xf32, #tpu.memory_space<vmem>> -> memref<128x16xf32, #tpu.memory_space<vmem>>
          %dma_wait3A_107 = arith.constant 0 : i32
          %dma_wait3A_108 = tpu.memref_slice %arg9[%run_scoped3A, %dma_wait3A_107] : memref<5x128xi32, #tpu.memory_space<vmem>> -> memref<1x128xi32, #tpu.memory_space<vmem>>
          %dma_wait3A_109 = tpu.memref_squeeze %dma_wait3A_108 : memref<1x128xi32, #tpu.memory_space<vmem>> -> memref<128xi32, #tpu.memory_space<vmem>>
          %dma_wait3A_110 = arith.constant 0 : i32
          %dma_wait3A_111 = arith.constant 0 : i32
          %dma_wait3A_112 = tpu.memref_slice %arg5[%dma_wait3A_110, %dma_wait3A_111] : memref<102400x16xf32, #tpu.memory_space<vmem_shared>> -> memref<102400x16xf32, #tpu.memory_space<vmem_shared>>
          tpu.wait_indirect_dma semaphore(%run_scoped3A_95 : memref<!tpu.dma_semaphore, #tpu.memory_space<semaphore_mem>>) src(%dma_wait3A_106 : memref<128x16xf32, #tpu.memory_space<vmem>>) dst(%dma_wait3A_112 : memref<102400x16xf32, #tpu.memory_space<vmem_shared>>)
          tpu.yield
        }) : () -> ()
        %run_scoped3A_91 = arith.constant 1 : i32
        "tpu.region"() ({
          %run_scoped3A_95 = tpu.sem_alloc : memref<!tpu.dma_semaphore, #tpu.memory_space<semaphore_mem>>
          %dma_start3A = arith.constant 128 : i32
          %dma_start3A_96 = arith.constant 0 : i32
          %dma_start3A_97 = tpu.memref_slice %arg7[%dma_start3A, %dma_start3A_96] : memref<640x16xf32, #tpu.memory_space<vmem>> -> memref<128x16xf32, #tpu.memory_space<vmem>>
          %dma_start3A_98 = arith.constant 0 : i32
          %dma_start3A_99 = tpu.memref_slice %arg9[%run_scoped3A_91, %dma_start3A_98] : memref<5x128xi32, #tpu.memory_space<vmem>> -> memref<1x128xi32, #tpu.memory_space<vmem>>
          %dma_start3A_100 = tpu.memref_squeeze %dma_start3A_99 : memref<1x128xi32, #tpu.memory_space<vmem>> -> memref<128xi32, #tpu.memory_space<vmem>>
          %dma_start3A_101 = arith.constant 0 : i32
          %dma_start3A_102 = arith.constant 0 : i32
          %dma_start3A_103 = tpu.memref_slice %arg5[%dma_start3A_101, %dma_start3A_102] : memref<102400x16xf32, #tpu.memory_space<vmem_shared>> -> memref<102400x16xf32, #tpu.memory_space<vmem_shared>>
          tpu.enqueue_indirect_dma source(%dma_start3A_97 : memref<128x16xf32, #tpu.memory_space<vmem>>) target(%dma_start3A_103 : memref<102400x16xf32, #tpu.memory_space<vmem_shared>>) offsets(%dma_start3A_100 : memref<128xi32, #tpu.memory_space<vmem>>) semaphore(%run_scoped3A_95 : memref<!tpu.dma_semaphore, #tpu.memory_space<semaphore_mem>>) {add = true}
          %dma_wait3A_104 = arith.constant 128 : i32
          %dma_wait3A_105 = arith.constant 0 : i32
          %dma_wait3A_106 = tpu.memref_slice %arg7[%dma_wait3A_104, %dma_wait3A_105] : memref<640x16xf32, #tpu.memory_space<vmem>> -> memref<128x16xf32, #tpu.memory_space<vmem>>
          %dma_wait3A_107 = arith.constant 0 : i32
          %dma_wait3A_108 = tpu.memref_slice %arg9[%run_scoped3A_91, %dma_wait3A_107] : memref<5x128xi32, #tpu.memory_space<vmem>> -> memref<1x128xi32, #tpu.memory_space<vmem>>
          %dma_wait3A_109 = tpu.memref_squeeze %dma_wait3A_108 : memref<1x128xi32, #tpu.memory_space<vmem>> -> memref<128xi32, #tpu.memory_space<vmem>>
          %dma_wait3A_110 = arith.constant 0 : i32
          %dma_wait3A_111 = arith.constant 0 : i32
          %dma_wait3A_112 = tpu.memref_slice %arg5[%dma_wait3A_110, %dma_wait3A_111] : memref<102400x16xf32, #tpu.memory_space<vmem_shared>> -> memref<102400x16xf32, #tpu.memory_space<vmem_shared>>
          tpu.wait_indirect_dma semaphore(%run_scoped3A_95 : memref<!tpu.dma_semaphore, #tpu.memory_space<semaphore_mem>>) src(%dma_wait3A_106 : memref<128x16xf32, #tpu.memory_space<vmem>>) dst(%dma_wait3A_112 : memref<102400x16xf32, #tpu.memory_space<vmem_shared>>)
          tpu.yield
        }) : () -> ()
        %run_scoped3A_92 = arith.constant 2 : i32
        "tpu.region"() ({
          %run_scoped3A_95 = tpu.sem_alloc : memref<!tpu.dma_semaphore, #tpu.memory_space<semaphore_mem>>
          %dma_start3A = arith.constant 256 : i32
          %dma_start3A_96 = arith.constant 0 : i32
          %dma_start3A_97 = tpu.memref_slice %arg7[%dma_start3A, %dma_start3A_96] : memref<640x16xf32, #tpu.memory_space<vmem>> -> memref<128x16xf32, #tpu.memory_space<vmem>>
          %dma_start3A_98 = arith.constant 0 : i32
          %dma_start3A_99 = tpu.memref_slice %arg9[%run_scoped3A_92, %dma_start3A_98] : memref<5x128xi32, #tpu.memory_space<vmem>> -> memref<1x128xi32, #tpu.memory_space<vmem>>
          %dma_start3A_100 = tpu.memref_squeeze %dma_start3A_99 : memref<1x128xi32, #tpu.memory_space<vmem>> -> memref<128xi32, #tpu.memory_space<vmem>>
          %dma_start3A_101 = arith.constant 0 : i32
          %dma_start3A_102 = arith.constant 0 : i32
          %dma_start3A_103 = tpu.memref_slice %arg5[%dma_start3A_101, %dma_start3A_102] : memref<102400x16xf32, #tpu.memory_space<vmem_shared>> -> memref<102400x16xf32, #tpu.memory_space<vmem_shared>>
          tpu.enqueue_indirect_dma source(%dma_start3A_97 : memref<128x16xf32, #tpu.memory_space<vmem>>) target(%dma_start3A_103 : memref<102400x16xf32, #tpu.memory_space<vmem_shared>>) offsets(%dma_start3A_100 : memref<128xi32, #tpu.memory_space<vmem>>) semaphore(%run_scoped3A_95 : memref<!tpu.dma_semaphore, #tpu.memory_space<semaphore_mem>>) {add = true}
          %dma_wait3A_104 = arith.constant 256 : i32
          %dma_wait3A_105 = arith.constant 0 : i32
          %dma_wait3A_106 = tpu.memref_slice %arg7[%dma_wait3A_104, %dma_wait3A_105] : memref<640x16xf32, #tpu.memory_space<vmem>> -> memref<128x16xf32, #tpu.memory_space<vmem>>
          %dma_wait3A_107 = arith.constant 0 : i32
          %dma_wait3A_108 = tpu.memref_slice %arg9[%run_scoped3A_92, %dma_wait3A_107] : memref<5x128xi32, #tpu.memory_space<vmem>> -> memref<1x128xi32, #tpu.memory_space<vmem>>
          %dma_wait3A_109 = tpu.memref_squeeze %dma_wait3A_108 : memref<1x128xi32, #tpu.memory_space<vmem>> -> memref<128xi32, #tpu.memory_space<vmem>>
          %dma_wait3A_110 = arith.constant 0 : i32
          %dma_wait3A_111 = arith.constant 0 : i32
          %dma_wait3A_112 = tpu.memref_slice %arg5[%dma_wait3A_110, %dma_wait3A_111] : memref<102400x16xf32, #tpu.memory_space<vmem_shared>> -> memref<102400x16xf32, #tpu.memory_space<vmem_shared>>
          tpu.wait_indirect_dma semaphore(%run_scoped3A_95 : memref<!tpu.dma_semaphore, #tpu.memory_space<semaphore_mem>>) src(%dma_wait3A_106 : memref<128x16xf32, #tpu.memory_space<vmem>>) dst(%dma_wait3A_112 : memref<102400x16xf32, #tpu.memory_space<vmem_shared>>)
          tpu.yield
        }) : () -> ()
        %run_scoped3A_93 = arith.constant 3 : i32
        "tpu.region"() ({
          %run_scoped3A_95 = tpu.sem_alloc : memref<!tpu.dma_semaphore, #tpu.memory_space<semaphore_mem>>
          %dma_start3A = arith.constant 384 : i32
          %dma_start3A_96 = arith.constant 0 : i32
          %dma_start3A_97 = tpu.memref_slice %arg7[%dma_start3A, %dma_start3A_96] : memref<640x16xf32, #tpu.memory_space<vmem>> -> memref<128x16xf32, #tpu.memory_space<vmem>>
          %dma_start3A_98 = arith.constant 0 : i32
          %dma_start3A_99 = tpu.memref_slice %arg9[%run_scoped3A_93, %dma_start3A_98] : memref<5x128xi32, #tpu.memory_space<vmem>> -> memref<1x128xi32, #tpu.memory_space<vmem>>
          %dma_start3A_100 = tpu.memref_squeeze %dma_start3A_99 : memref<1x128xi32, #tpu.memory_space<vmem>> -> memref<128xi32, #tpu.memory_space<vmem>>
          %dma_start3A_101 = arith.constant 0 : i32
          %dma_start3A_102 = arith.constant 0 : i32
          %dma_start3A_103 = tpu.memref_slice %arg5[%dma_start3A_101, %dma_start3A_102] : memref<102400x16xf32, #tpu.memory_space<vmem_shared>> -> memref<102400x16xf32, #tpu.memory_space<vmem_shared>>
          tpu.enqueue_indirect_dma source(%dma_start3A_97 : memref<128x16xf32, #tpu.memory_space<vmem>>) target(%dma_start3A_103 : memref<102400x16xf32, #tpu.memory_space<vmem_shared>>) offsets(%dma_start3A_100 : memref<128xi32, #tpu.memory_space<vmem>>) semaphore(%run_scoped3A_95 : memref<!tpu.dma_semaphore, #tpu.memory_space<semaphore_mem>>) {add = true}
          %dma_wait3A_104 = arith.constant 384 : i32
          %dma_wait3A_105 = arith.constant 0 : i32
          %dma_wait3A_106 = tpu.memref_slice %arg7[%dma_wait3A_104, %dma_wait3A_105] : memref<640x16xf32, #tpu.memory_space<vmem>> -> memref<128x16xf32, #tpu.memory_space<vmem>>
          %dma_wait3A_107 = arith.constant 0 : i32
          %dma_wait3A_108 = tpu.memref_slice %arg9[%run_scoped3A_93, %dma_wait3A_107] : memref<5x128xi32, #tpu.memory_space<vmem>> -> memref<1x128xi32, #tpu.memory_space<vmem>>
          %dma_wait3A_109 = tpu.memref_squeeze %dma_wait3A_108 : memref<1x128xi32, #tpu.memory_space<vmem>> -> memref<128xi32, #tpu.memory_space<vmem>>
          %dma_wait3A_110 = arith.constant 0 : i32
          %dma_wait3A_111 = arith.constant 0 : i32
          %dma_wait3A_112 = tpu.memref_slice %arg5[%dma_wait3A_110, %dma_wait3A_111] : memref<102400x16xf32, #tpu.memory_space<vmem_shared>> -> memref<102400x16xf32, #tpu.memory_space<vmem_shared>>
          tpu.wait_indirect_dma semaphore(%run_scoped3A_95 : memref<!tpu.dma_semaphore, #tpu.memory_space<semaphore_mem>>) src(%dma_wait3A_106 : memref<128x16xf32, #tpu.memory_space<vmem>>) dst(%dma_wait3A_112 : memref<102400x16xf32, #tpu.memory_space<vmem_shared>>)
          tpu.yield
        }) : () -> ()
        %run_scoped3A_94 = arith.constant 4 : i32
        "tpu.region"() ({
          %run_scoped3A_95 = tpu.sem_alloc : memref<!tpu.dma_semaphore, #tpu.memory_space<semaphore_mem>>
          %dma_start3A = arith.constant 512 : i32
          %dma_start3A_96 = arith.constant 0 : i32
          %dma_start3A_97 = tpu.memref_slice %arg7[%dma_start3A, %dma_start3A_96] : memref<640x16xf32, #tpu.memory_space<vmem>> -> memref<128x16xf32, #tpu.memory_space<vmem>>
          %dma_start3A_98 = arith.constant 0 : i32
          %dma_start3A_99 = tpu.memref_slice %arg9[%run_scoped3A_94, %dma_start3A_98] : memref<5x128xi32, #tpu.memory_space<vmem>> -> memref<1x128xi32, #tpu.memory_space<vmem>>
          %dma_start3A_100 = tpu.memref_squeeze %dma_start3A_99 : memref<1x128xi32, #tpu.memory_space<vmem>> -> memref<128xi32, #tpu.memory_space<vmem>>
          %dma_start3A_101 = arith.constant 0 : i32
          %dma_start3A_102 = arith.constant 0 : i32
          %dma_start3A_103 = tpu.memref_slice %arg5[%dma_start3A_101, %dma_start3A_102] : memref<102400x16xf32, #tpu.memory_space<vmem_shared>> -> memref<102400x16xf32, #tpu.memory_space<vmem_shared>>
          tpu.enqueue_indirect_dma source(%dma_start3A_97 : memref<128x16xf32, #tpu.memory_space<vmem>>) target(%dma_start3A_103 : memref<102400x16xf32, #tpu.memory_space<vmem_shared>>) offsets(%dma_start3A_100 : memref<128xi32, #tpu.memory_space<vmem>>) semaphore(%run_scoped3A_95 : memref<!tpu.dma_semaphore, #tpu.memory_space<semaphore_mem>>) {add = true}
          %dma_wait3A_104 = arith.constant 512 : i32
          %dma_wait3A_105 = arith.constant 0 : i32
          %dma_wait3A_106 = tpu.memref_slice %arg7[%dma_wait3A_104, %dma_wait3A_105] : memref<640x16xf32, #tpu.memory_space<vmem>> -> memref<128x16xf32, #tpu.memory_space<vmem>>
          %dma_wait3A_107 = arith.constant 0 : i32
          %dma_wait3A_108 = tpu.memref_slice %arg9[%run_scoped3A_94, %dma_wait3A_107] : memref<5x128xi32, #tpu.memory_space<vmem>> -> memref<1x128xi32, #tpu.memory_space<vmem>>
          %dma_wait3A_109 = tpu.memref_squeeze %dma_wait3A_108 : memref<1x128xi32, #tpu.memory_space<vmem>> -> memref<128xi32, #tpu.memory_space<vmem>>
          %dma_wait3A_110 = arith.constant 0 : i32
          %dma_wait3A_111 = arith.constant 0 : i32
          %dma_wait3A_112 = tpu.memref_slice %arg5[%dma_wait3A_110, %dma_wait3A_111] : memref<102400x16xf32, #tpu.memory_space<vmem_shared>> -> memref<102400x16xf32, #tpu.memory_space<vmem_shared>>
          tpu.wait_indirect_dma semaphore(%run_scoped3A_95 : memref<!tpu.dma_semaphore, #tpu.memory_space<semaphore_mem>>) src(%dma_wait3A_106 : memref<128x16xf32, #tpu.memory_space<vmem>>) dst(%dma_wait3A_112 : memref<102400x16xf32, #tpu.memory_space<vmem_shared>>)
          tpu.yield
        }) : () -> ()
      } else {
      }
    }
    %scan3A_37 = arith.constant 16 : i32
    %barrier3A_38 = arith.constant 0 : index
    tpu.barrier barrier_id(%barrier3A_38)
    "tpu.region"() ({
      %run_scoped3A = tpu.sem_alloc : memref<!tpu.dma_semaphore, #tpu.memory_space<semaphore_mem>>
      %dma_start3A = arith.constant 0 : i32
      %dma_start3A_39 = arith.constant 0 : i32
      %dma_start3A_40 = tpu.memref_slice %arg4[%arg0, %dma_start3A, %dma_start3A_39] : memref<2x102400x16xf32, #tpu.memory_space<hbm>> -> memref<1x102400x16xf32, #tpu.memory_space<hbm>>
      %dma_start3A_41 = tpu.memref_squeeze %dma_start3A_40 : memref<1x102400x16xf32, #tpu.memory_space<hbm>> -> memref<102400x16xf32, #tpu.memory_space<hbm>>
      %dma_start3A_42 = arith.constant 0 : i32
      %dma_start3A_43 = tpu.memref_slice %dma_start3A_41[%mul3A_7, %dma_start3A_42] : memref<102400x16xf32, #tpu.memory_space<hbm>> -> memref<6400x16xf32, #tpu.memory_space<hbm>>
      %dma_start3A_44 = arith.constant 0 : i32
      %dma_start3A_45 = tpu.memref_slice %arg5[%mul3A_7, %dma_start3A_44] : memref<102400x16xf32, #tpu.memory_space<vmem_shared>> -> memref<6400x16xf32, #tpu.memory_space<vmem_shared>>
      tpu.enqueue_dma source(%dma_start3A_45 : memref<6400x16xf32, #tpu.memory_space<vmem_shared>>) target(%dma_start3A_43 : memref<6400x16xf32, #tpu.memory_space<hbm>>) target_semaphore(%run_scoped3A : memref<!tpu.dma_semaphore, #tpu.memory_space<semaphore_mem>>)
      %dma_wait3A = arith.constant 0 : i32
      %dma_wait3A_46 = arith.constant 0 : i32
      %dma_wait3A_47 = tpu.memref_slice %arg4[%arg0, %dma_wait3A, %dma_wait3A_46] : memref<2x102400x16xf32, #tpu.memory_space<hbm>> -> memref<1x102400x16xf32, #tpu.memory_space<hbm>>
      %dma_wait3A_48 = tpu.memref_squeeze %dma_wait3A_47 : memref<1x102400x16xf32, #tpu.memory_space<hbm>> -> memref<102400x16xf32, #tpu.memory_space<hbm>>
      %dma_wait3A_49 = arith.constant 0 : i32
      %dma_wait3A_50 = tpu.memref_slice %dma_wait3A_48[%mul3A_7, %dma_wait3A_49] : memref<102400x16xf32, #tpu.memory_space<hbm>> -> memref<6400x16xf32, #tpu.memory_space<hbm>>
      %dma_wait3A_51 = arith.constant 0 : i32
      %dma_wait3A_52 = tpu.memref_slice %arg5[%mul3A_7, %dma_wait3A_51] : memref<102400x16xf32, #tpu.memory_space<vmem_shared>> -> memref<6400x16xf32, #tpu.memory_space<vmem_shared>>
      tpu.wait_dma2 semaphore(%run_scoped3A : memref<!tpu.dma_semaphore, #tpu.memory_space<semaphore_mem>>) src(%dma_wait3A_52 : memref<6400x16xf32, #tpu.memory_space<vmem_shared>>) dst(%dma_wait3A_50 : memref<6400x16xf32, #tpu.memory_space<hbm>>)
      tpu.yield
    }) : () -> ()
    return
  }
}

#map = affine_map<(d0, d1) -> (0, 0)>
#map1 = affine_map<(d0, d1) -> (0, 0, 0)>
module attributes {stable_mosaic.version = 14 : i64} {
  func.func @_sc_scatter_body(%arg0: i32, %arg1: i32, %arg2: memref<640000x16xf32, #tpu.memory_space<hbm>>, %arg3: memref<25000x128xi32, #tpu.memory_space<hbm>>, %arg4: memref<2x102400x16xf32, #tpu.memory_space<hbm>>, %arg5: memref<102400x16xf32, #tpu.memory_space<vmem_shared>>, %arg6: memref<640x16xf32, #tpu.memory_space<vmem>>, %arg7: memref<640x16xf32, #tpu.memory_space<vmem>>, %arg8: memref<5x128xi32, #tpu.memory_space<vmem>>, %arg9: memref<5x128xi32, #tpu.memory_space<vmem>>, %arg10: memref<!tpu.dma_semaphore, #tpu.memory_space<semaphore_mem>>, %arg11: memref<!tpu.dma_semaphore, #tpu.memory_space<semaphore_mem>>) attributes {dimension_semantics = [#tpu.dimension_semantics<core_parallel>, #tpu.dimension_semantics<subcore_parallel>], iteration_bounds = array<i64: 2, 16>, scalar_prefetch = 0 : i64, scratch_operands = 7 : i64, tpu.core_type = #tpu.core_type<sc_vector_subcore>, window_params = [{transform_indices = #map}, {transform_indices = #map}, {transform_indices = #map1}]} {
    %mul3A = arith.constant 2 : i32
    %mul3A_0 = arith.muli %arg1, %mul3A : i32
    %add3A = arith.addi %mul3A_0, %arg0 : i32
    %scan3A = arith.constant 0 : i32
    %scan3A_1 = arith.constant 0 : i32
    %scan3A_2 = arith.constant 640 : i32
    %scan3A_3 = arith.addi %scan3A_1, %scan3A_2 : i32
    %scan3A_4 = arith.constant 1 : i32
    scf.for %scan3A_39 = %scan3A_1 to %scan3A_3 step %scan3A_4  : i32 {
      %broadcast_in_dim3A = arith.constant 0.000000e+00 : f32
      %broadcast_in_dim3A_40 = vector.broadcast %broadcast_in_dim3A : f32 to vector<16xf32>
      %swap3A = arith.index_cast %scan3A_39 : i32 to index
      %swap3A_41 = arith.constant 0 : index
      %swap3A_42 = tpu.vector_load %arg6[%swap3A, %swap3A_41] {strides = array<i32>} : memref<640x16xf32, #tpu.memory_space<vmem>>, vector<1x16xf32>,
      %swap3A_43 = vector.shape_cast %swap3A_42 : vector<1x16xf32> to vector<16xf32>
      %swap3A_44 = vector.shape_cast %broadcast_in_dim3A_40 : vector<16xf32> to vector<1x16xf32>
      tpu.vector_store %arg6[%swap3A, %swap3A_41], %swap3A_44 {strides = array<i32>} : memref<640x16xf32, #tpu.memory_space<vmem>>, vector<1x16xf32>,
    }
    %scan3A_5 = arith.constant 640 : i32
    %mul3A_6 = arith.constant 6400 : i32
    %mul3A_7 = arith.muli %arg1, %mul3A_6 : i32
    %add3A_8 = arith.constant 0 : i32
    %add3A_9 = arith.addi %mul3A_7, %add3A_8 : i32
    "tpu.region"() ({
      %run_scoped3A = tpu.sem_alloc : memref<!tpu.dma_semaphore, #tpu.memory_space<semaphore_mem>>
      %dma_start3A = arith.constant 0 : i32
      %dma_start3A_39 = tpu.memref_slice %arg5[%add3A_9, %dma_start3A] : memref<102400x16xf32, #tpu.memory_space<vmem_shared>> -> memref<640x16xf32, #tpu.memory_space<vmem_shared>>
      %dma_start3A_40 = arith.constant 0 : i32
      %dma_start3A_41 = tpu.memref_slice %arg5[%add3A_9, %dma_start3A_40] : memref<102400x16xf32, #tpu.memory_space<vmem_shared>> -> memref<640x16xf32, #tpu.memory_space<vmem_shared>>
      tpu.enqueue_dma source(%arg6 : memref<640x16xf32, #tpu.memory_space<vmem>>) target(%dma_start3A_41 : memref<640x16xf32, #tpu.memory_space<vmem_shared>>) target_semaphore(%run_scoped3A : memref<!tpu.dma_semaphore, #tpu.memory_space<semaphore_mem>>)
      %dma_wait3A = arith.constant 0 : i32
      %dma_wait3A_42 = tpu.memref_slice %arg5[%add3A_9, %dma_wait3A] : memref<102400x16xf32, #tpu.memory_space<vmem_shared>> -> memref<640x16xf32, #tpu.memory_space<vmem_shared>>
      %dma_wait3A_43 = arith.constant 0 : i32
      %dma_wait3A_44 = tpu.memref_slice %arg5[%add3A_9, %dma_wait3A_43] : memref<102400x16xf32, #tpu.memory_space<vmem_shared>> -> memref<640x16xf32, #tpu.memory_space<vmem_shared>>
      tpu.wait_dma2 semaphore(%run_scoped3A : memref<!tpu.dma_semaphore, #tpu.memory_space<semaphore_mem>>) src(%arg6 : memref<640x16xf32, #tpu.memory_space<vmem>>) dst(%dma_wait3A_44 : memref<640x16xf32, #tpu.memory_space<vmem_shared>>)
      tpu.yield
    }) : () -> ()
    %add3A_10 = arith.constant 640 : i32
    %add3A_11 = arith.addi %mul3A_7, %add3A_10 : i32
    "tpu.region"() ({
      %run_scoped3A = tpu.sem_alloc : memref<!tpu.dma_semaphore, #tpu.memory_space<semaphore_mem>>
      %dma_start3A = arith.constant 0 : i32
      %dma_start3A_39 = tpu.memref_slice %arg5[%add3A_11, %dma_start3A] : memref<102400x16xf32, #tpu.memory_space<vmem_shared>> -> memref<640x16xf32, #tpu.memory_space<vmem_shared>>
      %dma_start3A_40 = arith.constant 0 : i32
      %dma_start3A_41 = tpu.memref_slice %arg5[%add3A_11, %dma_start3A_40] : memref<102400x16xf32, #tpu.memory_space<vmem_shared>> -> memref<640x16xf32, #tpu.memory_space<vmem_shared>>
      tpu.enqueue_dma source(%arg6 : memref<640x16xf32, #tpu.memory_space<vmem>>) target(%dma_start3A_41 : memref<640x16xf32, #tpu.memory_space<vmem_shared>>) target_semaphore(%run_scoped3A : memref<!tpu.dma_semaphore, #tpu.memory_space<semaphore_mem>>)
      %dma_wait3A = arith.constant 0 : i32
      %dma_wait3A_42 = tpu.memref_slice %arg5[%add3A_11, %dma_wait3A] : memref<102400x16xf32, #tpu.memory_space<vmem_shared>> -> memref<640x16xf32, #tpu.memory_space<vmem_shared>>
      %dma_wait3A_43 = arith.constant 0 : i32
      %dma_wait3A_44 = tpu.memref_slice %arg5[%add3A_11, %dma_wait3A_43] : memref<102400x16xf32, #tpu.memory_space<vmem_shared>> -> memref<640x16xf32, #tpu.memory_space<vmem_shared>>
      tpu.wait_dma2 semaphore(%run_scoped3A : memref<!tpu.dma_semaphore, #tpu.memory_space<semaphore_mem>>) src(%arg6 : memref<640x16xf32, #tpu.memory_space<vmem>>) dst(%dma_wait3A_44 : memref<640x16xf32, #tpu.memory_space<vmem_shared>>)
      tpu.yield
    }) : () -> ()
    %add3A_12 = arith.constant 1280 : i32
    %add3A_13 = arith.addi %mul3A_7, %add3A_12 : i32
    "tpu.region"() ({
      %run_scoped3A = tpu.sem_alloc : memref<!tpu.dma_semaphore, #tpu.memory_space<semaphore_mem>>
      %dma_start3A = arith.constant 0 : i32
      %dma_start3A_39 = tpu.memref_slice %arg5[%add3A_13, %dma_start3A] : memref<102400x16xf32, #tpu.memory_space<vmem_shared>> -> memref<640x16xf32, #tpu.memory_space<vmem_shared>>
      %dma_start3A_40 = arith.constant 0 : i32
      %dma_start3A_41 = tpu.memref_slice %arg5[%add3A_13, %dma_start3A_40] : memref<102400x16xf32, #tpu.memory_space<vmem_shared>> -> memref<640x16xf32, #tpu.memory_space<vmem_shared>>
      tpu.enqueue_dma source(%arg6 : memref<640x16xf32, #tpu.memory_space<vmem>>) target(%dma_start3A_41 : memref<640x16xf32, #tpu.memory_space<vmem_shared>>) target_semaphore(%run_scoped3A : memref<!tpu.dma_semaphore, #tpu.memory_space<semaphore_mem>>)
      %dma_wait3A = arith.constant 0 : i32
      %dma_wait3A_42 = tpu.memref_slice %arg5[%add3A_13, %dma_wait3A] : memref<102400x16xf32, #tpu.memory_space<vmem_shared>> -> memref<640x16xf32, #tpu.memory_space<vmem_shared>>
      %dma_wait3A_43 = arith.constant 0 : i32
      %dma_wait3A_44 = tpu.memref_slice %arg5[%add3A_13, %dma_wait3A_43] : memref<102400x16xf32, #tpu.memory_space<vmem_shared>> -> memref<640x16xf32, #tpu.memory_space<vmem_shared>>
      tpu.wait_dma2 semaphore(%run_scoped3A : memref<!tpu.dma_semaphore, #tpu.memory_space<semaphore_mem>>) src(%arg6 : memref<640x16xf32, #tpu.memory_space<vmem>>) dst(%dma_wait3A_44 : memref<640x16xf32, #tpu.memory_space<vmem_shared>>)
      tpu.yield
    }) : () -> ()
    %add3A_14 = arith.constant 1920 : i32
    %add3A_15 = arith.addi %mul3A_7, %add3A_14 : i32
    "tpu.region"() ({
      %run_scoped3A = tpu.sem_alloc : memref<!tpu.dma_semaphore, #tpu.memory_space<semaphore_mem>>
      %dma_start3A = arith.constant 0 : i32
      %dma_start3A_39 = tpu.memref_slice %arg5[%add3A_15, %dma_start3A] : memref<102400x16xf32, #tpu.memory_space<vmem_shared>> -> memref<640x16xf32, #tpu.memory_space<vmem_shared>>
      %dma_start3A_40 = arith.constant 0 : i32
      %dma_start3A_41 = tpu.memref_slice %arg5[%add3A_15, %dma_start3A_40] : memref<102400x16xf32, #tpu.memory_space<vmem_shared>> -> memref<640x16xf32, #tpu.memory_space<vmem_shared>>
      tpu.enqueue_dma source(%arg6 : memref<640x16xf32, #tpu.memory_space<vmem>>) target(%dma_start3A_41 : memref<640x16xf32, #tpu.memory_space<vmem_shared>>) target_semaphore(%run_scoped3A : memref<!tpu.dma_semaphore, #tpu.memory_space<semaphore_mem>>)
      %dma_wait3A = arith.constant 0 : i32
      %dma_wait3A_42 = tpu.memref_slice %arg5[%add3A_15, %dma_wait3A] : memref<102400x16xf32, #tpu.memory_space<vmem_shared>> -> memref<640x16xf32, #tpu.memory_space<vmem_shared>>
      %dma_wait3A_43 = arith.constant 0 : i32
      %dma_wait3A_44 = tpu.memref_slice %arg5[%add3A_15, %dma_wait3A_43] : memref<102400x16xf32, #tpu.memory_space<vmem_shared>> -> memref<640x16xf32, #tpu.memory_space<vmem_shared>>
      tpu.wait_dma2 semaphore(%run_scoped3A : memref<!tpu.dma_semaphore, #tpu.memory_space<semaphore_mem>>) src(%arg6 : memref<640x16xf32, #tpu.memory_space<vmem>>) dst(%dma_wait3A_44 : memref<640x16xf32, #tpu.memory_space<vmem_shared>>)
      tpu.yield
    }) : () -> ()
    %add3A_16 = arith.constant 2560 : i32
    %add3A_17 = arith.addi %mul3A_7, %add3A_16 : i32
    "tpu.region"() ({
      %run_scoped3A = tpu.sem_alloc : memref<!tpu.dma_semaphore, #tpu.memory_space<semaphore_mem>>
      %dma_start3A = arith.constant 0 : i32
      %dma_start3A_39 = tpu.memref_slice %arg5[%add3A_17, %dma_start3A] : memref<102400x16xf32, #tpu.memory_space<vmem_shared>> -> memref<640x16xf32, #tpu.memory_space<vmem_shared>>
      %dma_start3A_40 = arith.constant 0 : i32
      %dma_start3A_41 = tpu.memref_slice %arg5[%add3A_17, %dma_start3A_40] : memref<102400x16xf32, #tpu.memory_space<vmem_shared>> -> memref<640x16xf32, #tpu.memory_space<vmem_shared>>
      tpu.enqueue_dma source(%arg6 : memref<640x16xf32, #tpu.memory_space<vmem>>) target(%dma_start3A_41 : memref<640x16xf32, #tpu.memory_space<vmem_shared>>) target_semaphore(%run_scoped3A : memref<!tpu.dma_semaphore, #tpu.memory_space<semaphore_mem>>)
      %dma_wait3A = arith.constant 0 : i32
      %dma_wait3A_42 = tpu.memref_slice %arg5[%add3A_17, %dma_wait3A] : memref<102400x16xf32, #tpu.memory_space<vmem_shared>> -> memref<640x16xf32, #tpu.memory_space<vmem_shared>>
      %dma_wait3A_43 = arith.constant 0 : i32
      %dma_wait3A_44 = tpu.memref_slice %arg5[%add3A_17, %dma_wait3A_43] : memref<102400x16xf32, #tpu.memory_space<vmem_shared>> -> memref<640x16xf32, #tpu.memory_space<vmem_shared>>
      tpu.wait_dma2 semaphore(%run_scoped3A : memref<!tpu.dma_semaphore, #tpu.memory_space<semaphore_mem>>) src(%arg6 : memref<640x16xf32, #tpu.memory_space<vmem>>) dst(%dma_wait3A_44 : memref<640x16xf32, #tpu.memory_space<vmem_shared>>)
      tpu.yield
    }) : () -> ()
    %add3A_18 = arith.constant 3200 : i32
    %add3A_19 = arith.addi %mul3A_7, %add3A_18 : i32
    "tpu.region"() ({
      %run_scoped3A = tpu.sem_alloc : memref<!tpu.dma_semaphore, #tpu.memory_space<semaphore_mem>>
      %dma_start3A = arith.constant 0 : i32
      %dma_start3A_39 = tpu.memref_slice %arg5[%add3A_19, %dma_start3A] : memref<102400x16xf32, #tpu.memory_space<vmem_shared>> -> memref<640x16xf32, #tpu.memory_space<vmem_shared>>
      %dma_start3A_40 = arith.constant 0 : i32
      %dma_start3A_41 = tpu.memref_slice %arg5[%add3A_19, %dma_start3A_40] : memref<102400x16xf32, #tpu.memory_space<vmem_shared>> -> memref<640x16xf32, #tpu.memory_space<vmem_shared>>
      tpu.enqueue_dma source(%arg6 : memref<640x16xf32, #tpu.memory_space<vmem>>) target(%dma_start3A_41 : memref<640x16xf32, #tpu.memory_space<vmem_shared>>) target_semaphore(%run_scoped3A : memref<!tpu.dma_semaphore, #tpu.memory_space<semaphore_mem>>)
      %dma_wait3A = arith.constant 0 : i32
      %dma_wait3A_42 = tpu.memref_slice %arg5[%add3A_19, %dma_wait3A] : memref<102400x16xf32, #tpu.memory_space<vmem_shared>> -> memref<640x16xf32, #tpu.memory_space<vmem_shared>>
      %dma_wait3A_43 = arith.constant 0 : i32
      %dma_wait3A_44 = tpu.memref_slice %arg5[%add3A_19, %dma_wait3A_43] : memref<102400x16xf32, #tpu.memory_space<vmem_shared>> -> memref<640x16xf32, #tpu.memory_space<vmem_shared>>
      tpu.wait_dma2 semaphore(%run_scoped3A : memref<!tpu.dma_semaphore, #tpu.memory_space<semaphore_mem>>) src(%arg6 : memref<640x16xf32, #tpu.memory_space<vmem>>) dst(%dma_wait3A_44 : memref<640x16xf32, #tpu.memory_space<vmem_shared>>)
      tpu.yield
    }) : () -> ()
    %add3A_20 = arith.constant 3840 : i32
    %add3A_21 = arith.addi %mul3A_7, %add3A_20 : i32
    "tpu.region"() ({
      %run_scoped3A = tpu.sem_alloc : memref<!tpu.dma_semaphore, #tpu.memory_space<semaphore_mem>>
      %dma_start3A = arith.constant 0 : i32
      %dma_start3A_39 = tpu.memref_slice %arg5[%add3A_21, %dma_start3A] : memref<102400x16xf32, #tpu.memory_space<vmem_shared>> -> memref<640x16xf32, #tpu.memory_space<vmem_shared>>
      %dma_start3A_40 = arith.constant 0 : i32
      %dma_start3A_41 = tpu.memref_slice %arg5[%add3A_21, %dma_start3A_40] : memref<102400x16xf32, #tpu.memory_space<vmem_shared>> -> memref<640x16xf32, #tpu.memory_space<vmem_shared>>
      tpu.enqueue_dma source(%arg6 : memref<640x16xf32, #tpu.memory_space<vmem>>) target(%dma_start3A_41 : memref<640x16xf32, #tpu.memory_space<vmem_shared>>) target_semaphore(%run_scoped3A : memref<!tpu.dma_semaphore, #tpu.memory_space<semaphore_mem>>)
      %dma_wait3A = arith.constant 0 : i32
      %dma_wait3A_42 = tpu.memref_slice %arg5[%add3A_21, %dma_wait3A] : memref<102400x16xf32, #tpu.memory_space<vmem_shared>> -> memref<640x16xf32, #tpu.memory_space<vmem_shared>>
      %dma_wait3A_43 = arith.constant 0 : i32
      %dma_wait3A_44 = tpu.memref_slice %arg5[%add3A_21, %dma_wait3A_43] : memref<102400x16xf32, #tpu.memory_space<vmem_shared>> -> memref<640x16xf32, #tpu.memory_space<vmem_shared>>
      tpu.wait_dma2 semaphore(%run_scoped3A : memref<!tpu.dma_semaphore, #tpu.memory_space<semaphore_mem>>) src(%arg6 : memref<640x16xf32, #tpu.memory_space<vmem>>) dst(%dma_wait3A_44 : memref<640x16xf32, #tpu.memory_space<vmem_shared>>)
      tpu.yield
    }) : () -> ()
    %add3A_22 = arith.constant 4480 : i32
    %add3A_23 = arith.addi %mul3A_7, %add3A_22 : i32
    "tpu.region"() ({
      %run_scoped3A = tpu.sem_alloc : memref<!tpu.dma_semaphore, #tpu.memory_space<semaphore_mem>>
      %dma_start3A = arith.constant 0 : i32
      %dma_start3A_39 = tpu.memref_slice %arg5[%add3A_23, %dma_start3A] : memref<102400x16xf32, #tpu.memory_space<vmem_shared>> -> memref<640x16xf32, #tpu.memory_space<vmem_shared>>
      %dma_start3A_40 = arith.constant 0 : i32
      %dma_start3A_41 = tpu.memref_slice %arg5[%add3A_23, %dma_start3A_40] : memref<102400x16xf32, #tpu.memory_space<vmem_shared>> -> memref<640x16xf32, #tpu.memory_space<vmem_shared>>
      tpu.enqueue_dma source(%arg6 : memref<640x16xf32, #tpu.memory_space<vmem>>) target(%dma_start3A_41 : memref<640x16xf32, #tpu.memory_space<vmem_shared>>) target_semaphore(%run_scoped3A : memref<!tpu.dma_semaphore, #tpu.memory_space<semaphore_mem>>)
      %dma_wait3A = arith.constant 0 : i32
      %dma_wait3A_42 = tpu.memref_slice %arg5[%add3A_23, %dma_wait3A] : memref<102400x16xf32, #tpu.memory_space<vmem_shared>> -> memref<640x16xf32, #tpu.memory_space<vmem_shared>>
      %dma_wait3A_43 = arith.constant 0 : i32
      %dma_wait3A_44 = tpu.memref_slice %arg5[%add3A_23, %dma_wait3A_43] : memref<102400x16xf32, #tpu.memory_space<vmem_shared>> -> memref<640x16xf32, #tpu.memory_space<vmem_shared>>
      tpu.wait_dma2 semaphore(%run_scoped3A : memref<!tpu.dma_semaphore, #tpu.memory_space<semaphore_mem>>) src(%arg6 : memref<640x16xf32, #tpu.memory_space<vmem>>) dst(%dma_wait3A_44 : memref<640x16xf32, #tpu.memory_space<vmem_shared>>)
      tpu.yield
    }) : () -> ()
    %add3A_24 = arith.constant 5120 : i32
    %add3A_25 = arith.addi %mul3A_7, %add3A_24 : i32
    "tpu.region"() ({
      %run_scoped3A = tpu.sem_alloc : memref<!tpu.dma_semaphore, #tpu.memory_space<semaphore_mem>>
      %dma_start3A = arith.constant 0 : i32
      %dma_start3A_39 = tpu.memref_slice %arg5[%add3A_25, %dma_start3A] : memref<102400x16xf32, #tpu.memory_space<vmem_shared>> -> memref<640x16xf32, #tpu.memory_space<vmem_shared>>
      %dma_start3A_40 = arith.constant 0 : i32
      %dma_start3A_41 = tpu.memref_slice %arg5[%add3A_25, %dma_start3A_40] : memref<102400x16xf32, #tpu.memory_space<vmem_shared>> -> memref<640x16xf32, #tpu.memory_space<vmem_shared>>
      tpu.enqueue_dma source(%arg6 : memref<640x16xf32, #tpu.memory_space<vmem>>) target(%dma_start3A_41 : memref<640x16xf32, #tpu.memory_space<vmem_shared>>) target_semaphore(%run_scoped3A : memref<!tpu.dma_semaphore, #tpu.memory_space<semaphore_mem>>)
      %dma_wait3A = arith.constant 0 : i32
      %dma_wait3A_42 = tpu.memref_slice %arg5[%add3A_25, %dma_wait3A] : memref<102400x16xf32, #tpu.memory_space<vmem_shared>> -> memref<640x16xf32, #tpu.memory_space<vmem_shared>>
      %dma_wait3A_43 = arith.constant 0 : i32
      %dma_wait3A_44 = tpu.memref_slice %arg5[%add3A_25, %dma_wait3A_43] : memref<102400x16xf32, #tpu.memory_space<vmem_shared>> -> memref<640x16xf32, #tpu.memory_space<vmem_shared>>
      tpu.wait_dma2 semaphore(%run_scoped3A : memref<!tpu.dma_semaphore, #tpu.memory_space<semaphore_mem>>) src(%arg6 : memref<640x16xf32, #tpu.memory_space<vmem>>) dst(%dma_wait3A_44 : memref<640x16xf32, #tpu.memory_space<vmem_shared>>)
      tpu.yield
    }) : () -> ()
    %add3A_26 = arith.constant 5760 : i32
    %add3A_27 = arith.addi %mul3A_7, %add3A_26 : i32
    "tpu.region"() ({
      %run_scoped3A = tpu.sem_alloc : memref<!tpu.dma_semaphore, #tpu.memory_space<semaphore_mem>>
      %dma_start3A = arith.constant 0 : i32
      %dma_start3A_39 = tpu.memref_slice %arg5[%add3A_27, %dma_start3A] : memref<102400x16xf32, #tpu.memory_space<vmem_shared>> -> memref<640x16xf32, #tpu.memory_space<vmem_shared>>
      %dma_start3A_40 = arith.constant 0 : i32
      %dma_start3A_41 = tpu.memref_slice %arg5[%add3A_27, %dma_start3A_40] : memref<102400x16xf32, #tpu.memory_space<vmem_shared>> -> memref<640x16xf32, #tpu.memory_space<vmem_shared>>
      tpu.enqueue_dma source(%arg6 : memref<640x16xf32, #tpu.memory_space<vmem>>) target(%dma_start3A_41 : memref<640x16xf32, #tpu.memory_space<vmem_shared>>) target_semaphore(%run_scoped3A : memref<!tpu.dma_semaphore, #tpu.memory_space<semaphore_mem>>)
      %dma_wait3A = arith.constant 0 : i32
      %dma_wait3A_42 = tpu.memref_slice %arg5[%add3A_27, %dma_wait3A] : memref<102400x16xf32, #tpu.memory_space<vmem_shared>> -> memref<640x16xf32, #tpu.memory_space<vmem_shared>>
      %dma_wait3A_43 = arith.constant 0 : i32
      %dma_wait3A_44 = tpu.memref_slice %arg5[%add3A_27, %dma_wait3A_43] : memref<102400x16xf32, #tpu.memory_space<vmem_shared>> -> memref<640x16xf32, #tpu.memory_space<vmem_shared>>
      tpu.wait_dma2 semaphore(%run_scoped3A : memref<!tpu.dma_semaphore, #tpu.memory_space<semaphore_mem>>) src(%arg6 : memref<640x16xf32, #tpu.memory_space<vmem>>) dst(%dma_wait3A_44 : memref<640x16xf32, #tpu.memory_space<vmem_shared>>)
      tpu.yield
    }) : () -> ()
    %barrier3A = arith.constant 0 : index
    tpu.barrier barrier_id(%barrier3A)
    %add3A_28 = arith.constant 0 : i32
    %add3A_29 = arith.addi %add3A, %add3A_28 : i32
    %lt3A = arith.constant 1000 : i32
    %lt3A_30 = arith.cmpi slt, %add3A_29, %lt3A : i32
    %convert_element_type3A = arith.extui %lt3A_30 : i1 to i32
    %cond3A = arith.constant 0 : i32
    %cond3A_31 = arith.cmpi ne, %convert_element_type3A, %cond3A : i32
    scf.if %cond3A_31 {
      %mul3A_39 = arith.constant 640 : i32
      %mul3A_40 = arith.muli %add3A_29, %mul3A_39 : i32
      %multiple_of3A = tpu.assume_multiple %mul3A_40, 640 : i32
      %dma_start3A = arith.constant 0 : i32
      %dma_start3A_41 = tpu.memref_slice %arg2[%multiple_of3A, %dma_start3A] : memref<640000x16xf32, #tpu.memory_space<hbm>> -> memref<640x16xf32, #tpu.memory_space<hbm>>
      %dma_start3A_42 = arith.constant 0 : i32
      %dma_start3A_43 = tpu.memref_slice %arg2[%multiple_of3A, %dma_start3A_42] : memref<640000x16xf32, #tpu.memory_space<hbm>> -> memref<640x16xf32, #tpu.memory_space<hbm>>
      tpu.enqueue_dma source(%dma_start3A_43 : memref<640x16xf32, #tpu.memory_space<hbm>>) target(%arg6 : memref<640x16xf32, #tpu.memory_space<vmem>>) target_semaphore(%arg10 : memref<!tpu.dma_semaphore, #tpu.memory_space<semaphore_mem>>)
      %mul3A_44 = arith.constant 5 : i32
      %mul3A_45 = arith.muli %add3A_29, %mul3A_44 : i32
      %add3A_46 = arith.constant 15000 : i32
      %add3A_47 = arith.addi %add3A_46, %mul3A_45 : i32
      %multiple_of3A_48 = tpu.assume_multiple %add3A_47, 5 : i32
      %dma_start3A_49 = arith.constant 0 : i32
      %dma_start3A_50 = tpu.memref_slice %arg3[%multiple_of3A_48, %dma_start3A_49] : memref<25000x128xi32, #tpu.memory_space<hbm>> -> memref<5x128xi32, #tpu.memory_space<hbm>>
      %dma_start3A_51 = arith.constant 0 : i32
      %dma_start3A_52 = tpu.memref_slice %arg3[%multiple_of3A_48, %dma_start3A_51] : memref<25000x128xi32, #tpu.memory_space<hbm>> -> memref<5x128xi32, #tpu.memory_space<hbm>>
      tpu.enqueue_dma source(%dma_start3A_52 : memref<5x128xi32, #tpu.memory_space<hbm>>) target(%arg8 : memref<5x128xi32, #tpu.memory_space<vmem>>) target_semaphore(%arg10 : memref<!tpu.dma_semaphore, #tpu.memory_space<semaphore_mem>>)
    } else {
    }
    %scan3A_32 = arith.constant 0 : i32
    %scan3A_33 = arith.constant 0 : i32
    %scan3A_34 = arith.constant 16 : i32
    %scan3A_35 = arith.addi %scan3A_33, %scan3A_34 : i32
    %scan3A_36 = arith.constant 1 : i32
    scf.for %scan3A_39 = %scan3A_33 to %scan3A_35 step %scan3A_36  : i32 {
      %mul3A_40 = arith.constant 2 : i32
      %mul3A_41 = arith.muli %scan3A_39, %mul3A_40 : i32
      %add3A_42 = arith.constant 1 : i32
      %add3A_43 = arith.addi %mul3A_41, %add3A_42 : i32
      %mul3A_44 = arith.constant 32 : i32
      %mul3A_45 = arith.muli %mul3A_44, %add3A_43 : i32
      %add3A_46 = arith.addi %add3A, %mul3A_45 : i32
      %lt3A_47 = arith.constant 1000 : i32
      %lt3A_48 = arith.cmpi slt, %add3A_46, %lt3A_47 : i32
      %convert_element_type3A_49 = arith.extui %lt3A_48 : i1 to i32
      %cond3A_50 = arith.constant 0 : i32
      %cond3A_51 = arith.cmpi ne, %convert_element_type3A_49, %cond3A_50 : i32
      scf.if %cond3A_51 {
        %mul3A_80 = arith.constant 640 : i32
        %mul3A_81 = arith.muli %add3A_46, %mul3A_80 : i32
        %multiple_of3A = tpu.assume_multiple %mul3A_81, 640 : i32
        %dma_start3A = arith.constant 0 : i32
        %dma_start3A_82 = tpu.memref_slice %arg2[%multiple_of3A, %dma_start3A] : memref<640000x16xf32, #tpu.memory_space<hbm>> -> memref<640x16xf32, #tpu.memory_space<hbm>>
        %dma_start3A_83 = arith.constant 0 : i32
        %dma_start3A_84 = tpu.memref_slice %arg2[%multiple_of3A, %dma_start3A_83] : memref<640000x16xf32, #tpu.memory_space<hbm>> -> memref<640x16xf32, #tpu.memory_space<hbm>>
        tpu.enqueue_dma source(%dma_start3A_84 : memref<640x16xf32, #tpu.memory_space<hbm>>) target(%arg7 : memref<640x16xf32, #tpu.memory_space<vmem>>) target_semaphore(%arg11 : memref<!tpu.dma_semaphore, #tpu.memory_space<semaphore_mem>>)
        %mul3A_85 = arith.constant 5 : i32
        %mul3A_86 = arith.muli %add3A_46, %mul3A_85 : i32
        %add3A_87 = arith.constant 15000 : i32
        %add3A_88 = arith.addi %add3A_87, %mul3A_86 : i32
        %multiple_of3A_89 = tpu.assume_multiple %add3A_88, 5 : i32
        %dma_start3A_90 = arith.constant 0 : i32
        %dma_start3A_91 = tpu.memref_slice %arg3[%multiple_of3A_89, %dma_start3A_90] : memref<25000x128xi32, #tpu.memory_space<hbm>> -> memref<5x128xi32, #tpu.memory_space<hbm>>
        %dma_start3A_92 = arith.constant 0 : i32
        %dma_start3A_93 = tpu.memref_slice %arg3[%multiple_of3A_89, %dma_start3A_92] : memref<25000x128xi32, #tpu.memory_space<hbm>> -> memref<5x128xi32, #tpu.memory_space<hbm>>
        tpu.enqueue_dma source(%dma_start3A_93 : memref<5x128xi32, #tpu.memory_space<hbm>>) target(%arg9 : memref<5x128xi32, #tpu.memory_space<vmem>>) target_semaphore(%arg11 : memref<!tpu.dma_semaphore, #tpu.memory_space<semaphore_mem>>)
      } else {
      }
      %mul3A_52 = arith.constant 32 : i32
      %mul3A_53 = arith.muli %mul3A_52, %mul3A_41 : i32
      %add3A_54 = arith.addi %add3A, %mul3A_53 : i32
      %lt3A_55 = arith.constant 1000 : i32
      %lt3A_56 = arith.cmpi slt, %add3A_54, %lt3A_55 : i32
      %convert_element_type3A_57 = arith.extui %lt3A_56 : i1 to i32
      %cond3A_58 = arith.constant 0 : i32
      %cond3A_59 = arith.cmpi ne, %convert_element_type3A_57, %cond3A_58 : i32
      scf.if %cond3A_59 {
        %dma_wait3A = arith.constant 0 : i32
        %dma_wait3A_80 = arith.constant 0 : i32
        %dma_wait3A_81 = tpu.memref_slice %arg2[%dma_wait3A, %dma_wait3A_80] : memref<640000x16xf32, #tpu.memory_space<hbm>> -> memref<640x16xf32, #tpu.memory_space<hbm>>
        %dma_wait3A_82 = arith.constant 0 : i32
        %dma_wait3A_83 = arith.constant 0 : i32
        %dma_wait3A_84 = tpu.memref_slice %arg2[%dma_wait3A_82, %dma_wait3A_83] : memref<640000x16xf32, #tpu.memory_space<hbm>> -> memref<640x16xf32, #tpu.memory_space<hbm>>
        tpu.wait_dma2 semaphore(%arg10 : memref<!tpu.dma_semaphore, #tpu.memory_space<semaphore_mem>>) src(%dma_wait3A_84 : memref<640x16xf32, #tpu.memory_space<hbm>>) dst(%arg6 : memref<640x16xf32, #tpu.memory_space<vmem>>)
        %dma_wait3A_85 = arith.constant 0 : i32
        %dma_wait3A_86 = arith.constant 0 : i32
        %dma_wait3A_87 = tpu.memref_slice %arg3[%dma_wait3A_85, %dma_wait3A_86] : memref<25000x128xi32, #tpu.memory_space<hbm>> -> memref<5x128xi32, #tpu.memory_space<hbm>>
        %dma_wait3A_88 = arith.constant 0 : i32
        %dma_wait3A_89 = arith.constant 0 : i32
        %dma_wait3A_90 = tpu.memref_slice %arg3[%dma_wait3A_88, %dma_wait3A_89] : memref<25000x128xi32, #tpu.memory_space<hbm>> -> memref<5x128xi32, #tpu.memory_space<hbm>>
        tpu.wait_dma2 semaphore(%arg10 : memref<!tpu.dma_semaphore, #tpu.memory_space<semaphore_mem>>) src(%dma_wait3A_90 : memref<5x128xi32, #tpu.memory_space<hbm>>) dst(%arg8 : memref<5x128xi32, #tpu.memory_space<vmem>>)
        %run_scoped3A = arith.constant 0 : i32
        "tpu.region"() ({
          %run_scoped3A_95 = tpu.sem_alloc : memref<!tpu.dma_semaphore, #tpu.memory_space<semaphore_mem>>
          %dma_start3A = arith.constant 0 : i32
          %dma_start3A_96 = arith.constant 0 : i32
          %dma_start3A_97 = tpu.memref_slice %arg6[%dma_start3A, %dma_start3A_96] : memref<640x16xf32, #tpu.memory_space<vmem>> -> memref<128x16xf32, #tpu.memory_space<vmem>>
          %dma_start3A_98 = arith.constant 0 : i32
          %dma_start3A_99 = tpu.memref_slice %arg8[%run_scoped3A, %dma_start3A_98] : memref<5x128xi32, #tpu.memory_space<vmem>> -> memref<1x128xi32, #tpu.memory_space<vmem>>
          %dma_start3A_100 = tpu.memref_squeeze %dma_start3A_99 : memref<1x128xi32, #tpu.memory_space<vmem>> -> memref<128xi32, #tpu.memory_space<vmem>>
          %dma_start3A_101 = arith.constant 0 : i32
          %dma_start3A_102 = arith.constant 0 : i32
          %dma_start3A_103 = tpu.memref_slice %arg5[%dma_start3A_101, %dma_start3A_102] : memref<102400x16xf32, #tpu.memory_space<vmem_shared>> -> memref<102400x16xf32, #tpu.memory_space<vmem_shared>>
          tpu.enqueue_indirect_dma source(%dma_start3A_97 : memref<128x16xf32, #tpu.memory_space<vmem>>) target(%dma_start3A_103 : memref<102400x16xf32, #tpu.memory_space<vmem_shared>>) offsets(%dma_start3A_100 : memref<128xi32, #tpu.memory_space<vmem>>) semaphore(%run_scoped3A_95 : memref<!tpu.dma_semaphore, #tpu.memory_space<semaphore_mem>>) {add = true}
          %dma_wait3A_104 = arith.constant 0 : i32
          %dma_wait3A_105 = arith.constant 0 : i32
          %dma_wait3A_106 = tpu.memref_slice %arg6[%dma_wait3A_104, %dma_wait3A_105] : memref<640x16xf32, #tpu.memory_space<vmem>> -> memref<128x16xf32, #tpu.memory_space<vmem>>
          %dma_wait3A_107 = arith.constant 0 : i32
          %dma_wait3A_108 = tpu.memref_slice %arg8[%run_scoped3A, %dma_wait3A_107] : memref<5x128xi32, #tpu.memory_space<vmem>> -> memref<1x128xi32, #tpu.memory_space<vmem>>
          %dma_wait3A_109 = tpu.memref_squeeze %dma_wait3A_108 : memref<1x128xi32, #tpu.memory_space<vmem>> -> memref<128xi32, #tpu.memory_space<vmem>>
          %dma_wait3A_110 = arith.constant 0 : i32
          %dma_wait3A_111 = arith.constant 0 : i32
          %dma_wait3A_112 = tpu.memref_slice %arg5[%dma_wait3A_110, %dma_wait3A_111] : memref<102400x16xf32, #tpu.memory_space<vmem_shared>> -> memref<102400x16xf32, #tpu.memory_space<vmem_shared>>
          tpu.wait_indirect_dma semaphore(%run_scoped3A_95 : memref<!tpu.dma_semaphore, #tpu.memory_space<semaphore_mem>>) src(%dma_wait3A_106 : memref<128x16xf32, #tpu.memory_space<vmem>>) dst(%dma_wait3A_112 : memref<102400x16xf32, #tpu.memory_space<vmem_shared>>)
          tpu.yield
        }) : () -> ()
        %run_scoped3A_91 = arith.constant 1 : i32
        "tpu.region"() ({
          %run_scoped3A_95 = tpu.sem_alloc : memref<!tpu.dma_semaphore, #tpu.memory_space<semaphore_mem>>
          %dma_start3A = arith.constant 128 : i32
          %dma_start3A_96 = arith.constant 0 : i32
          %dma_start3A_97 = tpu.memref_slice %arg6[%dma_start3A, %dma_start3A_96] : memref<640x16xf32, #tpu.memory_space<vmem>> -> memref<128x16xf32, #tpu.memory_space<vmem>>
          %dma_start3A_98 = arith.constant 0 : i32
          %dma_start3A_99 = tpu.memref_slice %arg8[%run_scoped3A_91, %dma_start3A_98] : memref<5x128xi32, #tpu.memory_space<vmem>> -> memref<1x128xi32, #tpu.memory_space<vmem>>
          %dma_start3A_100 = tpu.memref_squeeze %dma_start3A_99 : memref<1x128xi32, #tpu.memory_space<vmem>> -> memref<128xi32, #tpu.memory_space<vmem>>
          %dma_start3A_101 = arith.constant 0 : i32
          %dma_start3A_102 = arith.constant 0 : i32
          %dma_start3A_103 = tpu.memref_slice %arg5[%dma_start3A_101, %dma_start3A_102] : memref<102400x16xf32, #tpu.memory_space<vmem_shared>> -> memref<102400x16xf32, #tpu.memory_space<vmem_shared>>
          tpu.enqueue_indirect_dma source(%dma_start3A_97 : memref<128x16xf32, #tpu.memory_space<vmem>>) target(%dma_start3A_103 : memref<102400x16xf32, #tpu.memory_space<vmem_shared>>) offsets(%dma_start3A_100 : memref<128xi32, #tpu.memory_space<vmem>>) semaphore(%run_scoped3A_95 : memref<!tpu.dma_semaphore, #tpu.memory_space<semaphore_mem>>) {add = true}
          %dma_wait3A_104 = arith.constant 128 : i32
          %dma_wait3A_105 = arith.constant 0 : i32
          %dma_wait3A_106 = tpu.memref_slice %arg6[%dma_wait3A_104, %dma_wait3A_105] : memref<640x16xf32, #tpu.memory_space<vmem>> -> memref<128x16xf32, #tpu.memory_space<vmem>>
          %dma_wait3A_107 = arith.constant 0 : i32
          %dma_wait3A_108 = tpu.memref_slice %arg8[%run_scoped3A_91, %dma_wait3A_107] : memref<5x128xi32, #tpu.memory_space<vmem>> -> memref<1x128xi32, #tpu.memory_space<vmem>>
          %dma_wait3A_109 = tpu.memref_squeeze %dma_wait3A_108 : memref<1x128xi32, #tpu.memory_space<vmem>> -> memref<128xi32, #tpu.memory_space<vmem>>
          %dma_wait3A_110 = arith.constant 0 : i32
          %dma_wait3A_111 = arith.constant 0 : i32
          %dma_wait3A_112 = tpu.memref_slice %arg5[%dma_wait3A_110, %dma_wait3A_111] : memref<102400x16xf32, #tpu.memory_space<vmem_shared>> -> memref<102400x16xf32, #tpu.memory_space<vmem_shared>>
          tpu.wait_indirect_dma semaphore(%run_scoped3A_95 : memref<!tpu.dma_semaphore, #tpu.memory_space<semaphore_mem>>) src(%dma_wait3A_106 : memref<128x16xf32, #tpu.memory_space<vmem>>) dst(%dma_wait3A_112 : memref<102400x16xf32, #tpu.memory_space<vmem_shared>>)
          tpu.yield
        }) : () -> ()
        %run_scoped3A_92 = arith.constant 2 : i32
        "tpu.region"() ({
          %run_scoped3A_95 = tpu.sem_alloc : memref<!tpu.dma_semaphore, #tpu.memory_space<semaphore_mem>>
          %dma_start3A = arith.constant 256 : i32
          %dma_start3A_96 = arith.constant 0 : i32
          %dma_start3A_97 = tpu.memref_slice %arg6[%dma_start3A, %dma_start3A_96] : memref<640x16xf32, #tpu.memory_space<vmem>> -> memref<128x16xf32, #tpu.memory_space<vmem>>
          %dma_start3A_98 = arith.constant 0 : i32
          %dma_start3A_99 = tpu.memref_slice %arg8[%run_scoped3A_92, %dma_start3A_98] : memref<5x128xi32, #tpu.memory_space<vmem>> -> memref<1x128xi32, #tpu.memory_space<vmem>>
          %dma_start3A_100 = tpu.memref_squeeze %dma_start3A_99 : memref<1x128xi32, #tpu.memory_space<vmem>> -> memref<128xi32, #tpu.memory_space<vmem>>
          %dma_start3A_101 = arith.constant 0 : i32
          %dma_start3A_102 = arith.constant 0 : i32
          %dma_start3A_103 = tpu.memref_slice %arg5[%dma_start3A_101, %dma_start3A_102] : memref<102400x16xf32, #tpu.memory_space<vmem_shared>> -> memref<102400x16xf32, #tpu.memory_space<vmem_shared>>
          tpu.enqueue_indirect_dma source(%dma_start3A_97 : memref<128x16xf32, #tpu.memory_space<vmem>>) target(%dma_start3A_103 : memref<102400x16xf32, #tpu.memory_space<vmem_shared>>) offsets(%dma_start3A_100 : memref<128xi32, #tpu.memory_space<vmem>>) semaphore(%run_scoped3A_95 : memref<!tpu.dma_semaphore, #tpu.memory_space<semaphore_mem>>) {add = true}
          %dma_wait3A_104 = arith.constant 256 : i32
          %dma_wait3A_105 = arith.constant 0 : i32
          %dma_wait3A_106 = tpu.memref_slice %arg6[%dma_wait3A_104, %dma_wait3A_105] : memref<640x16xf32, #tpu.memory_space<vmem>> -> memref<128x16xf32, #tpu.memory_space<vmem>>
          %dma_wait3A_107 = arith.constant 0 : i32
          %dma_wait3A_108 = tpu.memref_slice %arg8[%run_scoped3A_92, %dma_wait3A_107] : memref<5x128xi32, #tpu.memory_space<vmem>> -> memref<1x128xi32, #tpu.memory_space<vmem>>
          %dma_wait3A_109 = tpu.memref_squeeze %dma_wait3A_108 : memref<1x128xi32, #tpu.memory_space<vmem>> -> memref<128xi32, #tpu.memory_space<vmem>>
          %dma_wait3A_110 = arith.constant 0 : i32
          %dma_wait3A_111 = arith.constant 0 : i32
          %dma_wait3A_112 = tpu.memref_slice %arg5[%dma_wait3A_110, %dma_wait3A_111] : memref<102400x16xf32, #tpu.memory_space<vmem_shared>> -> memref<102400x16xf32, #tpu.memory_space<vmem_shared>>
          tpu.wait_indirect_dma semaphore(%run_scoped3A_95 : memref<!tpu.dma_semaphore, #tpu.memory_space<semaphore_mem>>) src(%dma_wait3A_106 : memref<128x16xf32, #tpu.memory_space<vmem>>) dst(%dma_wait3A_112 : memref<102400x16xf32, #tpu.memory_space<vmem_shared>>)
          tpu.yield
        }) : () -> ()
        %run_scoped3A_93 = arith.constant 3 : i32
        "tpu.region"() ({
          %run_scoped3A_95 = tpu.sem_alloc : memref<!tpu.dma_semaphore, #tpu.memory_space<semaphore_mem>>
          %dma_start3A = arith.constant 384 : i32
          %dma_start3A_96 = arith.constant 0 : i32
          %dma_start3A_97 = tpu.memref_slice %arg6[%dma_start3A, %dma_start3A_96] : memref<640x16xf32, #tpu.memory_space<vmem>> -> memref<128x16xf32, #tpu.memory_space<vmem>>
          %dma_start3A_98 = arith.constant 0 : i32
          %dma_start3A_99 = tpu.memref_slice %arg8[%run_scoped3A_93, %dma_start3A_98] : memref<5x128xi32, #tpu.memory_space<vmem>> -> memref<1x128xi32, #tpu.memory_space<vmem>>
          %dma_start3A_100 = tpu.memref_squeeze %dma_start3A_99 : memref<1x128xi32, #tpu.memory_space<vmem>> -> memref<128xi32, #tpu.memory_space<vmem>>
          %dma_start3A_101 = arith.constant 0 : i32
          %dma_start3A_102 = arith.constant 0 : i32
          %dma_start3A_103 = tpu.memref_slice %arg5[%dma_start3A_101, %dma_start3A_102] : memref<102400x16xf32, #tpu.memory_space<vmem_shared>> -> memref<102400x16xf32, #tpu.memory_space<vmem_shared>>
          tpu.enqueue_indirect_dma source(%dma_start3A_97 : memref<128x16xf32, #tpu.memory_space<vmem>>) target(%dma_start3A_103 : memref<102400x16xf32, #tpu.memory_space<vmem_shared>>) offsets(%dma_start3A_100 : memref<128xi32, #tpu.memory_space<vmem>>) semaphore(%run_scoped3A_95 : memref<!tpu.dma_semaphore, #tpu.memory_space<semaphore_mem>>) {add = true}
          %dma_wait3A_104 = arith.constant 384 : i32
          %dma_wait3A_105 = arith.constant 0 : i32
          %dma_wait3A_106 = tpu.memref_slice %arg6[%dma_wait3A_104, %dma_wait3A_105] : memref<640x16xf32, #tpu.memory_space<vmem>> -> memref<128x16xf32, #tpu.memory_space<vmem>>
          %dma_wait3A_107 = arith.constant 0 : i32
          %dma_wait3A_108 = tpu.memref_slice %arg8[%run_scoped3A_93, %dma_wait3A_107] : memref<5x128xi32, #tpu.memory_space<vmem>> -> memref<1x128xi32, #tpu.memory_space<vmem>>
          %dma_wait3A_109 = tpu.memref_squeeze %dma_wait3A_108 : memref<1x128xi32, #tpu.memory_space<vmem>> -> memref<128xi32, #tpu.memory_space<vmem>>
          %dma_wait3A_110 = arith.constant 0 : i32
          %dma_wait3A_111 = arith.constant 0 : i32
          %dma_wait3A_112 = tpu.memref_slice %arg5[%dma_wait3A_110, %dma_wait3A_111] : memref<102400x16xf32, #tpu.memory_space<vmem_shared>> -> memref<102400x16xf32, #tpu.memory_space<vmem_shared>>
          tpu.wait_indirect_dma semaphore(%run_scoped3A_95 : memref<!tpu.dma_semaphore, #tpu.memory_space<semaphore_mem>>) src(%dma_wait3A_106 : memref<128x16xf32, #tpu.memory_space<vmem>>) dst(%dma_wait3A_112 : memref<102400x16xf32, #tpu.memory_space<vmem_shared>>)
          tpu.yield
        }) : () -> ()
        %run_scoped3A_94 = arith.constant 4 : i32
        "tpu.region"() ({
          %run_scoped3A_95 = tpu.sem_alloc : memref<!tpu.dma_semaphore, #tpu.memory_space<semaphore_mem>>
          %dma_start3A = arith.constant 512 : i32
          %dma_start3A_96 = arith.constant 0 : i32
          %dma_start3A_97 = tpu.memref_slice %arg6[%dma_start3A, %dma_start3A_96] : memref<640x16xf32, #tpu.memory_space<vmem>> -> memref<128x16xf32, #tpu.memory_space<vmem>>
          %dma_start3A_98 = arith.constant 0 : i32
          %dma_start3A_99 = tpu.memref_slice %arg8[%run_scoped3A_94, %dma_start3A_98] : memref<5x128xi32, #tpu.memory_space<vmem>> -> memref<1x128xi32, #tpu.memory_space<vmem>>
          %dma_start3A_100 = tpu.memref_squeeze %dma_start3A_99 : memref<1x128xi32, #tpu.memory_space<vmem>> -> memref<128xi32, #tpu.memory_space<vmem>>
          %dma_start3A_101 = arith.constant 0 : i32
          %dma_start3A_102 = arith.constant 0 : i32
          %dma_start3A_103 = tpu.memref_slice %arg5[%dma_start3A_101, %dma_start3A_102] : memref<102400x16xf32, #tpu.memory_space<vmem_shared>> -> memref<102400x16xf32, #tpu.memory_space<vmem_shared>>
          tpu.enqueue_indirect_dma source(%dma_start3A_97 : memref<128x16xf32, #tpu.memory_space<vmem>>) target(%dma_start3A_103 : memref<102400x16xf32, #tpu.memory_space<vmem_shared>>) offsets(%dma_start3A_100 : memref<128xi32, #tpu.memory_space<vmem>>) semaphore(%run_scoped3A_95 : memref<!tpu.dma_semaphore, #tpu.memory_space<semaphore_mem>>) {add = true}
          %dma_wait3A_104 = arith.constant 512 : i32
          %dma_wait3A_105 = arith.constant 0 : i32
          %dma_wait3A_106 = tpu.memref_slice %arg6[%dma_wait3A_104, %dma_wait3A_105] : memref<640x16xf32, #tpu.memory_space<vmem>> -> memref<128x16xf32, #tpu.memory_space<vmem>>
          %dma_wait3A_107 = arith.constant 0 : i32
          %dma_wait3A_108 = tpu.memref_slice %arg8[%run_scoped3A_94, %dma_wait3A_107] : memref<5x128xi32, #tpu.memory_space<vmem>> -> memref<1x128xi32, #tpu.memory_space<vmem>>
          %dma_wait3A_109 = tpu.memref_squeeze %dma_wait3A_108 : memref<1x128xi32, #tpu.memory_space<vmem>> -> memref<128xi32, #tpu.memory_space<vmem>>
          %dma_wait3A_110 = arith.constant 0 : i32
          %dma_wait3A_111 = arith.constant 0 : i32
          %dma_wait3A_112 = tpu.memref_slice %arg5[%dma_wait3A_110, %dma_wait3A_111] : memref<102400x16xf32, #tpu.memory_space<vmem_shared>> -> memref<102400x16xf32, #tpu.memory_space<vmem_shared>>
          tpu.wait_indirect_dma semaphore(%run_scoped3A_95 : memref<!tpu.dma_semaphore, #tpu.memory_space<semaphore_mem>>) src(%dma_wait3A_106 : memref<128x16xf32, #tpu.memory_space<vmem>>) dst(%dma_wait3A_112 : memref<102400x16xf32, #tpu.memory_space<vmem_shared>>)
          tpu.yield
        }) : () -> ()
      } else {
      }
      %add3A_60 = arith.constant 2 : i32
      %add3A_61 = arith.addi %mul3A_41, %add3A_60 : i32
      %mul3A_62 = arith.constant 32 : i32
      %mul3A_63 = arith.muli %mul3A_62, %add3A_61 : i32
      %add3A_64 = arith.addi %add3A, %mul3A_63 : i32
      %lt3A_65 = arith.constant 1000 : i32
      %lt3A_66 = arith.cmpi slt, %add3A_64, %lt3A_65 : i32
      %convert_element_type3A_67 = arith.extui %lt3A_66 : i1 to i32
      %cond3A_68 = arith.constant 0 : i32
      %cond3A_69 = arith.cmpi ne, %convert_element_type3A_67, %cond3A_68 : i32
      scf.if %cond3A_69 {
        %mul3A_80 = arith.constant 640 : i32
        %mul3A_81 = arith.muli %add3A_64, %mul3A_80 : i32
        %multiple_of3A = tpu.assume_multiple %mul3A_81, 640 : i32
        %dma_start3A = arith.constant 0 : i32
        %dma_start3A_82 = tpu.memref_slice %arg2[%multiple_of3A, %dma_start3A] : memref<640000x16xf32, #tpu.memory_space<hbm>> -> memref<640x16xf32, #tpu.memory_space<hbm>>
        %dma_start3A_83 = arith.constant 0 : i32
        %dma_start3A_84 = tpu.memref_slice %arg2[%multiple_of3A, %dma_start3A_83] : memref<640000x16xf32, #tpu.memory_space<hbm>> -> memref<640x16xf32, #tpu.memory_space<hbm>>
        tpu.enqueue_dma source(%dma_start3A_84 : memref<640x16xf32, #tpu.memory_space<hbm>>) target(%arg6 : memref<640x16xf32, #tpu.memory_space<vmem>>) target_semaphore(%arg10 : memref<!tpu.dma_semaphore, #tpu.memory_space<semaphore_mem>>)
        %mul3A_85 = arith.constant 5 : i32
        %mul3A_86 = arith.muli %add3A_64, %mul3A_85 : i32
        %add3A_87 = arith.constant 15000 : i32
        %add3A_88 = arith.addi %add3A_87, %mul3A_86 : i32
        %multiple_of3A_89 = tpu.assume_multiple %add3A_88, 5 : i32
        %dma_start3A_90 = arith.constant 0 : i32
        %dma_start3A_91 = tpu.memref_slice %arg3[%multiple_of3A_89, %dma_start3A_90] : memref<25000x128xi32, #tpu.memory_space<hbm>> -> memref<5x128xi32, #tpu.memory_space<hbm>>
        %dma_start3A_92 = arith.constant 0 : i32
        %dma_start3A_93 = tpu.memref_slice %arg3[%multiple_of3A_89, %dma_start3A_92] : memref<25000x128xi32, #tpu.memory_space<hbm>> -> memref<5x128xi32, #tpu.memory_space<hbm>>
        tpu.enqueue_dma source(%dma_start3A_93 : memref<5x128xi32, #tpu.memory_space<hbm>>) target(%arg8 : memref<5x128xi32, #tpu.memory_space<vmem>>) target_semaphore(%arg10 : memref<!tpu.dma_semaphore, #tpu.memory_space<semaphore_mem>>)
      } else {
      }
      %add3A_70 = arith.constant 1 : i32
      %add3A_71 = arith.addi %mul3A_41, %add3A_70 : i32
      %mul3A_72 = arith.constant 32 : i32
      %mul3A_73 = arith.muli %mul3A_72, %add3A_71 : i32
      %add3A_74 = arith.addi %add3A, %mul3A_73 : i32
      %lt3A_75 = arith.constant 1000 : i32
      %lt3A_76 = arith.cmpi slt, %add3A_74, %lt3A_75 : i32
      %convert_element_type3A_77 = arith.extui %lt3A_76 : i1 to i32
      %cond3A_78 = arith.constant 0 : i32
      %cond3A_79 = arith.cmpi ne, %convert_element_type3A_77, %cond3A_78 : i32
      scf.if %cond3A_79 {
        %dma_wait3A = arith.constant 0 : i32
        %dma_wait3A_80 = arith.constant 0 : i32
        %dma_wait3A_81 = tpu.memref_slice %arg2[%dma_wait3A, %dma_wait3A_80] : memref<640000x16xf32, #tpu.memory_space<hbm>> -> memref<640x16xf32, #tpu.memory_space<hbm>>
        %dma_wait3A_82 = arith.constant 0 : i32
        %dma_wait3A_83 = arith.constant 0 : i32
        %dma_wait3A_84 = tpu.memref_slice %arg2[%dma_wait3A_82, %dma_wait3A_83] : memref<640000x16xf32, #tpu.memory_space<hbm>> -> memref<640x16xf32, #tpu.memory_space<hbm>>
        tpu.wait_dma2 semaphore(%arg11 : memref<!tpu.dma_semaphore, #tpu.memory_space<semaphore_mem>>) src(%dma_wait3A_84 : memref<640x16xf32, #tpu.memory_space<hbm>>) dst(%arg7 : memref<640x16xf32, #tpu.memory_space<vmem>>)
        %dma_wait3A_85 = arith.constant 0 : i32
        %dma_wait3A_86 = arith.constant 0 : i32
        %dma_wait3A_87 = tpu.memref_slice %arg3[%dma_wait3A_85, %dma_wait3A_86] : memref<25000x128xi32, #tpu.memory_space<hbm>> -> memref<5x128xi32, #tpu.memory_space<hbm>>
        %dma_wait3A_88 = arith.constant 0 : i32
        %dma_wait3A_89 = arith.constant 0 : i32
        %dma_wait3A_90 = tpu.memref_slice %arg3[%dma_wait3A_88, %dma_wait3A_89] : memref<25000x128xi32, #tpu.memory_space<hbm>> -> memref<5x128xi32, #tpu.memory_space<hbm>>
        tpu.wait_dma2 semaphore(%arg11 : memref<!tpu.dma_semaphore, #tpu.memory_space<semaphore_mem>>) src(%dma_wait3A_90 : memref<5x128xi32, #tpu.memory_space<hbm>>) dst(%arg9 : memref<5x128xi32, #tpu.memory_space<vmem>>)
        %run_scoped3A = arith.constant 0 : i32
        "tpu.region"() ({
          %run_scoped3A_95 = tpu.sem_alloc : memref<!tpu.dma_semaphore, #tpu.memory_space<semaphore_mem>>
          %dma_start3A = arith.constant 0 : i32
          %dma_start3A_96 = arith.constant 0 : i32
          %dma_start3A_97 = tpu.memref_slice %arg7[%dma_start3A, %dma_start3A_96] : memref<640x16xf32, #tpu.memory_space<vmem>> -> memref<128x16xf32, #tpu.memory_space<vmem>>
          %dma_start3A_98 = arith.constant 0 : i32
          %dma_start3A_99 = tpu.memref_slice %arg9[%run_scoped3A, %dma_start3A_98] : memref<5x128xi32, #tpu.memory_space<vmem>> -> memref<1x128xi32, #tpu.memory_space<vmem>>
          %dma_start3A_100 = tpu.memref_squeeze %dma_start3A_99 : memref<1x128xi32, #tpu.memory_space<vmem>> -> memref<128xi32, #tpu.memory_space<vmem>>
          %dma_start3A_101 = arith.constant 0 : i32
          %dma_start3A_102 = arith.constant 0 : i32
          %dma_start3A_103 = tpu.memref_slice %arg5[%dma_start3A_101, %dma_start3A_102] : memref<102400x16xf32, #tpu.memory_space<vmem_shared>> -> memref<102400x16xf32, #tpu.memory_space<vmem_shared>>
          tpu.enqueue_indirect_dma source(%dma_start3A_97 : memref<128x16xf32, #tpu.memory_space<vmem>>) target(%dma_start3A_103 : memref<102400x16xf32, #tpu.memory_space<vmem_shared>>) offsets(%dma_start3A_100 : memref<128xi32, #tpu.memory_space<vmem>>) semaphore(%run_scoped3A_95 : memref<!tpu.dma_semaphore, #tpu.memory_space<semaphore_mem>>) {add = true}
          %dma_wait3A_104 = arith.constant 0 : i32
          %dma_wait3A_105 = arith.constant 0 : i32
          %dma_wait3A_106 = tpu.memref_slice %arg7[%dma_wait3A_104, %dma_wait3A_105] : memref<640x16xf32, #tpu.memory_space<vmem>> -> memref<128x16xf32, #tpu.memory_space<vmem>>
          %dma_wait3A_107 = arith.constant 0 : i32
          %dma_wait3A_108 = tpu.memref_slice %arg9[%run_scoped3A, %dma_wait3A_107] : memref<5x128xi32, #tpu.memory_space<vmem>> -> memref<1x128xi32, #tpu.memory_space<vmem>>
          %dma_wait3A_109 = tpu.memref_squeeze %dma_wait3A_108 : memref<1x128xi32, #tpu.memory_space<vmem>> -> memref<128xi32, #tpu.memory_space<vmem>>
          %dma_wait3A_110 = arith.constant 0 : i32
          %dma_wait3A_111 = arith.constant 0 : i32
          %dma_wait3A_112 = tpu.memref_slice %arg5[%dma_wait3A_110, %dma_wait3A_111] : memref<102400x16xf32, #tpu.memory_space<vmem_shared>> -> memref<102400x16xf32, #tpu.memory_space<vmem_shared>>
          tpu.wait_indirect_dma semaphore(%run_scoped3A_95 : memref<!tpu.dma_semaphore, #tpu.memory_space<semaphore_mem>>) src(%dma_wait3A_106 : memref<128x16xf32, #tpu.memory_space<vmem>>) dst(%dma_wait3A_112 : memref<102400x16xf32, #tpu.memory_space<vmem_shared>>)
          tpu.yield
        }) : () -> ()
        %run_scoped3A_91 = arith.constant 1 : i32
        "tpu.region"() ({
          %run_scoped3A_95 = tpu.sem_alloc : memref<!tpu.dma_semaphore, #tpu.memory_space<semaphore_mem>>
          %dma_start3A = arith.constant 128 : i32
          %dma_start3A_96 = arith.constant 0 : i32
          %dma_start3A_97 = tpu.memref_slice %arg7[%dma_start3A, %dma_start3A_96] : memref<640x16xf32, #tpu.memory_space<vmem>> -> memref<128x16xf32, #tpu.memory_space<vmem>>
          %dma_start3A_98 = arith.constant 0 : i32
          %dma_start3A_99 = tpu.memref_slice %arg9[%run_scoped3A_91, %dma_start3A_98] : memref<5x128xi32, #tpu.memory_space<vmem>> -> memref<1x128xi32, #tpu.memory_space<vmem>>
          %dma_start3A_100 = tpu.memref_squeeze %dma_start3A_99 : memref<1x128xi32, #tpu.memory_space<vmem>> -> memref<128xi32, #tpu.memory_space<vmem>>
          %dma_start3A_101 = arith.constant 0 : i32
          %dma_start3A_102 = arith.constant 0 : i32
          %dma_start3A_103 = tpu.memref_slice %arg5[%dma_start3A_101, %dma_start3A_102] : memref<102400x16xf32, #tpu.memory_space<vmem_shared>> -> memref<102400x16xf32, #tpu.memory_space<vmem_shared>>
          tpu.enqueue_indirect_dma source(%dma_start3A_97 : memref<128x16xf32, #tpu.memory_space<vmem>>) target(%dma_start3A_103 : memref<102400x16xf32, #tpu.memory_space<vmem_shared>>) offsets(%dma_start3A_100 : memref<128xi32, #tpu.memory_space<vmem>>) semaphore(%run_scoped3A_95 : memref<!tpu.dma_semaphore, #tpu.memory_space<semaphore_mem>>) {add = true}
          %dma_wait3A_104 = arith.constant 128 : i32
          %dma_wait3A_105 = arith.constant 0 : i32
          %dma_wait3A_106 = tpu.memref_slice %arg7[%dma_wait3A_104, %dma_wait3A_105] : memref<640x16xf32, #tpu.memory_space<vmem>> -> memref<128x16xf32, #tpu.memory_space<vmem>>
          %dma_wait3A_107 = arith.constant 0 : i32
          %dma_wait3A_108 = tpu.memref_slice %arg9[%run_scoped3A_91, %dma_wait3A_107] : memref<5x128xi32, #tpu.memory_space<vmem>> -> memref<1x128xi32, #tpu.memory_space<vmem>>
          %dma_wait3A_109 = tpu.memref_squeeze %dma_wait3A_108 : memref<1x128xi32, #tpu.memory_space<vmem>> -> memref<128xi32, #tpu.memory_space<vmem>>
          %dma_wait3A_110 = arith.constant 0 : i32
          %dma_wait3A_111 = arith.constant 0 : i32
          %dma_wait3A_112 = tpu.memref_slice %arg5[%dma_wait3A_110, %dma_wait3A_111] : memref<102400x16xf32, #tpu.memory_space<vmem_shared>> -> memref<102400x16xf32, #tpu.memory_space<vmem_shared>>
          tpu.wait_indirect_dma semaphore(%run_scoped3A_95 : memref<!tpu.dma_semaphore, #tpu.memory_space<semaphore_mem>>) src(%dma_wait3A_106 : memref<128x16xf32, #tpu.memory_space<vmem>>) dst(%dma_wait3A_112 : memref<102400x16xf32, #tpu.memory_space<vmem_shared>>)
          tpu.yield
        }) : () -> ()
        %run_scoped3A_92 = arith.constant 2 : i32
        "tpu.region"() ({
          %run_scoped3A_95 = tpu.sem_alloc : memref<!tpu.dma_semaphore, #tpu.memory_space<semaphore_mem>>
          %dma_start3A = arith.constant 256 : i32
          %dma_start3A_96 = arith.constant 0 : i32
          %dma_start3A_97 = tpu.memref_slice %arg7[%dma_start3A, %dma_start3A_96] : memref<640x16xf32, #tpu.memory_space<vmem>> -> memref<128x16xf32, #tpu.memory_space<vmem>>
          %dma_start3A_98 = arith.constant 0 : i32
          %dma_start3A_99 = tpu.memref_slice %arg9[%run_scoped3A_92, %dma_start3A_98] : memref<5x128xi32, #tpu.memory_space<vmem>> -> memref<1x128xi32, #tpu.memory_space<vmem>>
          %dma_start3A_100 = tpu.memref_squeeze %dma_start3A_99 : memref<1x128xi32, #tpu.memory_space<vmem>> -> memref<128xi32, #tpu.memory_space<vmem>>
          %dma_start3A_101 = arith.constant 0 : i32
          %dma_start3A_102 = arith.constant 0 : i32
          %dma_start3A_103 = tpu.memref_slice %arg5[%dma_start3A_101, %dma_start3A_102] : memref<102400x16xf32, #tpu.memory_space<vmem_shared>> -> memref<102400x16xf32, #tpu.memory_space<vmem_shared>>
          tpu.enqueue_indirect_dma source(%dma_start3A_97 : memref<128x16xf32, #tpu.memory_space<vmem>>) target(%dma_start3A_103 : memref<102400x16xf32, #tpu.memory_space<vmem_shared>>) offsets(%dma_start3A_100 : memref<128xi32, #tpu.memory_space<vmem>>) semaphore(%run_scoped3A_95 : memref<!tpu.dma_semaphore, #tpu.memory_space<semaphore_mem>>) {add = true}
          %dma_wait3A_104 = arith.constant 256 : i32
          %dma_wait3A_105 = arith.constant 0 : i32
          %dma_wait3A_106 = tpu.memref_slice %arg7[%dma_wait3A_104, %dma_wait3A_105] : memref<640x16xf32, #tpu.memory_space<vmem>> -> memref<128x16xf32, #tpu.memory_space<vmem>>
          %dma_wait3A_107 = arith.constant 0 : i32
          %dma_wait3A_108 = tpu.memref_slice %arg9[%run_scoped3A_92, %dma_wait3A_107] : memref<5x128xi32, #tpu.memory_space<vmem>> -> memref<1x128xi32, #tpu.memory_space<vmem>>
          %dma_wait3A_109 = tpu.memref_squeeze %dma_wait3A_108 : memref<1x128xi32, #tpu.memory_space<vmem>> -> memref<128xi32, #tpu.memory_space<vmem>>
          %dma_wait3A_110 = arith.constant 0 : i32
          %dma_wait3A_111 = arith.constant 0 : i32
          %dma_wait3A_112 = tpu.memref_slice %arg5[%dma_wait3A_110, %dma_wait3A_111] : memref<102400x16xf32, #tpu.memory_space<vmem_shared>> -> memref<102400x16xf32, #tpu.memory_space<vmem_shared>>
          tpu.wait_indirect_dma semaphore(%run_scoped3A_95 : memref<!tpu.dma_semaphore, #tpu.memory_space<semaphore_mem>>) src(%dma_wait3A_106 : memref<128x16xf32, #tpu.memory_space<vmem>>) dst(%dma_wait3A_112 : memref<102400x16xf32, #tpu.memory_space<vmem_shared>>)
          tpu.yield
        }) : () -> ()
        %run_scoped3A_93 = arith.constant 3 : i32
        "tpu.region"() ({
          %run_scoped3A_95 = tpu.sem_alloc : memref<!tpu.dma_semaphore, #tpu.memory_space<semaphore_mem>>
          %dma_start3A = arith.constant 384 : i32
          %dma_start3A_96 = arith.constant 0 : i32
          %dma_start3A_97 = tpu.memref_slice %arg7[%dma_start3A, %dma_start3A_96] : memref<640x16xf32, #tpu.memory_space<vmem>> -> memref<128x16xf32, #tpu.memory_space<vmem>>
          %dma_start3A_98 = arith.constant 0 : i32
          %dma_start3A_99 = tpu.memref_slice %arg9[%run_scoped3A_93, %dma_start3A_98] : memref<5x128xi32, #tpu.memory_space<vmem>> -> memref<1x128xi32, #tpu.memory_space<vmem>>
          %dma_start3A_100 = tpu.memref_squeeze %dma_start3A_99 : memref<1x128xi32, #tpu.memory_space<vmem>> -> memref<128xi32, #tpu.memory_space<vmem>>
          %dma_start3A_101 = arith.constant 0 : i32
          %dma_start3A_102 = arith.constant 0 : i32
          %dma_start3A_103 = tpu.memref_slice %arg5[%dma_start3A_101, %dma_start3A_102] : memref<102400x16xf32, #tpu.memory_space<vmem_shared>> -> memref<102400x16xf32, #tpu.memory_space<vmem_shared>>
          tpu.enqueue_indirect_dma source(%dma_start3A_97 : memref<128x16xf32, #tpu.memory_space<vmem>>) target(%dma_start3A_103 : memref<102400x16xf32, #tpu.memory_space<vmem_shared>>) offsets(%dma_start3A_100 : memref<128xi32, #tpu.memory_space<vmem>>) semaphore(%run_scoped3A_95 : memref<!tpu.dma_semaphore, #tpu.memory_space<semaphore_mem>>) {add = true}
          %dma_wait3A_104 = arith.constant 384 : i32
          %dma_wait3A_105 = arith.constant 0 : i32
          %dma_wait3A_106 = tpu.memref_slice %arg7[%dma_wait3A_104, %dma_wait3A_105] : memref<640x16xf32, #tpu.memory_space<vmem>> -> memref<128x16xf32, #tpu.memory_space<vmem>>
          %dma_wait3A_107 = arith.constant 0 : i32
          %dma_wait3A_108 = tpu.memref_slice %arg9[%run_scoped3A_93, %dma_wait3A_107] : memref<5x128xi32, #tpu.memory_space<vmem>> -> memref<1x128xi32, #tpu.memory_space<vmem>>
          %dma_wait3A_109 = tpu.memref_squeeze %dma_wait3A_108 : memref<1x128xi32, #tpu.memory_space<vmem>> -> memref<128xi32, #tpu.memory_space<vmem>>
          %dma_wait3A_110 = arith.constant 0 : i32
          %dma_wait3A_111 = arith.constant 0 : i32
          %dma_wait3A_112 = tpu.memref_slice %arg5[%dma_wait3A_110, %dma_wait3A_111] : memref<102400x16xf32, #tpu.memory_space<vmem_shared>> -> memref<102400x16xf32, #tpu.memory_space<vmem_shared>>
          tpu.wait_indirect_dma semaphore(%run_scoped3A_95 : memref<!tpu.dma_semaphore, #tpu.memory_space<semaphore_mem>>) src(%dma_wait3A_106 : memref<128x16xf32, #tpu.memory_space<vmem>>) dst(%dma_wait3A_112 : memref<102400x16xf32, #tpu.memory_space<vmem_shared>>)
          tpu.yield
        }) : () -> ()
        %run_scoped3A_94 = arith.constant 4 : i32
        "tpu.region"() ({
          %run_scoped3A_95 = tpu.sem_alloc : memref<!tpu.dma_semaphore, #tpu.memory_space<semaphore_mem>>
          %dma_start3A = arith.constant 512 : i32
          %dma_start3A_96 = arith.constant 0 : i32
          %dma_start3A_97 = tpu.memref_slice %arg7[%dma_start3A, %dma_start3A_96] : memref<640x16xf32, #tpu.memory_space<vmem>> -> memref<128x16xf32, #tpu.memory_space<vmem>>
          %dma_start3A_98 = arith.constant 0 : i32
          %dma_start3A_99 = tpu.memref_slice %arg9[%run_scoped3A_94, %dma_start3A_98] : memref<5x128xi32, #tpu.memory_space<vmem>> -> memref<1x128xi32, #tpu.memory_space<vmem>>
          %dma_start3A_100 = tpu.memref_squeeze %dma_start3A_99 : memref<1x128xi32, #tpu.memory_space<vmem>> -> memref<128xi32, #tpu.memory_space<vmem>>
          %dma_start3A_101 = arith.constant 0 : i32
          %dma_start3A_102 = arith.constant 0 : i32
          %dma_start3A_103 = tpu.memref_slice %arg5[%dma_start3A_101, %dma_start3A_102] : memref<102400x16xf32, #tpu.memory_space<vmem_shared>> -> memref<102400x16xf32, #tpu.memory_space<vmem_shared>>
          tpu.enqueue_indirect_dma source(%dma_start3A_97 : memref<128x16xf32, #tpu.memory_space<vmem>>) target(%dma_start3A_103 : memref<102400x16xf32, #tpu.memory_space<vmem_shared>>) offsets(%dma_start3A_100 : memref<128xi32, #tpu.memory_space<vmem>>) semaphore(%run_scoped3A_95 : memref<!tpu.dma_semaphore, #tpu.memory_space<semaphore_mem>>) {add = true}
          %dma_wait3A_104 = arith.constant 512 : i32
          %dma_wait3A_105 = arith.constant 0 : i32
          %dma_wait3A_106 = tpu.memref_slice %arg7[%dma_wait3A_104, %dma_wait3A_105] : memref<640x16xf32, #tpu.memory_space<vmem>> -> memref<128x16xf32, #tpu.memory_space<vmem>>
          %dma_wait3A_107 = arith.constant 0 : i32
          %dma_wait3A_108 = tpu.memref_slice %arg9[%run_scoped3A_94, %dma_wait3A_107] : memref<5x128xi32, #tpu.memory_space<vmem>> -> memref<1x128xi32, #tpu.memory_space<vmem>>
          %dma_wait3A_109 = tpu.memref_squeeze %dma_wait3A_108 : memref<1x128xi32, #tpu.memory_space<vmem>> -> memref<128xi32, #tpu.memory_space<vmem>>
          %dma_wait3A_110 = arith.constant 0 : i32
          %dma_wait3A_111 = arith.constant 0 : i32
          %dma_wait3A_112 = tpu.memref_slice %arg5[%dma_wait3A_110, %dma_wait3A_111] : memref<102400x16xf32, #tpu.memory_space<vmem_shared>> -> memref<102400x16xf32, #tpu.memory_space<vmem_shared>>
          tpu.wait_indirect_dma semaphore(%run_scoped3A_95 : memref<!tpu.dma_semaphore, #tpu.memory_space<semaphore_mem>>) src(%dma_wait3A_106 : memref<128x16xf32, #tpu.memory_space<vmem>>) dst(%dma_wait3A_112 : memref<102400x16xf32, #tpu.memory_space<vmem_shared>>)
          tpu.yield
        }) : () -> ()
      } else {
      }
    }
    %scan3A_37 = arith.constant 16 : i32
    %barrier3A_38 = arith.constant 0 : index
    tpu.barrier barrier_id(%barrier3A_38)
    "tpu.region"() ({
      %run_scoped3A = tpu.sem_alloc : memref<!tpu.dma_semaphore, #tpu.memory_space<semaphore_mem>>
      %dma_start3A = arith.constant 0 : i32
      %dma_start3A_39 = arith.constant 0 : i32
      %dma_start3A_40 = tpu.memref_slice %arg4[%arg0, %dma_start3A, %dma_start3A_39] : memref<2x102400x16xf32, #tpu.memory_space<hbm>> -> memref<1x102400x16xf32, #tpu.memory_space<hbm>>
      %dma_start3A_41 = tpu.memref_squeeze %dma_start3A_40 : memref<1x102400x16xf32, #tpu.memory_space<hbm>> -> memref<102400x16xf32, #tpu.memory_space<hbm>>
      %dma_start3A_42 = arith.constant 0 : i32
      %dma_start3A_43 = tpu.memref_slice %dma_start3A_41[%mul3A_7, %dma_start3A_42] : memref<102400x16xf32, #tpu.memory_space<hbm>> -> memref<6400x16xf32, #tpu.memory_space<hbm>>
      %dma_start3A_44 = arith.constant 0 : i32
      %dma_start3A_45 = tpu.memref_slice %arg5[%mul3A_7, %dma_start3A_44] : memref<102400x16xf32, #tpu.memory_space<vmem_shared>> -> memref<6400x16xf32, #tpu.memory_space<vmem_shared>>
      tpu.enqueue_dma source(%dma_start3A_45 : memref<6400x16xf32, #tpu.memory_space<vmem_shared>>) target(%dma_start3A_43 : memref<6400x16xf32, #tpu.memory_space<hbm>>) target_semaphore(%run_scoped3A : memref<!tpu.dma_semaphore, #tpu.memory_space<semaphore_mem>>)
      %dma_wait3A = arith.constant 0 : i32
      %dma_wait3A_46 = arith.constant 0 : i32
      %dma_wait3A_47 = tpu.memref_slice %arg4[%arg0, %dma_wait3A, %dma_wait3A_46] : memref<2x102400x16xf32, #tpu.memory_space<hbm>> -> memref<1x102400x16xf32, #tpu.memory_space<hbm>>
      %dma_wait3A_48 = tpu.memref_squeeze %dma_wait3A_47 : memref<1x102400x16xf32, #tpu.memory_space<hbm>> -> memref<102400x16xf32, #tpu.memory_space<hbm>>
      %dma_wait3A_49 = arith.constant 0 : i32
      %dma_wait3A_50 = tpu.memref_slice %dma_wait3A_48[%mul3A_7, %dma_wait3A_49] : memref<102400x16xf32, #tpu.memory_space<hbm>> -> memref<6400x16xf32, #tpu.memory_space<hbm>>
      %dma_wait3A_51 = arith.constant 0 : i32
      %dma_wait3A_52 = tpu.memref_slice %arg5[%mul3A_7, %dma_wait3A_51] : memref<102400x16xf32, #tpu.memory_space<vmem_shared>> -> memref<6400x16xf32, #tpu.memory_space<vmem_shared>>
      tpu.wait_dma2 semaphore(%run_scoped3A : memref<!tpu.dma_semaphore, #tpu.memory_space<semaphore_mem>>) src(%dma_wait3A_52 : memref<6400x16xf32, #tpu.memory_space<vmem_shared>>) dst(%dma_wait3A_50 : memref<6400x16xf32, #tpu.memory_space<hbm>>)
      tpu.yield
    }) : () -> ()
    return
  }
}

#map = affine_map<(d0, d1) -> (0, 0)>
#map1 = affine_map<(d0, d1) -> (0, 0, 0)>
module attributes {stable_mosaic.version = 14 : i64} {
  func.func @_sc_scatter_body(%arg0: i32, %arg1: i32, %arg2: memref<640000x16xf32, #tpu.memory_space<hbm>>, %arg3: memref<25000x128xi32, #tpu.memory_space<hbm>>, %arg4: memref<2x102400x16xf32, #tpu.memory_space<hbm>>, %arg5: memref<102400x16xf32, #tpu.memory_space<vmem_shared>>, %arg6: memref<640x16xf32, #tpu.memory_space<vmem>>, %arg7: memref<640x16xf32, #tpu.memory_space<vmem>>, %arg8: memref<5x128xi32, #tpu.memory_space<vmem>>, %arg9: memref<5x128xi32, #tpu.memory_space<vmem>>, %arg10: memref<!tpu.dma_semaphore, #tpu.memory_space<semaphore_mem>>, %arg11: memref<!tpu.dma_semaphore, #tpu.memory_space<semaphore_mem>>) attributes {dimension_semantics = [#tpu.dimension_semantics<core_parallel>, #tpu.dimension_semantics<subcore_parallel>], iteration_bounds = array<i64: 2, 16>, scalar_prefetch = 0 : i64, scratch_operands = 7 : i64, tpu.core_type = #tpu.core_type<sc_vector_subcore>, window_params = [{transform_indices = #map}, {transform_indices = #map}, {transform_indices = #map1}]} {
    %mul3A = arith.constant 2 : i32
    %mul3A_0 = arith.muli %arg1, %mul3A : i32
    %add3A = arith.addi %mul3A_0, %arg0 : i32
    %scan3A = arith.constant 0 : i32
    %scan3A_1 = arith.constant 0 : i32
    %scan3A_2 = arith.constant 640 : i32
    %scan3A_3 = arith.addi %scan3A_1, %scan3A_2 : i32
    %scan3A_4 = arith.constant 1 : i32
    scf.for %scan3A_39 = %scan3A_1 to %scan3A_3 step %scan3A_4  : i32 {
      %broadcast_in_dim3A = arith.constant 0.000000e+00 : f32
      %broadcast_in_dim3A_40 = vector.broadcast %broadcast_in_dim3A : f32 to vector<16xf32>
      %swap3A = arith.index_cast %scan3A_39 : i32 to index
      %swap3A_41 = arith.constant 0 : index
      %swap3A_42 = tpu.vector_load %arg6[%swap3A, %swap3A_41] {strides = array<i32>} : memref<640x16xf32, #tpu.memory_space<vmem>>, vector<1x16xf32>,
      %swap3A_43 = vector.shape_cast %swap3A_42 : vector<1x16xf32> to vector<16xf32>
      %swap3A_44 = vector.shape_cast %broadcast_in_dim3A_40 : vector<16xf32> to vector<1x16xf32>
      tpu.vector_store %arg6[%swap3A, %swap3A_41], %swap3A_44 {strides = array<i32>} : memref<640x16xf32, #tpu.memory_space<vmem>>, vector<1x16xf32>,
    }
    %scan3A_5 = arith.constant 640 : i32
    %mul3A_6 = arith.constant 6400 : i32
    %mul3A_7 = arith.muli %arg1, %mul3A_6 : i32
    %add3A_8 = arith.constant 0 : i32
    %add3A_9 = arith.addi %mul3A_7, %add3A_8 : i32
    "tpu.region"() ({
      %run_scoped3A = tpu.sem_alloc : memref<!tpu.dma_semaphore, #tpu.memory_space<semaphore_mem>>
      %dma_start3A = arith.constant 0 : i32
      %dma_start3A_39 = tpu.memref_slice %arg5[%add3A_9, %dma_start3A] : memref<102400x16xf32, #tpu.memory_space<vmem_shared>> -> memref<640x16xf32, #tpu.memory_space<vmem_shared>>
      %dma_start3A_40 = arith.constant 0 : i32
      %dma_start3A_41 = tpu.memref_slice %arg5[%add3A_9, %dma_start3A_40] : memref<102400x16xf32, #tpu.memory_space<vmem_shared>> -> memref<640x16xf32, #tpu.memory_space<vmem_shared>>
      tpu.enqueue_dma source(%arg6 : memref<640x16xf32, #tpu.memory_space<vmem>>) target(%dma_start3A_41 : memref<640x16xf32, #tpu.memory_space<vmem_shared>>) target_semaphore(%run_scoped3A : memref<!tpu.dma_semaphore, #tpu.memory_space<semaphore_mem>>)
      %dma_wait3A = arith.constant 0 : i32
      %dma_wait3A_42 = tpu.memref_slice %arg5[%add3A_9, %dma_wait3A] : memref<102400x16xf32, #tpu.memory_space<vmem_shared>> -> memref<640x16xf32, #tpu.memory_space<vmem_shared>>
      %dma_wait3A_43 = arith.constant 0 : i32
      %dma_wait3A_44 = tpu.memref_slice %arg5[%add3A_9, %dma_wait3A_43] : memref<102400x16xf32, #tpu.memory_space<vmem_shared>> -> memref<640x16xf32, #tpu.memory_space<vmem_shared>>
      tpu.wait_dma2 semaphore(%run_scoped3A : memref<!tpu.dma_semaphore, #tpu.memory_space<semaphore_mem>>) src(%arg6 : memref<640x16xf32, #tpu.memory_space<vmem>>) dst(%dma_wait3A_44 : memref<640x16xf32, #tpu.memory_space<vmem_shared>>)
      tpu.yield
    }) : () -> ()
    %add3A_10 = arith.constant 640 : i32
    %add3A_11 = arith.addi %mul3A_7, %add3A_10 : i32
    "tpu.region"() ({
      %run_scoped3A = tpu.sem_alloc : memref<!tpu.dma_semaphore, #tpu.memory_space<semaphore_mem>>
      %dma_start3A = arith.constant 0 : i32
      %dma_start3A_39 = tpu.memref_slice %arg5[%add3A_11, %dma_start3A] : memref<102400x16xf32, #tpu.memory_space<vmem_shared>> -> memref<640x16xf32, #tpu.memory_space<vmem_shared>>
      %dma_start3A_40 = arith.constant 0 : i32
      %dma_start3A_41 = tpu.memref_slice %arg5[%add3A_11, %dma_start3A_40] : memref<102400x16xf32, #tpu.memory_space<vmem_shared>> -> memref<640x16xf32, #tpu.memory_space<vmem_shared>>
      tpu.enqueue_dma source(%arg6 : memref<640x16xf32, #tpu.memory_space<vmem>>) target(%dma_start3A_41 : memref<640x16xf32, #tpu.memory_space<vmem_shared>>) target_semaphore(%run_scoped3A : memref<!tpu.dma_semaphore, #tpu.memory_space<semaphore_mem>>)
      %dma_wait3A = arith.constant 0 : i32
      %dma_wait3A_42 = tpu.memref_slice %arg5[%add3A_11, %dma_wait3A] : memref<102400x16xf32, #tpu.memory_space<vmem_shared>> -> memref<640x16xf32, #tpu.memory_space<vmem_shared>>
      %dma_wait3A_43 = arith.constant 0 : i32
      %dma_wait3A_44 = tpu.memref_slice %arg5[%add3A_11, %dma_wait3A_43] : memref<102400x16xf32, #tpu.memory_space<vmem_shared>> -> memref<640x16xf32, #tpu.memory_space<vmem_shared>>
      tpu.wait_dma2 semaphore(%run_scoped3A : memref<!tpu.dma_semaphore, #tpu.memory_space<semaphore_mem>>) src(%arg6 : memref<640x16xf32, #tpu.memory_space<vmem>>) dst(%dma_wait3A_44 : memref<640x16xf32, #tpu.memory_space<vmem_shared>>)
      tpu.yield
    }) : () -> ()
    %add3A_12 = arith.constant 1280 : i32
    %add3A_13 = arith.addi %mul3A_7, %add3A_12 : i32
    "tpu.region"() ({
      %run_scoped3A = tpu.sem_alloc : memref<!tpu.dma_semaphore, #tpu.memory_space<semaphore_mem>>
      %dma_start3A = arith.constant 0 : i32
      %dma_start3A_39 = tpu.memref_slice %arg5[%add3A_13, %dma_start3A] : memref<102400x16xf32, #tpu.memory_space<vmem_shared>> -> memref<640x16xf32, #tpu.memory_space<vmem_shared>>
      %dma_start3A_40 = arith.constant 0 : i32
      %dma_start3A_41 = tpu.memref_slice %arg5[%add3A_13, %dma_start3A_40] : memref<102400x16xf32, #tpu.memory_space<vmem_shared>> -> memref<640x16xf32, #tpu.memory_space<vmem_shared>>
      tpu.enqueue_dma source(%arg6 : memref<640x16xf32, #tpu.memory_space<vmem>>) target(%dma_start3A_41 : memref<640x16xf32, #tpu.memory_space<vmem_shared>>) target_semaphore(%run_scoped3A : memref<!tpu.dma_semaphore, #tpu.memory_space<semaphore_mem>>)
      %dma_wait3A = arith.constant 0 : i32
      %dma_wait3A_42 = tpu.memref_slice %arg5[%add3A_13, %dma_wait3A] : memref<102400x16xf32, #tpu.memory_space<vmem_shared>> -> memref<640x16xf32, #tpu.memory_space<vmem_shared>>
      %dma_wait3A_43 = arith.constant 0 : i32
      %dma_wait3A_44 = tpu.memref_slice %arg5[%add3A_13, %dma_wait3A_43] : memref<102400x16xf32, #tpu.memory_space<vmem_shared>> -> memref<640x16xf32, #tpu.memory_space<vmem_shared>>
      tpu.wait_dma2 semaphore(%run_scoped3A : memref<!tpu.dma_semaphore, #tpu.memory_space<semaphore_mem>>) src(%arg6 : memref<640x16xf32, #tpu.memory_space<vmem>>) dst(%dma_wait3A_44 : memref<640x16xf32, #tpu.memory_space<vmem_shared>>)
      tpu.yield
    }) : () -> ()
    %add3A_14 = arith.constant 1920 : i32
    %add3A_15 = arith.addi %mul3A_7, %add3A_14 : i32
    "tpu.region"() ({
      %run_scoped3A = tpu.sem_alloc : memref<!tpu.dma_semaphore, #tpu.memory_space<semaphore_mem>>
      %dma_start3A = arith.constant 0 : i32
      %dma_start3A_39 = tpu.memref_slice %arg5[%add3A_15, %dma_start3A] : memref<102400x16xf32, #tpu.memory_space<vmem_shared>> -> memref<640x16xf32, #tpu.memory_space<vmem_shared>>
      %dma_start3A_40 = arith.constant 0 : i32
      %dma_start3A_41 = tpu.memref_slice %arg5[%add3A_15, %dma_start3A_40] : memref<102400x16xf32, #tpu.memory_space<vmem_shared>> -> memref<640x16xf32, #tpu.memory_space<vmem_shared>>
      tpu.enqueue_dma source(%arg6 : memref<640x16xf32, #tpu.memory_space<vmem>>) target(%dma_start3A_41 : memref<640x16xf32, #tpu.memory_space<vmem_shared>>) target_semaphore(%run_scoped3A : memref<!tpu.dma_semaphore, #tpu.memory_space<semaphore_mem>>)
      %dma_wait3A = arith.constant 0 : i32
      %dma_wait3A_42 = tpu.memref_slice %arg5[%add3A_15, %dma_wait3A] : memref<102400x16xf32, #tpu.memory_space<vmem_shared>> -> memref<640x16xf32, #tpu.memory_space<vmem_shared>>
      %dma_wait3A_43 = arith.constant 0 : i32
      %dma_wait3A_44 = tpu.memref_slice %arg5[%add3A_15, %dma_wait3A_43] : memref<102400x16xf32, #tpu.memory_space<vmem_shared>> -> memref<640x16xf32, #tpu.memory_space<vmem_shared>>
      tpu.wait_dma2 semaphore(%run_scoped3A : memref<!tpu.dma_semaphore, #tpu.memory_space<semaphore_mem>>) src(%arg6 : memref<640x16xf32, #tpu.memory_space<vmem>>) dst(%dma_wait3A_44 : memref<640x16xf32, #tpu.memory_space<vmem_shared>>)
      tpu.yield
    }) : () -> ()
    %add3A_16 = arith.constant 2560 : i32
    %add3A_17 = arith.addi %mul3A_7, %add3A_16 : i32
    "tpu.region"() ({
      %run_scoped3A = tpu.sem_alloc : memref<!tpu.dma_semaphore, #tpu.memory_space<semaphore_mem>>
      %dma_start3A = arith.constant 0 : i32
      %dma_start3A_39 = tpu.memref_slice %arg5[%add3A_17, %dma_start3A] : memref<102400x16xf32, #tpu.memory_space<vmem_shared>> -> memref<640x16xf32, #tpu.memory_space<vmem_shared>>
      %dma_start3A_40 = arith.constant 0 : i32
      %dma_start3A_41 = tpu.memref_slice %arg5[%add3A_17, %dma_start3A_40] : memref<102400x16xf32, #tpu.memory_space<vmem_shared>> -> memref<640x16xf32, #tpu.memory_space<vmem_shared>>
      tpu.enqueue_dma source(%arg6 : memref<640x16xf32, #tpu.memory_space<vmem>>) target(%dma_start3A_41 : memref<640x16xf32, #tpu.memory_space<vmem_shared>>) target_semaphore(%run_scoped3A : memref<!tpu.dma_semaphore, #tpu.memory_space<semaphore_mem>>)
      %dma_wait3A = arith.constant 0 : i32
      %dma_wait3A_42 = tpu.memref_slice %arg5[%add3A_17, %dma_wait3A] : memref<102400x16xf32, #tpu.memory_space<vmem_shared>> -> memref<640x16xf32, #tpu.memory_space<vmem_shared>>
      %dma_wait3A_43 = arith.constant 0 : i32
      %dma_wait3A_44 = tpu.memref_slice %arg5[%add3A_17, %dma_wait3A_43] : memref<102400x16xf32, #tpu.memory_space<vmem_shared>> -> memref<640x16xf32, #tpu.memory_space<vmem_shared>>
      tpu.wait_dma2 semaphore(%run_scoped3A : memref<!tpu.dma_semaphore, #tpu.memory_space<semaphore_mem>>) src(%arg6 : memref<640x16xf32, #tpu.memory_space<vmem>>) dst(%dma_wait3A_44 : memref<640x16xf32, #tpu.memory_space<vmem_shared>>)
      tpu.yield
    }) : () -> ()
    %add3A_18 = arith.constant 3200 : i32
    %add3A_19 = arith.addi %mul3A_7, %add3A_18 : i32
    "tpu.region"() ({
      %run_scoped3A = tpu.sem_alloc : memref<!tpu.dma_semaphore, #tpu.memory_space<semaphore_mem>>
      %dma_start3A = arith.constant 0 : i32
      %dma_start3A_39 = tpu.memref_slice %arg5[%add3A_19, %dma_start3A] : memref<102400x16xf32, #tpu.memory_space<vmem_shared>> -> memref<640x16xf32, #tpu.memory_space<vmem_shared>>
      %dma_start3A_40 = arith.constant 0 : i32
      %dma_start3A_41 = tpu.memref_slice %arg5[%add3A_19, %dma_start3A_40] : memref<102400x16xf32, #tpu.memory_space<vmem_shared>> -> memref<640x16xf32, #tpu.memory_space<vmem_shared>>
      tpu.enqueue_dma source(%arg6 : memref<640x16xf32, #tpu.memory_space<vmem>>) target(%dma_start3A_41 : memref<640x16xf32, #tpu.memory_space<vmem_shared>>) target_semaphore(%run_scoped3A : memref<!tpu.dma_semaphore, #tpu.memory_space<semaphore_mem>>)
      %dma_wait3A = arith.constant 0 : i32
      %dma_wait3A_42 = tpu.memref_slice %arg5[%add3A_19, %dma_wait3A] : memref<102400x16xf32, #tpu.memory_space<vmem_shared>> -> memref<640x16xf32, #tpu.memory_space<vmem_shared>>
      %dma_wait3A_43 = arith.constant 0 : i32
      %dma_wait3A_44 = tpu.memref_slice %arg5[%add3A_19, %dma_wait3A_43] : memref<102400x16xf32, #tpu.memory_space<vmem_shared>> -> memref<640x16xf32, #tpu.memory_space<vmem_shared>>
      tpu.wait_dma2 semaphore(%run_scoped3A : memref<!tpu.dma_semaphore, #tpu.memory_space<semaphore_mem>>) src(%arg6 : memref<640x16xf32, #tpu.memory_space<vmem>>) dst(%dma_wait3A_44 : memref<640x16xf32, #tpu.memory_space<vmem_shared>>)
      tpu.yield
    }) : () -> ()
    %add3A_20 = arith.constant 3840 : i32
    %add3A_21 = arith.addi %mul3A_7, %add3A_20 : i32
    "tpu.region"() ({
      %run_scoped3A = tpu.sem_alloc : memref<!tpu.dma_semaphore, #tpu.memory_space<semaphore_mem>>
      %dma_start3A = arith.constant 0 : i32
      %dma_start3A_39 = tpu.memref_slice %arg5[%add3A_21, %dma_start3A] : memref<102400x16xf32, #tpu.memory_space<vmem_shared>> -> memref<640x16xf32, #tpu.memory_space<vmem_shared>>
      %dma_start3A_40 = arith.constant 0 : i32
      %dma_start3A_41 = tpu.memref_slice %arg5[%add3A_21, %dma_start3A_40] : memref<102400x16xf32, #tpu.memory_space<vmem_shared>> -> memref<640x16xf32, #tpu.memory_space<vmem_shared>>
      tpu.enqueue_dma source(%arg6 : memref<640x16xf32, #tpu.memory_space<vmem>>) target(%dma_start3A_41 : memref<640x16xf32, #tpu.memory_space<vmem_shared>>) target_semaphore(%run_scoped3A : memref<!tpu.dma_semaphore, #tpu.memory_space<semaphore_mem>>)
      %dma_wait3A = arith.constant 0 : i32
      %dma_wait3A_42 = tpu.memref_slice %arg5[%add3A_21, %dma_wait3A] : memref<102400x16xf32, #tpu.memory_space<vmem_shared>> -> memref<640x16xf32, #tpu.memory_space<vmem_shared>>
      %dma_wait3A_43 = arith.constant 0 : i32
      %dma_wait3A_44 = tpu.memref_slice %arg5[%add3A_21, %dma_wait3A_43] : memref<102400x16xf32, #tpu.memory_space<vmem_shared>> -> memref<640x16xf32, #tpu.memory_space<vmem_shared>>
      tpu.wait_dma2 semaphore(%run_scoped3A : memref<!tpu.dma_semaphore, #tpu.memory_space<semaphore_mem>>) src(%arg6 : memref<640x16xf32, #tpu.memory_space<vmem>>) dst(%dma_wait3A_44 : memref<640x16xf32, #tpu.memory_space<vmem_shared>>)
      tpu.yield
    }) : () -> ()
    %add3A_22 = arith.constant 4480 : i32
    %add3A_23 = arith.addi %mul3A_7, %add3A_22 : i32
    "tpu.region"() ({
      %run_scoped3A = tpu.sem_alloc : memref<!tpu.dma_semaphore, #tpu.memory_space<semaphore_mem>>
      %dma_start3A = arith.constant 0 : i32
      %dma_start3A_39 = tpu.memref_slice %arg5[%add3A_23, %dma_start3A] : memref<102400x16xf32, #tpu.memory_space<vmem_shared>> -> memref<640x16xf32, #tpu.memory_space<vmem_shared>>
      %dma_start3A_40 = arith.constant 0 : i32
      %dma_start3A_41 = tpu.memref_slice %arg5[%add3A_23, %dma_start3A_40] : memref<102400x16xf32, #tpu.memory_space<vmem_shared>> -> memref<640x16xf32, #tpu.memory_space<vmem_shared>>
      tpu.enqueue_dma source(%arg6 : memref<640x16xf32, #tpu.memory_space<vmem>>) target(%dma_start3A_41 : memref<640x16xf32, #tpu.memory_space<vmem_shared>>) target_semaphore(%run_scoped3A : memref<!tpu.dma_semaphore, #tpu.memory_space<semaphore_mem>>)
      %dma_wait3A = arith.constant 0 : i32
      %dma_wait3A_42 = tpu.memref_slice %arg5[%add3A_23, %dma_wait3A] : memref<102400x16xf32, #tpu.memory_space<vmem_shared>> -> memref<640x16xf32, #tpu.memory_space<vmem_shared>>
      %dma_wait3A_43 = arith.constant 0 : i32
      %dma_wait3A_44 = tpu.memref_slice %arg5[%add3A_23, %dma_wait3A_43] : memref<102400x16xf32, #tpu.memory_space<vmem_shared>> -> memref<640x16xf32, #tpu.memory_space<vmem_shared>>
      tpu.wait_dma2 semaphore(%run_scoped3A : memref<!tpu.dma_semaphore, #tpu.memory_space<semaphore_mem>>) src(%arg6 : memref<640x16xf32, #tpu.memory_space<vmem>>) dst(%dma_wait3A_44 : memref<640x16xf32, #tpu.memory_space<vmem_shared>>)
      tpu.yield
    }) : () -> ()
    %add3A_24 = arith.constant 5120 : i32
    %add3A_25 = arith.addi %mul3A_7, %add3A_24 : i32
    "tpu.region"() ({
      %run_scoped3A = tpu.sem_alloc : memref<!tpu.dma_semaphore, #tpu.memory_space<semaphore_mem>>
      %dma_start3A = arith.constant 0 : i32
      %dma_start3A_39 = tpu.memref_slice %arg5[%add3A_25, %dma_start3A] : memref<102400x16xf32, #tpu.memory_space<vmem_shared>> -> memref<640x16xf32, #tpu.memory_space<vmem_shared>>
      %dma_start3A_40 = arith.constant 0 : i32
      %dma_start3A_41 = tpu.memref_slice %arg5[%add3A_25, %dma_start3A_40] : memref<102400x16xf32, #tpu.memory_space<vmem_shared>> -> memref<640x16xf32, #tpu.memory_space<vmem_shared>>
      tpu.enqueue_dma source(%arg6 : memref<640x16xf32, #tpu.memory_space<vmem>>) target(%dma_start3A_41 : memref<640x16xf32, #tpu.memory_space<vmem_shared>>) target_semaphore(%run_scoped3A : memref<!tpu.dma_semaphore, #tpu.memory_space<semaphore_mem>>)
      %dma_wait3A = arith.constant 0 : i32
      %dma_wait3A_42 = tpu.memref_slice %arg5[%add3A_25, %dma_wait3A] : memref<102400x16xf32, #tpu.memory_space<vmem_shared>> -> memref<640x16xf32, #tpu.memory_space<vmem_shared>>
      %dma_wait3A_43 = arith.constant 0 : i32
      %dma_wait3A_44 = tpu.memref_slice %arg5[%add3A_25, %dma_wait3A_43] : memref<102400x16xf32, #tpu.memory_space<vmem_shared>> -> memref<640x16xf32, #tpu.memory_space<vmem_shared>>
      tpu.wait_dma2 semaphore(%run_scoped3A : memref<!tpu.dma_semaphore, #tpu.memory_space<semaphore_mem>>) src(%arg6 : memref<640x16xf32, #tpu.memory_space<vmem>>) dst(%dma_wait3A_44 : memref<640x16xf32, #tpu.memory_space<vmem_shared>>)
      tpu.yield
    }) : () -> ()
    %add3A_26 = arith.constant 5760 : i32
    %add3A_27 = arith.addi %mul3A_7, %add3A_26 : i32
    "tpu.region"() ({
      %run_scoped3A = tpu.sem_alloc : memref<!tpu.dma_semaphore, #tpu.memory_space<semaphore_mem>>
      %dma_start3A = arith.constant 0 : i32
      %dma_start3A_39 = tpu.memref_slice %arg5[%add3A_27, %dma_start3A] : memref<102400x16xf32, #tpu.memory_space<vmem_shared>> -> memref<640x16xf32, #tpu.memory_space<vmem_shared>>
      %dma_start3A_40 = arith.constant 0 : i32
      %dma_start3A_41 = tpu.memref_slice %arg5[%add3A_27, %dma_start3A_40] : memref<102400x16xf32, #tpu.memory_space<vmem_shared>> -> memref<640x16xf32, #tpu.memory_space<vmem_shared>>
      tpu.enqueue_dma source(%arg6 : memref<640x16xf32, #tpu.memory_space<vmem>>) target(%dma_start3A_41 : memref<640x16xf32, #tpu.memory_space<vmem_shared>>) target_semaphore(%run_scoped3A : memref<!tpu.dma_semaphore, #tpu.memory_space<semaphore_mem>>)
      %dma_wait3A = arith.constant 0 : i32
      %dma_wait3A_42 = tpu.memref_slice %arg5[%add3A_27, %dma_wait3A] : memref<102400x16xf32, #tpu.memory_space<vmem_shared>> -> memref<640x16xf32, #tpu.memory_space<vmem_shared>>
      %dma_wait3A_43 = arith.constant 0 : i32
      %dma_wait3A_44 = tpu.memref_slice %arg5[%add3A_27, %dma_wait3A_43] : memref<102400x16xf32, #tpu.memory_space<vmem_shared>> -> memref<640x16xf32, #tpu.memory_space<vmem_shared>>
      tpu.wait_dma2 semaphore(%run_scoped3A : memref<!tpu.dma_semaphore, #tpu.memory_space<semaphore_mem>>) src(%arg6 : memref<640x16xf32, #tpu.memory_space<vmem>>) dst(%dma_wait3A_44 : memref<640x16xf32, #tpu.memory_space<vmem_shared>>)
      tpu.yield
    }) : () -> ()
    %barrier3A = arith.constant 0 : index
    tpu.barrier barrier_id(%barrier3A)
    %add3A_28 = arith.constant 0 : i32
    %add3A_29 = arith.addi %add3A, %add3A_28 : i32
    %lt3A = arith.constant 1000 : i32
    %lt3A_30 = arith.cmpi slt, %add3A_29, %lt3A : i32
    %convert_element_type3A = arith.extui %lt3A_30 : i1 to i32
    %cond3A = arith.constant 0 : i32
    %cond3A_31 = arith.cmpi ne, %convert_element_type3A, %cond3A : i32
    scf.if %cond3A_31 {
      %mul3A_39 = arith.constant 640 : i32
      %mul3A_40 = arith.muli %add3A_29, %mul3A_39 : i32
      %multiple_of3A = tpu.assume_multiple %mul3A_40, 640 : i32
      %dma_start3A = arith.constant 0 : i32
      %dma_start3A_41 = tpu.memref_slice %arg2[%multiple_of3A, %dma_start3A] : memref<640000x16xf32, #tpu.memory_space<hbm>> -> memref<640x16xf32, #tpu.memory_space<hbm>>
      %dma_start3A_42 = arith.constant 0 : i32
      %dma_start3A_43 = tpu.memref_slice %arg2[%multiple_of3A, %dma_start3A_42] : memref<640000x16xf32, #tpu.memory_space<hbm>> -> memref<640x16xf32, #tpu.memory_space<hbm>>
      tpu.enqueue_dma source(%dma_start3A_43 : memref<640x16xf32, #tpu.memory_space<hbm>>) target(%arg6 : memref<640x16xf32, #tpu.memory_space<vmem>>) target_semaphore(%arg10 : memref<!tpu.dma_semaphore, #tpu.memory_space<semaphore_mem>>)
      %mul3A_44 = arith.constant 5 : i32
      %mul3A_45 = arith.muli %add3A_29, %mul3A_44 : i32
      %add3A_46 = arith.constant 0 : i32
      %add3A_47 = arith.addi %add3A_46, %mul3A_45 : i32
      %multiple_of3A_48 = tpu.assume_multiple %add3A_47, 5 : i32
      %dma_start3A_49 = arith.constant 0 : i32
      %dma_start3A_50 = tpu.memref_slice %arg3[%multiple_of3A_48, %dma_start3A_49] : memref<25000x128xi32, #tpu.memory_space<hbm>> -> memref<5x128xi32, #tpu.memory_space<hbm>>
      %dma_start3A_51 = arith.constant 0 : i32
      %dma_start3A_52 = tpu.memref_slice %arg3[%multiple_of3A_48, %dma_start3A_51] : memref<25000x128xi32, #tpu.memory_space<hbm>> -> memref<5x128xi32, #tpu.memory_space<hbm>>
      tpu.enqueue_dma source(%dma_start3A_52 : memref<5x128xi32, #tpu.memory_space<hbm>>) target(%arg8 : memref<5x128xi32, #tpu.memory_space<vmem>>) target_semaphore(%arg10 : memref<!tpu.dma_semaphore, #tpu.memory_space<semaphore_mem>>)
    } else {
    }
    %scan3A_32 = arith.constant 0 : i32
    %scan3A_33 = arith.constant 0 : i32
    %scan3A_34 = arith.constant 16 : i32
    %scan3A_35 = arith.addi %scan3A_33, %scan3A_34 : i32
    %scan3A_36 = arith.constant 1 : i32
    scf.for %scan3A_39 = %scan3A_33 to %scan3A_35 step %scan3A_36  : i32 {
      %mul3A_40 = arith.constant 2 : i32
      %mul3A_41 = arith.muli %scan3A_39, %mul3A_40 : i32
      %add3A_42 = arith.constant 1 : i32
      %add3A_43 = arith.addi %mul3A_41, %add3A_42 : i32
      %mul3A_44 = arith.constant 32 : i32
      %mul3A_45 = arith.muli %mul3A_44, %add3A_43 : i32
      %add3A_46 = arith.addi %add3A, %mul3A_45 : i32
      %lt3A_47 = arith.constant 1000 : i32
      %lt3A_48 = arith.cmpi slt, %add3A_46, %lt3A_47 : i32
      %convert_element_type3A_49 = arith.extui %lt3A_48 : i1 to i32
      %cond3A_50 = arith.constant 0 : i32
      %cond3A_51 = arith.cmpi ne, %convert_element_type3A_49, %cond3A_50 : i32
      scf.if %cond3A_51 {
        %mul3A_80 = arith.constant 640 : i32
        %mul3A_81 = arith.muli %add3A_46, %mul3A_80 : i32
        %multiple_of3A = tpu.assume_multiple %mul3A_81, 640 : i32
        %dma_start3A = arith.constant 0 : i32
        %dma_start3A_82 = tpu.memref_slice %arg2[%multiple_of3A, %dma_start3A] : memref<640000x16xf32, #tpu.memory_space<hbm>> -> memref<640x16xf32, #tpu.memory_space<hbm>>
        %dma_start3A_83 = arith.constant 0 : i32
        %dma_start3A_84 = tpu.memref_slice %arg2[%multiple_of3A, %dma_start3A_83] : memref<640000x16xf32, #tpu.memory_space<hbm>> -> memref<640x16xf32, #tpu.memory_space<hbm>>
        tpu.enqueue_dma source(%dma_start3A_84 : memref<640x16xf32, #tpu.memory_space<hbm>>) target(%arg7 : memref<640x16xf32, #tpu.memory_space<vmem>>) target_semaphore(%arg11 : memref<!tpu.dma_semaphore, #tpu.memory_space<semaphore_mem>>)
        %mul3A_85 = arith.constant 5 : i32
        %mul3A_86 = arith.muli %add3A_46, %mul3A_85 : i32
        %add3A_87 = arith.constant 0 : i32
        %add3A_88 = arith.addi %add3A_87, %mul3A_86 : i32
        %multiple_of3A_89 = tpu.assume_multiple %add3A_88, 5 : i32
        %dma_start3A_90 = arith.constant 0 : i32
        %dma_start3A_91 = tpu.memref_slice %arg3[%multiple_of3A_89, %dma_start3A_90] : memref<25000x128xi32, #tpu.memory_space<hbm>> -> memref<5x128xi32, #tpu.memory_space<hbm>>
        %dma_start3A_92 = arith.constant 0 : i32
        %dma_start3A_93 = tpu.memref_slice %arg3[%multiple_of3A_89, %dma_start3A_92] : memref<25000x128xi32, #tpu.memory_space<hbm>> -> memref<5x128xi32, #tpu.memory_space<hbm>>
        tpu.enqueue_dma source(%dma_start3A_93 : memref<5x128xi32, #tpu.memory_space<hbm>>) target(%arg9 : memref<5x128xi32, #tpu.memory_space<vmem>>) target_semaphore(%arg11 : memref<!tpu.dma_semaphore, #tpu.memory_space<semaphore_mem>>)
      } else {
      }
      %mul3A_52 = arith.constant 32 : i32
      %mul3A_53 = arith.muli %mul3A_52, %mul3A_41 : i32
      %add3A_54 = arith.addi %add3A, %mul3A_53 : i32
      %lt3A_55 = arith.constant 1000 : i32
      %lt3A_56 = arith.cmpi slt, %add3A_54, %lt3A_55 : i32
      %convert_element_type3A_57 = arith.extui %lt3A_56 : i1 to i32
      %cond3A_58 = arith.constant 0 : i32
      %cond3A_59 = arith.cmpi ne, %convert_element_type3A_57, %cond3A_58 : i32
      scf.if %cond3A_59 {
        %dma_wait3A = arith.constant 0 : i32
        %dma_wait3A_80 = arith.constant 0 : i32
        %dma_wait3A_81 = tpu.memref_slice %arg2[%dma_wait3A, %dma_wait3A_80] : memref<640000x16xf32, #tpu.memory_space<hbm>> -> memref<640x16xf32, #tpu.memory_space<hbm>>
        %dma_wait3A_82 = arith.constant 0 : i32
        %dma_wait3A_83 = arith.constant 0 : i32
        %dma_wait3A_84 = tpu.memref_slice %arg2[%dma_wait3A_82, %dma_wait3A_83] : memref<640000x16xf32, #tpu.memory_space<hbm>> -> memref<640x16xf32, #tpu.memory_space<hbm>>
        tpu.wait_dma2 semaphore(%arg10 : memref<!tpu.dma_semaphore, #tpu.memory_space<semaphore_mem>>) src(%dma_wait3A_84 : memref<640x16xf32, #tpu.memory_space<hbm>>) dst(%arg6 : memref<640x16xf32, #tpu.memory_space<vmem>>)
        %dma_wait3A_85 = arith.constant 0 : i32
        %dma_wait3A_86 = arith.constant 0 : i32
        %dma_wait3A_87 = tpu.memref_slice %arg3[%dma_wait3A_85, %dma_wait3A_86] : memref<25000x128xi32, #tpu.memory_space<hbm>> -> memref<5x128xi32, #tpu.memory_space<hbm>>
        %dma_wait3A_88 = arith.constant 0 : i32
        %dma_wait3A_89 = arith.constant 0 : i32
        %dma_wait3A_90 = tpu.memref_slice %arg3[%dma_wait3A_88, %dma_wait3A_89] : memref<25000x128xi32, #tpu.memory_space<hbm>> -> memref<5x128xi32, #tpu.memory_space<hbm>>
        tpu.wait_dma2 semaphore(%arg10 : memref<!tpu.dma_semaphore, #tpu.memory_space<semaphore_mem>>) src(%dma_wait3A_90 : memref<5x128xi32, #tpu.memory_space<hbm>>) dst(%arg8 : memref<5x128xi32, #tpu.memory_space<vmem>>)
        %run_scoped3A = arith.constant 0 : i32
        "tpu.region"() ({
          %run_scoped3A_95 = tpu.sem_alloc : memref<!tpu.dma_semaphore, #tpu.memory_space<semaphore_mem>>
          %dma_start3A = arith.constant 0 : i32
          %dma_start3A_96 = arith.constant 0 : i32
          %dma_start3A_97 = tpu.memref_slice %arg6[%dma_start3A, %dma_start3A_96] : memref<640x16xf32, #tpu.memory_space<vmem>> -> memref<128x16xf32, #tpu.memory_space<vmem>>
          %dma_start3A_98 = arith.constant 0 : i32
          %dma_start3A_99 = tpu.memref_slice %arg8[%run_scoped3A, %dma_start3A_98] : memref<5x128xi32, #tpu.memory_space<vmem>> -> memref<1x128xi32, #tpu.memory_space<vmem>>
          %dma_start3A_100 = tpu.memref_squeeze %dma_start3A_99 : memref<1x128xi32, #tpu.memory_space<vmem>> -> memref<128xi32, #tpu.memory_space<vmem>>
          %dma_start3A_101 = arith.constant 0 : i32
          %dma_start3A_102 = arith.constant 0 : i32
          %dma_start3A_103 = tpu.memref_slice %arg5[%dma_start3A_101, %dma_start3A_102] : memref<102400x16xf32, #tpu.memory_space<vmem_shared>> -> memref<102400x16xf32, #tpu.memory_space<vmem_shared>>
          tpu.enqueue_indirect_dma source(%dma_start3A_97 : memref<128x16xf32, #tpu.memory_space<vmem>>) target(%dma_start3A_103 : memref<102400x16xf32, #tpu.memory_space<vmem_shared>>) offsets(%dma_start3A_100 : memref<128xi32, #tpu.memory_space<vmem>>) semaphore(%run_scoped3A_95 : memref<!tpu.dma_semaphore, #tpu.memory_space<semaphore_mem>>) {add = true}
          %dma_wait3A_104 = arith.constant 0 : i32
          %dma_wait3A_105 = arith.constant 0 : i32
          %dma_wait3A_106 = tpu.memref_slice %arg6[%dma_wait3A_104, %dma_wait3A_105] : memref<640x16xf32, #tpu.memory_space<vmem>> -> memref<128x16xf32, #tpu.memory_space<vmem>>
          %dma_wait3A_107 = arith.constant 0 : i32
          %dma_wait3A_108 = tpu.memref_slice %arg8[%run_scoped3A, %dma_wait3A_107] : memref<5x128xi32, #tpu.memory_space<vmem>> -> memref<1x128xi32, #tpu.memory_space<vmem>>
          %dma_wait3A_109 = tpu.memref_squeeze %dma_wait3A_108 : memref<1x128xi32, #tpu.memory_space<vmem>> -> memref<128xi32, #tpu.memory_space<vmem>>
          %dma_wait3A_110 = arith.constant 0 : i32
          %dma_wait3A_111 = arith.constant 0 : i32
          %dma_wait3A_112 = tpu.memref_slice %arg5[%dma_wait3A_110, %dma_wait3A_111] : memref<102400x16xf32, #tpu.memory_space<vmem_shared>> -> memref<102400x16xf32, #tpu.memory_space<vmem_shared>>
          tpu.wait_indirect_dma semaphore(%run_scoped3A_95 : memref<!tpu.dma_semaphore, #tpu.memory_space<semaphore_mem>>) src(%dma_wait3A_106 : memref<128x16xf32, #tpu.memory_space<vmem>>) dst(%dma_wait3A_112 : memref<102400x16xf32, #tpu.memory_space<vmem_shared>>)
          tpu.yield
        }) : () -> ()
        %run_scoped3A_91 = arith.constant 1 : i32
        "tpu.region"() ({
          %run_scoped3A_95 = tpu.sem_alloc : memref<!tpu.dma_semaphore, #tpu.memory_space<semaphore_mem>>
          %dma_start3A = arith.constant 128 : i32
          %dma_start3A_96 = arith.constant 0 : i32
          %dma_start3A_97 = tpu.memref_slice %arg6[%dma_start3A, %dma_start3A_96] : memref<640x16xf32, #tpu.memory_space<vmem>> -> memref<128x16xf32, #tpu.memory_space<vmem>>
          %dma_start3A_98 = arith.constant 0 : i32
          %dma_start3A_99 = tpu.memref_slice %arg8[%run_scoped3A_91, %dma_start3A_98] : memref<5x128xi32, #tpu.memory_space<vmem>> -> memref<1x128xi32, #tpu.memory_space<vmem>>
          %dma_start3A_100 = tpu.memref_squeeze %dma_start3A_99 : memref<1x128xi32, #tpu.memory_space<vmem>> -> memref<128xi32, #tpu.memory_space<vmem>>
          %dma_start3A_101 = arith.constant 0 : i32
          %dma_start3A_102 = arith.constant 0 : i32
          %dma_start3A_103 = tpu.memref_slice %arg5[%dma_start3A_101, %dma_start3A_102] : memref<102400x16xf32, #tpu.memory_space<vmem_shared>> -> memref<102400x16xf32, #tpu.memory_space<vmem_shared>>
          tpu.enqueue_indirect_dma source(%dma_start3A_97 : memref<128x16xf32, #tpu.memory_space<vmem>>) target(%dma_start3A_103 : memref<102400x16xf32, #tpu.memory_space<vmem_shared>>) offsets(%dma_start3A_100 : memref<128xi32, #tpu.memory_space<vmem>>) semaphore(%run_scoped3A_95 : memref<!tpu.dma_semaphore, #tpu.memory_space<semaphore_mem>>) {add = true}
          %dma_wait3A_104 = arith.constant 128 : i32
          %dma_wait3A_105 = arith.constant 0 : i32
          %dma_wait3A_106 = tpu.memref_slice %arg6[%dma_wait3A_104, %dma_wait3A_105] : memref<640x16xf32, #tpu.memory_space<vmem>> -> memref<128x16xf32, #tpu.memory_space<vmem>>
          %dma_wait3A_107 = arith.constant 0 : i32
          %dma_wait3A_108 = tpu.memref_slice %arg8[%run_scoped3A_91, %dma_wait3A_107] : memref<5x128xi32, #tpu.memory_space<vmem>> -> memref<1x128xi32, #tpu.memory_space<vmem>>
          %dma_wait3A_109 = tpu.memref_squeeze %dma_wait3A_108 : memref<1x128xi32, #tpu.memory_space<vmem>> -> memref<128xi32, #tpu.memory_space<vmem>>
          %dma_wait3A_110 = arith.constant 0 : i32
          %dma_wait3A_111 = arith.constant 0 : i32
          %dma_wait3A_112 = tpu.memref_slice %arg5[%dma_wait3A_110, %dma_wait3A_111] : memref<102400x16xf32, #tpu.memory_space<vmem_shared>> -> memref<102400x16xf32, #tpu.memory_space<vmem_shared>>
          tpu.wait_indirect_dma semaphore(%run_scoped3A_95 : memref<!tpu.dma_semaphore, #tpu.memory_space<semaphore_mem>>) src(%dma_wait3A_106 : memref<128x16xf32, #tpu.memory_space<vmem>>) dst(%dma_wait3A_112 : memref<102400x16xf32, #tpu.memory_space<vmem_shared>>)
          tpu.yield
        }) : () -> ()
        %run_scoped3A_92 = arith.constant 2 : i32
        "tpu.region"() ({
          %run_scoped3A_95 = tpu.sem_alloc : memref<!tpu.dma_semaphore, #tpu.memory_space<semaphore_mem>>
          %dma_start3A = arith.constant 256 : i32
          %dma_start3A_96 = arith.constant 0 : i32
          %dma_start3A_97 = tpu.memref_slice %arg6[%dma_start3A, %dma_start3A_96] : memref<640x16xf32, #tpu.memory_space<vmem>> -> memref<128x16xf32, #tpu.memory_space<vmem>>
          %dma_start3A_98 = arith.constant 0 : i32
          %dma_start3A_99 = tpu.memref_slice %arg8[%run_scoped3A_92, %dma_start3A_98] : memref<5x128xi32, #tpu.memory_space<vmem>> -> memref<1x128xi32, #tpu.memory_space<vmem>>
          %dma_start3A_100 = tpu.memref_squeeze %dma_start3A_99 : memref<1x128xi32, #tpu.memory_space<vmem>> -> memref<128xi32, #tpu.memory_space<vmem>>
          %dma_start3A_101 = arith.constant 0 : i32
          %dma_start3A_102 = arith.constant 0 : i32
          %dma_start3A_103 = tpu.memref_slice %arg5[%dma_start3A_101, %dma_start3A_102] : memref<102400x16xf32, #tpu.memory_space<vmem_shared>> -> memref<102400x16xf32, #tpu.memory_space<vmem_shared>>
          tpu.enqueue_indirect_dma source(%dma_start3A_97 : memref<128x16xf32, #tpu.memory_space<vmem>>) target(%dma_start3A_103 : memref<102400x16xf32, #tpu.memory_space<vmem_shared>>) offsets(%dma_start3A_100 : memref<128xi32, #tpu.memory_space<vmem>>) semaphore(%run_scoped3A_95 : memref<!tpu.dma_semaphore, #tpu.memory_space<semaphore_mem>>) {add = true}
          %dma_wait3A_104 = arith.constant 256 : i32
          %dma_wait3A_105 = arith.constant 0 : i32
          %dma_wait3A_106 = tpu.memref_slice %arg6[%dma_wait3A_104, %dma_wait3A_105] : memref<640x16xf32, #tpu.memory_space<vmem>> -> memref<128x16xf32, #tpu.memory_space<vmem>>
          %dma_wait3A_107 = arith.constant 0 : i32
          %dma_wait3A_108 = tpu.memref_slice %arg8[%run_scoped3A_92, %dma_wait3A_107] : memref<5x128xi32, #tpu.memory_space<vmem>> -> memref<1x128xi32, #tpu.memory_space<vmem>>
          %dma_wait3A_109 = tpu.memref_squeeze %dma_wait3A_108 : memref<1x128xi32, #tpu.memory_space<vmem>> -> memref<128xi32, #tpu.memory_space<vmem>>
          %dma_wait3A_110 = arith.constant 0 : i32
          %dma_wait3A_111 = arith.constant 0 : i32
          %dma_wait3A_112 = tpu.memref_slice %arg5[%dma_wait3A_110, %dma_wait3A_111] : memref<102400x16xf32, #tpu.memory_space<vmem_shared>> -> memref<102400x16xf32, #tpu.memory_space<vmem_shared>>
          tpu.wait_indirect_dma semaphore(%run_scoped3A_95 : memref<!tpu.dma_semaphore, #tpu.memory_space<semaphore_mem>>) src(%dma_wait3A_106 : memref<128x16xf32, #tpu.memory_space<vmem>>) dst(%dma_wait3A_112 : memref<102400x16xf32, #tpu.memory_space<vmem_shared>>)
          tpu.yield
        }) : () -> ()
        %run_scoped3A_93 = arith.constant 3 : i32
        "tpu.region"() ({
          %run_scoped3A_95 = tpu.sem_alloc : memref<!tpu.dma_semaphore, #tpu.memory_space<semaphore_mem>>
          %dma_start3A = arith.constant 384 : i32
          %dma_start3A_96 = arith.constant 0 : i32
          %dma_start3A_97 = tpu.memref_slice %arg6[%dma_start3A, %dma_start3A_96] : memref<640x16xf32, #tpu.memory_space<vmem>> -> memref<128x16xf32, #tpu.memory_space<vmem>>
          %dma_start3A_98 = arith.constant 0 : i32
          %dma_start3A_99 = tpu.memref_slice %arg8[%run_scoped3A_93, %dma_start3A_98] : memref<5x128xi32, #tpu.memory_space<vmem>> -> memref<1x128xi32, #tpu.memory_space<vmem>>
          %dma_start3A_100 = tpu.memref_squeeze %dma_start3A_99 : memref<1x128xi32, #tpu.memory_space<vmem>> -> memref<128xi32, #tpu.memory_space<vmem>>
          %dma_start3A_101 = arith.constant 0 : i32
          %dma_start3A_102 = arith.constant 0 : i32
          %dma_start3A_103 = tpu.memref_slice %arg5[%dma_start3A_101, %dma_start3A_102] : memref<102400x16xf32, #tpu.memory_space<vmem_shared>> -> memref<102400x16xf32, #tpu.memory_space<vmem_shared>>
          tpu.enqueue_indirect_dma source(%dma_start3A_97 : memref<128x16xf32, #tpu.memory_space<vmem>>) target(%dma_start3A_103 : memref<102400x16xf32, #tpu.memory_space<vmem_shared>>) offsets(%dma_start3A_100 : memref<128xi32, #tpu.memory_space<vmem>>) semaphore(%run_scoped3A_95 : memref<!tpu.dma_semaphore, #tpu.memory_space<semaphore_mem>>) {add = true}
          %dma_wait3A_104 = arith.constant 384 : i32
          %dma_wait3A_105 = arith.constant 0 : i32
          %dma_wait3A_106 = tpu.memref_slice %arg6[%dma_wait3A_104, %dma_wait3A_105] : memref<640x16xf32, #tpu.memory_space<vmem>> -> memref<128x16xf32, #tpu.memory_space<vmem>>
          %dma_wait3A_107 = arith.constant 0 : i32
          %dma_wait3A_108 = tpu.memref_slice %arg8[%run_scoped3A_93, %dma_wait3A_107] : memref<5x128xi32, #tpu.memory_space<vmem>> -> memref<1x128xi32, #tpu.memory_space<vmem>>
          %dma_wait3A_109 = tpu.memref_squeeze %dma_wait3A_108 : memref<1x128xi32, #tpu.memory_space<vmem>> -> memref<128xi32, #tpu.memory_space<vmem>>
          %dma_wait3A_110 = arith.constant 0 : i32
          %dma_wait3A_111 = arith.constant 0 : i32
          %dma_wait3A_112 = tpu.memref_slice %arg5[%dma_wait3A_110, %dma_wait3A_111] : memref<102400x16xf32, #tpu.memory_space<vmem_shared>> -> memref<102400x16xf32, #tpu.memory_space<vmem_shared>>
          tpu.wait_indirect_dma semaphore(%run_scoped3A_95 : memref<!tpu.dma_semaphore, #tpu.memory_space<semaphore_mem>>) src(%dma_wait3A_106 : memref<128x16xf32, #tpu.memory_space<vmem>>) dst(%dma_wait3A_112 : memref<102400x16xf32, #tpu.memory_space<vmem_shared>>)
          tpu.yield
        }) : () -> ()
        %run_scoped3A_94 = arith.constant 4 : i32
        "tpu.region"() ({
          %run_scoped3A_95 = tpu.sem_alloc : memref<!tpu.dma_semaphore, #tpu.memory_space<semaphore_mem>>
          %dma_start3A = arith.constant 512 : i32
          %dma_start3A_96 = arith.constant 0 : i32
          %dma_start3A_97 = tpu.memref_slice %arg6[%dma_start3A, %dma_start3A_96] : memref<640x16xf32, #tpu.memory_space<vmem>> -> memref<128x16xf32, #tpu.memory_space<vmem>>
          %dma_start3A_98 = arith.constant 0 : i32
          %dma_start3A_99 = tpu.memref_slice %arg8[%run_scoped3A_94, %dma_start3A_98] : memref<5x128xi32, #tpu.memory_space<vmem>> -> memref<1x128xi32, #tpu.memory_space<vmem>>
          %dma_start3A_100 = tpu.memref_squeeze %dma_start3A_99 : memref<1x128xi32, #tpu.memory_space<vmem>> -> memref<128xi32, #tpu.memory_space<vmem>>
          %dma_start3A_101 = arith.constant 0 : i32
          %dma_start3A_102 = arith.constant 0 : i32
          %dma_start3A_103 = tpu.memref_slice %arg5[%dma_start3A_101, %dma_start3A_102] : memref<102400x16xf32, #tpu.memory_space<vmem_shared>> -> memref<102400x16xf32, #tpu.memory_space<vmem_shared>>
          tpu.enqueue_indirect_dma source(%dma_start3A_97 : memref<128x16xf32, #tpu.memory_space<vmem>>) target(%dma_start3A_103 : memref<102400x16xf32, #tpu.memory_space<vmem_shared>>) offsets(%dma_start3A_100 : memref<128xi32, #tpu.memory_space<vmem>>) semaphore(%run_scoped3A_95 : memref<!tpu.dma_semaphore, #tpu.memory_space<semaphore_mem>>) {add = true}
          %dma_wait3A_104 = arith.constant 512 : i32
          %dma_wait3A_105 = arith.constant 0 : i32
          %dma_wait3A_106 = tpu.memref_slice %arg6[%dma_wait3A_104, %dma_wait3A_105] : memref<640x16xf32, #tpu.memory_space<vmem>> -> memref<128x16xf32, #tpu.memory_space<vmem>>
          %dma_wait3A_107 = arith.constant 0 : i32
          %dma_wait3A_108 = tpu.memref_slice %arg8[%run_scoped3A_94, %dma_wait3A_107] : memref<5x128xi32, #tpu.memory_space<vmem>> -> memref<1x128xi32, #tpu.memory_space<vmem>>
          %dma_wait3A_109 = tpu.memref_squeeze %dma_wait3A_108 : memref<1x128xi32, #tpu.memory_space<vmem>> -> memref<128xi32, #tpu.memory_space<vmem>>
          %dma_wait3A_110 = arith.constant 0 : i32
          %dma_wait3A_111 = arith.constant 0 : i32
          %dma_wait3A_112 = tpu.memref_slice %arg5[%dma_wait3A_110, %dma_wait3A_111] : memref<102400x16xf32, #tpu.memory_space<vmem_shared>> -> memref<102400x16xf32, #tpu.memory_space<vmem_shared>>
          tpu.wait_indirect_dma semaphore(%run_scoped3A_95 : memref<!tpu.dma_semaphore, #tpu.memory_space<semaphore_mem>>) src(%dma_wait3A_106 : memref<128x16xf32, #tpu.memory_space<vmem>>) dst(%dma_wait3A_112 : memref<102400x16xf32, #tpu.memory_space<vmem_shared>>)
          tpu.yield
        }) : () -> ()
      } else {
      }
      %add3A_60 = arith.constant 2 : i32
      %add3A_61 = arith.addi %mul3A_41, %add3A_60 : i32
      %mul3A_62 = arith.constant 32 : i32
      %mul3A_63 = arith.muli %mul3A_62, %add3A_61 : i32
      %add3A_64 = arith.addi %add3A, %mul3A_63 : i32
      %lt3A_65 = arith.constant 1000 : i32
      %lt3A_66 = arith.cmpi slt, %add3A_64, %lt3A_65 : i32
      %convert_element_type3A_67 = arith.extui %lt3A_66 : i1 to i32
      %cond3A_68 = arith.constant 0 : i32
      %cond3A_69 = arith.cmpi ne, %convert_element_type3A_67, %cond3A_68 : i32
      scf.if %cond3A_69 {
        %mul3A_80 = arith.constant 640 : i32
        %mul3A_81 = arith.muli %add3A_64, %mul3A_80 : i32
        %multiple_of3A = tpu.assume_multiple %mul3A_81, 640 : i32
        %dma_start3A = arith.constant 0 : i32
        %dma_start3A_82 = tpu.memref_slice %arg2[%multiple_of3A, %dma_start3A] : memref<640000x16xf32, #tpu.memory_space<hbm>> -> memref<640x16xf32, #tpu.memory_space<hbm>>
        %dma_start3A_83 = arith.constant 0 : i32
        %dma_start3A_84 = tpu.memref_slice %arg2[%multiple_of3A, %dma_start3A_83] : memref<640000x16xf32, #tpu.memory_space<hbm>> -> memref<640x16xf32, #tpu.memory_space<hbm>>
        tpu.enqueue_dma source(%dma_start3A_84 : memref<640x16xf32, #tpu.memory_space<hbm>>) target(%arg6 : memref<640x16xf32, #tpu.memory_space<vmem>>) target_semaphore(%arg10 : memref<!tpu.dma_semaphore, #tpu.memory_space<semaphore_mem>>)
        %mul3A_85 = arith.constant 5 : i32
        %mul3A_86 = arith.muli %add3A_64, %mul3A_85 : i32
        %add3A_87 = arith.constant 0 : i32
        %add3A_88 = arith.addi %add3A_87, %mul3A_86 : i32
        %multiple_of3A_89 = tpu.assume_multiple %add3A_88, 5 : i32
        %dma_start3A_90 = arith.constant 0 : i32
        %dma_start3A_91 = tpu.memref_slice %arg3[%multiple_of3A_89, %dma_start3A_90] : memref<25000x128xi32, #tpu.memory_space<hbm>> -> memref<5x128xi32, #tpu.memory_space<hbm>>
        %dma_start3A_92 = arith.constant 0 : i32
        %dma_start3A_93 = tpu.memref_slice %arg3[%multiple_of3A_89, %dma_start3A_92] : memref<25000x128xi32, #tpu.memory_space<hbm>> -> memref<5x128xi32, #tpu.memory_space<hbm>>
        tpu.enqueue_dma source(%dma_start3A_93 : memref<5x128xi32, #tpu.memory_space<hbm>>) target(%arg8 : memref<5x128xi32, #tpu.memory_space<vmem>>) target_semaphore(%arg10 : memref<!tpu.dma_semaphore, #tpu.memory_space<semaphore_mem>>)
      } else {
      }
      %add3A_70 = arith.constant 1 : i32
      %add3A_71 = arith.addi %mul3A_41, %add3A_70 : i32
      %mul3A_72 = arith.constant 32 : i32
      %mul3A_73 = arith.muli %mul3A_72, %add3A_71 : i32
      %add3A_74 = arith.addi %add3A, %mul3A_73 : i32
      %lt3A_75 = arith.constant 1000 : i32
      %lt3A_76 = arith.cmpi slt, %add3A_74, %lt3A_75 : i32
      %convert_element_type3A_77 = arith.extui %lt3A_76 : i1 to i32
      %cond3A_78 = arith.constant 0 : i32
      %cond3A_79 = arith.cmpi ne, %convert_element_type3A_77, %cond3A_78 : i32
      scf.if %cond3A_79 {
        %dma_wait3A = arith.constant 0 : i32
        %dma_wait3A_80 = arith.constant 0 : i32
        %dma_wait3A_81 = tpu.memref_slice %arg2[%dma_wait3A, %dma_wait3A_80] : memref<640000x16xf32, #tpu.memory_space<hbm>> -> memref<640x16xf32, #tpu.memory_space<hbm>>
        %dma_wait3A_82 = arith.constant 0 : i32
        %dma_wait3A_83 = arith.constant 0 : i32
        %dma_wait3A_84 = tpu.memref_slice %arg2[%dma_wait3A_82, %dma_wait3A_83] : memref<640000x16xf32, #tpu.memory_space<hbm>> -> memref<640x16xf32, #tpu.memory_space<hbm>>
        tpu.wait_dma2 semaphore(%arg11 : memref<!tpu.dma_semaphore, #tpu.memory_space<semaphore_mem>>) src(%dma_wait3A_84 : memref<640x16xf32, #tpu.memory_space<hbm>>) dst(%arg7 : memref<640x16xf32, #tpu.memory_space<vmem>>)
        %dma_wait3A_85 = arith.constant 0 : i32
        %dma_wait3A_86 = arith.constant 0 : i32
        %dma_wait3A_87 = tpu.memref_slice %arg3[%dma_wait3A_85, %dma_wait3A_86] : memref<25000x128xi32, #tpu.memory_space<hbm>> -> memref<5x128xi32, #tpu.memory_space<hbm>>
        %dma_wait3A_88 = arith.constant 0 : i32
        %dma_wait3A_89 = arith.constant 0 : i32
        %dma_wait3A_90 = tpu.memref_slice %arg3[%dma_wait3A_88, %dma_wait3A_89] : memref<25000x128xi32, #tpu.memory_space<hbm>> -> memref<5x128xi32, #tpu.memory_space<hbm>>
        tpu.wait_dma2 semaphore(%arg11 : memref<!tpu.dma_semaphore, #tpu.memory_space<semaphore_mem>>) src(%dma_wait3A_90 : memref<5x128xi32, #tpu.memory_space<hbm>>) dst(%arg9 : memref<5x128xi32, #tpu.memory_space<vmem>>)
        %run_scoped3A = arith.constant 0 : i32
        "tpu.region"() ({
          %run_scoped3A_95 = tpu.sem_alloc : memref<!tpu.dma_semaphore, #tpu.memory_space<semaphore_mem>>
          %dma_start3A = arith.constant 0 : i32
          %dma_start3A_96 = arith.constant 0 : i32
          %dma_start3A_97 = tpu.memref_slice %arg7[%dma_start3A, %dma_start3A_96] : memref<640x16xf32, #tpu.memory_space<vmem>> -> memref<128x16xf32, #tpu.memory_space<vmem>>
          %dma_start3A_98 = arith.constant 0 : i32
          %dma_start3A_99 = tpu.memref_slice %arg9[%run_scoped3A, %dma_start3A_98] : memref<5x128xi32, #tpu.memory_space<vmem>> -> memref<1x128xi32, #tpu.memory_space<vmem>>
          %dma_start3A_100 = tpu.memref_squeeze %dma_start3A_99 : memref<1x128xi32, #tpu.memory_space<vmem>> -> memref<128xi32, #tpu.memory_space<vmem>>
          %dma_start3A_101 = arith.constant 0 : i32
          %dma_start3A_102 = arith.constant 0 : i32
          %dma_start3A_103 = tpu.memref_slice %arg5[%dma_start3A_101, %dma_start3A_102] : memref<102400x16xf32, #tpu.memory_space<vmem_shared>> -> memref<102400x16xf32, #tpu.memory_space<vmem_shared>>
          tpu.enqueue_indirect_dma source(%dma_start3A_97 : memref<128x16xf32, #tpu.memory_space<vmem>>) target(%dma_start3A_103 : memref<102400x16xf32, #tpu.memory_space<vmem_shared>>) offsets(%dma_start3A_100 : memref<128xi32, #tpu.memory_space<vmem>>) semaphore(%run_scoped3A_95 : memref<!tpu.dma_semaphore, #tpu.memory_space<semaphore_mem>>) {add = true}
          %dma_wait3A_104 = arith.constant 0 : i32
          %dma_wait3A_105 = arith.constant 0 : i32
          %dma_wait3A_106 = tpu.memref_slice %arg7[%dma_wait3A_104, %dma_wait3A_105] : memref<640x16xf32, #tpu.memory_space<vmem>> -> memref<128x16xf32, #tpu.memory_space<vmem>>
          %dma_wait3A_107 = arith.constant 0 : i32
          %dma_wait3A_108 = tpu.memref_slice %arg9[%run_scoped3A, %dma_wait3A_107] : memref<5x128xi32, #tpu.memory_space<vmem>> -> memref<1x128xi32, #tpu.memory_space<vmem>>
          %dma_wait3A_109 = tpu.memref_squeeze %dma_wait3A_108 : memref<1x128xi32, #tpu.memory_space<vmem>> -> memref<128xi32, #tpu.memory_space<vmem>>
          %dma_wait3A_110 = arith.constant 0 : i32
          %dma_wait3A_111 = arith.constant 0 : i32
          %dma_wait3A_112 = tpu.memref_slice %arg5[%dma_wait3A_110, %dma_wait3A_111] : memref<102400x16xf32, #tpu.memory_space<vmem_shared>> -> memref<102400x16xf32, #tpu.memory_space<vmem_shared>>
          tpu.wait_indirect_dma semaphore(%run_scoped3A_95 : memref<!tpu.dma_semaphore, #tpu.memory_space<semaphore_mem>>) src(%dma_wait3A_106 : memref<128x16xf32, #tpu.memory_space<vmem>>) dst(%dma_wait3A_112 : memref<102400x16xf32, #tpu.memory_space<vmem_shared>>)
          tpu.yield
        }) : () -> ()
        %run_scoped3A_91 = arith.constant 1 : i32
        "tpu.region"() ({
          %run_scoped3A_95 = tpu.sem_alloc : memref<!tpu.dma_semaphore, #tpu.memory_space<semaphore_mem>>
          %dma_start3A = arith.constant 128 : i32
          %dma_start3A_96 = arith.constant 0 : i32
          %dma_start3A_97 = tpu.memref_slice %arg7[%dma_start3A, %dma_start3A_96] : memref<640x16xf32, #tpu.memory_space<vmem>> -> memref<128x16xf32, #tpu.memory_space<vmem>>
          %dma_start3A_98 = arith.constant 0 : i32
          %dma_start3A_99 = tpu.memref_slice %arg9[%run_scoped3A_91, %dma_start3A_98] : memref<5x128xi32, #tpu.memory_space<vmem>> -> memref<1x128xi32, #tpu.memory_space<vmem>>
          %dma_start3A_100 = tpu.memref_squeeze %dma_start3A_99 : memref<1x128xi32, #tpu.memory_space<vmem>> -> memref<128xi32, #tpu.memory_space<vmem>>
          %dma_start3A_101 = arith.constant 0 : i32
          %dma_start3A_102 = arith.constant 0 : i32
          %dma_start3A_103 = tpu.memref_slice %arg5[%dma_start3A_101, %dma_start3A_102] : memref<102400x16xf32, #tpu.memory_space<vmem_shared>> -> memref<102400x16xf32, #tpu.memory_space<vmem_shared>>
          tpu.enqueue_indirect_dma source(%dma_start3A_97 : memref<128x16xf32, #tpu.memory_space<vmem>>) target(%dma_start3A_103 : memref<102400x16xf32, #tpu.memory_space<vmem_shared>>) offsets(%dma_start3A_100 : memref<128xi32, #tpu.memory_space<vmem>>) semaphore(%run_scoped3A_95 : memref<!tpu.dma_semaphore, #tpu.memory_space<semaphore_mem>>) {add = true}
          %dma_wait3A_104 = arith.constant 128 : i32
          %dma_wait3A_105 = arith.constant 0 : i32
          %dma_wait3A_106 = tpu.memref_slice %arg7[%dma_wait3A_104, %dma_wait3A_105] : memref<640x16xf32, #tpu.memory_space<vmem>> -> memref<128x16xf32, #tpu.memory_space<vmem>>
          %dma_wait3A_107 = arith.constant 0 : i32
          %dma_wait3A_108 = tpu.memref_slice %arg9[%run_scoped3A_91, %dma_wait3A_107] : memref<5x128xi32, #tpu.memory_space<vmem>> -> memref<1x128xi32, #tpu.memory_space<vmem>>
          %dma_wait3A_109 = tpu.memref_squeeze %dma_wait3A_108 : memref<1x128xi32, #tpu.memory_space<vmem>> -> memref<128xi32, #tpu.memory_space<vmem>>
          %dma_wait3A_110 = arith.constant 0 : i32
          %dma_wait3A_111 = arith.constant 0 : i32
          %dma_wait3A_112 = tpu.memref_slice %arg5[%dma_wait3A_110, %dma_wait3A_111] : memref<102400x16xf32, #tpu.memory_space<vmem_shared>> -> memref<102400x16xf32, #tpu.memory_space<vmem_shared>>
          tpu.wait_indirect_dma semaphore(%run_scoped3A_95 : memref<!tpu.dma_semaphore, #tpu.memory_space<semaphore_mem>>) src(%dma_wait3A_106 : memref<128x16xf32, #tpu.memory_space<vmem>>) dst(%dma_wait3A_112 : memref<102400x16xf32, #tpu.memory_space<vmem_shared>>)
          tpu.yield
        }) : () -> ()
        %run_scoped3A_92 = arith.constant 2 : i32
        "tpu.region"() ({
          %run_scoped3A_95 = tpu.sem_alloc : memref<!tpu.dma_semaphore, #tpu.memory_space<semaphore_mem>>
          %dma_start3A = arith.constant 256 : i32
          %dma_start3A_96 = arith.constant 0 : i32
          %dma_start3A_97 = tpu.memref_slice %arg7[%dma_start3A, %dma_start3A_96] : memref<640x16xf32, #tpu.memory_space<vmem>> -> memref<128x16xf32, #tpu.memory_space<vmem>>
          %dma_start3A_98 = arith.constant 0 : i32
          %dma_start3A_99 = tpu.memref_slice %arg9[%run_scoped3A_92, %dma_start3A_98] : memref<5x128xi32, #tpu.memory_space<vmem>> -> memref<1x128xi32, #tpu.memory_space<vmem>>
          %dma_start3A_100 = tpu.memref_squeeze %dma_start3A_99 : memref<1x128xi32, #tpu.memory_space<vmem>> -> memref<128xi32, #tpu.memory_space<vmem>>
          %dma_start3A_101 = arith.constant 0 : i32
          %dma_start3A_102 = arith.constant 0 : i32
          %dma_start3A_103 = tpu.memref_slice %arg5[%dma_start3A_101, %dma_start3A_102] : memref<102400x16xf32, #tpu.memory_space<vmem_shared>> -> memref<102400x16xf32, #tpu.memory_space<vmem_shared>>
          tpu.enqueue_indirect_dma source(%dma_start3A_97 : memref<128x16xf32, #tpu.memory_space<vmem>>) target(%dma_start3A_103 : memref<102400x16xf32, #tpu.memory_space<vmem_shared>>) offsets(%dma_start3A_100 : memref<128xi32, #tpu.memory_space<vmem>>) semaphore(%run_scoped3A_95 : memref<!tpu.dma_semaphore, #tpu.memory_space<semaphore_mem>>) {add = true}
          %dma_wait3A_104 = arith.constant 256 : i32
          %dma_wait3A_105 = arith.constant 0 : i32
          %dma_wait3A_106 = tpu.memref_slice %arg7[%dma_wait3A_104, %dma_wait3A_105] : memref<640x16xf32, #tpu.memory_space<vmem>> -> memref<128x16xf32, #tpu.memory_space<vmem>>
          %dma_wait3A_107 = arith.constant 0 : i32
          %dma_wait3A_108 = tpu.memref_slice %arg9[%run_scoped3A_92, %dma_wait3A_107] : memref<5x128xi32, #tpu.memory_space<vmem>> -> memref<1x128xi32, #tpu.memory_space<vmem>>
          %dma_wait3A_109 = tpu.memref_squeeze %dma_wait3A_108 : memref<1x128xi32, #tpu.memory_space<vmem>> -> memref<128xi32, #tpu.memory_space<vmem>>
          %dma_wait3A_110 = arith.constant 0 : i32
          %dma_wait3A_111 = arith.constant 0 : i32
          %dma_wait3A_112 = tpu.memref_slice %arg5[%dma_wait3A_110, %dma_wait3A_111] : memref<102400x16xf32, #tpu.memory_space<vmem_shared>> -> memref<102400x16xf32, #tpu.memory_space<vmem_shared>>
          tpu.wait_indirect_dma semaphore(%run_scoped3A_95 : memref<!tpu.dma_semaphore, #tpu.memory_space<semaphore_mem>>) src(%dma_wait3A_106 : memref<128x16xf32, #tpu.memory_space<vmem>>) dst(%dma_wait3A_112 : memref<102400x16xf32, #tpu.memory_space<vmem_shared>>)
          tpu.yield
        }) : () -> ()
        %run_scoped3A_93 = arith.constant 3 : i32
        "tpu.region"() ({
          %run_scoped3A_95 = tpu.sem_alloc : memref<!tpu.dma_semaphore, #tpu.memory_space<semaphore_mem>>
          %dma_start3A = arith.constant 384 : i32
          %dma_start3A_96 = arith.constant 0 : i32
          %dma_start3A_97 = tpu.memref_slice %arg7[%dma_start3A, %dma_start3A_96] : memref<640x16xf32, #tpu.memory_space<vmem>> -> memref<128x16xf32, #tpu.memory_space<vmem>>
          %dma_start3A_98 = arith.constant 0 : i32
          %dma_start3A_99 = tpu.memref_slice %arg9[%run_scoped3A_93, %dma_start3A_98] : memref<5x128xi32, #tpu.memory_space<vmem>> -> memref<1x128xi32, #tpu.memory_space<vmem>>
          %dma_start3A_100 = tpu.memref_squeeze %dma_start3A_99 : memref<1x128xi32, #tpu.memory_space<vmem>> -> memref<128xi32, #tpu.memory_space<vmem>>
          %dma_start3A_101 = arith.constant 0 : i32
          %dma_start3A_102 = arith.constant 0 : i32
          %dma_start3A_103 = tpu.memref_slice %arg5[%dma_start3A_101, %dma_start3A_102] : memref<102400x16xf32, #tpu.memory_space<vmem_shared>> -> memref<102400x16xf32, #tpu.memory_space<vmem_shared>>
          tpu.enqueue_indirect_dma source(%dma_start3A_97 : memref<128x16xf32, #tpu.memory_space<vmem>>) target(%dma_start3A_103 : memref<102400x16xf32, #tpu.memory_space<vmem_shared>>) offsets(%dma_start3A_100 : memref<128xi32, #tpu.memory_space<vmem>>) semaphore(%run_scoped3A_95 : memref<!tpu.dma_semaphore, #tpu.memory_space<semaphore_mem>>) {add = true}
          %dma_wait3A_104 = arith.constant 384 : i32
          %dma_wait3A_105 = arith.constant 0 : i32
          %dma_wait3A_106 = tpu.memref_slice %arg7[%dma_wait3A_104, %dma_wait3A_105] : memref<640x16xf32, #tpu.memory_space<vmem>> -> memref<128x16xf32, #tpu.memory_space<vmem>>
          %dma_wait3A_107 = arith.constant 0 : i32
          %dma_wait3A_108 = tpu.memref_slice %arg9[%run_scoped3A_93, %dma_wait3A_107] : memref<5x128xi32, #tpu.memory_space<vmem>> -> memref<1x128xi32, #tpu.memory_space<vmem>>
          %dma_wait3A_109 = tpu.memref_squeeze %dma_wait3A_108 : memref<1x128xi32, #tpu.memory_space<vmem>> -> memref<128xi32, #tpu.memory_space<vmem>>
          %dma_wait3A_110 = arith.constant 0 : i32
          %dma_wait3A_111 = arith.constant 0 : i32
          %dma_wait3A_112 = tpu.memref_slice %arg5[%dma_wait3A_110, %dma_wait3A_111] : memref<102400x16xf32, #tpu.memory_space<vmem_shared>> -> memref<102400x16xf32, #tpu.memory_space<vmem_shared>>
          tpu.wait_indirect_dma semaphore(%run_scoped3A_95 : memref<!tpu.dma_semaphore, #tpu.memory_space<semaphore_mem>>) src(%dma_wait3A_106 : memref<128x16xf32, #tpu.memory_space<vmem>>) dst(%dma_wait3A_112 : memref<102400x16xf32, #tpu.memory_space<vmem_shared>>)
          tpu.yield
        }) : () -> ()
        %run_scoped3A_94 = arith.constant 4 : i32
        "tpu.region"() ({
          %run_scoped3A_95 = tpu.sem_alloc : memref<!tpu.dma_semaphore, #tpu.memory_space<semaphore_mem>>
          %dma_start3A = arith.constant 512 : i32
          %dma_start3A_96 = arith.constant 0 : i32
          %dma_start3A_97 = tpu.memref_slice %arg7[%dma_start3A, %dma_start3A_96] : memref<640x16xf32, #tpu.memory_space<vmem>> -> memref<128x16xf32, #tpu.memory_space<vmem>>
          %dma_start3A_98 = arith.constant 0 : i32
          %dma_start3A_99 = tpu.memref_slice %arg9[%run_scoped3A_94, %dma_start3A_98] : memref<5x128xi32, #tpu.memory_space<vmem>> -> memref<1x128xi32, #tpu.memory_space<vmem>>
          %dma_start3A_100 = tpu.memref_squeeze %dma_start3A_99 : memref<1x128xi32, #tpu.memory_space<vmem>> -> memref<128xi32, #tpu.memory_space<vmem>>
          %dma_start3A_101 = arith.constant 0 : i32
          %dma_start3A_102 = arith.constant 0 : i32
          %dma_start3A_103 = tpu.memref_slice %arg5[%dma_start3A_101, %dma_start3A_102] : memref<102400x16xf32, #tpu.memory_space<vmem_shared>> -> memref<102400x16xf32, #tpu.memory_space<vmem_shared>>
          tpu.enqueue_indirect_dma source(%dma_start3A_97 : memref<128x16xf32, #tpu.memory_space<vmem>>) target(%dma_start3A_103 : memref<102400x16xf32, #tpu.memory_space<vmem_shared>>) offsets(%dma_start3A_100 : memref<128xi32, #tpu.memory_space<vmem>>) semaphore(%run_scoped3A_95 : memref<!tpu.dma_semaphore, #tpu.memory_space<semaphore_mem>>) {add = true}
          %dma_wait3A_104 = arith.constant 512 : i32
          %dma_wait3A_105 = arith.constant 0 : i32
          %dma_wait3A_106 = tpu.memref_slice %arg7[%dma_wait3A_104, %dma_wait3A_105] : memref<640x16xf32, #tpu.memory_space<vmem>> -> memref<128x16xf32, #tpu.memory_space<vmem>>
          %dma_wait3A_107 = arith.constant 0 : i32
          %dma_wait3A_108 = tpu.memref_slice %arg9[%run_scoped3A_94, %dma_wait3A_107] : memref<5x128xi32, #tpu.memory_space<vmem>> -> memref<1x128xi32, #tpu.memory_space<vmem>>
          %dma_wait3A_109 = tpu.memref_squeeze %dma_wait3A_108 : memref<1x128xi32, #tpu.memory_space<vmem>> -> memref<128xi32, #tpu.memory_space<vmem>>
          %dma_wait3A_110 = arith.constant 0 : i32
          %dma_wait3A_111 = arith.constant 0 : i32
          %dma_wait3A_112 = tpu.memref_slice %arg5[%dma_wait3A_110, %dma_wait3A_111] : memref<102400x16xf32, #tpu.memory_space<vmem_shared>> -> memref<102400x16xf32, #tpu.memory_space<vmem_shared>>
          tpu.wait_indirect_dma semaphore(%run_scoped3A_95 : memref<!tpu.dma_semaphore, #tpu.memory_space<semaphore_mem>>) src(%dma_wait3A_106 : memref<128x16xf32, #tpu.memory_space<vmem>>) dst(%dma_wait3A_112 : memref<102400x16xf32, #tpu.memory_space<vmem_shared>>)
          tpu.yield
        }) : () -> ()
      } else {
      }
    }
    %scan3A_37 = arith.constant 16 : i32
    %barrier3A_38 = arith.constant 0 : index
    tpu.barrier barrier_id(%barrier3A_38)
    "tpu.region"() ({
      %run_scoped3A = tpu.sem_alloc : memref<!tpu.dma_semaphore, #tpu.memory_space<semaphore_mem>>
      %dma_start3A = arith.constant 0 : i32
      %dma_start3A_39 = arith.constant 0 : i32
      %dma_start3A_40 = tpu.memref_slice %arg4[%arg0, %dma_start3A, %dma_start3A_39] : memref<2x102400x16xf32, #tpu.memory_space<hbm>> -> memref<1x102400x16xf32, #tpu.memory_space<hbm>>
      %dma_start3A_41 = tpu.memref_squeeze %dma_start3A_40 : memref<1x102400x16xf32, #tpu.memory_space<hbm>> -> memref<102400x16xf32, #tpu.memory_space<hbm>>
      %dma_start3A_42 = arith.constant 0 : i32
      %dma_start3A_43 = tpu.memref_slice %dma_start3A_41[%mul3A_7, %dma_start3A_42] : memref<102400x16xf32, #tpu.memory_space<hbm>> -> memref<6400x16xf32, #tpu.memory_space<hbm>>
      %dma_start3A_44 = arith.constant 0 : i32
      %dma_start3A_45 = tpu.memref_slice %arg5[%mul3A_7, %dma_start3A_44] : memref<102400x16xf32, #tpu.memory_space<vmem_shared>> -> memref<6400x16xf32, #tpu.memory_space<vmem_shared>>
      tpu.enqueue_dma source(%dma_start3A_45 : memref<6400x16xf32, #tpu.memory_space<vmem_shared>>) target(%dma_start3A_43 : memref<6400x16xf32, #tpu.memory_space<hbm>>) target_semaphore(%run_scoped3A : memref<!tpu.dma_semaphore, #tpu.memory_space<semaphore_mem>>)
      %dma_wait3A = arith.constant 0 : i32
      %dma_wait3A_46 = arith.constant 0 : i32
      %dma_wait3A_47 = tpu.memref_slice %arg4[%arg0, %dma_wait3A, %dma_wait3A_46] : memref<2x102400x16xf32, #tpu.memory_space<hbm>> -> memref<1x102400x16xf32, #tpu.memory_space<hbm>>
      %dma_wait3A_48 = tpu.memref_squeeze %dma_wait3A_47 : memref<1x102400x16xf32, #tpu.memory_space<hbm>> -> memref<102400x16xf32, #tpu.memory_space<hbm>>
      %dma_wait3A_49 = arith.constant 0 : i32
      %dma_wait3A_50 = tpu.memref_slice %dma_wait3A_48[%mul3A_7, %dma_wait3A_49] : memref<102400x16xf32, #tpu.memory_space<hbm>> -> memref<6400x16xf32, #tpu.memory_space<hbm>>
      %dma_wait3A_51 = arith.constant 0 : i32
      %dma_wait3A_52 = tpu.memref_slice %arg5[%mul3A_7, %dma_wait3A_51] : memref<102400x16xf32, #tpu.memory_space<vmem_shared>> -> memref<6400x16xf32, #tpu.memory_space<vmem_shared>>
      tpu.wait_dma2 semaphore(%run_scoped3A : memref<!tpu.dma_semaphore, #tpu.memory_space<semaphore_mem>>) src(%dma_wait3A_52 : memref<6400x16xf32, #tpu.memory_space<vmem_shared>>) dst(%dma_wait3A_50 : memref<6400x16xf32, #tpu.memory_space<hbm>>)
      tpu.yield
    }) : () -> ()
    return
  }
}

module attributes {stable_mosaic.version = 14 : i64} {
  func.func @_perm_body(%arg0: i32, %arg1: memref<8x3200xi32, #tpu.memory_space<vmem>>, %arg2: memref<200x128xi32, #tpu.memory_space<vmem>>) attributes {dimension_semantics = [#tpu.dimension_semantics<arbitrary>], iteration_bounds = array<i64: 125>, scalar_prefetch = 0 : i64, scratch_operands = 0 : i64, tpu.core_type = #tpu.core_type<tc>, window_params = [{transform_indices = @transform_0, window_bounds = array<i64: 8, 3200>}, {transform_indices = @transform_1, window_bounds = array<i64: 200, 128>}]} {
    %get3A = arith.constant 0 : index
    %get3A_0 = arith.constant 0 : index
    %get3A_1 = vector.load %arg1[%get3A, %get3A_0] : memref<8x3200xi32, #tpu.memory_space<vmem>>, vector<8x3200xi32>
    %reshape3A = vector.shape_cast %get3A_1 : vector<8x3200xi32> to vector<8x200x16xi32>
    %transpose3A = tpu.transpose %reshape3A, [1, 2, 0] : vector<8x200x16xi32> -> vector<200x16x8xi32>
    %reshape3A_2 = vector.shape_cast %transpose3A : vector<200x16x8xi32> to vector<200x128xi32>
    %swap3A = arith.constant 0 : index
    %swap3A_3 = arith.constant 0 : index
    %swap3A_4 = vector.load %arg2[%swap3A, %swap3A_3] : memref<200x128xi32, #tpu.memory_space<vmem>>, vector<200x128xi32>
    tpu.vector_store %arg2[%swap3A, %swap3A_3], %reshape3A_2 {strides = array<i32>} : memref<200x128xi32, #tpu.memory_space<vmem>>, vector<200x128xi32>,
    return
  }
  func.func @transform_0(%arg0: i32) -> (i32, i32) {
    %c0_i32 = arith.constant 0 : i32
    %c0_i32_0 = arith.constant 0 : i32
    return %arg0, %c0_i32 : i32, i32
  }
  func.func @transform_1(%arg0: i32) -> (i32, i32) {
    %c0_i32 = arith.constant 0 : i32
    %c0_i32_0 = arith.constant 0 : i32
    return %arg0, %c0_i32 : i32, i32
  }
}

module attributes {stable_mosaic.version = 14 : i64} {
  func.func @_edge_mlp_body(%arg0: i32, %arg1: memref<16x25600xf32, #tpu.memory_space<vmem>>, %arg2: memref<128x128xf32, #tpu.memory_space<vmem>>, %arg3: memref<1x128xf32, #tpu.memory_space<vmem>>, %arg4: memref<128x128xf32, #tpu.memory_space<vmem>>, %arg5: memref<1x128xf32, #tpu.memory_space<vmem>>, %arg6: memref<3200x128xf32, #tpu.memory_space<vmem>>) attributes {dimension_semantics = [#tpu.dimension_semantics<arbitrary>], iteration_bounds = array<i64: 25>, scalar_prefetch = 0 : i64, scratch_operands = 0 : i64, tpu.core_type = #tpu.core_type<tc>, window_params = [{transform_indices = @transform_0, window_bounds = array<i64: 16, 25600>}, {pipeline_mode = #tpu.pipeline_mode<synchronous>, transform_indices = @transform_1, window_bounds = array<i64: 128, 128>}, {pipeline_mode = #tpu.pipeline_mode<synchronous>, transform_indices = @transform_2, window_bounds = array<i64: 1, 128>}, {pipeline_mode = #tpu.pipeline_mode<synchronous>, transform_indices = @transform_3, window_bounds = array<i64: 128, 128>}, {pipeline_mode = #tpu.pipeline_mode<synchronous>, transform_indices = @transform_4, window_bounds = array<i64: 1, 128>}, {transform_indices = @transform_5, window_bounds = array<i64: 3200, 128>}]} {
    %get3A = arith.constant 0 : index
    %get3A_0 = arith.constant 0 : index
    %get3A_1 = vector.load %arg1[%get3A, %get3A_0] : memref<16x25600xf32, #tpu.memory_space<vmem>>, vector<16x25600xf32>
    %slice3A = vector.extract_strided_slice %get3A_1 {offsets = [0, 0], sizes = [16, 3200], strides = [1, 1]} : vector<16x25600xf32> to vector<16x3200xf32>
    %slice3A_2 = vector.extract_strided_slice %get3A_1 {offsets = [0, 3200], sizes = [16, 3200], strides = [1, 1]} : vector<16x25600xf32> to vector<16x3200xf32>
    %slice3A_3 = vector.extract_strided_slice %get3A_1 {offsets = [0, 6400], sizes = [16, 3200], strides = [1, 1]} : vector<16x25600xf32> to vector<16x3200xf32>
    %slice3A_4 = vector.extract_strided_slice %get3A_1 {offsets = [0, 9600], sizes = [16, 3200], strides = [1, 1]} : vector<16x25600xf32> to vector<16x3200xf32>
    %slice3A_5 = vector.extract_strided_slice %get3A_1 {offsets = [0, 12800], sizes = [16, 3200], strides = [1, 1]} : vector<16x25600xf32> to vector<16x3200xf32>
    %slice3A_6 = vector.extract_strided_slice %get3A_1 {offsets = [0, 16000], sizes = [16, 3200], strides = [1, 1]} : vector<16x25600xf32> to vector<16x3200xf32>
    %slice3A_7 = vector.extract_strided_slice %get3A_1 {offsets = [0, 19200], sizes = [16, 3200], strides = [1, 1]} : vector<16x25600xf32> to vector<16x3200xf32>
    %slice3A_8 = vector.extract_strided_slice %get3A_1 {offsets = [0, 22400], sizes = [16, 3200], strides = [1, 1]} : vector<16x25600xf32> to vector<16x3200xf32>
    %concatenate3A = tpu.concatenate %slice3A, %slice3A_2, %slice3A_3, %slice3A_4, %slice3A_5, %slice3A_6, %slice3A_7, %slice3A_8 in 0 : vector<16x3200xf32>, vector<16x3200xf32>, vector<16x3200xf32>, vector<16x3200xf32>, vector<16x3200xf32>, vector<16x3200xf32>, vector<16x3200xf32>, vector<16x3200xf32> -> vector<128x3200xf32>
    %convert_element_type3A = arith.truncf %concatenate3A : vector<128x3200xf32> to vector<128x3200xbf16>
    %get3A_9 = arith.constant 0 : index
    %get3A_10 = arith.constant 0 : index
    %get3A_11 = vector.load %arg2[%get3A_9, %get3A_10] : memref<128x128xf32, #tpu.memory_space<vmem>>, vector<128x128xf32>
    %convert_element_type3A_12 = arith.truncf %get3A_11 : vector<128x128xf32> to vector<128x128xbf16>
    %get3A_13 = arith.constant 0 : index
    %get3A_14 = arith.constant 0 : index
    %get3A_15 = vector.load %arg4[%get3A_13, %get3A_14] : memref<128x128xf32, #tpu.memory_space<vmem>>, vector<128x128xf32>
    %convert_element_type3A_16 = arith.truncf %get3A_15 : vector<128x128xf32> to vector<128x128xbf16>
    %dot_general3A = arith.constant dense<0.000000e+00> : vector<3200x128xf32>
    %dot_general3A_17 = tpu.matmul %convert_element_type3A, %convert_element_type3A_12, %dot_general3A {dimension_numbers = #tpu.dot_dimension_numbers<[0], [0], [1], [1], [0, 1, 1, 1], [], []>, transpose_lhs_hint = false} : vector<128x3200xbf16>, vector<128x128xbf16>, vector<3200x128xf32> -> vector<3200x128xf32>
    %get3A_18 = arith.constant 0 : index
    %get3A_19 = arith.constant 0 : index
    %get3A_20 = vector.load %arg3[%get3A_18, %get3A_19] : memref<1x128xf32, #tpu.memory_space<vmem>>, vector<1x128xf32>
    %add3A = vector.broadcast %get3A_20 : vector<1x128xf32> to vector<3200x128xf32>
    %add3A_21 = arith.addf %dot_general3A_17, %add3A : vector<3200x128xf32>
    %logistic3A = arith.negf %add3A_21 : vector<3200x128xf32>
    %logistic3A_22 = math.exp %logistic3A : vector<3200x128xf32>
    %logistic3A_23 = arith.constant 1.000000e+00 : f32
    %logistic3A_24 = vector.broadcast %logistic3A_23 : f32 to vector<3200x128xf32>
    %logistic3A_25 = arith.addf %logistic3A_24, %logistic3A_22 : vector<3200x128xf32>
    %logistic3A_26 = arith.divf %logistic3A_24, %logistic3A_25 : vector<3200x128xf32>
    %mul3A = arith.mulf %add3A_21, %logistic3A_26 : vector<3200x128xf32>
    %convert_element_type3A_27 = arith.truncf %mul3A : vector<3200x128xf32> to vector<3200x128xbf16>
    %dot_general3A_28 = arith.constant dense<0.000000e+00> : vector<3200x128xf32>
    %dot_general3A_29 = tpu.matmul %convert_element_type3A_27, %convert_element_type3A_16, %dot_general3A_28 {dimension_numbers = #tpu.dot_dimension_numbers<[1], [0], [0], [1], [0, 0, 1, 1], [], []>, transpose_lhs_hint = false} : vector<3200x128xbf16>, vector<128x128xbf16>, vector<3200x128xf32> -> vector<3200x128xf32>
    %get3A_30 = arith.constant 0 : index
    %get3A_31 = arith.constant 0 : index
    %get3A_32 = vector.load %arg5[%get3A_30, %get3A_31] : memref<1x128xf32, #tpu.memory_space<vmem>>, vector<1x128xf32>
    %add3A_33 = vector.broadcast %get3A_32 : vector<1x128xf32> to vector<3200x128xf32>
    %add3A_34 = arith.addf %dot_general3A_29, %add3A_33 : vector<3200x128xf32>
    %logistic3A_35 = arith.negf %add3A_34 : vector<3200x128xf32>
    %logistic3A_36 = math.exp %logistic3A_35 : vector<3200x128xf32>
    %logistic3A_37 = arith.constant 1.000000e+00 : f32
    %logistic3A_38 = vector.broadcast %logistic3A_37 : f32 to vector<3200x128xf32>
    %logistic3A_39 = arith.addf %logistic3A_38, %logistic3A_36 : vector<3200x128xf32>
    %logistic3A_40 = arith.divf %logistic3A_38, %logistic3A_39 : vector<3200x128xf32>
    %mul3A_41 = arith.mulf %add3A_34, %logistic3A_40 : vector<3200x128xf32>
    %swap3A = arith.constant 0 : index
    %swap3A_42 = arith.constant 0 : index
    %swap3A_43 = vector.load %arg6[%swap3A, %swap3A_42] : memref<3200x128xf32, #tpu.memory_space<vmem>>, vector<3200x128xf32>
    tpu.vector_store %arg6[%swap3A, %swap3A_42], %mul3A_41 {strides = array<i32>} : memref<3200x128xf32, #tpu.memory_space<vmem>>, vector<3200x128xf32>,
    return
  }
  func.func @transform_0(%arg0: i32) -> (i32, i32) {
    %add3A = arith.constant 25 : i32
    %add3A_0 = arith.addi %add3A, %arg0 : i32
    %c0_i32 = arith.constant 0 : i32
    %c0_i32_1 = arith.constant 0 : i32
    return %c0_i32, %add3A_0 : i32, i32
  }
  func.func @transform_1(%arg0: i32) -> (i32, i32) {
    %c0_i32 = arith.constant 0 : i32
    %c0_i32_0 = arith.constant 0 : i32
    %c0_i32_1 = arith.constant 0 : i32
    return %c0_i32, %c0_i32_0 : i32, i32
  }
  func.func @transform_2(%arg0: i32) -> (i32, i32) {
    %c0_i32 = arith.constant 0 : i32
    %c0_i32_0 = arith.constant 0 : i32
    %c0_i32_1 = arith.constant 0 : i32
    return %c0_i32, %c0_i32_0 : i32, i32
  }
  func.func @transform_3(%arg0: i32) -> (i32, i32) {
    %c0_i32 = arith.constant 0 : i32
    %c0_i32_0 = arith.constant 0 : i32
    %c0_i32_1 = arith.constant 0 : i32
    return %c0_i32, %c0_i32_0 : i32, i32
  }
  func.func @transform_4(%arg0: i32) -> (i32, i32) {
    %c0_i32 = arith.constant 0 : i32
    %c0_i32_0 = arith.constant 0 : i32
    %c0_i32_1 = arith.constant 0 : i32
    return %c0_i32, %c0_i32_0 : i32, i32
  }
  func.func @transform_5(%arg0: i32) -> (i32, i32) {
    %c0_i32 = arith.constant 0 : i32
    %c0_i32_0 = arith.constant 0 : i32
    return %arg0, %c0_i32 : i32, i32
  }
}

module attributes {stable_mosaic.version = 14 : i64} {
  func.func @_edge_mlp_body(%arg0: i32, %arg1: memref<16x25600xf32, #tpu.memory_space<vmem>>, %arg2: memref<128x128xf32, #tpu.memory_space<vmem>>, %arg3: memref<1x128xf32, #tpu.memory_space<vmem>>, %arg4: memref<128x128xf32, #tpu.memory_space<vmem>>, %arg5: memref<1x128xf32, #tpu.memory_space<vmem>>, %arg6: memref<3200x128xf32, #tpu.memory_space<vmem>>) attributes {dimension_semantics = [#tpu.dimension_semantics<arbitrary>], iteration_bounds = array<i64: 25>, scalar_prefetch = 0 : i64, scratch_operands = 0 : i64, tpu.core_type = #tpu.core_type<tc>, window_params = [{transform_indices = @transform_0, window_bounds = array<i64: 16, 25600>}, {pipeline_mode = #tpu.pipeline_mode<synchronous>, transform_indices = @transform_1, window_bounds = array<i64: 128, 128>}, {pipeline_mode = #tpu.pipeline_mode<synchronous>, transform_indices = @transform_2, window_bounds = array<i64: 1, 128>}, {pipeline_mode = #tpu.pipeline_mode<synchronous>, transform_indices = @transform_3, window_bounds = array<i64: 128, 128>}, {pipeline_mode = #tpu.pipeline_mode<synchronous>, transform_indices = @transform_4, window_bounds = array<i64: 1, 128>}, {transform_indices = @transform_5, window_bounds = array<i64: 3200, 128>}]} {
    %get3A = arith.constant 0 : index
    %get3A_0 = arith.constant 0 : index
    %get3A_1 = vector.load %arg1[%get3A, %get3A_0] : memref<16x25600xf32, #tpu.memory_space<vmem>>, vector<16x25600xf32>
    %slice3A = vector.extract_strided_slice %get3A_1 {offsets = [0, 0], sizes = [16, 3200], strides = [1, 1]} : vector<16x25600xf32> to vector<16x3200xf32>
    %slice3A_2 = vector.extract_strided_slice %get3A_1 {offsets = [0, 3200], sizes = [16, 3200], strides = [1, 1]} : vector<16x25600xf32> to vector<16x3200xf32>
    %slice3A_3 = vector.extract_strided_slice %get3A_1 {offsets = [0, 6400], sizes = [16, 3200], strides = [1, 1]} : vector<16x25600xf32> to vector<16x3200xf32>
    %slice3A_4 = vector.extract_strided_slice %get3A_1 {offsets = [0, 9600], sizes = [16, 3200], strides = [1, 1]} : vector<16x25600xf32> to vector<16x3200xf32>
    %slice3A_5 = vector.extract_strided_slice %get3A_1 {offsets = [0, 12800], sizes = [16, 3200], strides = [1, 1]} : vector<16x25600xf32> to vector<16x3200xf32>
    %slice3A_6 = vector.extract_strided_slice %get3A_1 {offsets = [0, 16000], sizes = [16, 3200], strides = [1, 1]} : vector<16x25600xf32> to vector<16x3200xf32>
    %slice3A_7 = vector.extract_strided_slice %get3A_1 {offsets = [0, 19200], sizes = [16, 3200], strides = [1, 1]} : vector<16x25600xf32> to vector<16x3200xf32>
    %slice3A_8 = vector.extract_strided_slice %get3A_1 {offsets = [0, 22400], sizes = [16, 3200], strides = [1, 1]} : vector<16x25600xf32> to vector<16x3200xf32>
    %concatenate3A = tpu.concatenate %slice3A, %slice3A_2, %slice3A_3, %slice3A_4, %slice3A_5, %slice3A_6, %slice3A_7, %slice3A_8 in 0 : vector<16x3200xf32>, vector<16x3200xf32>, vector<16x3200xf32>, vector<16x3200xf32>, vector<16x3200xf32>, vector<16x3200xf32>, vector<16x3200xf32>, vector<16x3200xf32> -> vector<128x3200xf32>
    %convert_element_type3A = arith.truncf %concatenate3A : vector<128x3200xf32> to vector<128x3200xbf16>
    %get3A_9 = arith.constant 0 : index
    %get3A_10 = arith.constant 0 : index
    %get3A_11 = vector.load %arg2[%get3A_9, %get3A_10] : memref<128x128xf32, #tpu.memory_space<vmem>>, vector<128x128xf32>
    %convert_element_type3A_12 = arith.truncf %get3A_11 : vector<128x128xf32> to vector<128x128xbf16>
    %get3A_13 = arith.constant 0 : index
    %get3A_14 = arith.constant 0 : index
    %get3A_15 = vector.load %arg4[%get3A_13, %get3A_14] : memref<128x128xf32, #tpu.memory_space<vmem>>, vector<128x128xf32>
    %convert_element_type3A_16 = arith.truncf %get3A_15 : vector<128x128xf32> to vector<128x128xbf16>
    %dot_general3A = arith.constant dense<0.000000e+00> : vector<3200x128xf32>
    %dot_general3A_17 = tpu.matmul %convert_element_type3A, %convert_element_type3A_12, %dot_general3A {dimension_numbers = #tpu.dot_dimension_numbers<[0], [0], [1], [1], [0, 1, 1, 1], [], []>, transpose_lhs_hint = false} : vector<128x3200xbf16>, vector<128x128xbf16>, vector<3200x128xf32> -> vector<3200x128xf32>
    %get3A_18 = arith.constant 0 : index
    %get3A_19 = arith.constant 0 : index
    %get3A_20 = vector.load %arg3[%get3A_18, %get3A_19] : memref<1x128xf32, #tpu.memory_space<vmem>>, vector<1x128xf32>
    %add3A = vector.broadcast %get3A_20 : vector<1x128xf32> to vector<3200x128xf32>
    %add3A_21 = arith.addf %dot_general3A_17, %add3A : vector<3200x128xf32>
    %logistic3A = arith.negf %add3A_21 : vector<3200x128xf32>
    %logistic3A_22 = math.exp %logistic3A : vector<3200x128xf32>
    %logistic3A_23 = arith.constant 1.000000e+00 : f32
    %logistic3A_24 = vector.broadcast %logistic3A_23 : f32 to vector<3200x128xf32>
    %logistic3A_25 = arith.addf %logistic3A_24, %logistic3A_22 : vector<3200x128xf32>
    %logistic3A_26 = arith.divf %logistic3A_24, %logistic3A_25 : vector<3200x128xf32>
    %mul3A = arith.mulf %add3A_21, %logistic3A_26 : vector<3200x128xf32>
    %convert_element_type3A_27 = arith.truncf %mul3A : vector<3200x128xf32> to vector<3200x128xbf16>
    %dot_general3A_28 = arith.constant dense<0.000000e+00> : vector<3200x128xf32>
    %dot_general3A_29 = tpu.matmul %convert_element_type3A_27, %convert_element_type3A_16, %dot_general3A_28 {dimension_numbers = #tpu.dot_dimension_numbers<[1], [0], [0], [1], [0, 0, 1, 1], [], []>, transpose_lhs_hint = false} : vector<3200x128xbf16>, vector<128x128xbf16>, vector<3200x128xf32> -> vector<3200x128xf32>
    %get3A_30 = arith.constant 0 : index
    %get3A_31 = arith.constant 0 : index
    %get3A_32 = vector.load %arg5[%get3A_30, %get3A_31] : memref<1x128xf32, #tpu.memory_space<vmem>>, vector<1x128xf32>
    %add3A_33 = vector.broadcast %get3A_32 : vector<1x128xf32> to vector<3200x128xf32>
    %add3A_34 = arith.addf %dot_general3A_29, %add3A_33 : vector<3200x128xf32>
    %logistic3A_35 = arith.negf %add3A_34 : vector<3200x128xf32>
    %logistic3A_36 = math.exp %logistic3A_35 : vector<3200x128xf32>
    %logistic3A_37 = arith.constant 1.000000e+00 : f32
    %logistic3A_38 = vector.broadcast %logistic3A_37 : f32 to vector<3200x128xf32>
    %logistic3A_39 = arith.addf %logistic3A_38, %logistic3A_36 : vector<3200x128xf32>
    %logistic3A_40 = arith.divf %logistic3A_38, %logistic3A_39 : vector<3200x128xf32>
    %mul3A_41 = arith.mulf %add3A_34, %logistic3A_40 : vector<3200x128xf32>
    %swap3A = arith.constant 0 : index
    %swap3A_42 = arith.constant 0 : index
    %swap3A_43 = vector.load %arg6[%swap3A, %swap3A_42] : memref<3200x128xf32, #tpu.memory_space<vmem>>, vector<3200x128xf32>
    tpu.vector_store %arg6[%swap3A, %swap3A_42], %mul3A_41 {strides = array<i32>} : memref<3200x128xf32, #tpu.memory_space<vmem>>, vector<3200x128xf32>,
    return
  }
  func.func @transform_0(%arg0: i32) -> (i32, i32) {
    %add3A = arith.constant 50 : i32
    %add3A_0 = arith.addi %add3A, %arg0 : i32
    %c0_i32 = arith.constant 0 : i32
    %c0_i32_1 = arith.constant 0 : i32
    return %c0_i32, %add3A_0 : i32, i32
  }
  func.func @transform_1(%arg0: i32) -> (i32, i32) {
    %c0_i32 = arith.constant 0 : i32
    %c0_i32_0 = arith.constant 0 : i32
    %c0_i32_1 = arith.constant 0 : i32
    return %c0_i32, %c0_i32_0 : i32, i32
  }
  func.func @transform_2(%arg0: i32) -> (i32, i32) {
    %c0_i32 = arith.constant 0 : i32
    %c0_i32_0 = arith.constant 0 : i32
    %c0_i32_1 = arith.constant 0 : i32
    return %c0_i32, %c0_i32_0 : i32, i32
  }
  func.func @transform_3(%arg0: i32) -> (i32, i32) {
    %c0_i32 = arith.constant 0 : i32
    %c0_i32_0 = arith.constant 0 : i32
    %c0_i32_1 = arith.constant 0 : i32
    return %c0_i32, %c0_i32_0 : i32, i32
  }
  func.func @transform_4(%arg0: i32) -> (i32, i32) {
    %c0_i32 = arith.constant 0 : i32
    %c0_i32_0 = arith.constant 0 : i32
    %c0_i32_1 = arith.constant 0 : i32
    return %c0_i32, %c0_i32_0 : i32, i32
  }
  func.func @transform_5(%arg0: i32) -> (i32, i32) {
    %c0_i32 = arith.constant 0 : i32
    %c0_i32_0 = arith.constant 0 : i32
    return %arg0, %c0_i32 : i32, i32
  }
}

module attributes {stable_mosaic.version = 14 : i64} {
  func.func @_edge_mlp_body(%arg0: i32, %arg1: memref<16x25600xf32, #tpu.memory_space<vmem>>, %arg2: memref<128x128xf32, #tpu.memory_space<vmem>>, %arg3: memref<1x128xf32, #tpu.memory_space<vmem>>, %arg4: memref<128x128xf32, #tpu.memory_space<vmem>>, %arg5: memref<1x128xf32, #tpu.memory_space<vmem>>, %arg6: memref<3200x128xf32, #tpu.memory_space<vmem>>) attributes {dimension_semantics = [#tpu.dimension_semantics<arbitrary>], iteration_bounds = array<i64: 25>, scalar_prefetch = 0 : i64, scratch_operands = 0 : i64, tpu.core_type = #tpu.core_type<tc>, window_params = [{transform_indices = @transform_0, window_bounds = array<i64: 16, 25600>}, {pipeline_mode = #tpu.pipeline_mode<synchronous>, transform_indices = @transform_1, window_bounds = array<i64: 128, 128>}, {pipeline_mode = #tpu.pipeline_mode<synchronous>, transform_indices = @transform_2, window_bounds = array<i64: 1, 128>}, {pipeline_mode = #tpu.pipeline_mode<synchronous>, transform_indices = @transform_3, window_bounds = array<i64: 128, 128>}, {pipeline_mode = #tpu.pipeline_mode<synchronous>, transform_indices = @transform_4, window_bounds = array<i64: 1, 128>}, {transform_indices = @transform_5, window_bounds = array<i64: 3200, 128>}]} {
    %get3A = arith.constant 0 : index
    %get3A_0 = arith.constant 0 : index
    %get3A_1 = vector.load %arg1[%get3A, %get3A_0] : memref<16x25600xf32, #tpu.memory_space<vmem>>, vector<16x25600xf32>
    %slice3A = vector.extract_strided_slice %get3A_1 {offsets = [0, 0], sizes = [16, 3200], strides = [1, 1]} : vector<16x25600xf32> to vector<16x3200xf32>
    %slice3A_2 = vector.extract_strided_slice %get3A_1 {offsets = [0, 3200], sizes = [16, 3200], strides = [1, 1]} : vector<16x25600xf32> to vector<16x3200xf32>
    %slice3A_3 = vector.extract_strided_slice %get3A_1 {offsets = [0, 6400], sizes = [16, 3200], strides = [1, 1]} : vector<16x25600xf32> to vector<16x3200xf32>
    %slice3A_4 = vector.extract_strided_slice %get3A_1 {offsets = [0, 9600], sizes = [16, 3200], strides = [1, 1]} : vector<16x25600xf32> to vector<16x3200xf32>
    %slice3A_5 = vector.extract_strided_slice %get3A_1 {offsets = [0, 12800], sizes = [16, 3200], strides = [1, 1]} : vector<16x25600xf32> to vector<16x3200xf32>
    %slice3A_6 = vector.extract_strided_slice %get3A_1 {offsets = [0, 16000], sizes = [16, 3200], strides = [1, 1]} : vector<16x25600xf32> to vector<16x3200xf32>
    %slice3A_7 = vector.extract_strided_slice %get3A_1 {offsets = [0, 19200], sizes = [16, 3200], strides = [1, 1]} : vector<16x25600xf32> to vector<16x3200xf32>
    %slice3A_8 = vector.extract_strided_slice %get3A_1 {offsets = [0, 22400], sizes = [16, 3200], strides = [1, 1]} : vector<16x25600xf32> to vector<16x3200xf32>
    %concatenate3A = tpu.concatenate %slice3A, %slice3A_2, %slice3A_3, %slice3A_4, %slice3A_5, %slice3A_6, %slice3A_7, %slice3A_8 in 0 : vector<16x3200xf32>, vector<16x3200xf32>, vector<16x3200xf32>, vector<16x3200xf32>, vector<16x3200xf32>, vector<16x3200xf32>, vector<16x3200xf32>, vector<16x3200xf32> -> vector<128x3200xf32>
    %convert_element_type3A = arith.truncf %concatenate3A : vector<128x3200xf32> to vector<128x3200xbf16>
    %get3A_9 = arith.constant 0 : index
    %get3A_10 = arith.constant 0 : index
    %get3A_11 = vector.load %arg2[%get3A_9, %get3A_10] : memref<128x128xf32, #tpu.memory_space<vmem>>, vector<128x128xf32>
    %convert_element_type3A_12 = arith.truncf %get3A_11 : vector<128x128xf32> to vector<128x128xbf16>
    %get3A_13 = arith.constant 0 : index
    %get3A_14 = arith.constant 0 : index
    %get3A_15 = vector.load %arg4[%get3A_13, %get3A_14] : memref<128x128xf32, #tpu.memory_space<vmem>>, vector<128x128xf32>
    %convert_element_type3A_16 = arith.truncf %get3A_15 : vector<128x128xf32> to vector<128x128xbf16>
    %dot_general3A = arith.constant dense<0.000000e+00> : vector<3200x128xf32>
    %dot_general3A_17 = tpu.matmul %convert_element_type3A, %convert_element_type3A_12, %dot_general3A {dimension_numbers = #tpu.dot_dimension_numbers<[0], [0], [1], [1], [0, 1, 1, 1], [], []>, transpose_lhs_hint = false} : vector<128x3200xbf16>, vector<128x128xbf16>, vector<3200x128xf32> -> vector<3200x128xf32>
    %get3A_18 = arith.constant 0 : index
    %get3A_19 = arith.constant 0 : index
    %get3A_20 = vector.load %arg3[%get3A_18, %get3A_19] : memref<1x128xf32, #tpu.memory_space<vmem>>, vector<1x128xf32>
    %add3A = vector.broadcast %get3A_20 : vector<1x128xf32> to vector<3200x128xf32>
    %add3A_21 = arith.addf %dot_general3A_17, %add3A : vector<3200x128xf32>
    %logistic3A = arith.negf %add3A_21 : vector<3200x128xf32>
    %logistic3A_22 = math.exp %logistic3A : vector<3200x128xf32>
    %logistic3A_23 = arith.constant 1.000000e+00 : f32
    %logistic3A_24 = vector.broadcast %logistic3A_23 : f32 to vector<3200x128xf32>
    %logistic3A_25 = arith.addf %logistic3A_24, %logistic3A_22 : vector<3200x128xf32>
    %logistic3A_26 = arith.divf %logistic3A_24, %logistic3A_25 : vector<3200x128xf32>
    %mul3A = arith.mulf %add3A_21, %logistic3A_26 : vector<3200x128xf32>
    %convert_element_type3A_27 = arith.truncf %mul3A : vector<3200x128xf32> to vector<3200x128xbf16>
    %dot_general3A_28 = arith.constant dense<0.000000e+00> : vector<3200x128xf32>
    %dot_general3A_29 = tpu.matmul %convert_element_type3A_27, %convert_element_type3A_16, %dot_general3A_28 {dimension_numbers = #tpu.dot_dimension_numbers<[1], [0], [0], [1], [0, 0, 1, 1], [], []>, transpose_lhs_hint = false} : vector<3200x128xbf16>, vector<128x128xbf16>, vector<3200x128xf32> -> vector<3200x128xf32>
    %get3A_30 = arith.constant 0 : index
    %get3A_31 = arith.constant 0 : index
    %get3A_32 = vector.load %arg5[%get3A_30, %get3A_31] : memref<1x128xf32, #tpu.memory_space<vmem>>, vector<1x128xf32>
    %add3A_33 = vector.broadcast %get3A_32 : vector<1x128xf32> to vector<3200x128xf32>
    %add3A_34 = arith.addf %dot_general3A_29, %add3A_33 : vector<3200x128xf32>
    %logistic3A_35 = arith.negf %add3A_34 : vector<3200x128xf32>
    %logistic3A_36 = math.exp %logistic3A_35 : vector<3200x128xf32>
    %logistic3A_37 = arith.constant 1.000000e+00 : f32
    %logistic3A_38 = vector.broadcast %logistic3A_37 : f32 to vector<3200x128xf32>
    %logistic3A_39 = arith.addf %logistic3A_38, %logistic3A_36 : vector<3200x128xf32>
    %logistic3A_40 = arith.divf %logistic3A_38, %logistic3A_39 : vector<3200x128xf32>
    %mul3A_41 = arith.mulf %add3A_34, %logistic3A_40 : vector<3200x128xf32>
    %swap3A = arith.constant 0 : index
    %swap3A_42 = arith.constant 0 : index
    %swap3A_43 = vector.load %arg6[%swap3A, %swap3A_42] : memref<3200x128xf32, #tpu.memory_space<vmem>>, vector<3200x128xf32>
    tpu.vector_store %arg6[%swap3A, %swap3A_42], %mul3A_41 {strides = array<i32>} : memref<3200x128xf32, #tpu.memory_space<vmem>>, vector<3200x128xf32>,
    return
  }
  func.func @transform_0(%arg0: i32) -> (i32, i32) {
    %add3A = arith.constant 75 : i32
    %add3A_0 = arith.addi %add3A, %arg0 : i32
    %c0_i32 = arith.constant 0 : i32
    %c0_i32_1 = arith.constant 0 : i32
    return %c0_i32, %add3A_0 : i32, i32
  }
  func.func @transform_1(%arg0: i32) -> (i32, i32) {
    %c0_i32 = arith.constant 0 : i32
    %c0_i32_0 = arith.constant 0 : i32
    %c0_i32_1 = arith.constant 0 : i32
    return %c0_i32, %c0_i32_0 : i32, i32
  }
  func.func @transform_2(%arg0: i32) -> (i32, i32) {
    %c0_i32 = arith.constant 0 : i32
    %c0_i32_0 = arith.constant 0 : i32
    %c0_i32_1 = arith.constant 0 : i32
    return %c0_i32, %c0_i32_0 : i32, i32
  }
  func.func @transform_3(%arg0: i32) -> (i32, i32) {
    %c0_i32 = arith.constant 0 : i32
    %c0_i32_0 = arith.constant 0 : i32
    %c0_i32_1 = arith.constant 0 : i32
    return %c0_i32, %c0_i32_0 : i32, i32
  }
  func.func @transform_4(%arg0: i32) -> (i32, i32) {
    %c0_i32 = arith.constant 0 : i32
    %c0_i32_0 = arith.constant 0 : i32
    %c0_i32_1 = arith.constant 0 : i32
    return %c0_i32, %c0_i32_0 : i32, i32
  }
  func.func @transform_5(%arg0: i32) -> (i32, i32) {
    %c0_i32 = arith.constant 0 : i32
    %c0_i32_0 = arith.constant 0 : i32
    return %arg0, %c0_i32 : i32, i32
  }
}

module attributes {stable_mosaic.version = 14 : i64} {
  func.func @_edge_mlp_body(%arg0: i32, %arg1: memref<16x25600xf32, #tpu.memory_space<vmem>>, %arg2: memref<128x128xf32, #tpu.memory_space<vmem>>, %arg3: memref<1x128xf32, #tpu.memory_space<vmem>>, %arg4: memref<128x128xf32, #tpu.memory_space<vmem>>, %arg5: memref<1x128xf32, #tpu.memory_space<vmem>>, %arg6: memref<3200x128xf32, #tpu.memory_space<vmem>>) attributes {dimension_semantics = [#tpu.dimension_semantics<arbitrary>], iteration_bounds = array<i64: 25>, scalar_prefetch = 0 : i64, scratch_operands = 0 : i64, tpu.core_type = #tpu.core_type<tc>, window_params = [{transform_indices = @transform_0, window_bounds = array<i64: 16, 25600>}, {pipeline_mode = #tpu.pipeline_mode<synchronous>, transform_indices = @transform_1, window_bounds = array<i64: 128, 128>}, {pipeline_mode = #tpu.pipeline_mode<synchronous>, transform_indices = @transform_2, window_bounds = array<i64: 1, 128>}, {pipeline_mode = #tpu.pipeline_mode<synchronous>, transform_indices = @transform_3, window_bounds = array<i64: 128, 128>}, {pipeline_mode = #tpu.pipeline_mode<synchronous>, transform_indices = @transform_4, window_bounds = array<i64: 1, 128>}, {transform_indices = @transform_5, window_bounds = array<i64: 3200, 128>}]} {
    %get3A = arith.constant 0 : index
    %get3A_0 = arith.constant 0 : index
    %get3A_1 = vector.load %arg1[%get3A, %get3A_0] : memref<16x25600xf32, #tpu.memory_space<vmem>>, vector<16x25600xf32>
    %slice3A = vector.extract_strided_slice %get3A_1 {offsets = [0, 0], sizes = [16, 3200], strides = [1, 1]} : vector<16x25600xf32> to vector<16x3200xf32>
    %slice3A_2 = vector.extract_strided_slice %get3A_1 {offsets = [0, 3200], sizes = [16, 3200], strides = [1, 1]} : vector<16x25600xf32> to vector<16x3200xf32>
    %slice3A_3 = vector.extract_strided_slice %get3A_1 {offsets = [0, 6400], sizes = [16, 3200], strides = [1, 1]} : vector<16x25600xf32> to vector<16x3200xf32>
    %slice3A_4 = vector.extract_strided_slice %get3A_1 {offsets = [0, 9600], sizes = [16, 3200], strides = [1, 1]} : vector<16x25600xf32> to vector<16x3200xf32>
    %slice3A_5 = vector.extract_strided_slice %get3A_1 {offsets = [0, 12800], sizes = [16, 3200], strides = [1, 1]} : vector<16x25600xf32> to vector<16x3200xf32>
    %slice3A_6 = vector.extract_strided_slice %get3A_1 {offsets = [0, 16000], sizes = [16, 3200], strides = [1, 1]} : vector<16x25600xf32> to vector<16x3200xf32>
    %slice3A_7 = vector.extract_strided_slice %get3A_1 {offsets = [0, 19200], sizes = [16, 3200], strides = [1, 1]} : vector<16x25600xf32> to vector<16x3200xf32>
    %slice3A_8 = vector.extract_strided_slice %get3A_1 {offsets = [0, 22400], sizes = [16, 3200], strides = [1, 1]} : vector<16x25600xf32> to vector<16x3200xf32>
    %concatenate3A = tpu.concatenate %slice3A, %slice3A_2, %slice3A_3, %slice3A_4, %slice3A_5, %slice3A_6, %slice3A_7, %slice3A_8 in 0 : vector<16x3200xf32>, vector<16x3200xf32>, vector<16x3200xf32>, vector<16x3200xf32>, vector<16x3200xf32>, vector<16x3200xf32>, vector<16x3200xf32>, vector<16x3200xf32> -> vector<128x3200xf32>
    %convert_element_type3A = arith.truncf %concatenate3A : vector<128x3200xf32> to vector<128x3200xbf16>
    %get3A_9 = arith.constant 0 : index
    %get3A_10 = arith.constant 0 : index
    %get3A_11 = vector.load %arg2[%get3A_9, %get3A_10] : memref<128x128xf32, #tpu.memory_space<vmem>>, vector<128x128xf32>
    %convert_element_type3A_12 = arith.truncf %get3A_11 : vector<128x128xf32> to vector<128x128xbf16>
    %get3A_13 = arith.constant 0 : index
    %get3A_14 = arith.constant 0 : index
    %get3A_15 = vector.load %arg4[%get3A_13, %get3A_14] : memref<128x128xf32, #tpu.memory_space<vmem>>, vector<128x128xf32>
    %convert_element_type3A_16 = arith.truncf %get3A_15 : vector<128x128xf32> to vector<128x128xbf16>
    %dot_general3A = arith.constant dense<0.000000e+00> : vector<3200x128xf32>
    %dot_general3A_17 = tpu.matmul %convert_element_type3A, %convert_element_type3A_12, %dot_general3A {dimension_numbers = #tpu.dot_dimension_numbers<[0], [0], [1], [1], [0, 1, 1, 1], [], []>, transpose_lhs_hint = false} : vector<128x3200xbf16>, vector<128x128xbf16>, vector<3200x128xf32> -> vector<3200x128xf32>
    %get3A_18 = arith.constant 0 : index
    %get3A_19 = arith.constant 0 : index
    %get3A_20 = vector.load %arg3[%get3A_18, %get3A_19] : memref<1x128xf32, #tpu.memory_space<vmem>>, vector<1x128xf32>
    %add3A = vector.broadcast %get3A_20 : vector<1x128xf32> to vector<3200x128xf32>
    %add3A_21 = arith.addf %dot_general3A_17, %add3A : vector<3200x128xf32>
    %logistic3A = arith.negf %add3A_21 : vector<3200x128xf32>
    %logistic3A_22 = math.exp %logistic3A : vector<3200x128xf32>
    %logistic3A_23 = arith.constant 1.000000e+00 : f32
    %logistic3A_24 = vector.broadcast %logistic3A_23 : f32 to vector<3200x128xf32>
    %logistic3A_25 = arith.addf %logistic3A_24, %logistic3A_22 : vector<3200x128xf32>
    %logistic3A_26 = arith.divf %logistic3A_24, %logistic3A_25 : vector<3200x128xf32>
    %mul3A = arith.mulf %add3A_21, %logistic3A_26 : vector<3200x128xf32>
    %convert_element_type3A_27 = arith.truncf %mul3A : vector<3200x128xf32> to vector<3200x128xbf16>
    %dot_general3A_28 = arith.constant dense<0.000000e+00> : vector<3200x128xf32>
    %dot_general3A_29 = tpu.matmul %convert_element_type3A_27, %convert_element_type3A_16, %dot_general3A_28 {dimension_numbers = #tpu.dot_dimension_numbers<[1], [0], [0], [1], [0, 0, 1, 1], [], []>, transpose_lhs_hint = false} : vector<3200x128xbf16>, vector<128x128xbf16>, vector<3200x128xf32> -> vector<3200x128xf32>
    %get3A_30 = arith.constant 0 : index
    %get3A_31 = arith.constant 0 : index
    %get3A_32 = vector.load %arg5[%get3A_30, %get3A_31] : memref<1x128xf32, #tpu.memory_space<vmem>>, vector<1x128xf32>
    %add3A_33 = vector.broadcast %get3A_32 : vector<1x128xf32> to vector<3200x128xf32>
    %add3A_34 = arith.addf %dot_general3A_29, %add3A_33 : vector<3200x128xf32>
    %logistic3A_35 = arith.negf %add3A_34 : vector<3200x128xf32>
    %logistic3A_36 = math.exp %logistic3A_35 : vector<3200x128xf32>
    %logistic3A_37 = arith.constant 1.000000e+00 : f32
    %logistic3A_38 = vector.broadcast %logistic3A_37 : f32 to vector<3200x128xf32>
    %logistic3A_39 = arith.addf %logistic3A_38, %logistic3A_36 : vector<3200x128xf32>
    %logistic3A_40 = arith.divf %logistic3A_38, %logistic3A_39 : vector<3200x128xf32>
    %mul3A_41 = arith.mulf %add3A_34, %logistic3A_40 : vector<3200x128xf32>
    %swap3A = arith.constant 0 : index
    %swap3A_42 = arith.constant 0 : index
    %swap3A_43 = vector.load %arg6[%swap3A, %swap3A_42] : memref<3200x128xf32, #tpu.memory_space<vmem>>, vector<3200x128xf32>
    tpu.vector_store %arg6[%swap3A, %swap3A_42], %mul3A_41 {strides = array<i32>} : memref<3200x128xf32, #tpu.memory_space<vmem>>, vector<3200x128xf32>,
    return
  }
  func.func @transform_0(%arg0: i32) -> (i32, i32) {
    %add3A = arith.constant 100 : i32
    %add3A_0 = arith.addi %add3A, %arg0 : i32
    %c0_i32 = arith.constant 0 : i32
    %c0_i32_1 = arith.constant 0 : i32
    return %c0_i32, %add3A_0 : i32, i32
  }
  func.func @transform_1(%arg0: i32) -> (i32, i32) {
    %c0_i32 = arith.constant 0 : i32
    %c0_i32_0 = arith.constant 0 : i32
    %c0_i32_1 = arith.constant 0 : i32
    return %c0_i32, %c0_i32_0 : i32, i32
  }
  func.func @transform_2(%arg0: i32) -> (i32, i32) {
    %c0_i32 = arith.constant 0 : i32
    %c0_i32_0 = arith.constant 0 : i32
    %c0_i32_1 = arith.constant 0 : i32
    return %c0_i32, %c0_i32_0 : i32, i32
  }
  func.func @transform_3(%arg0: i32) -> (i32, i32) {
    %c0_i32 = arith.constant 0 : i32
    %c0_i32_0 = arith.constant 0 : i32
    %c0_i32_1 = arith.constant 0 : i32
    return %c0_i32, %c0_i32_0 : i32, i32
  }
  func.func @transform_4(%arg0: i32) -> (i32, i32) {
    %c0_i32 = arith.constant 0 : i32
    %c0_i32_0 = arith.constant 0 : i32
    %c0_i32_1 = arith.constant 0 : i32
    return %c0_i32, %c0_i32_0 : i32, i32
  }
  func.func @transform_5(%arg0: i32) -> (i32, i32) {
    %c0_i32 = arith.constant 0 : i32
    %c0_i32_0 = arith.constant 0 : i32
    return %arg0, %c0_i32 : i32, i32
  }
}

module attributes {stable_mosaic.version = 14 : i64} {
  func.func @_edge_mlp_body(%arg0: i32, %arg1: memref<16x25600xf32, #tpu.memory_space<vmem>>, %arg2: memref<128x128xf32, #tpu.memory_space<vmem>>, %arg3: memref<1x128xf32, #tpu.memory_space<vmem>>, %arg4: memref<128x128xf32, #tpu.memory_space<vmem>>, %arg5: memref<1x128xf32, #tpu.memory_space<vmem>>, %arg6: memref<3200x128xf32, #tpu.memory_space<vmem>>) attributes {dimension_semantics = [#tpu.dimension_semantics<arbitrary>], iteration_bounds = array<i64: 25>, scalar_prefetch = 0 : i64, scratch_operands = 0 : i64, tpu.core_type = #tpu.core_type<tc>, window_params = [{transform_indices = @transform_0, window_bounds = array<i64: 16, 25600>}, {pipeline_mode = #tpu.pipeline_mode<synchronous>, transform_indices = @transform_1, window_bounds = array<i64: 128, 128>}, {pipeline_mode = #tpu.pipeline_mode<synchronous>, transform_indices = @transform_2, window_bounds = array<i64: 1, 128>}, {pipeline_mode = #tpu.pipeline_mode<synchronous>, transform_indices = @transform_3, window_bounds = array<i64: 128, 128>}, {pipeline_mode = #tpu.pipeline_mode<synchronous>, transform_indices = @transform_4, window_bounds = array<i64: 1, 128>}, {transform_indices = @transform_5, window_bounds = array<i64: 3200, 128>}]} {
    %get3A = arith.constant 0 : index
    %get3A_0 = arith.constant 0 : index
    %get3A_1 = vector.load %arg1[%get3A, %get3A_0] : memref<16x25600xf32, #tpu.memory_space<vmem>>, vector<16x25600xf32>
    %slice3A = vector.extract_strided_slice %get3A_1 {offsets = [0, 0], sizes = [16, 3200], strides = [1, 1]} : vector<16x25600xf32> to vector<16x3200xf32>
    %slice3A_2 = vector.extract_strided_slice %get3A_1 {offsets = [0, 3200], sizes = [16, 3200], strides = [1, 1]} : vector<16x25600xf32> to vector<16x3200xf32>
    %slice3A_3 = vector.extract_strided_slice %get3A_1 {offsets = [0, 6400], sizes = [16, 3200], strides = [1, 1]} : vector<16x25600xf32> to vector<16x3200xf32>
    %slice3A_4 = vector.extract_strided_slice %get3A_1 {offsets = [0, 9600], sizes = [16, 3200], strides = [1, 1]} : vector<16x25600xf32> to vector<16x3200xf32>
    %slice3A_5 = vector.extract_strided_slice %get3A_1 {offsets = [0, 12800], sizes = [16, 3200], strides = [1, 1]} : vector<16x25600xf32> to vector<16x3200xf32>
    %slice3A_6 = vector.extract_strided_slice %get3A_1 {offsets = [0, 16000], sizes = [16, 3200], strides = [1, 1]} : vector<16x25600xf32> to vector<16x3200xf32>
    %slice3A_7 = vector.extract_strided_slice %get3A_1 {offsets = [0, 19200], sizes = [16, 3200], strides = [1, 1]} : vector<16x25600xf32> to vector<16x3200xf32>
    %slice3A_8 = vector.extract_strided_slice %get3A_1 {offsets = [0, 22400], sizes = [16, 3200], strides = [1, 1]} : vector<16x25600xf32> to vector<16x3200xf32>
    %concatenate3A = tpu.concatenate %slice3A, %slice3A_2, %slice3A_3, %slice3A_4, %slice3A_5, %slice3A_6, %slice3A_7, %slice3A_8 in 0 : vector<16x3200xf32>, vector<16x3200xf32>, vector<16x3200xf32>, vector<16x3200xf32>, vector<16x3200xf32>, vector<16x3200xf32>, vector<16x3200xf32>, vector<16x3200xf32> -> vector<128x3200xf32>
    %convert_element_type3A = arith.truncf %concatenate3A : vector<128x3200xf32> to vector<128x3200xbf16>
    %get3A_9 = arith.constant 0 : index
    %get3A_10 = arith.constant 0 : index
    %get3A_11 = vector.load %arg2[%get3A_9, %get3A_10] : memref<128x128xf32, #tpu.memory_space<vmem>>, vector<128x128xf32>
    %convert_element_type3A_12 = arith.truncf %get3A_11 : vector<128x128xf32> to vector<128x128xbf16>
    %get3A_13 = arith.constant 0 : index
    %get3A_14 = arith.constant 0 : index
    %get3A_15 = vector.load %arg4[%get3A_13, %get3A_14] : memref<128x128xf32, #tpu.memory_space<vmem>>, vector<128x128xf32>
    %convert_element_type3A_16 = arith.truncf %get3A_15 : vector<128x128xf32> to vector<128x128xbf16>
    %dot_general3A = arith.constant dense<0.000000e+00> : vector<3200x128xf32>
    %dot_general3A_17 = tpu.matmul %convert_element_type3A, %convert_element_type3A_12, %dot_general3A {dimension_numbers = #tpu.dot_dimension_numbers<[0], [0], [1], [1], [0, 1, 1, 1], [], []>, transpose_lhs_hint = false} : vector<128x3200xbf16>, vector<128x128xbf16>, vector<3200x128xf32> -> vector<3200x128xf32>
    %get3A_18 = arith.constant 0 : index
    %get3A_19 = arith.constant 0 : index
    %get3A_20 = vector.load %arg3[%get3A_18, %get3A_19] : memref<1x128xf32, #tpu.memory_space<vmem>>, vector<1x128xf32>
    %add3A = vector.broadcast %get3A_20 : vector<1x128xf32> to vector<3200x128xf32>
    %add3A_21 = arith.addf %dot_general3A_17, %add3A : vector<3200x128xf32>
    %logistic3A = arith.negf %add3A_21 : vector<3200x128xf32>
    %logistic3A_22 = math.exp %logistic3A : vector<3200x128xf32>
    %logistic3A_23 = arith.constant 1.000000e+00 : f32
    %logistic3A_24 = vector.broadcast %logistic3A_23 : f32 to vector<3200x128xf32>
    %logistic3A_25 = arith.addf %logistic3A_24, %logistic3A_22 : vector<3200x128xf32>
    %logistic3A_26 = arith.divf %logistic3A_24, %logistic3A_25 : vector<3200x128xf32>
    %mul3A = arith.mulf %add3A_21, %logistic3A_26 : vector<3200x128xf32>
    %convert_element_type3A_27 = arith.truncf %mul3A : vector<3200x128xf32> to vector<3200x128xbf16>
    %dot_general3A_28 = arith.constant dense<0.000000e+00> : vector<3200x128xf32>
    %dot_general3A_29 = tpu.matmul %convert_element_type3A_27, %convert_element_type3A_16, %dot_general3A_28 {dimension_numbers = #tpu.dot_dimension_numbers<[1], [0], [0], [1], [0, 0, 1, 1], [], []>, transpose_lhs_hint = false} : vector<3200x128xbf16>, vector<128x128xbf16>, vector<3200x128xf32> -> vector<3200x128xf32>
    %get3A_30 = arith.constant 0 : index
    %get3A_31 = arith.constant 0 : index
    %get3A_32 = vector.load %arg5[%get3A_30, %get3A_31] : memref<1x128xf32, #tpu.memory_space<vmem>>, vector<1x128xf32>
    %add3A_33 = vector.broadcast %get3A_32 : vector<1x128xf32> to vector<3200x128xf32>
    %add3A_34 = arith.addf %dot_general3A_29, %add3A_33 : vector<3200x128xf32>
    %logistic3A_35 = arith.negf %add3A_34 : vector<3200x128xf32>
    %logistic3A_36 = math.exp %logistic3A_35 : vector<3200x128xf32>
    %logistic3A_37 = arith.constant 1.000000e+00 : f32
    %logistic3A_38 = vector.broadcast %logistic3A_37 : f32 to vector<3200x128xf32>
    %logistic3A_39 = arith.addf %logistic3A_38, %logistic3A_36 : vector<3200x128xf32>
    %logistic3A_40 = arith.divf %logistic3A_38, %logistic3A_39 : vector<3200x128xf32>
    %mul3A_41 = arith.mulf %add3A_34, %logistic3A_40 : vector<3200x128xf32>
    %swap3A = arith.constant 0 : index
    %swap3A_42 = arith.constant 0 : index
    %swap3A_43 = vector.load %arg6[%swap3A, %swap3A_42] : memref<3200x128xf32, #tpu.memory_space<vmem>>, vector<3200x128xf32>
    tpu.vector_store %arg6[%swap3A, %swap3A_42], %mul3A_41 {strides = array<i32>} : memref<3200x128xf32, #tpu.memory_space<vmem>>, vector<3200x128xf32>,
    return
  }
  func.func @transform_0(%arg0: i32) -> (i32, i32) {
    %add3A = arith.constant 0 : i32
    %add3A_0 = arith.addi %add3A, %arg0 : i32
    %c0_i32 = arith.constant 0 : i32
    %c0_i32_1 = arith.constant 0 : i32
    return %c0_i32, %add3A_0 : i32, i32
  }
  func.func @transform_1(%arg0: i32) -> (i32, i32) {
    %c0_i32 = arith.constant 0 : i32
    %c0_i32_0 = arith.constant 0 : i32
    %c0_i32_1 = arith.constant 0 : i32
    return %c0_i32, %c0_i32_0 : i32, i32
  }
  func.func @transform_2(%arg0: i32) -> (i32, i32) {
    %c0_i32 = arith.constant 0 : i32
    %c0_i32_0 = arith.constant 0 : i32
    %c0_i32_1 = arith.constant 0 : i32
    return %c0_i32, %c0_i32_0 : i32, i32
  }
  func.func @transform_3(%arg0: i32) -> (i32, i32) {
    %c0_i32 = arith.constant 0 : i32
    %c0_i32_0 = arith.constant 0 : i32
    %c0_i32_1 = arith.constant 0 : i32
    return %c0_i32, %c0_i32_0 : i32, i32
  }
  func.func @transform_4(%arg0: i32) -> (i32, i32) {
    %c0_i32 = arith.constant 0 : i32
    %c0_i32_0 = arith.constant 0 : i32
    %c0_i32_1 = arith.constant 0 : i32
    return %c0_i32, %c0_i32_0 : i32, i32
  }
  func.func @transform_5(%arg0: i32) -> (i32, i32) {
    %c0_i32 = arith.constant 0 : i32
    %c0_i32_0 = arith.constant 0 : i32
    return %arg0, %c0_i32 : i32, i32
  }
}

module attributes {stable_mosaic.version = 14 : i64} {
  func.func @_node_mlp_body(%arg0: i32, %arg1: memref<2x1600x128xf32, #tpu.memory_space<vmem>>, %arg2: memref<2x1600x128xf32, #tpu.memory_space<vmem>>, %arg3: memref<2x1600x128xf32, #tpu.memory_space<vmem>>, %arg4: memref<2x1600x128xf32, #tpu.memory_space<vmem>>, %arg5: memref<2x1600x128xf32, #tpu.memory_space<vmem>>, %arg6: memref<128x128xf32, #tpu.memory_space<vmem>>, %arg7: memref<1x128xf32, #tpu.memory_space<vmem>>, %arg8: memref<128x1024xf32, #tpu.memory_space<vmem>>, %arg9: memref<1x1024xf32, #tpu.memory_space<vmem>>, %arg10: memref<12800x128xf32, #tpu.memory_space<vmem>>) attributes {dimension_semantics = [#tpu.dimension_semantics<arbitrary>], iteration_bounds = array<i64: 8>, scalar_prefetch = 0 : i64, scratch_operands = 0 : i64, tpu.core_type = #tpu.core_type<tc>, window_params = [{transform_indices = @transform_0, window_bounds = array<i64: 2, 1600, 128>}, {transform_indices = @transform_1, window_bounds = array<i64: 2, 1600, 128>}, {transform_indices = @transform_2, window_bounds = array<i64: 2, 1600, 128>}, {transform_indices = @transform_3, window_bounds = array<i64: 2, 1600, 128>}, {transform_indices = @transform_4, window_bounds = array<i64: 2, 1600, 128>}, {pipeline_mode = #tpu.pipeline_mode<synchronous>, transform_indices = @transform_5, window_bounds = array<i64: 128, 128>}, {pipeline_mode = #tpu.pipeline_mode<synchronous>, transform_indices = @transform_6, window_bounds = array<i64: 1, 128>}, {pipeline_mode = #tpu.pipeline_mode<synchronous>, transform_indices = @transform_7, window_bounds = array<i64: 128, 1024>}, {pipeline_mode = #tpu.pipeline_mode<synchronous>, transform_indices = @transform_8, window_bounds = array<i64: 1, 1024>}, {transform_indices = @transform_9, window_bounds = array<i64: 12800, 128>}]} {
    %get3A = arith.constant 0 : index
    %get3A_0 = arith.constant 0 : index
    %get3A_1 = arith.constant 0 : index
    %get3A_2 = vector.load %arg1[%get3A, %get3A_0, %get3A_1] : memref<2x1600x128xf32, #tpu.memory_space<vmem>>, vector<1x1600x128xf32>
    %get3A_3 = vector.shape_cast %get3A_2 : vector<1x1600x128xf32> to vector<1600x128xf32>
    %get3A_4 = arith.constant 1 : index
    %get3A_5 = arith.constant 0 : index
    %get3A_6 = arith.constant 0 : index
    %get3A_7 = vector.load %arg1[%get3A_4, %get3A_5, %get3A_6] : memref<2x1600x128xf32, #tpu.memory_space<vmem>>, vector<1x1600x128xf32>
    %get3A_8 = vector.shape_cast %get3A_7 : vector<1x1600x128xf32> to vector<1600x128xf32>
    %add3A = arith.addf %get3A_3, %get3A_8 : vector<1600x128xf32>
    %get3A_9 = arith.constant 0 : index
    %get3A_10 = arith.constant 0 : index
    %get3A_11 = arith.constant 0 : index
    %get3A_12 = vector.load %arg2[%get3A_9, %get3A_10, %get3A_11] : memref<2x1600x128xf32, #tpu.memory_space<vmem>>, vector<1x1600x128xf32>
    %get3A_13 = vector.shape_cast %get3A_12 : vector<1x1600x128xf32> to vector<1600x128xf32>
    %add3A_14 = arith.addf %add3A, %get3A_13 : vector<1600x128xf32>
    %get3A_15 = arith.constant 1 : index
    %get3A_16 = arith.constant 0 : index
    %get3A_17 = arith.constant 0 : index
    %get3A_18 = vector.load %arg2[%get3A_15, %get3A_16, %get3A_17] : memref<2x1600x128xf32, #tpu.memory_space<vmem>>, vector<1x1600x128xf32>
    %get3A_19 = vector.shape_cast %get3A_18 : vector<1x1600x128xf32> to vector<1600x128xf32>
    %add3A_20 = arith.addf %add3A_14, %get3A_19 : vector<1600x128xf32>
    %get3A_21 = arith.constant 0 : index
    %get3A_22 = arith.constant 0 : index
    %get3A_23 = arith.constant 0 : index
    %get3A_24 = vector.load %arg3[%get3A_21, %get3A_22, %get3A_23] : memref<2x1600x128xf32, #tpu.memory_space<vmem>>, vector<1x1600x128xf32>
    %get3A_25 = vector.shape_cast %get3A_24 : vector<1x1600x128xf32> to vector<1600x128xf32>
    %add3A_26 = arith.addf %add3A_20, %get3A_25 : vector<1600x128xf32>
    %get3A_27 = arith.constant 1 : index
    %get3A_28 = arith.constant 0 : index
    %get3A_29 = arith.constant 0 : index
    %get3A_30 = vector.load %arg3[%get3A_27, %get3A_28, %get3A_29] : memref<2x1600x128xf32, #tpu.memory_space<vmem>>, vector<1x1600x128xf32>
    %get3A_31 = vector.shape_cast %get3A_30 : vector<1x1600x128xf32> to vector<1600x128xf32>
    %add3A_32 = arith.addf %add3A_26, %get3A_31 : vector<1600x128xf32>
    %get3A_33 = arith.constant 0 : index
    %get3A_34 = arith.constant 0 : index
    %get3A_35 = arith.constant 0 : index
    %get3A_36 = vector.load %arg4[%get3A_33, %get3A_34, %get3A_35] : memref<2x1600x128xf32, #tpu.memory_space<vmem>>, vector<1x1600x128xf32>
    %get3A_37 = vector.shape_cast %get3A_36 : vector<1x1600x128xf32> to vector<1600x128xf32>
    %add3A_38 = arith.addf %add3A_32, %get3A_37 : vector<1600x128xf32>
    %get3A_39 = arith.constant 1 : index
    %get3A_40 = arith.constant 0 : index
    %get3A_41 = arith.constant 0 : index
    %get3A_42 = vector.load %arg4[%get3A_39, %get3A_40, %get3A_41] : memref<2x1600x128xf32, #tpu.memory_space<vmem>>, vector<1x1600x128xf32>
    %get3A_43 = vector.shape_cast %get3A_42 : vector<1x1600x128xf32> to vector<1600x128xf32>
    %add3A_44 = arith.addf %add3A_38, %get3A_43 : vector<1600x128xf32>
    %get3A_45 = arith.constant 0 : index
    %get3A_46 = arith.constant 0 : index
    %get3A_47 = arith.constant 0 : index
    %get3A_48 = vector.load %arg5[%get3A_45, %get3A_46, %get3A_47] : memref<2x1600x128xf32, #tpu.memory_space<vmem>>, vector<1x1600x128xf32>
    %get3A_49 = vector.shape_cast %get3A_48 : vector<1x1600x128xf32> to vector<1600x128xf32>
    %add3A_50 = arith.addf %add3A_44, %get3A_49 : vector<1600x128xf32>
    %get3A_51 = arith.constant 1 : index
    %get3A_52 = arith.constant 0 : index
    %get3A_53 = arith.constant 0 : index
    %get3A_54 = vector.load %arg5[%get3A_51, %get3A_52, %get3A_53] : memref<2x1600x128xf32, #tpu.memory_space<vmem>>, vector<1x1600x128xf32>
    %get3A_55 = vector.shape_cast %get3A_54 : vector<1x1600x128xf32> to vector<1600x128xf32>
    %add3A_56 = arith.addf %add3A_50, %get3A_55 : vector<1600x128xf32>
    %convert_element_type3A = arith.truncf %add3A_56 : vector<1600x128xf32> to vector<1600x128xbf16>
    %get3A_57 = arith.constant 0 : index
    %get3A_58 = arith.constant 0 : index
    %get3A_59 = vector.load %arg6[%get3A_57, %get3A_58] : memref<128x128xf32, #tpu.memory_space<vmem>>, vector<128x128xf32>
    %convert_element_type3A_60 = arith.truncf %get3A_59 : vector<128x128xf32> to vector<128x128xbf16>
    %dot_general3A = arith.constant dense<0.000000e+00> : vector<1600x128xf32>
    %dot_general3A_61 = tpu.matmul %convert_element_type3A, %convert_element_type3A_60, %dot_general3A {dimension_numbers = #tpu.dot_dimension_numbers<[1], [0], [0], [1], [0, 0, 1, 1], [], []>, transpose_lhs_hint = false} : vector<1600x128xbf16>, vector<128x128xbf16>, vector<1600x128xf32> -> vector<1600x128xf32>
    %get3A_62 = arith.constant 0 : index
    %get3A_63 = arith.constant 0 : index
    %get3A_64 = vector.load %arg7[%get3A_62, %get3A_63] : memref<1x128xf32, #tpu.memory_space<vmem>>, vector<1x128xf32>
    %add3A_65 = vector.broadcast %get3A_64 : vector<1x128xf32> to vector<1600x128xf32>
    %add3A_66 = arith.addf %dot_general3A_61, %add3A_65 : vector<1600x128xf32>
    %logistic3A = arith.negf %add3A_66 : vector<1600x128xf32>
    %logistic3A_67 = math.exp %logistic3A : vector<1600x128xf32>
    %logistic3A_68 = arith.constant 1.000000e+00 : f32
    %logistic3A_69 = vector.broadcast %logistic3A_68 : f32 to vector<1600x128xf32>
    %logistic3A_70 = arith.addf %logistic3A_69, %logistic3A_67 : vector<1600x128xf32>
    %logistic3A_71 = arith.divf %logistic3A_69, %logistic3A_70 : vector<1600x128xf32>
    %mul3A = arith.mulf %add3A_66, %logistic3A_71 : vector<1600x128xf32>
    %convert_element_type3A_72 = arith.truncf %mul3A : vector<1600x128xf32> to vector<1600x128xbf16>
    %get3A_73 = arith.constant 0 : index
    %get3A_74 = arith.constant 0 : index
    %get3A_75 = vector.load %arg8[%get3A_73, %get3A_74] : memref<128x1024xf32, #tpu.memory_space<vmem>>, vector<128x1024xf32>
    %convert_element_type3A_76 = arith.truncf %get3A_75 : vector<128x1024xf32> to vector<128x1024xbf16>
    %dot_general3A_77 = arith.constant dense<0.000000e+00> : vector<1600x1024xf32>
    %dot_general3A_78 = tpu.matmul %convert_element_type3A_72, %convert_element_type3A_76, %dot_general3A_77 {dimension_numbers = #tpu.dot_dimension_numbers<[1], [0], [0], [1], [0, 0, 1, 1], [], []>, transpose_lhs_hint = false} : vector<1600x128xbf16>, vector<128x1024xbf16>, vector<1600x1024xf32> -> vector<1600x1024xf32>
    %get3A_79 = arith.constant 0 : index
    %get3A_80 = arith.constant 0 : index
    %get3A_81 = vector.load %arg9[%get3A_79, %get3A_80] : memref<1x1024xf32, #tpu.memory_space<vmem>>, vector<1x1024xf32>
    %add3A_82 = vector.broadcast %get3A_81 : vector<1x1024xf32> to vector<1600x1024xf32>
    %add3A_83 = arith.addf %dot_general3A_78, %add3A_82 : vector<1600x1024xf32>
    %reshape3A = vector.shape_cast %add3A_83 : vector<1600x1024xf32> to vector<12800x128xf32>
    %swap3A = arith.constant 0 : index
    %swap3A_84 = arith.constant 0 : index
    %swap3A_85 = vector.load %arg10[%swap3A, %swap3A_84] : memref<12800x128xf32, #tpu.memory_space<vmem>>, vector<12800x128xf32>
    tpu.vector_store %arg10[%swap3A, %swap3A_84], %reshape3A {strides = array<i32>} : memref<12800x128xf32, #tpu.memory_space<vmem>>, vector<12800x128xf32>,
    return
  }
  func.func @transform_0(%arg0: i32) -> (i32, i32, i32) {
    %c0_i32 = arith.constant 0 : i32
    %c0_i32_0 = arith.constant 0 : i32
    %c0_i32_1 = arith.constant 0 : i32
    return %c0_i32, %arg0, %c0_i32_0 : i32, i32, i32
  }
  func.func @transform_1(%arg0: i32) -> (i32, i32, i32) {
    %c0_i32 = arith.constant 0 : i32
    %c0_i32_0 = arith.constant 0 : i32
    %c0_i32_1 = arith.constant 0 : i32
    return %c0_i32, %arg0, %c0_i32_0 : i32, i32, i32
  }
  func.func @transform_2(%arg0: i32) -> (i32, i32, i32) {
    %c0_i32 = arith.constant 0 : i32
    %c0_i32_0 = arith.constant 0 : i32
    %c0_i32_1 = arith.constant 0 : i32
    return %c0_i32, %arg0, %c0_i32_0 : i32, i32, i32
  }
  func.func @transform_3(%arg0: i32) -> (i32, i32, i32) {
    %c0_i32 = arith.constant 0 : i32
    %c0_i32_0 = arith.constant 0 : i32
    %c0_i32_1 = arith.constant 0 : i32
    return %c0_i32, %arg0, %c0_i32_0 : i32, i32, i32
  }
  func.func @transform_4(%arg0: i32) -> (i32, i32, i32) {
    %c0_i32 = arith.constant 0 : i32
    %c0_i32_0 = arith.constant 0 : i32
    %c0_i32_1 = arith.constant 0 : i32
    return %c0_i32, %arg0, %c0_i32_0 : i32, i32, i32
  }
  func.func @transform_5(%arg0: i32) -> (i32, i32) {
    %c0_i32 = arith.constant 0 : i32
    %c0_i32_0 = arith.constant 0 : i32
    %c0_i32_1 = arith.constant 0 : i32
    return %c0_i32, %c0_i32_0 : i32, i32
  }
  func.func @transform_6(%arg0: i32) -> (i32, i32) {
    %c0_i32 = arith.constant 0 : i32
    %c0_i32_0 = arith.constant 0 : i32
    %c0_i32_1 = arith.constant 0 : i32
    return %c0_i32, %c0_i32_0 : i32, i32
  }
  func.func @transform_7(%arg0: i32) -> (i32, i32) {
    %c0_i32 = arith.constant 0 : i32
    %c0_i32_0 = arith.constant 0 : i32
    %c0_i32_1 = arith.constant 0 : i32
    return %c0_i32, %c0_i32_0 : i32, i32
  }
  func.func @transform_8(%arg0: i32) -> (i32, i32) {
    %c0_i32 = arith.constant 0 : i32
    %c0_i32_0 = arith.constant 0 : i32
    %c0_i32_1 = arith.constant 0 : i32
    return %c0_i32, %c0_i32_0 : i32, i32
  }
  func.func @transform_9(%arg0: i32) -> (i32, i32) {
    %c0_i32 = arith.constant 0 : i32
    %c0_i32_0 = arith.constant 0 : i32
    return %arg0, %c0_i32 : i32, i32
  }
}

</mosaic_0001>

<sc_bundles>
// kernel: kernel.14.cloned.1.call-start
scs
__scs_entry_jumppad:
0x0: {  	(pc) =	sbr.rel $0x88, $3  }
0x1: {  	(tag) =	ssettag $0x0;
	lr =	simm.s32 $0x1  }
0x2: {  	[smem:$0x3F97] =	sst lr;
	_ =	strace $0xD0000000  }
0x3: {  	_ = 	snop  }
0x4: {  	_ = 	snop  }
0x5: {  	_ = 	snop  }
0x6: {  	_ = 	snop  }
0x7: {  	_ = 	snop  }
__scs_overlays_trampoline_lowered:
0x8: {  	[smem:$0x3FA6] =	sst s0  }
0x9: {  	[smem:$0x3FA7] =	sst s1  }
0xa: {  	[smem:$0x3FA8] =	sst s2  }
0xb: {  	[smem:$0x3FA9] =	sst s3  }
0xc: {  	[smem:$0x3FAA] =	sst s4  }
0xd: {  	[smem:$0x3FAB] =	sst s5  }
0xe: {  	[smem:$0x3FAC] =	sst s6  }
0xf: {  	[smem:$0x3FAD] =	sst s7  }
0x10: {  	[smem:$0x3FAE] =	sst s8  }
0x11: {  	[smem:$0x3FAF] =	sst s9;
	s0 =	simm.s32 @!p0 $0x0  }
0x12: {  	s1 =	sld [smem:$0x3F95];
	s0 =	simm.s32 @p0 $0x1  }
0x13: {  	[smem:$0x3FB0] =	sst s0;
	s0 =	simm.s32 @!p1 $0x0  }
0x14: {  	s2 =	sld [smem:$0x3F94];
	s0 =	simm.s32 @p1 $0x1  }
0x15: {  	[smem:$0x3FB1] =	sst s0;
	s0 =	simm.s32 @!p2 $0x0  }
0x16: {  	s3 =	sld [smem:$0x3FDB];
	s0 =	simm.s32 @p2 $0x1  }
0x17: {  	s4 =	simm.s32 $0x1BF5;
	[smem:$0x3FB3] =	sst s0  }
0x18: {  	s0 =	sld [smem:$0x3F96];
	_ =	swait.ge [sflag:s4], $0x0  }
0x19: {  	s7 =	sld [smem:$0x3F97]  }
0x1a: {  	s8 =	sadd.s32 $0xFFFFE003, lr  }
0x1b: {  	s9 =	sadd.s32 $0xFFFFFEF7, lr;
	s5 =	simm.s32 $0xFFFFFFFF;
	p2 =	slt.u32 s8, $0xFFFFF086  }
0x1c: {  	p1 =	slt.u32 s9, $0xF7A;
	s5 =	simm.s32 @!p2 $0x0  }
0x1d: {  	s5 =	simm.s32 @p1 $0x1;
	p0 =	seq.s32 s7, s2  }
0x1e: {  	s7 =	smul.u32 @!p0 $0xF7A, s2;
	p2 =	seq.s32 @!p0 s5, $0x0  }
0x1f: {  	s9 =	smul.u32 $0xF7A, s1;
	s8 =	simm.s32 @!p0 $0x1BF5;
	p2 =	por !p2, p0  }
0x20: {  	[sflag:s8] =	ssyncset.s32 @!p0 $0xFFFFF086;
	s6 =	sadd.s32 @!p0 s3, s7;
	s7 =	simm.s32 @!p0 $0x108  }
0x21: {  	s3 =	sadd.s32 s3, s9;
	s6 =	sadd.s32 @!p0 $0x88, s6;
	s7 =	simm.s32 @p2 $0x1082  }
0x22: {  	[simem:s7], [sflag:s8] =	dma.local @!p0 [hbm:s6], $0xF7A  }
0x23: {  	s9 =	sor.u32 $0xD0000000, s2;
	s6 =	simm.s32 $0x108;
	_ =	swait.ge @!p0 [sflag:s8], $0x0  }
0x24: {  	s3 =	sadd.s32 $0x88, s3;
	s6 =	simm.s32 @!p1 $0x1082;
	[sflag:s4] =	ssyncset.s32 $0xFFFFF086  }
0x25: {  	[simem:s6], [sflag:s4] =	dma.local [hbm:s3], $0xF7A  }
0x26: {  	[smem:$0x3F97] =	sst s1;
	(tag) =	ssettag s2;
	_ =	strace s9  }
0x27: {  	s1 =	sld [smem:$0x3FA7]  }
0x28: {  	s2 =	sld [smem:$0x3FA8]  }
0x29: {  	s4 =	sld [smem:$0x3FAA]  }
0x2a: {  	p0 =	seq.s32 s5, $0x0;
	s5 =	sld [smem:$0x3FAB]  }
0x2b: {  	s6 =	sld [smem:$0x3FAC]  }
0x2c: {  	s7 =	sld [smem:$0x3FAD]  }
0x2d: {  	s3 =	simm.s32 $0x108;
	s8 =	sld [smem:$0x3FAE]  }
0x2e: {  	s3 =	simm.s32 @!p0 $0x1082;
	s9 =	sld [smem:$0x3FAF]  }
0x2f: {  	lr =	sadd.s32 s0, s3;
	s0 =	sld [smem:$0x3FA6]  }
0x30: {  	s3 =	sld [smem:$0x3FA9]  }
0x31: {  	[smem:$0x3FB2] =	sst s10  }
0x32: {  	s10 =	sld [smem:$0x3FB0];
	_ =	sdelay $0x3  }
0x33: {  	p0 =	seq.s32 s10, $0x1;
	s10 =	sld [smem:$0x3FB2];
	_ =	sdelay $0x3  }
0x34: {  	[smem:$0x3FB2] =	sst s10  }
0x35: {  	s10 =	sld [smem:$0x3FB1];
	_ =	sdelay $0x3  }
0x36: {  	p1 =	seq.s32 s10, $0x1;
	s10 =	sld [smem:$0x3FB2];
	_ =	sdelay $0x3  }
0x37: {  	[smem:$0x3FB2] =	sst s10  }
0x38: {  	s10 =	sld [smem:$0x3FB3]  }
0x39: {  	_ = 	snop;
	(pc) =	sbr.ind lr, $3  }
0x3a: {  	_ = 	snop  }
0x3b: {  	_ = 	snop  }
0x3c: {  	p2 =	seq.s32 s10, $0x1;
	s10 =	sld [smem:$0x3FB2]  }
0x3d: {  	_ =	shalt  }
0x3e: {  	_ =	shalt  }
0x3f: {  	_ =	shalt  }
0x40: {  	_ =	shalt  }
0x41: {  	_ =	shalt  }
0x42: {  	_ =	shalt  }
0x43: {  	_ =	shalt  }
0x44: {  	_ =	shalt  }
0x45: {  	_ =	shalt  }
0x46: {  	_ =	shalt  }
0x47: {  	_ =	shalt  }
0x48: {  	_ =	shalt  }
0x49: {  	_ =	shalt  }
0x4a: {  	_ =	shalt  }
0x4b: {  	_ =	shalt  }
0x4c: {  	_ =	shalt  }
0x4d: {  	_ =	shalt  }
0x4e: {  	_ =	shalt  }
0x4f: {  	_ =	shalt  }
0x50: {  	_ =	shalt  }
0x51: {  	_ =	shalt  }
0x52: {  	_ =	shalt  }
0x53: {  	_ =	shalt  }
0x54: {  	_ =	shalt  }
0x55: {  	_ =	shalt  }
0x56: {  	_ =	shalt  }
0x57: {  	_ =	shalt  }
0x58: {  	_ =	shalt  }
0x59: {  	_ =	shalt  }
0x5a: {  	_ =	shalt  }
0x5b: {  	_ =	shalt  }
0x5c: {  	_ =	shalt  }
0x5d: {  	_ =	shalt  }
0x5e: {  	_ =	shalt  }
0x5f: {  	_ =	shalt  }
0x60: {  	_ =	shalt  }
0x61: {  	_ =	shalt  }
0x62: {  	_ =	shalt  }
0x63: {  	_ =	shalt  }
0x64: {  	_ =	shalt  }
0x65: {  	_ =	shalt  }
0x66: {  	_ =	shalt  }
0x67: {  	_ =	shalt  }
0x68: {  	_ =	shalt  }
0x69: {  	_ =	shalt  }
0x6a: {  	_ =	shalt  }
0x6b: {  	_ =	shalt  }
0x6c: {  	_ =	shalt  }
0x6d: {  	_ =	shalt  }
0x6e: {  	_ =	shalt  }
0x6f: {  	_ =	shalt  }
0x70: {  	_ =	shalt  }
0x71: {  	_ =	shalt  }
0x72: {  	_ =	shalt  }
0x73: {  	_ =	shalt  }
0x74: {  	_ =	shalt  }
0x75: {  	_ =	shalt  }
0x76: {  	_ =	shalt  }
0x77: {  	_ =	shalt  }
0x78: {  	_ =	shalt  }
0x79: {  	_ =	shalt  }
0x7a: {  	_ =	shalt  }
0x7b: {  	_ =	shalt  }
0x7c: {  	_ =	shalt  }
0x7d: {  	_ =	shalt  }
0x7e: {  	_ =	shalt  }
0x7f: {  	_ =	shalt  }
0x80: {  	_ =	shalt  }
0x81: {  	_ =	shalt  }
0x82: {  	_ =	shalt  }
0x83: {  	_ =	shalt  }
0x84: {  	_ =	shalt  }
0x85: {  	_ =	shalt  }
0x86: {  	_ =	shalt  }
0x87: {  	_ =	shalt  }
.Lfunc_end0:
.L_simem_size_0:
called_computation_lowered:
.L_overlay_start_0:
0x88: {  	s2 =	sld [smem:$0x3FD9]  }
0x89: {  	s3 =	sld [smem:$0x3FFE];
	_ =	sdelay $0x1  }
0x8a: {  	s1 =	srdreg.scid  }
0x8b: {  	s0 =	sand.u32 $0x1, s1  }
0x8c: {  	s17 =	sshll.u32 s0, $0xA;
	s2 =	sadd.s32 s3, s2  }
0x8d: {  	s2 =	sadd.s32 s2, s17  }
0x8e: {  	[smem:$0x3FBE] =	sst s2  }
0x8f: {  	_ = 	snop  }
0x90: {  	s18 =	sld [smem:$0x3FD0];
	(tm) =	ssettm $0x1  }
0x91: {  	s19 =	sld [smem:$0x3FFB];
	_ =	sdelay $0x3  }
0x92: {  	_ =	strace s19  }
0x93: {  	s2 =	sld [smem:$0x3FFC];
	_ =	sdelay $0x3  }
0x94: {  	_ =	strace s2  }
0x95: {  	s2 =	sld [smem:$0x3FFD];
	_ =	sdelay $0x3  }
0x96: {  	_ =	strace s2  }
0x97: {  	_ =	strace $0x8FFFFFFF  }
0x98: {  	s20 =	sld [smem:$0x3FDB];
	_ =	sdelay $0x1  }
0x99: {  	s4 =	simm.s32 $_scs_section_size  }
0x9a: {  	s5 =	simm.s32 $_size__tile_overlayer_lowered;
	s6 =	simm.s32 $_tile_overlayer_lowered  }
0x9b: {  	s7 =	simm.s32 $0x1BFF;
	s21 =	sshll.u32 s6, $0x1;
	s4 =	sadd.s32 s4, s20  }
0x9c: {  	s22 =	simm.s32 $0x0;
	s5 =	sshll.u32 s5, $0x1;
	s6 =	sadd.s32 s21, s4  }
0x9d: {  	[timem:s22], [sflag:s7] =	dma.local [hbm:s6], s5  }
0x9e: {  	_ =	swait.ge [sflag:s7], s5  }
0x9f: {  	s5 =	ssub.s32 $0x0, s5;
	[sflag:s7] =	ssyncset.done $0x0  }
0xa0: {  	[sflag:s7] =	ssyncadd.s32 s5;
	_ =	sdelay $0x1  }
0xa1: {  	s23 =	simm.s32 $0x1B8B  }
0xa2: {  	_ =	swait.ge [sflag:s23], $0x1  }
0xa3: {  	[sflag:s23] =	ssyncset.done $0x0  }
0xa4: {  	[sflag:s23] =	ssyncadd.s32 $0xFFFFFFFF  }
0xa5: {  	s5 =	sld [smem:$0x0]  }
0xa6: {  	s6 =	sand.u32 $0xFFFFFFFE, s1  }
0xa7: {  	p0 =	sne.s32 s1, s6  }
0xa8: {  	s6 =	sshll.u32 @p0 s6, $0xE  }
0xa9: {  	s6 =	sadd.s32 @p0 $0x11B8D, s6;
	s7 =	sshll.u32 @p0 s5, $0x11  }
0xaa: {  	s6 =	sor.u32 @p0 s7, s6  }
0xab: {  	[sflag:s6] =	ssyncadd.remote.s32 @p0 $0x1;
	_ =	sdelay $0x1  }
0xac: {  	s6 =	simm.s32 @p0 $0x1B8D  }
0xad: {  	_ =	swait.eq @p0 [sflag:s6], $0x1  }
0xae: {  	[sflag:s6] =	ssyncadd.s32 @p0 $0xFFFFFFFF  }
0xaf: {  	s7 =	sshll.u32 @!p0 s1, $0xE  }
0xb0: {  	s7 =	sor.u32 @!p0 $0x4000, s7;
	s6 =	simm.s32 @!p0 $0x1B8D  }
0xb1: {  	s5 =	sshll.u32 @!p0 s5, $0x11;
	s7 =	sadd.s32 @!p0 $0x11B8D, s7;
	_ =	swait.eq @!p0 [sflag:s6], $0x1  }
0xb2: {  	s5 =	sor.u32 @!p0 s5, s7;
	[sflag:s6] =	ssyncadd.s32 @!p0 $0xFFFFFFFF  }
0xb3: {  	s25 =	simm.s32 $0x1B8E;
	s24 =	sld [smem:$0x3FFE];
	[sflag:s5] =	ssyncadd.remote.s32 @!p0 $0x1  }
0xb4: {  	s26 =	simm.s32 $execute0_lowered;
	[smem:$0x3FD2] =	sst s25  }
0xb5: {  	s6 =	sshll.u32 s26, $0x1;
	_ =	strace $0x80000052;
	[dreg:$0x1] =	wrdreg $0xFFFFFFFF  }
0xb6: {  	s28 =	simm.s32 $_size_execute0_lowered;
	s4 =	sadd.s32 s4, s6;
	[dreg:$0x0] =	wrdreg $0x0  }
0xb7: {  	s6 =	sshll.u32 s28, $0x1;
	[dreg:$0x2] =	wrdreg s4  }
0xb8: {  	[dreg:$0x3] =	wrdreg s6  }
0xb9: {  	[dreg:$0x4] =	wrdreg $0xC0  }
0xba: {  	_ =	task [dreg:s22], $0x5FFFF  }
0xbb: {  	[dreg:$0x1] =	wrdreg $0xFFFFFFFF  }
0xbc: {  	[dreg:$0x0] =	wrdreg $0x60  }
0xbd: {  	[dreg:$0x2] =	wrdreg s18  }
0xbe: {  	[dreg:$0x3] =	wrdreg s24  }
0xbf: {  	[dreg:$0x4] =	wrdreg $0x0  }
0xc0: {  	[dreg:$0x5] =	wrdreg $0x9  }
0xc1: {  	_ =	task.clear_ibuf [dreg:s22], $0x6FFFF;
	_ =	strace $0x90000052  }
0xc2: {  	s29 =	simm.s32 $0x9;
	_ =	strace $0x80000054  }
0xc3: {  	_ =	swait.ge [sflag:s29], $0x1  }
0xc4: {  	[sflag:s29] =	ssyncadd.s32 $0xFFFFFFFF  }
0xc5: {  	_ =	strace $0x90000054  }
0xc6: {  	_ =	sfence  }
0xc7: {  	s30 =	sld [smem:$0x0];
	_ =	sdelay $0x2  }
0xc8: {  	s31 =	sshll.u32 s1, $0xD;
	s1 =	sshrl.u32 s1, $0x2  }
0xc9: {  	s4 =	sand.u32 $0x4000, s31;
	s1 =	sadd.s32 s1, s30  }
0xca: {  	s0 =	sor.u32 s4, s0;
	s1 =	sshll.u32 s1, $0x11  }
0xcb: {  	s0 =	sor.u32 s1, s0  }
0xcc: {  	s0 =	sadd.s32 $0x8F2B, s0  }
0xcd: {  	[sflag:s0] =	ssyncadd.remote.s32 $0x1  }
0xce: {  	_ =	sfence.sel $0xFFFF  }
0xcf: {  	[dreg:$0x0] =	wrdreg $0xFFFFFFFF;
	(pc) =	sbr.abs _section_cstart, $3  }
0xd0: {  	[dreg:$0x1] =	wrdreg $0xFFFFFFFF  }
0xd1: {  	_ =	task.clear_ibuf [dreg:s22], $0x2FFFF;
	_ =	strace $0x9FFFFFFF  }
0xd2: {  	(tm) =	ssettm $0x7FFFFFFF  }
0xd3: {  	_ =	shalt  }
tec
execute0_lowered:
.L_overlay_start_1:
0x0: {  	(tag) =	ssettag $0x1  }
0x1: {  	s0 =	rddreg [dreg:$0x0]  }
0x2: {  	s3 =	rddreg [dreg:$0x1]  }
0x3: {  	s1 =	rddreg [dreg:$0x2];
	s2 =	simm.s32 $0x0  }
0x4: {  	s4 =	srdreg.scid;
	s9 =	stileid.u32;
	s21 =	simm.s32 $0x1E080  }
0x5: {  	s23 =	simm.s32 $0x19800;
	s25 =	simm.s32 $0x1E100;
	[smem:$0x7FF] =	sst s2  }
0x6: {  	s26 =	simm.s32 $0x1A000;
	_ =	strace $0x80000053;
	[dreg:$0x5] =	wrdreg s21  }
0x7: {  	s28 =	simm.s32 $0x1E180;
	s29 =	simm.s32 $0x1A800;
	[dreg:$0x4] =	wrdreg s23  }
0x8: {  	s30 =	simm.s32 $0x1E200;
	s31 =	simm.s32 $0x1B000;
	[dreg:$0x7] =	wrdreg s25  }
0x9: {  	s6 =	sand.u32 $0x1, s4;
	s5 =	smul.u32 $0x64000, s9;
	[dreg:$0x6] =	wrdreg s26  }
0xa: {  	s7 =	sadd.s32 $0x6800, s3;
	s17 =	smul.u32 $0x19000, s9;
	[dreg:$0x9] =	wrdreg s28  }
0xb: {  	s12 =	sshll.u32 s9, $0x1;
	s22 =	smul.u32 $0xA00, s9;
	[dreg:$0x8] =	wrdreg s29  }
0xc: {  	s4 =	smul.u32 $0x32000, s6;
	s11 =	ssub.s32 $0x2, s6;
	[dreg:$0xb] =	wrdreg s30  }
0xd: {  	s21 =	simm.s32 $0x3;
	[dreg:$0xa] =	wrdreg s31;
	s23 =	simm.s32 $0x1  }
0xe: {  	s25 =	simm.s32 $0x80;
	s26 =	simm.s32 $0x4;
	s8 =	sshrl.u32 s11, $0x1  }
0xf: {  	s5 =	sshrl.u32 s5, $0x2;
	s24 =	sshrl.u32 s17, $0x3;
	s3 =	sadd.s32 s4, s3  }
0x10: {  	s18 =	ssub.s32 s11, s8;
	s14 =	sadd.s32 s5, s1;
	s4 =	sor.u32 s6, s12  }
0x11: {  	s5 =	sadd.s32 s17, s1;
	s13 =	sadd.s32 $0x2800, s14;
	s15 =	sadd.s32 $0x5000, s14  }
0x12: {  	s16 =	sadd.s32 $0x7800, s14;
	s19 =	sadd.s32 $0xA000, s14;
	[dreg:$0xc] =	wrdreg s13  }
0x13: {  	s20 =	sadd.s32 $0xC800, s14;
	s11 =	sadd.s32 $0xF000, s14;
	[dreg:$0xd] =	wrdreg s15  }
0x14: {  	s12 =	sadd.s32 $0x11800, s14;
	[dreg:$0xe] =	wrdreg s16;
	s15 =	smul.u32 $0x500, s4  }
0x15: {  	s3 =	sadd.s32 $0x6DA400, s3;
	[dreg:$0xf] =	wrdreg s19;
	s16 =	smul.u32 $0x50, s4  }
0x16: {  	s17 =	smax.u32 s18, $0x1;
	[dreg:$0x10] =	wrdreg s20;
	s19 =	smul.u32 $0xA0, s9  }
0x17: {  	s13 =	sadd.s32 $0x14000, s14;
	s14 =	sadd.s32 $0x16800, s14;
	s20 =	smul.u32 $0x50, s6  }
0x18: {  	s6 =	smul.u32 $0x500, s6;
	s24 =	sadd.s32 s24, s3;
	s15 =	sadd.s32 s0, s15  }
0x19: {  	s16 =	sadd.s32 s7, s16;
	s7 =	sadd.s32 s19, s7;
	s0 =	sadd.s32 s22, s0  }
0x1a: {  	s22 =	simm.s32 $0x1E000;
	s7 =	sadd.s32 s20, s7;
	s0 =	sadd.s32 s6, s0  }
0x1b: {  	v0 =	vimm.f32 $0.0e+00;
	s20 =	simm.s32 $0x19000;
	s18 =	sadd.s32 $0xA00, s7;
	s19 =	sadd.s32 $0xA000, s0  }
.LBB2_1:
0x1c: {  	s0 =	simm.s32 $0x40;
	s3 =	simm.s32 $0x0  }
.LBB2_2:
0x1d: {  	p0 =	sne.s32 s0, $0x9FC0;
	[tilespmem:s3+$0x19000] =	vst v0;
	s3 =	smov.u32 s0;
	s0 =	sadd.s32 $0x40, s0  }
.Ltmp0:
0x1e: {  	(pc) =	sbr.rel @p0 .LBB2_2-.Ltmp0, $2  }
0x1f: {  	_ =	sdelay $0x2  }
0x20: {  	s3 =	sshra.s32 s3, $0x2  }
0x21: {  	[tilespmem:s3+$0x19000] =	vst v0  }
0x22: {  	[spmem:s5] =	stream.linear.scatter [tilespmem:s20], [sflag:$0x3], $0x2800, $0x38;
	[tilespmem:$0x1E500] =	vst v63  }
0x23: {  	_ =	swait.ge [sflag:s21], $0x2800  }
0x24: {  	[sflag:s21] =	ssyncset.done $0x0  }
0x25: {  	s0 =	rddreg [dreg:$0xc];
	[sflag:s21] =	ssyncadd.s32 $0xFFFFD800  }
0x26: {  	[spmem:s0] =	stream.linear.scatter [tilespmem:s20], [sflag:$0x3], $0x2800, $0x38;
	[tilespmem:$0x1E500] =	vst v63  }
0x27: {  	_ =	swait.ge [sflag:s21], $0x2800  }
0x28: {  	[sflag:s21] =	ssyncset.done $0x0  }
0x29: {  	s8 =	rddreg [dreg:$0xd];
	[sflag:s21] =	ssyncadd.s32 $0xFFFFD800  }
0x2a: {  	[spmem:s8] =	stream.linear.scatter [tilespmem:s20], [sflag:$0x3], $0x2800, $0x38;
	[tilespmem:$0x1E500] =	vst v63  }
0x2b: {  	_ =	swait.ge [sflag:s21], $0x2800  }
0x2c: {  	[sflag:s21] =	ssyncset.done $0x0  }
0x2d: {  	s9 =	rddreg [dreg:$0xe];
	[sflag:s21] =	ssyncadd.s32 $0xFFFFD800  }
0x2e: {  	[spmem:s9] =	stream.linear.scatter [tilespmem:s20], [sflag:$0x3], $0x2800, $0x38;
	[tilespmem:$0x1E500] =	vst v63  }
0x2f: {  	_ =	swait.ge [sflag:s21], $0x2800  }
0x30: {  	[sflag:s21] =	ssyncset.done $0x0  }
0x31: {  	s10 =	rddreg [dreg:$0xf];
	[sflag:s21] =	ssyncadd.s32 $0xFFFFD800  }
0x32: {  	[spmem:s10] =	stream.linear.scatter [tilespmem:s20], [sflag:$0x3], $0x2800, $0x38;
	[tilespmem:$0x1E500] =	vst v63  }
0x33: {  	_ =	swait.ge [sflag:s21], $0x2800  }
0x34: {  	[sflag:s21] =	ssyncset.done $0x0  }
0x35: {  	s3 =	rddreg [dreg:$0x10];
	[sflag:s21] =	ssyncadd.s32 $0xFFFFD800  }
0x36: {  	[spmem:s3] =	stream.linear.scatter [tilespmem:s20], [sflag:$0x3], $0x2800, $0x38;
	[tilespmem:$0x1E500] =	vst v63  }
0x37: {  	_ =	swait.ge [sflag:s21], $0x2800  }
0x38: {  	[sflag:s21] =	ssyncset.done $0x0  }
0x39: {  	[sflag:s21] =	ssyncadd.s32 $0xFFFFD800  }
0x3a: {  	[spmem:s11] =	stream.linear.scatter [tilespmem:s20], [sflag:$0x3], $0x2800, $0x38;
	[tilespmem:$0x1E500] =	vst v63  }
0x3b: {  	_ =	swait.ge [sflag:s21], $0x2800  }
0x3c: {  	[sflag:s21] =	ssyncset.done $0x0  }
0x3d: {  	[sflag:s21] =	ssyncadd.s32 $0xFFFFD800  }
0x3e: {  	[spmem:s12] =	stream.linear.scatter [tilespmem:s20], [sflag:$0x3], $0x2800, $0x38;
	[tilespmem:$0x1E500] =	vst v63  }
0x3f: {  	_ =	swait.ge [sflag:s21], $0x2800  }
0x40: {  	[sflag:s21] =	ssyncset.done $0x0  }
0x41: {  	[sflag:s21] =	ssyncadd.s32 $0xFFFFD800  }
0x42: {  	[spmem:s13] =	stream.linear.scatter [tilespmem:s20], [sflag:$0x3], $0x2800, $0x38;
	[tilespmem:$0x1E500] =	vst v63  }
0x43: {  	_ =	swait.ge [sflag:s21], $0x2800  }
0x44: {  	[sflag:s21] =	ssyncset.done $0x0  }
0x45: {  	[sflag:s21] =	ssyncadd.s32 $0xFFFFD800  }
0x46: {  	[spmem:s14] =	stream.linear.scatter [tilespmem:s20], [sflag:$0x3], $0x2800, $0x38;
	[tilespmem:$0x1E500] =	vst v63  }
0x47: {  	_ =	swait.ge [sflag:s21], $0x2800  }
0x48: {  	[sflag:s21] =	ssyncset.done $0x0  }
0x49: {  	s0 =	sadd.s32 $0x0, s4;
	[sflag:s21] =	ssyncadd.s32 $0xFFFFD800  }
0x4a: {  	s6 =	simm.s32 $0x0;
	s7 =	sadd.s32 $0x20, s0;
	[bflag:$0x0] =	sbarrier.arrive $0xFFFF  }
0x4b: {  	[tilespmem:s20], [sflag:$0x1] =	stream.linear.gather [hbm4b:s15+s6], $0x2800, $0x38;
	[tilespmem:$0x1E500] =	vst v63  }
0x4c: {  	p0 =	sgt.u32 s7, $0x3E7  }
0x4d: {  	[tilespmem:s22], [sflag:$0x1] =	stream.linear.gather [hbm4b:s16+s6], $0x280, $0x38;
	[tilespmem:$0x1E500] =	vst v63  }
0x4e: {  	s7 =	simm.s32 @!p0 $0x1B800;
	s3 =	simm.s32 @!p0 $0x0  }
0x4f: {  	[tilespmem:s7], [sflag:$0x2] =	stream.linear.gather @!p0 [hbm4b:s19+s3], $0x2800, $0x38;
	[tilespmem:$0x1E500] =	vst v63  }
0x50: {  	s28 =	simm.s32 @!p0 $0x1E280;
	p0 =	por p0, p0  }
0x51: {  	[tilespmem:s28], [sflag:$0x2] =	stream.linear.gather @!p0 [hbm4b:s18+s3], $0x280, $0x38;
	[tilespmem:$0x1E500] =	vst v63  }
0x52: {  	_ =	swait.ge [sflag:s23], $0x2800  }
0x53: {  	[sflag:s23] =	ssyncset.done $0x0  }
0x54: {  	[sflag:s23] =	ssyncadd.s32 $0xFFFFD800  }
0x55: {  	_ =	swait.ge [sflag:s23], $0x280  }
0x56: {  	[sflag:s23] =	ssyncset.done $0x0  }
0x57: {  	[sflag:s23] =	ssyncadd.s32 $0xFFFFFD80  }
0x58: {  	[spmem:s1] =	stream.indirect.scatter.add.f32 [tilespmem:s20], [sflag:$0x4], $0x10, s22, s25, $0xb8;
	[tilespmem:$0x1E500] =	vst v63  }
0x59: {  	_ =	swait.ge [sflag:s26], $0x800  }
0x5a: {  	s8 =	rddreg [dreg:$0x4];
	[sflag:s26] =	ssyncset.done $0x0  }
0x5b: {  	s6 =	rddreg [dreg:$0x5];
	[sflag:s26] =	ssyncadd.s32 $0xFFFFF800  }
0x5c: {  	[spmem:s1] =	stream.indirect.scatter.add.f32 [tilespmem:s8], [sflag:$0x4], $0x10, s6, s25, $0xb8;
	[tilespmem:$0x1E500] =	vst v63  }
0x5d: {  	_ =	swait.ge [sflag:s26], $0x800  }
0x5e: {  	s9 =	rddreg [dreg:$0x6];
	[sflag:s26] =	ssyncset.done $0x0  }
0x5f: {  	s10 =	rddreg [dreg:$0x7];
	[sflag:s26] =	ssyncadd.s32 $0xFFFFF800  }
0x60: {  	[spmem:s1] =	stream.indirect.scatter.add.f32 [tilespmem:s9], [sflag:$0x4], $0x10, s10, s25, $0xb8;
	[tilespmem:$0x1E500] =	vst v63  }
0x61: {  	_ =	swait.ge [sflag:s26], $0x800  }
0x62: {  	s6 =	rddreg [dreg:$0x8];
	[sflag:s26] =	ssyncset.done $0x0  }
0x63: {  	s8 =	rddreg [dreg:$0x9];
	[sflag:s26] =	ssyncadd.s32 $0xFFFFF800  }
0x64: {  	[spmem:s1] =	stream.indirect.scatter.add.f32 [tilespmem:s6], [sflag:$0x4], $0x10, s8, s25, $0xb8;
	[tilespmem:$0x1E500] =	vst v63  }
0x65: {  	_ =	swait.ge [sflag:s26], $0x800  }
0x66: {  	s9 =	rddreg [dreg:$0xa];
	[sflag:s26] =	ssyncset.done $0x0  }
0x67: {  	s0 =	sadd.s32 $0x40, s0;
	s10 =	rddreg [dreg:$0xb];
	[sflag:s26] =	ssyncadd.s32 $0xFFFFF800  }
0x68: {  	[spmem:s1] =	stream.indirect.scatter.add.f32 [tilespmem:s9], [sflag:$0x4], $0x10, s10, s25, $0xb8;
	[tilespmem:$0x1E500] =	vst v63  }
0x69: {  	p1 =	sgt.u32 s0, $0x3E7;
	_ =	swait.ge [sflag:s26], $0x800  }
0x6a: {  	s0 =	sadd.s32 @!p1 $0xA000, s19;
	[sflag:s26] =	ssyncset.done $0x0  }
0x6b: {  	s3 =	simm.s32 @!p1 $0x0;
	s6 =	simm.s32 @!p1 $0x19000;
	[sflag:s26] =	ssyncadd.s32 $0xFFFFF800  }
0x6c: {  	[tilespmem:s6], [sflag:$0x1] =	stream.linear.gather @!p1 [hbm4b:s0+s3], $0x2800, $0x38;
	[tilespmem:$0x1E500] =	vst v63  }
0x6d: {  	s29 =	simm.s32 @!p0 $0x2;
	s0 =	sadd.s32 @!p1 $0xA00, s18;
	s6 =	simm.s32 @!p1 $0x1E000  }
0x6e: {  	[tilespmem:s6], [sflag:$0x1] =	stream.linear.gather @!p1 [hbm4b:s0+s3], $0x280, $0x38;
	[tilespmem:$0x1E500] =	vst v63  }
0x6f: {  	_ =	swait.ge @!p0 [sflag:s29], $0x2800  }
0x70: {  	[sflag:s29] =	ssyncset.done @!p0 $0x0  }
0x71: {  	[sflag:s29] =	ssyncadd.s32 @!p0 $0xFFFFD800  }
0x72: {  	_ =	swait.ge @!p0 [sflag:s29], $0x280  }
0x73: {  	[sflag:s29] =	ssyncset.done @!p0 $0x0  }
0x74: {  	s3 =	simm.s32 @!p0 $0x80;
	s6 =	simm.s32 @!p0 $0x4;
	[sflag:s29] =	ssyncadd.s32 @!p0 $0xFFFFFD80  }
0x75: {  	[spmem:s1] =	stream.indirect.scatter.add.f32 @!p0 [tilespmem:s7], [sflag:$0x4], $0x10, s28, s3, $0xb8;
	[tilespmem:$0x1E500] =	vst v63  }
0x76: {  	_ =	swait.ge @!p0 [sflag:s6], $0x800  }
0x77: {  	[sflag:s6] =	ssyncset.done @!p0 $0x0  }
0x78: {  	s0 =	simm.s32 @!p0 $0x1E300;
	s7 =	simm.s32 @!p0 $0x1C000;
	[sflag:s6] =	ssyncadd.s32 @!p0 $0xFFFFF800  }
0x79: {  	[spmem:s1] =	stream.indirect.scatter.add.f32 @!p0 [tilespmem:s7], [sflag:$0x4], $0x10, s0, s3, $0xb8;
	[tilespmem:$0x1E500] =	vst v63  }
0x7a: {  	_ =	swait.ge @!p0 [sflag:s6], $0x800  }
0x7b: {  	[sflag:s6] =	ssyncset.done @!p0 $0x0  }
0x7c: {  	s0 =	simm.s32 @!p0 $0x1E380;
	s7 =	simm.s32 @!p0 $0x1C800;
	[sflag:s6] =	ssyncadd.s32 @!p0 $0xFFFFF800  }
0x7d: {  	[spmem:s1] =	stream.indirect.scatter.add.f32 @!p0 [tilespmem:s7], [sflag:$0x4], $0x10, s0, s3, $0xb8;
	[tilespmem:$0x1E500] =	vst v63  }
0x7e: {  	_ =	swait.ge @!p0 [sflag:s6], $0x800  }
0x7f: {  	s30 =	sadd.s32 $0x14000, s19;
	s31 =	simm.s32 @!p0 $0x1E480;
	[sflag:s6] =	ssyncset.done @!p0 $0x0  }
0x80: {  	s29 =	simm.s32 @!p0 $0x1D000;
	s7 =	simm.s32 @!p0 $0x1E400;
	[sflag:s6] =	ssyncadd.s32 @!p0 $0xFFFFF800  }
0x81: {  	[spmem:s1] =	stream.indirect.scatter.add.f32 @!p0 [tilespmem:s29], [sflag:$0x4], $0x10, s7, s3, $0xb8;
	[tilespmem:$0x1E500] =	vst v63  }
0x82: {  	s28 =	simm.s32 $0x40;
	s0 =	simm.s32 @!p0 $0x3;
	_ =	swait.ge @!p0 [sflag:s6], $0x800  }
0x83: {  	s7 =	simm.s32 @!p0 $0x1D800;
	s29 =	sadd.s32 $0x1400, s18;
	[sflag:s6] =	ssyncset.done @!p0 $0x0  }
.LBB2_4:
0x84: {  	s8 =	sadd.s32 s28, s4;
	[sflag:s6] =	ssyncadd.s32 @!p0 $0xFFFFF800  }
0x85: {  	[spmem:s1] =	stream.indirect.scatter.add.f32 @!p0 [tilespmem:s7], [sflag:$0x3], $0x10, s31, s3, $0xb8;
	[tilespmem:$0x1E500] =	vst v63  }
0x86: {  	s7 =	sadd.s32 $0x20, s8;
	_ =	swait.ge @!p0 [sflag:s0], $0x800  }
0x87: {  	p2 =	sgt.u32 s7, $0x3E7;
	[sflag:s0] =	ssyncset.done @!p0 $0x0  }
0x88: {  	s6 =	simm.s32 @!p2 $0x0;
	s31 =	simm.s32 @!p2 $0x1B800;
	[sflag:s0] =	ssyncadd.s32 @!p0 $0xFFFFF800  }
0x89: {  	[tilespmem:s31], [sflag:$0x2] =	stream.linear.gather @!p2 [hbm4b:s30+s6], $0x2800, $0x38;
	[tilespmem:$0x1E500] =	vst v63  }
0x8a: {  	s0 =	simm.s32 @!p2 $0x1E280;
	p0 =	por p2, p2  }
0x8b: {  	[tilespmem:s0], [sflag:$0x2] =	stream.linear.gather @!p0 [hbm4b:s29+s6], $0x280, $0x38;
	[tilespmem:$0x1E500] =	vst v63  }
0x8c: {  	_ =	swait.ge [sflag:s23], $0x2800  }
0x8d: {  	[sflag:s23] =	ssyncset.done $0x0  }
0x8e: {  	[sflag:s23] =	ssyncadd.s32 $0xFFFFD800  }
0x8f: {  	_ =	swait.ge [sflag:s23], $0x280  }
0x90: {  	[sflag:s23] =	ssyncset.done $0x0  }
0x91: {  	[sflag:s23] =	ssyncadd.s32 $0xFFFFFD80  }
0x92: {  	[spmem:s1] =	stream.indirect.scatter.add.f32 [tilespmem:s20], [sflag:$0x4], $0x10, s22, s25, $0xb8;
	[tilespmem:$0x1E500] =	vst v63  }
0x93: {  	_ =	swait.ge [sflag:s26], $0x800  }
0x94: {  	s9 =	rddreg [dreg:$0x4];
	[sflag:s26] =	ssyncset.done $0x0  }
0x95: {  	s10 =	rddreg [dreg:$0x5];
	[sflag:s26] =	ssyncadd.s32 $0xFFFFF800  }
0x96: {  	[spmem:s1] =	stream.indirect.scatter.add.f32 [tilespmem:s9], [sflag:$0x4], $0x10, s10, s25, $0xb8;
	[tilespmem:$0x1E500] =	vst v63  }
0x97: {  	_ =	swait.ge [sflag:s26], $0x800  }
0x98: {  	[sflag:s26] =	ssyncset.done $0x0;
	s7 =	rddreg [dreg:$0x6]  }
0x99: {  	s3 =	sadd.s32 $0x40, s8;
	s8 =	rddreg [dreg:$0x7];
	[sflag:s26] =	ssyncadd.s32 $0xFFFFF800  }
0x9a: {  	[spmem:s1] =	stream.indirect.scatter.add.f32 [tilespmem:s7], [sflag:$0x4], $0x10, s8, s25, $0xb8;
	[tilespmem:$0x1E500] =	vst v63  }
0x9b: {  	_ =	swait.ge [sflag:s26], $0x800  }
0x9c: {  	[sflag:s26] =	ssyncset.done $0x0;
	s9 =	rddreg [dreg:$0x8]  }
0x9d: {  	s10 =	rddreg [dreg:$0x9];
	[sflag:s26] =	ssyncadd.s32 $0xFFFFF800  }
0x9e: {  	[spmem:s1] =	stream.indirect.scatter.add.f32 [tilespmem:s9], [sflag:$0x4], $0x10, s10, s25, $0xb8;
	[tilespmem:$0x1E500] =	vst v63  }
0x9f: {  	_ =	swait.ge [sflag:s26], $0x800  }
0xa0: {  	[sflag:s26] =	ssyncset.done $0x0;
	s7 =	rddreg [dreg:$0xa]  }
0xa1: {  	s10 =	rddreg [dreg:$0xb];
	[sflag:s26] =	ssyncadd.s32 $0xFFFFF800  }
0xa2: {  	[spmem:s1] =	stream.indirect.scatter.add.f32 [tilespmem:s7], [sflag:$0x4], $0x10, s10, s25, $0xb8;
	[tilespmem:$0x1E500] =	vst v63  }
0xa3: {  	p2 =	sgt.u32 s3, $0x3E7;
	_ =	swait.ge [sflag:s26], $0x800  }
0xa4: {  	s3 =	sadd.s32 @!p2 $0xA000, s30;
	[sflag:s26] =	ssyncset.done $0x0  }
0xa5: {  	s8 =	simm.s32 @!p2 $0x0;
	s9 =	simm.s32 @!p2 $0x19000;
	[sflag:s26] =	ssyncadd.s32 $0xFFFFF800  }
0xa6: {  	[tilespmem:s9], [sflag:$0x1] =	stream.linear.gather @!p2 [hbm4b:s3+s8], $0x2800, $0x38;
	[tilespmem:$0x1E500] =	vst v63  }
0xa7: {  	s6 =	sadd.s32 @!p2 $0xA00, s29;
	s7 =	simm.s32 @!p2 $0x1E000;
	s10 =	simm.s32 @!p0 $0x2  }
0xa8: {  	[tilespmem:s7], [sflag:$0x1] =	stream.linear.gather @!p2 [hbm4b:s6+s8], $0x280, $0x38;
	[tilespmem:$0x1E500] =	vst v63  }
0xa9: {  	_ =	swait.ge @!p0 [sflag:s10], $0x2800  }
0xaa: {  	[sflag:s10] =	ssyncset.done @!p0 $0x0  }
0xab: {  	[sflag:s10] =	ssyncadd.s32 @!p0 $0xFFFFD800  }
0xac: {  	_ =	swait.ge @!p0 [sflag:s10], $0x280  }
0xad: {  	[sflag:s10] =	ssyncset.done @!p0 $0x0  }
0xae: {  	s3 =	simm.s32 @!p0 $0x80;
	s6 =	simm.s32 @!p0 $0x4;
	[sflag:s10] =	ssyncadd.s32 @!p0 $0xFFFFFD80  }
0xaf: {  	[spmem:s1] =	stream.indirect.scatter.add.f32 @!p0 [tilespmem:s31], [sflag:$0x4], $0x10, s0, s3, $0xb8;
	[tilespmem:$0x1E500] =	vst v63  }
0xb0: {  	_ =	swait.ge @!p0 [sflag:s6], $0x800  }
0xb1: {  	[sflag:s6] =	ssyncset.done @!p0 $0x0  }
0xb2: {  	s7 =	simm.s32 @!p0 $0x1E300;
	s8 =	simm.s32 @!p0 $0x1C000;
	[sflag:s6] =	ssyncadd.s32 @!p0 $0xFFFFF800  }
0xb3: {  	[spmem:s1] =	stream.indirect.scatter.add.f32 @!p0 [tilespmem:s8], [sflag:$0x4], $0x10, s7, s3, $0xb8;
	[tilespmem:$0x1E500] =	vst v63  }
0xb4: {  	_ =	swait.ge @!p0 [sflag:s6], $0x800  }
0xb5: {  	s28 =	sadd.s32 $0x40, s28;
	[sflag:s6] =	ssyncset.done @!p0 $0x0  }
0xb6: {  	s9 =	simm.s32 @!p0 $0x1C800;
	s0 =	simm.s32 @!p0 $0x1E380;
	[sflag:s6] =	ssyncadd.s32 @!p0 $0xFFFFF800  }
0xb7: {  	[spmem:s1] =	stream.indirect.scatter.add.f32 @!p0 [tilespmem:s9], [sflag:$0x4], $0x10, s0, s3, $0xb8;
	[tilespmem:$0x1E500] =	vst v63  }
0xb8: {  	p1 =	sne.s32 s28, $0x400;
	_ =	swait.ge @!p0 [sflag:s6], $0x800  }
.Ltmp1:
0xb9: {  	s30 =	sadd.s32 $0x14000, s30;
	[sflag:s6] =	ssyncset.done @!p0 $0x0;
	(pc) =	sbr.rel @p1 .LBB2_4-.Ltmp1, $4  }
0xba: {  	s10 =	simm.s32 @!p0 $0x1D000;
	s8 =	simm.s32 @!p0 $0x1E400;
	[sflag:s6] =	ssyncadd.s32 @!p0 $0xFFFFF800  }
0xbb: {  	[spmem:s1] =	stream.indirect.scatter.add.f32 @!p0 [tilespmem:s10], [sflag:$0x4], $0x10, s8, s3, $0xb8;
	[tilespmem:$0x1E500] =	vst v63  }
0xbc: {  	s29 =	sadd.s32 $0x1400, s29;
	s31 =	simm.s32 @!p0 $0x1E480;
	_ =	swait.ge @!p0 [sflag:s6], $0x800  }
0xbd: {  	s7 =	simm.s32 @!p0 $0x1D800;
	s0 =	simm.s32 @!p0 $0x3;
	[sflag:s6] =	ssyncset.done @!p0 $0x0  }
0xbe: {  	[sflag:s6] =	ssyncadd.s32 @!p0 $0xFFFFF800  }
0xbf: {  	[spmem:s1] =	stream.indirect.scatter.add.f32 @!p0 [tilespmem:s7], [sflag:$0x3], $0x10, s31, s3, $0xb8;
	[tilespmem:$0x1E500] =	vst v63  }
0xc0: {  	s30 =	stileid.u32;
	_ =	swait.ge @!p0 [sflag:s0], $0x800  }
0xc1: {  	s2 =	sadd.s32 $0x1, s2;
	s31 =	sshrl.u32 s5, $0x3;
	[sflag:s0] =	ssyncset.done @!p0 $0x0  }
0xc2: {  	[sflag:s0] =	ssyncadd.s32 @!p0 $0xFFFFF800;
	s0 =	sshll.u32 s30, $0x6;
	p0 =	sne.s32 s2, s17  }
.Ltmp2:
0xc3: {  	[bflag:$0x0] =	sbarrier.arrive $0xFFFF;
	s0 =	sor.u32 $0x1C03, s0;
	(pc) =	sbr.rel @p0 .LBB2_1-.Ltmp2, $4  }
0xc4: {  	[hbm:s24], [sflag:s0] =	dma.local [spmem:s31], $0x3200  }
0xc5: {  	_ =	swait.ge [sflag:s21], $0x3200  }
0xc6: {  	[sflag:s21] =	ssyncset.done $0x0  }
0xc7: {  	[sflag:s21] =	ssyncadd.s32 $0xFFFFCE00  }
0xc8: {  	_ =	sfence.sel $0x180000  }
0xc9: {  	[bflag:$0x0] =	sbarrier.arrive $0xFFFF  }
0xca: {  	_ =	strace $0x90000053  }
0xcb: {  	s0 =	stileid.u32;
	[bflag:$0x2] =	sbarrier.arrive $0xFFFF  }
0xcc: {  	p0 =	sne.s32 s0, $0x0;
	s0 =	rddreg [dreg:$0x3]  }
0xcd: {  	s0 =	sadd.s32 @!p0 $0x100000, s0  }
0xce: {  	[sflag:s0] =	ssyncadd.tile.s32 @!p0 $0x1;
	_ =	shalt  }
.Lfunc_end2:
_tile_overlayer_lowered:
.L_overlay_start_2:
0xcf: {  	(tag) =	ssettag $0x2  }
0xd0: {  	s0 =	rddreg [dreg:$0x0];
	s2 =	stileid.u32  }
0xd1: {  	s1 =	rddreg [dreg:$0x1];
	p0 =	sne.s32 s2, $0x0  }
0xd2: {  	s3 =	rddreg [dreg:$0x2];
	[bflag:$0x3] =	sbarrier.arrive $0xFFFF;
	s2 =	simm.s32 @!p0 $0x1C03  }
0xd3: {  	[timem:s3], [sflag:s2] =	dma.local @!p0 [hbm:s0], s1  }
0xd4: {  	s0 =	simm.s32 @!p0 $0x3  }
0xd5: {  	_ =	swait.ge @!p0 [sflag:s0], s1  }
0xd6: {  	s1 =	ssub.s32 @!p0 $0x0, s1;
	[sflag:s0] =	ssyncset.done @!p0 $0x0  }
0xd7: {  	[sflag:s0] =	ssyncadd.s32 @!p0 s1  }
0xd8: {  	[bflag:$0x3] =	sbarrier.arrive $0xFFFF  }
0xd9: {  	_ =	shalt  }

// kernel: kernel.17.cloned.1.call-start
scs
__scs_entry_jumppad:
0x0: {  	(pc) =	sbr.rel $0x88, $3  }
0x1: {  	(tag) =	ssettag $0x0;
	lr =	simm.s32 $0x1  }
0x2: {  	[smem:$0x3F97] =	sst lr;
	_ =	strace $0xD0000000  }
0x3: {  	_ = 	snop  }
0x4: {  	_ = 	snop  }
0x5: {  	_ = 	snop  }
0x6: {  	_ = 	snop  }
0x7: {  	_ = 	snop  }
__scs_overlays_trampoline_lowered:
0x8: {  	[smem:$0x3FA6] =	sst s0  }
0x9: {  	[smem:$0x3FA7] =	sst s1  }
0xa: {  	[smem:$0x3FA8] =	sst s2  }
0xb: {  	[smem:$0x3FA9] =	sst s3  }
0xc: {  	[smem:$0x3FAA] =	sst s4  }
0xd: {  	[smem:$0x3FAB] =	sst s5  }
0xe: {  	[smem:$0x3FAC] =	sst s6  }
0xf: {  	[smem:$0x3FAD] =	sst s7  }
0x10: {  	[smem:$0x3FAE] =	sst s8  }
0x11: {  	[smem:$0x3FAF] =	sst s9;
	s0 =	simm.s32 @!p0 $0x0  }
0x12: {  	s1 =	sld [smem:$0x3F95];
	s0 =	simm.s32 @p0 $0x1  }
0x13: {  	[smem:$0x3FB0] =	sst s0;
	s0 =	simm.s32 @!p1 $0x0  }
0x14: {  	s2 =	sld [smem:$0x3F94];
	s0 =	simm.s32 @p1 $0x1  }
0x15: {  	[smem:$0x3FB1] =	sst s0;
	s0 =	simm.s32 @!p2 $0x0  }
0x16: {  	s3 =	sld [smem:$0x3FDB];
	s0 =	simm.s32 @p2 $0x1  }
0x17: {  	s4 =	simm.s32 $0x1BF5;
	[smem:$0x3FB3] =	sst s0  }
0x18: {  	s0 =	sld [smem:$0x3F96];
	_ =	swait.ge [sflag:s4], $0x0  }
0x19: {  	s7 =	sld [smem:$0x3F97]  }
0x1a: {  	s8 =	sadd.s32 $0xFFFFE003, lr  }
0x1b: {  	s9 =	sadd.s32 $0xFFFFFEF7, lr;
	s5 =	simm.s32 $0xFFFFFFFF;
	p2 =	slt.u32 s8, $0xFFFFF086  }
0x1c: {  	p1 =	slt.u32 s9, $0xF7A;
	s5 =	simm.s32 @!p2 $0x0  }
0x1d: {  	s5 =	simm.s32 @p1 $0x1;
	p0 =	seq.s32 s7, s2  }
0x1e: {  	s7 =	smul.u32 @!p0 $0xF7A, s2;
	p2 =	seq.s32 @!p0 s5, $0x0  }
0x1f: {  	s9 =	smul.u32 $0xF7A, s1;
	s8 =	simm.s32 @!p0 $0x1BF5;
	p2 =	por !p2, p0  }
0x20: {  	[sflag:s8] =	ssyncset.s32 @!p0 $0xFFFFF086;
	s6 =	sadd.s32 @!p0 s3, s7;
	s7 =	simm.s32 @!p0 $0x108  }
0x21: {  	s3 =	sadd.s32 s3, s9;
	s6 =	sadd.s32 @!p0 $0x88, s6;
	s7 =	simm.s32 @p2 $0x1082  }
0x22: {  	[simem:s7], [sflag:s8] =	dma.local @!p0 [hbm:s6], $0xF7A  }
0x23: {  	s9 =	sor.u32 $0xD0000000, s2;
	s6 =	simm.s32 $0x108;
	_ =	swait.ge @!p0 [sflag:s8], $0x0  }
0x24: {  	s3 =	sadd.s32 $0x88, s3;
	s6 =	simm.s32 @!p1 $0x1082;
	[sflag:s4] =	ssyncset.s32 $0xFFFFF086  }
0x25: {  	[simem:s6], [sflag:s4] =	dma.local [hbm:s3], $0xF7A  }
0x26: {  	[smem:$0x3F97] =	sst s1;
	(tag) =	ssettag s2;
	_ =	strace s9  }
0x27: {  	s1 =	sld [smem:$0x3FA7]  }
0x28: {  	s2 =	sld [smem:$0x3FA8]  }
0x29: {  	s4 =	sld [smem:$0x3FAA]  }
0x2a: {  	p0 =	seq.s32 s5, $0x0;
	s5 =	sld [smem:$0x3FAB]  }
0x2b: {  	s6 =	sld [smem:$0x3FAC]  }
0x2c: {  	s7 =	sld [smem:$0x3FAD]  }
0x2d: {  	s3 =	simm.s32 $0x108;
	s8 =	sld [smem:$0x3FAE]  }
0x2e: {  	s3 =	simm.s32 @!p0 $0x1082;
	s9 =	sld [smem:$0x3FAF]  }
0x2f: {  	lr =	sadd.s32 s0, s3;
	s0 =	sld [smem:$0x3FA6]  }
0x30: {  	s3 =	sld [smem:$0x3FA9]  }
0x31: {  	[smem:$0x3FB2] =	sst s10  }
0x32: {  	s10 =	sld [smem:$0x3FB0];
	_ =	sdelay $0x3  }
0x33: {  	p0 =	seq.s32 s10, $0x1;
	s10 =	sld [smem:$0x3FB2];
	_ =	sdelay $0x3  }
0x34: {  	[smem:$0x3FB2] =	sst s10  }
0x35: {  	s10 =	sld [smem:$0x3FB1];
	_ =	sdelay $0x3  }
0x36: {  	p1 =	seq.s32 s10, $0x1;
	s10 =	sld [smem:$0x3FB2];
	_ =	sdelay $0x3  }
0x37: {  	[smem:$0x3FB2] =	sst s10  }
0x38: {  	s10 =	sld [smem:$0x3FB3]  }
0x39: {  	_ = 	snop;
	(pc) =	sbr.ind lr, $3  }
0x3a: {  	_ = 	snop  }
0x3b: {  	_ = 	snop  }
0x3c: {  	p2 =	seq.s32 s10, $0x1;
	s10 =	sld [smem:$0x3FB2]  }
0x3d: {  	_ =	shalt  }
0x3e: {  	_ =	shalt  }
0x3f: {  	_ =	shalt  }
0x40: {  	_ =	shalt  }
0x41: {  	_ =	shalt  }
0x42: {  	_ =	shalt  }
0x43: {  	_ =	shalt  }
0x44: {  	_ =	shalt  }
0x45: {  	_ =	shalt  }
0x46: {  	_ =	shalt  }
0x47: {  	_ =	shalt  }
0x48: {  	_ =	shalt  }
0x49: {  	_ =	shalt  }
0x4a: {  	_ =	shalt  }
0x4b: {  	_ =	shalt  }
0x4c: {  	_ =	shalt  }
0x4d: {  	_ =	shalt  }
0x4e: {  	_ =	shalt  }
0x4f: {  	_ =	shalt  }
0x50: {  	_ =	shalt  }
0x51: {  	_ =	shalt  }
0x52: {  	_ =	shalt  }
0x53: {  	_ =	shalt  }
0x54: {  	_ =	shalt  }
0x55: {  	_ =	shalt  }
0x56: {  	_ =	shalt  }
0x57: {  	_ =	shalt  }
0x58: {  	_ =	shalt  }
0x59: {  	_ =	shalt  }
0x5a: {  	_ =	shalt  }
0x5b: {  	_ =	shalt  }
0x5c: {  	_ =	shalt  }
0x5d: {  	_ =	shalt  }
0x5e: {  	_ =	shalt  }
0x5f: {  	_ =	shalt  }
0x60: {  	_ =	shalt  }
0x61: {  	_ =	shalt  }
0x62: {  	_ =	shalt  }
0x63: {  	_ =	shalt  }
0x64: {  	_ =	shalt  }
0x65: {  	_ =	shalt  }
0x66: {  	_ =	shalt  }
0x67: {  	_ =	shalt  }
0x68: {  	_ =	shalt  }
0x69: {  	_ =	shalt  }
0x6a: {  	_ =	shalt  }
0x6b: {  	_ =	shalt  }
0x6c: {  	_ =	shalt  }
0x6d: {  	_ =	shalt  }
0x6e: {  	_ =	shalt  }
0x6f: {  	_ =	shalt  }
0x70: {  	_ =	shalt  }
0x71: {  	_ =	shalt  }
0x72: {  	_ =	shalt  }
0x73: {  	_ =	shalt  }
0x74: {  	_ =	shalt  }
0x75: {  	_ =	shalt  }
0x76: {  	_ =	shalt  }
0x77: {  	_ =	shalt  }
0x78: {  	_ =	shalt  }
0x79: {  	_ =	shalt  }
0x7a: {  	_ =	shalt  }
0x7b: {  	_ =	shalt  }
0x7c: {  	_ =	shalt  }
0x7d: {  	_ =	shalt  }
0x7e: {  	_ =	shalt  }
0x7f: {  	_ =	shalt  }
0x80: {  	_ =	shalt  }
0x81: {  	_ =	shalt  }
0x82: {  	_ =	shalt  }
0x83: {  	_ =	shalt  }
0x84: {  	_ =	shalt  }
0x85: {  	_ =	shalt  }
0x86: {  	_ =	shalt  }
0x87: {  	_ =	shalt  }
.Lfunc_end0:
.L_simem_size_0:
called_computation.1_lowered:
.L_overlay_start_0:
0x88: {  	s2 =	sld [smem:$0x3FD9]  }
0x89: {  	s3 =	sld [smem:$0x3FFE];
	_ =	sdelay $0x1  }
0x8a: {  	s1 =	srdreg.scid  }
0x8b: {  	s0 =	sand.u32 $0x1, s1  }
0x8c: {  	s16 =	sshll.u32 s0, $0xA;
	s2 =	sadd.s32 s3, s2  }
0x8d: {  	s2 =	sadd.s32 s2, s16  }
0x8e: {  	[smem:$0x3FBE] =	sst s2  }
0x8f: {  	_ = 	snop  }
0x90: {  	(tm) =	ssettm $0x1  }
0x91: {  	s17 =	sld [smem:$0x3FFB];
	_ =	sdelay $0x3  }
0x92: {  	_ =	strace s17  }
0x93: {  	s2 =	sld [smem:$0x3FFC];
	_ =	sdelay $0x3  }
0x94: {  	_ =	strace s2  }
0x95: {  	s2 =	sld [smem:$0x3FFD];
	_ =	sdelay $0x3  }
0x96: {  	_ =	strace s2  }
0x97: {  	_ =	strace $0x8FFFFFFF  }
0x98: {  	s18 =	sld [smem:$0x3FDB];
	_ =	sdelay $0x1  }
0x99: {  	s19 =	simm.s32 $_scs_section_size  }
0x9a: {  	s4 =	simm.s32 $_size__tile_overlayer_lowered;
	s5 =	simm.s32 $_tile_overlayer_lowered  }
0x9b: {  	s22 =	simm.s32 $0x1BFF;
	s21 =	sshll.u32 s5, $0x1;
	s2 =	sadd.s32 s19, s18  }
0x9c: {  	s6 =	simm.s32 $0x0;
	s20 =	sshll.u32 s4, $0x1;
	s4 =	sadd.s32 s21, s2  }
0x9d: {  	[timem:s6], [sflag:s22] =	dma.local [hbm:s4], s20  }
0x9e: {  	_ =	swait.ge [sflag:s22], s20  }
0x9f: {  	s3 =	ssub.s32 $0x0, s20;
	[sflag:s22] =	ssyncset.done $0x0  }
0xa0: {  	[sflag:s22] =	ssyncadd.s32 s3;
	_ =	sdelay $0x1  }
0xa1: {  	s23 =	simm.s32 $0x1B8B  }
0xa2: {  	_ =	swait.ge [sflag:s23], $0x1  }
0xa3: {  	[sflag:s23] =	ssyncset.done $0x0  }
0xa4: {  	s25 =	simm.s32 $0x1B8E;
	s24 =	sld [smem:$0x3FFE];
	[sflag:s23] =	ssyncadd.s32 $0xFFFFFFFF  }
0xa5: {  	s26 =	simm.s32 $execute0_lowered;
	[smem:$0x3FD2] =	sst s25  }
0xa6: {  	s4 =	sshll.u32 s26, $0x1;
	_ =	strace $0x80000046;
	[dreg:$0x1] =	wrdreg $0xFFFFFFFF  }
0xa7: {  	s28 =	simm.s32 $_size_execute0_lowered;
	s2 =	sadd.s32 s2, s4;
	[dreg:$0x0] =	wrdreg $0x0  }
0xa8: {  	s4 =	sshll.u32 s28, $0x1;
	[dreg:$0x2] =	wrdreg s2  }
0xa9: {  	[dreg:$0x3] =	wrdreg s4  }
0xaa: {  	[dreg:$0x4] =	wrdreg $0xC0  }
0xab: {  	_ =	task [dreg:s6], $0x5FFFF  }
0xac: {  	[dreg:$0x1] =	wrdreg $0xFFFFFFFF  }
0xad: {  	[dreg:$0x0] =	wrdreg $0x60  }
0xae: {  	[dreg:$0x2] =	wrdreg s24  }
0xaf: {  	[dreg:$0x3] =	wrdreg $0x0  }
0xb0: {  	[dreg:$0x4] =	wrdreg $0xA  }
0xb1: {  	_ =	task.clear_ibuf [dreg:s6], $0x5FFFF;
	_ =	strace $0x90000046  }
0xb2: {  	s29 =	simm.s32 $0xA;
	_ =	strace $0x80000048  }
0xb3: {  	_ =	swait.ge [sflag:s29], $0x1  }
0xb4: {  	[sflag:s29] =	ssyncadd.s32 $0xFFFFFFFF  }
0xb5: {  	_ =	strace $0x90000048  }
0xb6: {  	_ =	sfence  }
0xb7: {  	s30 =	sld [smem:$0x0];
	_ =	sdelay $0x2  }
0xb8: {  	s31 =	sshll.u32 s1, $0xD;
	s1 =	sshrl.u32 s1, $0x2  }
0xb9: {  	s3 =	sand.u32 $0x4000, s31;
	s1 =	sadd.s32 s1, s30  }
0xba: {  	s0 =	sor.u32 s3, s0;
	s1 =	sshll.u32 s1, $0x11  }
0xbb: {  	s0 =	sor.u32 s1, s0  }
0xbc: {  	s0 =	sadd.s32 $0x8F2B, s0  }
0xbd: {  	[sflag:s0] =	ssyncadd.remote.s32 $0x1  }
0xbe: {  	_ =	sfence.sel $0xFFFF  }
0xbf: {  	[dreg:$0x0] =	wrdreg $0xFFFFFFFF;
	(pc) =	sbr.abs _section_cstart, $3  }
0xc0: {  	[dreg:$0x1] =	wrdreg $0xFFFFFFFF  }
0xc1: {  	_ =	task.clear_ibuf [dreg:s6], $0x2FFFF;
	_ =	strace $0x9FFFFFFF  }
0xc2: {  	(tm) =	ssettm $0x7FFFFFFF  }
0xc3: {  	_ =	shalt  }
tec
execute0_lowered:
.L_overlay_start_1:
0x0: {  	(tag) =	ssettag $0x1  }
0x1: {  	s0 =	rddreg [dreg:$0x0];
	s19 =	stileid.u32  }
0x2: {  	s1 =	rddreg [dreg:$0x1];
	s2 =	simm.s32 $0x0;
	s7 =	smul.u32 $0x64000, s19  }
0x3: {  	s3 =	srdreg.scid;
	s21 =	simm.s32 $0x1E080;
	s16 =	smul.u32 $0x19000, s19  }
0x4: {  	s23 =	simm.s32 $0x19800;
	[smem:$0x7FF] =	sst s2;
	s17 =	smul.u32 $0xA0, s19  }
0x5: {  	s3 =	sand.u32 $0x1, s3;
	s5 =	sadd.s32 $0x68400, s0;
	s22 =	smul.u32 $0xA00, s19  }
0x6: {  	s8 =	sadd.s32 $0x6800, s0;
	s9 =	sshll.u32 s19, $0x1;
	s4 =	smul.u32 $0x32000, s3  }
0x7: {  	_ =	strace $0x80000047;
	s18 =	sor.u32 s3, s9;
	s9 =	smul.u32 $0x50, s3  }
0x8: {  	s6 =	ssub.s32 $0x2, s3;
	[dreg:$0x4] =	wrdreg s21;
	s3 =	smul.u32 $0x500, s3  }
0x9: {  	[dreg:$0x3] =	wrdreg s23;
	s21 =	simm.s32 $0x3;
	s23 =	simm.s32 $0x1  }
0xa: {  	s24 =	sshrl.u32 s6, $0x1;
	s7 =	sshrl.u32 s7, $0x2;
	s14 =	smul.u32 $0x500, s18  }
0xb: {  	s15 =	smul.u32 $0x50, s18;
	s20 =	sadd.s32 s17, s8;
	s18 =	sor.u32 $0x20, s18  }
0xc: {  	s0 =	sadd.s32 s4, s0;
	s6 =	ssub.s32 s6, s24;
	s7 =	sadd.s32 s7, s1  }
0xd: {  	s4 =	sadd.s32 s16, s1;
	s24 =	sshrl.u32 s16, $0x3;
	s17 =	sadd.s32 s9, s20  }
0xe: {  	s20 =	simm.s32 $0x19000;
	s25 =	sadd.s32 $0x2800, s7;
	s26 =	sadd.s32 $0x5000, s7  }
0xf: {  	s28 =	sadd.s32 $0x7800, s7;
	s29 =	sadd.s32 $0xA000, s7;
	s30 =	sadd.s32 $0xC800, s7  }
0x10: {  	s10 =	sadd.s32 $0xF000, s7;
	s11 =	sadd.s32 $0x11800, s7;
	[dreg:$0xb] =	wrdreg s25  }
0x11: {  	s12 =	sadd.s32 $0x14000, s7;
	s13 =	sadd.s32 $0x16800, s7;
	[dreg:$0xc] =	wrdreg s26  }
0x12: {  	s14 =	sadd.s32 s5, s14;
	s31 =	sadd.s32 s8, s15;
	[dreg:$0xd] =	wrdreg s28  }
0x13: {  	s0 =	sadd.s32 $0x1A0C00, s0;
	s16 =	smax.u32 s6, $0x1;
	[dreg:$0xe] =	wrdreg s29  }
0x14: {  	s5 =	sadd.s32 s22, s5;
	[dreg:$0xf] =	wrdreg s30;
	s25 =	simm.s32 $0x1E100  }
0x15: {  	s22 =	simm.s32 $0x1E000;
	s26 =	simm.s32 $0x1A000;
	[dreg:$0x6] =	wrdreg s25  }
0x16: {  	s15 =	sadd.s32 $0x13880, s31;
	s28 =	simm.s32 $0x1E180;
	[dreg:$0x5] =	wrdreg s26  }
0x17: {  	s3 =	sadd.s32 s3, s5;
	s29 =	simm.s32 $0x1A800;
	[dreg:$0x8] =	wrdreg s28  }
0x18: {  	s30 =	simm.s32 $0x1E200;
	s31 =	simm.s32 $0x1B000;
	[dreg:$0x7] =	wrdreg s29  }
0x19: {  	s24 =	sadd.s32 s24, s0;
	s19 =	sadd.s32 $0xA000, s3;
	[dreg:$0xa] =	wrdreg s30  }
0x1a: {  	v0 =	vimm.f32 $0.0e+00;
	[dreg:$0x9] =	wrdreg s31;
	s25 =	simm.s32 $0x80;
	s26 =	simm.s32 $0x4  }
.LBB2_1:
0x1b: {  	s0 =	simm.s32 $0x40;
	s3 =	simm.s32 $0x0  }
.LBB2_2:
0x1c: {  	p0 =	sne.s32 s0, $0x9FC0;
	[tilespmem:s3+$0x19000] =	vst v0;
	s3 =	smov.u32 s0;
	s0 =	sadd.s32 $0x40, s0  }
.Ltmp0:
0x1d: {  	(pc) =	sbr.rel @p0 .LBB2_2-.Ltmp0, $2  }
0x1e: {  	_ =	sdelay $0x2  }
0x1f: {  	s3 =	sshra.s32 s3, $0x2  }
0x20: {  	[tilespmem:s3+$0x19000] =	vst v0  }
0x21: {  	[spmem:s4] =	stream.linear.scatter [tilespmem:s20], [sflag:$0x3], $0x2800, $0x38;
	[tilespmem:$0x1E500] =	vst v63  }
0x22: {  	_ =	swait.ge [sflag:s21], $0x2800  }
0x23: {  	[sflag:s21] =	ssyncset.done $0x0  }
0x24: {  	s0 =	rddreg [dreg:$0xb];
	[sflag:s21] =	ssyncadd.s32 $0xFFFFD800  }
0x25: {  	[spmem:s0] =	stream.linear.scatter [tilespmem:s20], [sflag:$0x3], $0x2800, $0x38;
	[tilespmem:$0x1E500] =	vst v63  }
0x26: {  	_ =	swait.ge [sflag:s21], $0x2800  }
0x27: {  	[sflag:s21] =	ssyncset.done $0x0  }
0x28: {  	s6 =	rddreg [dreg:$0xc];
	[sflag:s21] =	ssyncadd.s32 $0xFFFFD800  }
0x29: {  	[spmem:s6] =	stream.linear.scatter [tilespmem:s20], [sflag:$0x3], $0x2800, $0x38;
	[tilespmem:$0x1E500] =	vst v63  }
0x2a: {  	_ =	swait.ge [sflag:s21], $0x2800  }
0x2b: {  	[sflag:s21] =	ssyncset.done $0x0  }
0x2c: {  	s7 =	rddreg [dreg:$0xd];
	[sflag:s21] =	ssyncadd.s32 $0xFFFFD800  }
0x2d: {  	[spmem:s7] =	stream.linear.scatter [tilespmem:s20], [sflag:$0x3], $0x2800, $0x38;
	[tilespmem:$0x1E500] =	vst v63  }
0x2e: {  	_ =	swait.ge [sflag:s21], $0x2800  }
0x2f: {  	[sflag:s21] =	ssyncset.done $0x0  }
0x30: {  	s8 =	rddreg [dreg:$0xe];
	[sflag:s21] =	ssyncadd.s32 $0xFFFFD800  }
0x31: {  	[spmem:s8] =	stream.linear.scatter [tilespmem:s20], [sflag:$0x3], $0x2800, $0x38;
	[tilespmem:$0x1E500] =	vst v63  }
0x32: {  	_ =	swait.ge [sflag:s21], $0x2800  }
0x33: {  	[sflag:s21] =	ssyncset.done $0x0  }
0x34: {  	s9 =	rddreg [dreg:$0xf];
	[sflag:s21] =	ssyncadd.s32 $0xFFFFD800  }
0x35: {  	[spmem:s9] =	stream.linear.scatter [tilespmem:s20], [sflag:$0x3], $0x2800, $0x38;
	[tilespmem:$0x1E500] =	vst v63  }
0x36: {  	_ =	swait.ge [sflag:s21], $0x2800  }
0x37: {  	[sflag:s21] =	ssyncset.done $0x0  }
0x38: {  	[sflag:s21] =	ssyncadd.s32 $0xFFFFD800  }
0x39: {  	[spmem:s10] =	stream.linear.scatter [tilespmem:s20], [sflag:$0x3], $0x2800, $0x38;
	[tilespmem:$0x1E500] =	vst v63  }
0x3a: {  	_ =	swait.ge [sflag:s21], $0x2800  }
0x3b: {  	[sflag:s21] =	ssyncset.done $0x0  }
0x3c: {  	[sflag:s21] =	ssyncadd.s32 $0xFFFFD800  }
0x3d: {  	[spmem:s11] =	stream.linear.scatter [tilespmem:s20], [sflag:$0x3], $0x2800, $0x38;
	[tilespmem:$0x1E500] =	vst v63  }
0x3e: {  	_ =	swait.ge [sflag:s21], $0x2800  }
0x3f: {  	[sflag:s21] =	ssyncset.done $0x0  }
0x40: {  	[sflag:s21] =	ssyncadd.s32 $0xFFFFD800  }
0x41: {  	[spmem:s12] =	stream.linear.scatter [tilespmem:s20], [sflag:$0x3], $0x2800, $0x38;
	[tilespmem:$0x1E500] =	vst v63  }
0x42: {  	_ =	swait.ge [sflag:s21], $0x2800  }
0x43: {  	[sflag:s21] =	ssyncset.done $0x0  }
0x44: {  	[sflag:s21] =	ssyncadd.s32 $0xFFFFD800  }
0x45: {  	[spmem:s13] =	stream.linear.scatter [tilespmem:s20], [sflag:$0x3], $0x2800, $0x38;
	[tilespmem:$0x1E500] =	vst v63  }
0x46: {  	_ =	swait.ge [sflag:s21], $0x2800  }
0x47: {  	[sflag:s21] =	ssyncset.done $0x0  }
0x48: {  	[sflag:s21] =	ssyncadd.s32 $0xFFFFD800  }
0x49: {  	s3 =	simm.s32 $0x0;
	[bflag:$0x0] =	sbarrier.arrive $0xFFFF  }
0x4a: {  	[tilespmem:s20], [sflag:$0x1] =	stream.linear.gather [hbm4b:s14+s3], $0x2800, $0x38;
	[tilespmem:$0x1E500] =	vst v63  }
0x4b: {  	p1 =	sgt.u32 s18, $0x3E7  }
0x4c: {  	[tilespmem:s22], [sflag:$0x1] =	stream.linear.gather [hbm4b:s15+s3], $0x280, $0x38;
	[tilespmem:$0x1E500] =	vst v63  }
0x4d: {  	s5 =	sadd.s32 @!p1 $0x0, s17;
	s0 =	simm.s32 @!p1 $0x0;
	s3 =	simm.s32 @!p1 $0x1B800  }
0x4e: {  	[tilespmem:s3], [sflag:$0x2] =	stream.linear.gather @!p1 [hbm4b:s19+s0], $0x2800, $0x38;
	[tilespmem:$0x1E500] =	vst v63  }
0x4f: {  	s5 =	sadd.s32 @!p1 $0x14280, s5;
	s6 =	simm.s32 @!p1 $0x1E280  }
0x50: {  	[tilespmem:s6], [sflag:$0x2] =	stream.linear.gather @!p1 [hbm4b:s5+s0], $0x280, $0x38;
	[tilespmem:$0x1E500] =	vst v63  }
0x51: {  	_ =	swait.ge [sflag:s23], $0x2800  }
0x52: {  	[sflag:s23] =	ssyncset.done $0x0  }
0x53: {  	[sflag:s23] =	ssyncadd.s32 $0xFFFFD800  }
0x54: {  	_ =	swait.ge [sflag:s23], $0x280  }
0x55: {  	[sflag:s23] =	ssyncset.done $0x0  }
0x56: {  	[sflag:s23] =	ssyncadd.s32 $0xFFFFFD80  }
0x57: {  	[spmem:s1] =	stream.indirect.scatter.add.f32 [tilespmem:s20], [sflag:$0x4], $0x10, s22, s25, $0xb8;
	[tilespmem:$0x1E500] =	vst v63  }
0x58: {  	_ =	swait.ge [sflag:s26], $0x800  }
0x59: {  	s5 =	rddreg [dreg:$0x3];
	[sflag:s26] =	ssyncset.done $0x0  }
0x5a: {  	s7 =	rddreg [dreg:$0x4];
	[sflag:s26] =	ssyncadd.s32 $0xFFFFF800  }
0x5b: {  	[spmem:s1] =	stream.indirect.scatter.add.f32 [tilespmem:s5], [sflag:$0x4], $0x10, s7, s25, $0xb8;
	[tilespmem:$0x1E500] =	vst v63  }
0x5c: {  	_ =	swait.ge [sflag:s26], $0x800  }
0x5d: {  	s8 =	rddreg [dreg:$0x5];
	[sflag:s26] =	ssyncset.done $0x0  }
0x5e: {  	s9 =	rddreg [dreg:$0x6];
	[sflag:s26] =	ssyncadd.s32 $0xFFFFF800  }
0x5f: {  	[spmem:s1] =	stream.indirect.scatter.add.f32 [tilespmem:s8], [sflag:$0x4], $0x10, s9, s25, $0xb8;
	[tilespmem:$0x1E500] =	vst v63  }
0x60: {  	_ =	swait.ge [sflag:s26], $0x800  }
0x61: {  	s5 =	rddreg [dreg:$0x7];
	[sflag:s26] =	ssyncset.done $0x0  }
0x62: {  	s7 =	rddreg [dreg:$0x8];
	[sflag:s26] =	ssyncadd.s32 $0xFFFFF800  }
0x63: {  	[spmem:s1] =	stream.indirect.scatter.add.f32 [tilespmem:s5], [sflag:$0x4], $0x10, s7, s25, $0xb8;
	[tilespmem:$0x1E500] =	vst v63  }
0x64: {  	_ =	swait.ge [sflag:s26], $0x800  }
0x65: {  	s8 =	rddreg [dreg:$0x9];
	[sflag:s26] =	ssyncset.done $0x0  }
0x66: {  	s7 =	sadd.s32 $0x20, s18;
	s9 =	rddreg [dreg:$0xa];
	[sflag:s26] =	ssyncadd.s32 $0xFFFFF800  }
0x67: {  	[spmem:s1] =	stream.indirect.scatter.add.f32 [tilespmem:s8], [sflag:$0x4], $0x10, s9, s25, $0xb8;
	[tilespmem:$0x1E500] =	vst v63  }
0x68: {  	p0 =	sgt.u32 s7, $0x3E7;
	_ =	swait.ge [sflag:s26], $0x800  }
0x69: {  	s0 =	sadd.s32 @!p0 $0xA000, s19;
	s5 =	sadd.s32 @!p0 $0x0, s17;
	[sflag:s26] =	ssyncset.done $0x0  }
0x6a: {  	s7 =	simm.s32 @!p0 $0x0;
	s8 =	simm.s32 @!p0 $0x19000;
	[sflag:s26] =	ssyncadd.s32 $0xFFFFF800  }
0x6b: {  	[tilespmem:s8], [sflag:$0x1] =	stream.linear.gather @!p0 [hbm4b:s0+s7], $0x2800, $0x38;
	[tilespmem:$0x1E500] =	vst v63  }
0x6c: {  	s0 =	sadd.s32 @!p0 $0x14C80, s5;
	s5 =	simm.s32 @!p0 $0x1E000  }
0x6d: {  	[tilespmem:s5], [sflag:$0x1] =	stream.linear.gather @!p0 [hbm4b:s0+s7], $0x280, $0x38;
	[tilespmem:$0x1E500] =	vst v63  }
0x6e: {  	p0 =	por p1, p1  }
0x6f: {  	s0 =	simm.s32 @!p0 $0x2  }
0x70: {  	_ =	swait.ge @!p0 [sflag:s0], $0x2800  }
0x71: {  	[sflag:s0] =	ssyncset.done @!p0 $0x0  }
0x72: {  	[sflag:s0] =	ssyncadd.s32 @!p0 $0xFFFFD800  }
0x73: {  	_ =	swait.ge @!p0 [sflag:s0], $0x280  }
0x74: {  	[sflag:s0] =	ssyncset.done @!p0 $0x0  }
0x75: {  	s7 =	simm.s32 @!p0 $0x80;
	s8 =	simm.s32 @!p0 $0x4;
	[sflag:s0] =	ssyncadd.s32 @!p0 $0xFFFFFD80  }
0x76: {  	[spmem:s1] =	stream.indirect.scatter.add.f32 @!p0 [tilespmem:s3], [sflag:$0x4], $0x10, s6, s7, $0xb8;
	[tilespmem:$0x1E500] =	vst v63  }
0x77: {  	_ =	swait.ge @!p0 [sflag:s8], $0x800  }
0x78: {  	[sflag:s8] =	ssyncset.done @!p0 $0x0  }
0x79: {  	s0 =	simm.s32 @!p0 $0x1E300;
	s3 =	simm.s32 @!p0 $0x1C000;
	[sflag:s8] =	ssyncadd.s32 @!p0 $0xFFFFF800  }
0x7a: {  	[spmem:s1] =	stream.indirect.scatter.add.f32 @!p0 [tilespmem:s3], [sflag:$0x4], $0x10, s0, s7, $0xb8;
	[tilespmem:$0x1E500] =	vst v63  }
0x7b: {  	_ =	swait.ge @!p0 [sflag:s8], $0x800  }
0x7c: {  	[sflag:s8] =	ssyncset.done @!p0 $0x0  }
0x7d: {  	s0 =	simm.s32 @!p0 $0x1E380;
	s3 =	simm.s32 @!p0 $0x1C800;
	[sflag:s8] =	ssyncadd.s32 @!p0 $0xFFFFF800  }
0x7e: {  	[spmem:s1] =	stream.indirect.scatter.add.f32 @!p0 [tilespmem:s3], [sflag:$0x4], $0x10, s0, s7, $0xb8;
	[tilespmem:$0x1E500] =	vst v63  }
0x7f: {  	s28 =	simm.s32 $0x1400;
	_ =	swait.ge @!p0 [sflag:s8], $0x800  }
0x80: {  	s29 =	sadd.s32 $0x14000, s19;
	s30 =	smov.u32 s18;
	[sflag:s8] =	ssyncset.done @!p0 $0x0  }
0x81: {  	s0 =	simm.s32 @!p0 $0x1E400;
	s3 =	simm.s32 @!p0 $0x1D000;
	[sflag:s8] =	ssyncadd.s32 @!p0 $0xFFFFF800  }
0x82: {  	[spmem:s1] =	stream.indirect.scatter.add.f32 @!p0 [tilespmem:s3], [sflag:$0x4], $0x10, s0, s7, $0xb8;
	[tilespmem:$0x1E500] =	vst v63  }
0x83: {  	s31 =	simm.s32 @!p1 $0x1E480;
	s0 =	simm.s32 @!p1 $0x1D800;
	_ =	swait.ge @!p0 [sflag:s8], $0x800  }
.LBB2_4:
0x84: {  	[sflag:s8] =	ssyncset.done @!p0 $0x0  }
0x85: {  	s30 =	sadd.s32 $0x40, s30;
	s5 =	simm.s32 @!p0 $0x3;
	[sflag:s8] =	ssyncadd.s32 @!p0 $0xFFFFF800  }
0x86: {  	[spmem:s1] =	stream.indirect.scatter.add.f32 @!p0 [tilespmem:s0], [sflag:$0x3], $0x10, s31, s7, $0xb8;
	[tilespmem:$0x1E500] =	vst v63  }
0x87: {  	p2 =	sgt.u32 s30, $0x3E7;
	_ =	swait.ge @!p0 [sflag:s5], $0x800  }
0x88: {  	s6 =	smov.u32 s28;
	s7 =	simm.s32 @!p2 $0x0;
	[sflag:s5] =	ssyncset.done @!p0 $0x0  }
0x89: {  	s3 =	simm.s32 @!p2 $0x1B800;
	s0 =	sadd.s32 @!p2 s6, s17;
	[sflag:s5] =	ssyncadd.s32 @!p0 $0xFFFFF800  }
0x8a: {  	[tilespmem:s3], [sflag:$0x2] =	stream.linear.gather @!p2 [hbm4b:s29+s7], $0x2800, $0x38;
	[tilespmem:$0x1E500] =	vst v63  }
0x8b: {  	s8 =	sadd.s32 @!p2 $0x14280, s0;
	s5 =	simm.s32 @!p2 $0x1E280  }
0x8c: {  	[tilespmem:s5], [sflag:$0x2] =	stream.linear.gather @!p2 [hbm4b:s8+s7], $0x280, $0x38;
	[tilespmem:$0x1E500] =	vst v63  }
0x8d: {  	_ =	swait.ge [sflag:s23], $0x2800  }
0x8e: {  	[sflag:s23] =	ssyncset.done $0x0  }
0x8f: {  	[sflag:s23] =	ssyncadd.s32 $0xFFFFD800  }
0x90: {  	_ =	swait.ge [sflag:s23], $0x280  }
0x91: {  	[sflag:s23] =	ssyncset.done $0x0  }
0x92: {  	[sflag:s23] =	ssyncadd.s32 $0xFFFFFD80  }
0x93: {  	[spmem:s1] =	stream.indirect.scatter.add.f32 [tilespmem:s20], [sflag:$0x4], $0x10, s22, s25, $0xb8;
	[tilespmem:$0x1E500] =	vst v63  }
0x94: {  	_ =	swait.ge [sflag:s26], $0x800  }
0x95: {  	s8 =	rddreg [dreg:$0x3];
	[sflag:s26] =	ssyncset.done $0x0  }
0x96: {  	s9 =	rddreg [dreg:$0x4];
	[sflag:s26] =	ssyncadd.s32 $0xFFFFF800  }
0x97: {  	[spmem:s1] =	stream.indirect.scatter.add.f32 [tilespmem:s8], [sflag:$0x4], $0x10, s9, s25, $0xb8;
	[tilespmem:$0x1E500] =	vst v63  }
0x98: {  	_ =	swait.ge [sflag:s26], $0x800  }
0x99: {  	s8 =	rddreg [dreg:$0x5];
	[sflag:s26] =	ssyncset.done $0x0  }
0x9a: {  	s9 =	rddreg [dreg:$0x6];
	[sflag:s26] =	ssyncadd.s32 $0xFFFFF800  }
0x9b: {  	[spmem:s1] =	stream.indirect.scatter.add.f32 [tilespmem:s8], [sflag:$0x4], $0x10, s9, s25, $0xb8;
	[tilespmem:$0x1E500] =	vst v63  }
0x9c: {  	_ =	swait.ge [sflag:s26], $0x800  }
0x9d: {  	s8 =	rddreg [dreg:$0x7];
	[sflag:s26] =	ssyncset.done $0x0  }
0x9e: {  	s9 =	rddreg [dreg:$0x8];
	[sflag:s26] =	ssyncadd.s32 $0xFFFFF800  }
0x9f: {  	[spmem:s1] =	stream.indirect.scatter.add.f32 [tilespmem:s8], [sflag:$0x4], $0x10, s9, s25, $0xb8;
	[tilespmem:$0x1E500] =	vst v63  }
0xa0: {  	s31 =	simm.s32 @!p2 $0x1E480;
	_ =	swait.ge [sflag:s26], $0x800  }
0xa1: {  	s0 =	simm.s32 @!p2 $0x1D800;
	s7 =	rddreg [dreg:$0x9];
	[sflag:s26] =	ssyncset.done $0x0  }
0xa2: {  	s9 =	sadd.s32 $0x20, s30;
	s8 =	rddreg [dreg:$0xa];
	[sflag:s26] =	ssyncadd.s32 $0xFFFFF800  }
0xa3: {  	[spmem:s1] =	stream.indirect.scatter.add.f32 [tilespmem:s7], [sflag:$0x4], $0x10, s8, s25, $0xb8;
	[tilespmem:$0x1E500] =	vst v63  }
0xa4: {  	p0 =	por p2, p2;
	p2 =	sgt.u32 s9, $0x3E7;
	_ =	swait.ge [sflag:s26], $0x800  }
0xa5: {  	s6 =	sadd.s32 @!p2 s6, s17;
	s9 =	simm.s32 @!p2 $0x19000;
	[sflag:s26] =	ssyncset.done $0x0  }
0xa6: {  	s7 =	sadd.s32 @!p2 $0xA000, s29;
	s8 =	simm.s32 @!p2 $0x0;
	[sflag:s26] =	ssyncadd.s32 $0xFFFFF800  }
0xa7: {  	[tilespmem:s9], [sflag:$0x1] =	stream.linear.gather @!p2 [hbm4b:s7+s8], $0x2800, $0x38;
	[tilespmem:$0x1E500] =	vst v63  }
0xa8: {  	s6 =	sadd.s32 @!p2 $0x14C80, s6;
	s7 =	simm.s32 @!p2 $0x1E000;
	s9 =	simm.s32 @!p0 $0x2  }
0xa9: {  	[tilespmem:s7], [sflag:$0x1] =	stream.linear.gather @!p2 [hbm4b:s6+s8], $0x280, $0x38;
	[tilespmem:$0x1E500] =	vst v63  }
0xaa: {  	_ =	swait.ge @!p0 [sflag:s9], $0x2800  }
0xab: {  	[sflag:s9] =	ssyncset.done @!p0 $0x0  }
0xac: {  	[sflag:s9] =	ssyncadd.s32 @!p0 $0xFFFFD800  }
0xad: {  	_ =	swait.ge @!p0 [sflag:s9], $0x280  }
0xae: {  	[sflag:s9] =	ssyncset.done @!p0 $0x0  }
0xaf: {  	s7 =	simm.s32 @!p0 $0x80;
	s8 =	simm.s32 @!p0 $0x4;
	[sflag:s9] =	ssyncadd.s32 @!p0 $0xFFFFFD80  }
0xb0: {  	[spmem:s1] =	stream.indirect.scatter.add.f32 @!p0 [tilespmem:s3], [sflag:$0x4], $0x10, s5, s7, $0xb8;
	[tilespmem:$0x1E500] =	vst v63  }
0xb1: {  	_ =	swait.ge @!p0 [sflag:s8], $0x800  }
0xb2: {  	[sflag:s8] =	ssyncset.done @!p0 $0x0  }
0xb3: {  	s3 =	simm.s32 @!p0 $0x1E300;
	s5 =	simm.s32 @!p0 $0x1C000;
	[sflag:s8] =	ssyncadd.s32 @!p0 $0xFFFFF800  }
0xb4: {  	[spmem:s1] =	stream.indirect.scatter.add.f32 @!p0 [tilespmem:s5], [sflag:$0x4], $0x10, s3, s7, $0xb8;
	[tilespmem:$0x1E500] =	vst v63  }
0xb5: {  	s28 =	sadd.s32 $0x1400, s28;
	_ =	swait.ge @!p0 [sflag:s8], $0x800  }
0xb6: {  	p1 =	sne.s32 s28, $0x14000;
	[sflag:s8] =	ssyncset.done @!p0 $0x0  }
0xb7: {  	s3 =	simm.s32 @!p0 $0x1E380;
	s5 =	simm.s32 @!p0 $0x1C800;
	[sflag:s8] =	ssyncadd.s32 @!p0 $0xFFFFF800  }
0xb8: {  	[spmem:s1] =	stream.indirect.scatter.add.f32 @!p0 [tilespmem:s5], [sflag:$0x4], $0x10, s3, s7, $0xb8;
	[tilespmem:$0x1E500] =	vst v63  }
.Ltmp1:
0xb9: {  	_ =	swait.ge @!p0 [sflag:s8], $0x800;
	(pc) =	sbr.rel @p1 .LBB2_4-.Ltmp1, $4  }
0xba: {  	[sflag:s8] =	ssyncset.done @!p0 $0x0  }
0xbb: {  	s3 =	simm.s32 @!p0 $0x1E400;
	s5 =	simm.s32 @!p0 $0x1D000;
	[sflag:s8] =	ssyncadd.s32 @!p0 $0xFFFFF800  }
0xbc: {  	[spmem:s1] =	stream.indirect.scatter.add.f32 @!p0 [tilespmem:s5], [sflag:$0x4], $0x10, s3, s7, $0xb8;
	[tilespmem:$0x1E500] =	vst v63  }
0xbd: {  	s29 =	sadd.s32 $0x14000, s29;
	_ =	swait.ge @!p0 [sflag:s8], $0x800  }
0xbe: {  	[sflag:s8] =	ssyncset.done @!p0 $0x0  }
0xbf: {  	s3 =	simm.s32 @!p0 $0x3;
	[sflag:s8] =	ssyncadd.s32 @!p0 $0xFFFFF800  }
0xc0: {  	[spmem:s1] =	stream.indirect.scatter.add.f32 @!p0 [tilespmem:s0], [sflag:$0x3], $0x10, s31, s7, $0xb8;
	[tilespmem:$0x1E500] =	vst v63  }
0xc1: {  	s30 =	stileid.u32;
	_ =	swait.ge @!p0 [sflag:s3], $0x800  }
0xc2: {  	s2 =	sadd.s32 $0x1, s2;
	s0 =	sshll.u32 s30, $0x6;
	[sflag:s3] =	ssyncset.done @!p0 $0x0  }
0xc3: {  	s31 =	sshrl.u32 s4, $0x3;
	[sflag:s3] =	ssyncadd.s32 @!p0 $0xFFFFF800;
	p0 =	sne.s32 s2, s16  }
.Ltmp2:
0xc4: {  	s0 =	sor.u32 $0x1C03, s0;
	[bflag:$0x0] =	sbarrier.arrive $0xFFFF;
	(pc) =	sbr.rel @p0 .LBB2_1-.Ltmp2, $4  }
0xc5: {  	[hbm:s24], [sflag:s0] =	dma.local [spmem:s31], $0x3200  }
0xc6: {  	_ =	swait.ge [sflag:s21], $0x3200  }
0xc7: {  	[sflag:s21] =	ssyncset.done $0x0  }
0xc8: {  	[sflag:s21] =	ssyncadd.s32 $0xFFFFCE00  }
0xc9: {  	_ =	sfence.sel $0x180000  }
0xca: {  	[bflag:$0x0] =	sbarrier.arrive $0xFFFF  }
0xcb: {  	_ =	strace $0x90000047  }
0xcc: {  	s0 =	stileid.u32;
	[bflag:$0x2] =	sbarrier.arrive $0xFFFF  }
0xcd: {  	p0 =	sne.s32 s0, $0x0;
	s0 =	rddreg [dreg:$0x2]  }
0xce: {  	s0 =	sadd.s32 @!p0 $0x100000, s0  }
0xcf: {  	[sflag:s0] =	ssyncadd.tile.s32 @!p0 $0x1;
	_ =	shalt  }
.Lfunc_end2:
_tile_overlayer_lowered:
.L_overlay_start_2:
0xd0: {  	(tag) =	ssettag $0x2  }
0xd1: {  	s0 =	rddreg [dreg:$0x0];
	s2 =	stileid.u32  }
0xd2: {  	s1 =	rddreg [dreg:$0x1];
	p0 =	sne.s32 s2, $0x0  }
0xd3: {  	s3 =	rddreg [dreg:$0x2];
	[bflag:$0x3] =	sbarrier.arrive $0xFFFF;
	s2 =	simm.s32 @!p0 $0x1C03  }
0xd4: {  	[timem:s3], [sflag:s2] =	dma.local @!p0 [hbm:s0], s1  }
0xd5: {  	s0 =	simm.s32 @!p0 $0x3  }
0xd6: {  	_ =	swait.ge @!p0 [sflag:s0], s1  }
0xd7: {  	s1 =	ssub.s32 @!p0 $0x0, s1;
	[sflag:s0] =	ssyncset.done @!p0 $0x0  }
0xd8: {  	[sflag:s0] =	ssyncadd.s32 @!p0 s1  }
0xd9: {  	[bflag:$0x3] =	sbarrier.arrive $0xFFFF  }
0xda: {  	_ =	shalt  }

// kernel: kernel.20.cloned.1.call-start
scs
__scs_entry_jumppad:
0x0: {  	(pc) =	sbr.rel $0x88, $3  }
0x1: {  	(tag) =	ssettag $0x0;
	lr =	simm.s32 $0x1  }
0x2: {  	[smem:$0x3F97] =	sst lr;
	_ =	strace $0xD0000000  }
0x3: {  	_ = 	snop  }
0x4: {  	_ = 	snop  }
0x5: {  	_ = 	snop  }
0x6: {  	_ = 	snop  }
0x7: {  	_ = 	snop  }
__scs_overlays_trampoline_lowered:
0x8: {  	[smem:$0x3FA6] =	sst s0  }
0x9: {  	[smem:$0x3FA7] =	sst s1  }
0xa: {  	[smem:$0x3FA8] =	sst s2  }
0xb: {  	[smem:$0x3FA9] =	sst s3  }
0xc: {  	[smem:$0x3FAA] =	sst s4  }
0xd: {  	[smem:$0x3FAB] =	sst s5  }
0xe: {  	[smem:$0x3FAC] =	sst s6  }
0xf: {  	[smem:$0x3FAD] =	sst s7  }
0x10: {  	[smem:$0x3FAE] =	sst s8  }
0x11: {  	[smem:$0x3FAF] =	sst s9;
	s0 =	simm.s32 @!p0 $0x0  }
0x12: {  	s1 =	sld [smem:$0x3F95];
	s0 =	simm.s32 @p0 $0x1  }
0x13: {  	[smem:$0x3FB0] =	sst s0;
	s0 =	simm.s32 @!p1 $0x0  }
0x14: {  	s2 =	sld [smem:$0x3F94];
	s0 =	simm.s32 @p1 $0x1  }
0x15: {  	[smem:$0x3FB1] =	sst s0;
	s0 =	simm.s32 @!p2 $0x0  }
0x16: {  	s3 =	sld [smem:$0x3FDB];
	s0 =	simm.s32 @p2 $0x1  }
0x17: {  	s4 =	simm.s32 $0x1BF5;
	[smem:$0x3FB3] =	sst s0  }
0x18: {  	s0 =	sld [smem:$0x3F96];
	_ =	swait.ge [sflag:s4], $0x0  }
0x19: {  	s7 =	sld [smem:$0x3F97]  }
0x1a: {  	s8 =	sadd.s32 $0xFFFFE003, lr  }
0x1b: {  	s9 =	sadd.s32 $0xFFFFFEF7, lr;
	s5 =	simm.s32 $0xFFFFFFFF;
	p2 =	slt.u32 s8, $0xFFFFF086  }
0x1c: {  	p1 =	slt.u32 s9, $0xF7A;
	s5 =	simm.s32 @!p2 $0x0  }
0x1d: {  	s5 =	simm.s32 @p1 $0x1;
	p0 =	seq.s32 s7, s2  }
0x1e: {  	s7 =	smul.u32 @!p0 $0xF7A, s2;
	p2 =	seq.s32 @!p0 s5, $0x0  }
0x1f: {  	s9 =	smul.u32 $0xF7A, s1;
	s8 =	simm.s32 @!p0 $0x1BF5;
	p2 =	por !p2, p0  }
0x20: {  	[sflag:s8] =	ssyncset.s32 @!p0 $0xFFFFF086;
	s6 =	sadd.s32 @!p0 s3, s7;
	s7 =	simm.s32 @!p0 $0x108  }
0x21: {  	s3 =	sadd.s32 s3, s9;
	s6 =	sadd.s32 @!p0 $0x88, s6;
	s7 =	simm.s32 @p2 $0x1082  }
0x22: {  	[simem:s7], [sflag:s8] =	dma.local @!p0 [hbm:s6], $0xF7A  }
0x23: {  	s9 =	sor.u32 $0xD0000000, s2;
	s6 =	simm.s32 $0x108;
	_ =	swait.ge @!p0 [sflag:s8], $0x0  }
0x24: {  	s3 =	sadd.s32 $0x88, s3;
	s6 =	simm.s32 @!p1 $0x1082;
	[sflag:s4] =	ssyncset.s32 $0xFFFFF086  }
0x25: {  	[simem:s6], [sflag:s4] =	dma.local [hbm:s3], $0xF7A  }
0x26: {  	[smem:$0x3F97] =	sst s1;
	(tag) =	ssettag s2;
	_ =	strace s9  }
0x27: {  	s1 =	sld [smem:$0x3FA7]  }
0x28: {  	s2 =	sld [smem:$0x3FA8]  }
0x29: {  	s4 =	sld [smem:$0x3FAA]  }
0x2a: {  	p0 =	seq.s32 s5, $0x0;
	s5 =	sld [smem:$0x3FAB]  }
0x2b: {  	s6 =	sld [smem:$0x3FAC]  }
0x2c: {  	s7 =	sld [smem:$0x3FAD]  }
0x2d: {  	s3 =	simm.s32 $0x108;
	s8 =	sld [smem:$0x3FAE]  }
0x2e: {  	s3 =	simm.s32 @!p0 $0x1082;
	s9 =	sld [smem:$0x3FAF]  }
0x2f: {  	lr =	sadd.s32 s0, s3;
	s0 =	sld [smem:$0x3FA6]  }
0x30: {  	s3 =	sld [smem:$0x3FA9]  }
0x31: {  	[smem:$0x3FB2] =	sst s10  }
0x32: {  	s10 =	sld [smem:$0x3FB0];
	_ =	sdelay $0x3  }
0x33: {  	p0 =	seq.s32 s10, $0x1;
	s10 =	sld [smem:$0x3FB2];
	_ =	sdelay $0x3  }
0x34: {  	[smem:$0x3FB2] =	sst s10  }
0x35: {  	s10 =	sld [smem:$0x3FB1];
	_ =	sdelay $0x3  }
0x36: {  	p1 =	seq.s32 s10, $0x1;
	s10 =	sld [smem:$0x3FB2];
	_ =	sdelay $0x3  }
0x37: {  	[smem:$0x3FB2] =	sst s10  }
0x38: {  	s10 =	sld [smem:$0x3FB3]  }
0x39: {  	_ = 	snop;
	(pc) =	sbr.ind lr, $3  }
0x3a: {  	_ = 	snop  }
0x3b: {  	_ = 	snop  }
0x3c: {  	p2 =	seq.s32 s10, $0x1;
	s10 =	sld [smem:$0x3FB2]  }
0x3d: {  	_ =	shalt  }
0x3e: {  	_ =	shalt  }
0x3f: {  	_ =	shalt  }
0x40: {  	_ =	shalt  }
0x41: {  	_ =	shalt  }
0x42: {  	_ =	shalt  }
0x43: {  	_ =	shalt  }
0x44: {  	_ =	shalt  }
0x45: {  	_ =	shalt  }
0x46: {  	_ =	shalt  }
0x47: {  	_ =	shalt  }
0x48: {  	_ =	shalt  }
0x49: {  	_ =	shalt  }
0x4a: {  	_ =	shalt  }
0x4b: {  	_ =	shalt  }
0x4c: {  	_ =	shalt  }
0x4d: {  	_ =	shalt  }
0x4e: {  	_ =	shalt  }
0x4f: {  	_ =	shalt  }
0x50: {  	_ =	shalt  }
0x51: {  	_ =	shalt  }
0x52: {  	_ =	shalt  }
0x53: {  	_ =	shalt  }
0x54: {  	_ =	shalt  }
0x55: {  	_ =	shalt  }
0x56: {  	_ =	shalt  }
0x57: {  	_ =	shalt  }
0x58: {  	_ =	shalt  }
0x59: {  	_ =	shalt  }
0x5a: {  	_ =	shalt  }
0x5b: {  	_ =	shalt  }
0x5c: {  	_ =	shalt  }
0x5d: {  	_ =	shalt  }
0x5e: {  	_ =	shalt  }
0x5f: {  	_ =	shalt  }
0x60: {  	_ =	shalt  }
0x61: {  	_ =	shalt  }
0x62: {  	_ =	shalt  }
0x63: {  	_ =	shalt  }
0x64: {  	_ =	shalt  }
0x65: {  	_ =	shalt  }
0x66: {  	_ =	shalt  }
0x67: {  	_ =	shalt  }
0x68: {  	_ =	shalt  }
0x69: {  	_ =	shalt  }
0x6a: {  	_ =	shalt  }
0x6b: {  	_ =	shalt  }
0x6c: {  	_ =	shalt  }
0x6d: {  	_ =	shalt  }
0x6e: {  	_ =	shalt  }
0x6f: {  	_ =	shalt  }
0x70: {  	_ =	shalt  }
0x71: {  	_ =	shalt  }
0x72: {  	_ =	shalt  }
0x73: {  	_ =	shalt  }
0x74: {  	_ =	shalt  }
0x75: {  	_ =	shalt  }
0x76: {  	_ =	shalt  }
0x77: {  	_ =	shalt  }
0x78: {  	_ =	shalt  }
0x79: {  	_ =	shalt  }
0x7a: {  	_ =	shalt  }
0x7b: {  	_ =	shalt  }
0x7c: {  	_ =	shalt  }
0x7d: {  	_ =	shalt  }
0x7e: {  	_ =	shalt  }
0x7f: {  	_ =	shalt  }
0x80: {  	_ =	shalt  }
0x81: {  	_ =	shalt  }
0x82: {  	_ =	shalt  }
0x83: {  	_ =	shalt  }
0x84: {  	_ =	shalt  }
0x85: {  	_ =	shalt  }
0x86: {  	_ =	shalt  }
0x87: {  	_ =	shalt  }
.Lfunc_end0:
.L_simem_size_0:
called_computation.2_lowered:
.L_overlay_start_0:
0x88: {  	s2 =	sld [smem:$0x3FD9]  }
0x89: {  	s3 =	sld [smem:$0x3FFE];
	_ =	sdelay $0x1  }
0x8a: {  	s1 =	srdreg.scid  }
0x8b: {  	s0 =	sand.u32 $0x1, s1  }
0x8c: {  	s17 =	sshll.u32 s0, $0xA;
	s2 =	sadd.s32 s3, s2  }
0x8d: {  	s2 =	sadd.s32 s2, s17  }
0x8e: {  	[smem:$0x3FBE] =	sst s2  }
0x8f: {  	_ = 	snop  }
0x90: {  	(tm) =	ssettm $0x1  }
0x91: {  	s18 =	sld [smem:$0x3FFB];
	_ =	sdelay $0x3  }
0x92: {  	_ =	strace s18  }
0x93: {  	s2 =	sld [smem:$0x3FFC];
	_ =	sdelay $0x3  }
0x94: {  	_ =	strace s2  }
0x95: {  	s2 =	sld [smem:$0x3FFD];
	_ =	sdelay $0x3  }
0x96: {  	_ =	strace s2  }
0x97: {  	_ =	strace $0x8FFFFFFF  }
0x98: {  	s19 =	sld [smem:$0x3FDB];
	_ =	sdelay $0x1  }
0x99: {  	s20 =	simm.s32 $_scs_section_size  }
0x9a: {  	s4 =	simm.s32 $_size__tile_overlayer_lowered;
	s5 =	simm.s32 $_tile_overlayer_lowered  }
0x9b: {  	s6 =	simm.s32 $0x1BFF;
	s21 =	sshll.u32 s5, $0x1;
	s3 =	sadd.s32 s20, s19  }
0x9c: {  	s22 =	simm.s32 $0x0;
	s4 =	sshll.u32 s4, $0x1;
	s5 =	sadd.s32 s21, s3  }
0x9d: {  	[timem:s22], [sflag:s6] =	dma.local [hbm:s5], s4  }
0x9e: {  	_ =	swait.ge [sflag:s6], s4  }
0x9f: {  	s4 =	ssub.s32 $0x0, s4;
	[sflag:s6] =	ssyncset.done $0x0  }
0xa0: {  	[sflag:s6] =	ssyncadd.s32 s4;
	_ =	sdelay $0x1  }
0xa1: {  	s23 =	simm.s32 $0x1B8B  }
0xa2: {  	_ =	swait.ge [sflag:s23], $0x1  }
0xa3: {  	[sflag:s23] =	ssyncset.done $0x0  }
0xa4: {  	[sflag:s23] =	ssyncadd.s32 $0xFFFFFFFF  }
0xa5: {  	s4 =	sld [smem:$0x0]  }
0xa6: {  	s5 =	sand.u32 $0xFFFFFFFE, s1  }
0xa7: {  	p0 =	sne.s32 s1, s5  }
0xa8: {  	s5 =	sshll.u32 @p0 s5, $0xE  }
0xa9: {  	s5 =	sadd.s32 @p0 $0x11B8D, s5;
	s6 =	sshll.u32 @p0 s4, $0x11  }
0xaa: {  	s5 =	sor.u32 @p0 s6, s5  }
0xab: {  	[sflag:s5] =	ssyncadd.remote.s32 @p0 $0x1;
	_ =	sdelay $0x1  }
0xac: {  	s5 =	simm.s32 @p0 $0x1B8D  }
0xad: {  	_ =	swait.eq @p0 [sflag:s5], $0x1  }
0xae: {  	[sflag:s5] =	ssyncadd.s32 @p0 $0xFFFFFFFF  }
0xaf: {  	s6 =	sshll.u32 @!p0 s1, $0xE  }
0xb0: {  	s6 =	sor.u32 @!p0 $0x4000, s6;
	s5 =	simm.s32 @!p0 $0x1B8D  }
0xb1: {  	s4 =	sshll.u32 @!p0 s4, $0x11;
	s6 =	sadd.s32 @!p0 $0x11B8D, s6;
	_ =	swait.eq @!p0 [sflag:s5], $0x1  }
0xb2: {  	s4 =	sor.u32 @!p0 s4, s6;
	[sflag:s5] =	ssyncadd.s32 @!p0 $0xFFFFFFFF  }
0xb3: {  	s25 =	simm.s32 $0x1B8E;
	s24 =	sld [smem:$0x3FFE];
	[sflag:s4] =	ssyncadd.remote.s32 @!p0 $0x1  }
0xb4: {  	s26 =	simm.s32 $execute0_lowered;
	[smem:$0x3FD2] =	sst s25  }
0xb5: {  	s5 =	sshll.u32 s26, $0x1;
	_ =	strace $0x80000049;
	[dreg:$0x1] =	wrdreg $0xFFFFFFFF  }
0xb6: {  	s28 =	simm.s32 $_size_execute0_lowered;
	s3 =	sadd.s32 s3, s5;
	[dreg:$0x0] =	wrdreg $0x0  }
0xb7: {  	s5 =	sshll.u32 s28, $0x1;
	[dreg:$0x2] =	wrdreg s3  }
0xb8: {  	[dreg:$0x3] =	wrdreg s5  }
0xb9: {  	[dreg:$0x4] =	wrdreg $0xC0  }
0xba: {  	_ =	task [dreg:s22], $0x5FFFF  }
0xbb: {  	[dreg:$0x1] =	wrdreg $0xFFFFFFFF  }
0xbc: {  	[dreg:$0x0] =	wrdreg $0x60  }
0xbd: {  	[dreg:$0x2] =	wrdreg s24  }
0xbe: {  	[dreg:$0x3] =	wrdreg $0x0  }
0xbf: {  	[dreg:$0x4] =	wrdreg $0xB  }
0xc0: {  	_ =	task.clear_ibuf [dreg:s22], $0x5FFFF;
	_ =	strace $0x90000049  }
0xc1: {  	s29 =	simm.s32 $0xB;
	_ =	strace $0x8000004B  }
0xc2: {  	_ =	swait.ge [sflag:s29], $0x1  }
0xc3: {  	[sflag:s29] =	ssyncadd.s32 $0xFFFFFFFF  }
0xc4: {  	_ =	strace $0x9000004B  }
0xc5: {  	_ =	sfence  }
0xc6: {  	s30 =	sld [smem:$0x0];
	_ =	sdelay $0x2  }
0xc7: {  	s31 =	sshll.u32 s1, $0xD;
	s1 =	sshrl.u32 s1, $0x2  }
0xc8: {  	s4 =	sand.u32 $0x4000, s31;
	s1 =	sadd.s32 s1, s30  }
0xc9: {  	s0 =	sor.u32 s4, s0;
	s1 =	sshll.u32 s1, $0x11  }
0xca: {  	s0 =	sor.u32 s1, s0  }
0xcb: {  	s0 =	sadd.s32 $0x8F2B, s0  }
0xcc: {  	[sflag:s0] =	ssyncadd.remote.s32 $0x1  }
0xcd: {  	_ =	sfence.sel $0xFFFF  }
0xce: {  	[dreg:$0x0] =	wrdreg $0xFFFFFFFF;
	(pc) =	sbr.abs _section_cstart, $3  }
0xcf: {  	[dreg:$0x1] =	wrdreg $0xFFFFFFFF  }
0xd0: {  	_ =	task.clear_ibuf [dreg:s22], $0x2FFFF;
	_ =	strace $0x9FFFFFFF  }
0xd1: {  	(tm) =	ssettm $0x7FFFFFFF  }
tec
execute0_lowered:
.L_overlay_start_1:
0x0: {  	(tag) =	ssettag $0x1  }
0x1: {  	s0 =	rddreg [dreg:$0x0];
	s19 =	stileid.u32  }
0x2: {  	s1 =	rddreg [dreg:$0x1];
	s2 =	simm.s32 $0x0;
	s7 =	smul.u32 $0x64000, s19  }
0x3: {  	s3 =	srdreg.scid;
	s21 =	simm.s32 $0x1E080;
	s16 =	smul.u32 $0x19000, s19  }
0x4: {  	s23 =	simm.s32 $0x19800;
	[smem:$0x7FF] =	sst s2;
	s17 =	smul.u32 $0xA0, s19  }
0x5: {  	s3 =	sand.u32 $0x1, s3;
	s5 =	sadd.s32 $0x204C00, s0;
	s22 =	smul.u32 $0xA00, s19  }
0x6: {  	s8 =	sadd.s32 $0x6800, s0;
	s9 =	sshll.u32 s19, $0x1;
	s4 =	smul.u32 $0x32000, s3  }
0x7: {  	_ =	strace $0x8000004A;
	s18 =	sor.u32 s3, s9;
	s9 =	smul.u32 $0x50, s3  }
0x8: {  	s6 =	ssub.s32 $0x2, s3;
	[dreg:$0x4] =	wrdreg s21;
	s3 =	smul.u32 $0x500, s3  }
0x9: {  	[dreg:$0x3] =	wrdreg s23;
	s21 =	simm.s32 $0x3;
	s23 =	simm.s32 $0x1  }
0xa: {  	s24 =	sshrl.u32 s6, $0x1;
	s7 =	sshrl.u32 s7, $0x2;
	s14 =	smul.u32 $0x500, s18  }
0xb: {  	s15 =	smul.u32 $0x50, s18;
	s20 =	sadd.s32 s17, s8;
	s18 =	sor.u32 $0x20, s18  }
0xc: {  	s0 =	sadd.s32 s4, s0;
	s6 =	ssub.s32 s6, s24;
	s7 =	sadd.s32 s7, s1  }
0xd: {  	s4 =	sadd.s32 s16, s1;
	s24 =	sshrl.u32 s16, $0x3;
	s17 =	sadd.s32 s9, s20  }
0xe: {  	s20 =	simm.s32 $0x19000;
	s25 =	sadd.s32 $0x2800, s7;
	s26 =	sadd.s32 $0x5000, s7  }
0xf: {  	s28 =	sadd.s32 $0x7800, s7;
	s29 =	sadd.s32 $0xA000, s7;
	s30 =	sadd.s32 $0xC800, s7  }
0x10: {  	s10 =	sadd.s32 $0xF000, s7;
	s11 =	sadd.s32 $0x11800, s7;
	[dreg:$0xb] =	wrdreg s25  }
0x11: {  	s12 =	sadd.s32 $0x14000, s7;
	s13 =	sadd.s32 $0x16800, s7;
	[dreg:$0xc] =	wrdreg s26  }
0x12: {  	s14 =	sadd.s32 s5, s14;
	s31 =	sadd.s32 s8, s15;
	[dreg:$0xd] =	wrdreg s28  }
0x13: {  	s0 =	sadd.s32 $0x33D400, s0;
	s16 =	smax.u32 s6, $0x1;
	[dreg:$0xe] =	wrdreg s29  }
0x14: {  	s5 =	sadd.s32 s22, s5;
	[dreg:$0xf] =	wrdreg s30;
	s25 =	simm.s32 $0x1E100  }
0x15: {  	s22 =	simm.s32 $0x1E000;
	s26 =	simm.s32 $0x1A000;
	[dreg:$0x6] =	wrdreg s25  }
0x16: {  	s15 =	sadd.s32 $0x27100, s31;
	s28 =	simm.s32 $0x1E180;
	[dreg:$0x5] =	wrdreg s26  }
0x17: {  	s3 =	sadd.s32 s3, s5;
	s29 =	simm.s32 $0x1A800;
	[dreg:$0x8] =	wrdreg s28  }
0x18: {  	s30 =	simm.s32 $0x1E200;
	s31 =	simm.s32 $0x1B000;
	[dreg:$0x7] =	wrdreg s29  }
0x19: {  	s24 =	sadd.s32 s24, s0;
	s19 =	sadd.s32 $0xA000, s3;
	[dreg:$0xa] =	wrdreg s30  }
0x1a: {  	v0 =	vimm.f32 $0.0e+00;
	[dreg:$0x9] =	wrdreg s31;
	s25 =	simm.s32 $0x80;
	s26 =	simm.s32 $0x4  }
.LBB2_1:
0x1b: {  	s0 =	simm.s32 $0x40;
	s3 =	simm.s32 $0x0  }
.LBB2_2:
0x1c: {  	p0 =	sne.s32 s0, $0x9FC0;
	[tilespmem:s3+$0x19000] =	vst v0;
	s3 =	smov.u32 s0;
	s0 =	sadd.s32 $0x40, s0  }
.Ltmp0:
0x1d: {  	(pc) =	sbr.rel @p0 .LBB2_2-.Ltmp0, $2  }
0x1e: {  	_ =	sdelay $0x2  }
0x1f: {  	s3 =	sshra.s32 s3, $0x2  }
0x20: {  	[tilespmem:s3+$0x19000] =	vst v0  }
0x21: {  	[spmem:s4] =	stream.linear.scatter [tilespmem:s20], [sflag:$0x3], $0x2800, $0x38;
	[tilespmem:$0x1E500] =	vst v63  }
0x22: {  	_ =	swait.ge [sflag:s21], $0x2800  }
0x23: {  	[sflag:s21] =	ssyncset.done $0x0  }
0x24: {  	s0 =	rddreg [dreg:$0xb];
	[sflag:s21] =	ssyncadd.s32 $0xFFFFD800  }
0x25: {  	[spmem:s0] =	stream.linear.scatter [tilespmem:s20], [sflag:$0x3], $0x2800, $0x38;
	[tilespmem:$0x1E500] =	vst v63  }
0x26: {  	_ =	swait.ge [sflag:s21], $0x2800  }
0x27: {  	[sflag:s21] =	ssyncset.done $0x0  }
0x28: {  	s6 =	rddreg [dreg:$0xc];
	[sflag:s21] =	ssyncadd.s32 $0xFFFFD800  }
0x29: {  	[spmem:s6] =	stream.linear.scatter [tilespmem:s20], [sflag:$0x3], $0x2800, $0x38;
	[tilespmem:$0x1E500] =	vst v63  }
0x2a: {  	_ =	swait.ge [sflag:s21], $0x2800  }
0x2b: {  	[sflag:s21] =	ssyncset.done $0x0  }
0x2c: {  	s7 =	rddreg [dreg:$0xd];
	[sflag:s21] =	ssyncadd.s32 $0xFFFFD800  }
0x2d: {  	[spmem:s7] =	stream.linear.scatter [tilespmem:s20], [sflag:$0x3], $0x2800, $0x38;
	[tilespmem:$0x1E500] =	vst v63  }
0x2e: {  	_ =	swait.ge [sflag:s21], $0x2800  }
0x2f: {  	[sflag:s21] =	ssyncset.done $0x0  }
0x30: {  	s8 =	rddreg [dreg:$0xe];
	[sflag:s21] =	ssyncadd.s32 $0xFFFFD800  }
0x31: {  	[spmem:s8] =	stream.linear.scatter [tilespmem:s20], [sflag:$0x3], $0x2800, $0x38;
	[tilespmem:$0x1E500] =	vst v63  }
0x32: {  	_ =	swait.ge [sflag:s21], $0x2800  }
0x33: {  	[sflag:s21] =	ssyncset.done $0x0  }
0x34: {  	s9 =	rddreg [dreg:$0xf];
	[sflag:s21] =	ssyncadd.s32 $0xFFFFD800  }
0x35: {  	[spmem:s9] =	stream.linear.scatter [tilespmem:s20], [sflag:$0x3], $0x2800, $0x38;
	[tilespmem:$0x1E500] =	vst v63  }
0x36: {  	_ =	swait.ge [sflag:s21], $0x2800  }
0x37: {  	[sflag:s21] =	ssyncset.done $0x0  }
0x38: {  	[sflag:s21] =	ssyncadd.s32 $0xFFFFD800  }
0x39: {  	[spmem:s10] =	stream.linear.scatter [tilespmem:s20], [sflag:$0x3], $0x2800, $0x38;
	[tilespmem:$0x1E500] =	vst v63  }
0x3a: {  	_ =	swait.ge [sflag:s21], $0x2800  }
0x3b: {  	[sflag:s21] =	ssyncset.done $0x0  }
0x3c: {  	[sflag:s21] =	ssyncadd.s32 $0xFFFFD800  }
0x3d: {  	[spmem:s11] =	stream.linear.scatter [tilespmem:s20], [sflag:$0x3], $0x2800, $0x38;
	[tilespmem:$0x1E500] =	vst v63  }
0x3e: {  	_ =	swait.ge [sflag:s21], $0x2800  }
0x3f: {  	[sflag:s21] =	ssyncset.done $0x0  }
0x40: {  	[sflag:s21] =	ssyncadd.s32 $0xFFFFD800  }
0x41: {  	[spmem:s12] =	stream.linear.scatter [tilespmem:s20], [sflag:$0x3], $0x2800, $0x38;
	[tilespmem:$0x1E500] =	vst v63  }
0x42: {  	_ =	swait.ge [sflag:s21], $0x2800  }
0x43: {  	[sflag:s21] =	ssyncset.done $0x0  }
0x44: {  	[sflag:s21] =	ssyncadd.s32 $0xFFFFD800  }
0x45: {  	[spmem:s13] =	stream.linear.scatter [tilespmem:s20], [sflag:$0x3], $0x2800, $0x38;
	[tilespmem:$0x1E500] =	vst v63  }
0x46: {  	_ =	swait.ge [sflag:s21], $0x2800  }
0x47: {  	[sflag:s21] =	ssyncset.done $0x0  }
0x48: {  	[sflag:s21] =	ssyncadd.s32 $0xFFFFD800  }
0x49: {  	s3 =	simm.s32 $0x0;
	[bflag:$0x0] =	sbarrier.arrive $0xFFFF  }
0x4a: {  	[tilespmem:s20], [sflag:$0x1] =	stream.linear.gather [hbm4b:s14+s3], $0x2800, $0x38;
	[tilespmem:$0x1E500] =	vst v63  }
0x4b: {  	p1 =	sgt.u32 s18, $0x3E7  }
0x4c: {  	[tilespmem:s22], [sflag:$0x1] =	stream.linear.gather [hbm4b:s15+s3], $0x280, $0x38;
	[tilespmem:$0x1E500] =	vst v63  }
0x4d: {  	s5 =	sadd.s32 @!p1 $0x0, s17;
	s0 =	simm.s32 @!p1 $0x0;
	s3 =	simm.s32 @!p1 $0x1B800  }
0x4e: {  	[tilespmem:s3], [sflag:$0x2] =	stream.linear.gather @!p1 [hbm4b:s19+s0], $0x2800, $0x38;
	[tilespmem:$0x1E500] =	vst v63  }
0x4f: {  	s5 =	sadd.s32 @!p1 $0x27B00, s5;
	s6 =	simm.s32 @!p1 $0x1E280  }
0x50: {  	[tilespmem:s6], [sflag:$0x2] =	stream.linear.gather @!p1 [hbm4b:s5+s0], $0x280, $0x38;
	[tilespmem:$0x1E500] =	vst v63  }
0x51: {  	_ =	swait.ge [sflag:s23], $0x2800  }
0x52: {  	[sflag:s23] =	ssyncset.done $0x0  }
0x53: {  	[sflag:s23] =	ssyncadd.s32 $0xFFFFD800  }
0x54: {  	_ =	swait.ge [sflag:s23], $0x280  }
0x55: {  	[sflag:s23] =	ssyncset.done $0x0  }
0x56: {  	[sflag:s23] =	ssyncadd.s32 $0xFFFFFD80  }
0x57: {  	[spmem:s1] =	stream.indirect.scatter.add.f32 [tilespmem:s20], [sflag:$0x4], $0x10, s22, s25, $0xb8;
	[tilespmem:$0x1E500] =	vst v63  }
0x58: {  	_ =	swait.ge [sflag:s26], $0x800  }
0x59: {  	s5 =	rddreg [dreg:$0x3];
	[sflag:s26] =	ssyncset.done $0x0  }
0x5a: {  	s7 =	rddreg [dreg:$0x4];
	[sflag:s26] =	ssyncadd.s32 $0xFFFFF800  }
0x5b: {  	[spmem:s1] =	stream.indirect.scatter.add.f32 [tilespmem:s5], [sflag:$0x4], $0x10, s7, s25, $0xb8;
	[tilespmem:$0x1E500] =	vst v63  }
0x5c: {  	_ =	swait.ge [sflag:s26], $0x800  }
0x5d: {  	s8 =	rddreg [dreg:$0x5];
	[sflag:s26] =	ssyncset.done $0x0  }
0x5e: {  	s9 =	rddreg [dreg:$0x6];
	[sflag:s26] =	ssyncadd.s32 $0xFFFFF800  }
0x5f: {  	[spmem:s1] =	stream.indirect.scatter.add.f32 [tilespmem:s8], [sflag:$0x4], $0x10, s9, s25, $0xb8;
	[tilespmem:$0x1E500] =	vst v63  }
0x60: {  	_ =	swait.ge [sflag:s26], $0x800  }
0x61: {  	s5 =	rddreg [dreg:$0x7];
	[sflag:s26] =	ssyncset.done $0x0  }
0x62: {  	s7 =	rddreg [dreg:$0x8];
	[sflag:s26] =	ssyncadd.s32 $0xFFFFF800  }
0x63: {  	[spmem:s1] =	stream.indirect.scatter.add.f32 [tilespmem:s5], [sflag:$0x4], $0x10, s7, s25, $0xb8;
	[tilespmem:$0x1E500] =	vst v63  }
0x64: {  	_ =	swait.ge [sflag:s26], $0x800  }
0x65: {  	s8 =	rddreg [dreg:$0x9];
	[sflag:s26] =	ssyncset.done $0x0  }
0x66: {  	s7 =	sadd.s32 $0x20, s18;
	s9 =	rddreg [dreg:$0xa];
	[sflag:s26] =	ssyncadd.s32 $0xFFFFF800  }
0x67: {  	[spmem:s1] =	stream.indirect.scatter.add.f32 [tilespmem:s8], [sflag:$0x4], $0x10, s9, s25, $0xb8;
	[tilespmem:$0x1E500] =	vst v63  }
0x68: {  	p0 =	sgt.u32 s7, $0x3E7;
	_ =	swait.ge [sflag:s26], $0x800  }
0x69: {  	s0 =	sadd.s32 @!p0 $0xA000, s19;
	s5 =	sadd.s32 @!p0 $0x0, s17;
	[sflag:s26] =	ssyncset.done $0x0  }
0x6a: {  	s7 =	simm.s32 @!p0 $0x0;
	s8 =	simm.s32 @!p0 $0x19000;
	[sflag:s26] =	ssyncadd.s32 $0xFFFFF800  }
0x6b: {  	[tilespmem:s8], [sflag:$0x1] =	stream.linear.gather @!p0 [hbm4b:s0+s7], $0x2800, $0x38;
	[tilespmem:$0x1E500] =	vst v63  }
0x6c: {  	s0 =	sadd.s32 @!p0 $0x28500, s5;
	s5 =	simm.s32 @!p0 $0x1E000  }
0x6d: {  	[tilespmem:s5], [sflag:$0x1] =	stream.linear.gather @!p0 [hbm4b:s0+s7], $0x280, $0x38;
	[tilespmem:$0x1E500] =	vst v63  }
0x6e: {  	p0 =	por p1, p1  }
0x6f: {  	s0 =	simm.s32 @!p0 $0x2  }
0x70: {  	_ =	swait.ge @!p0 [sflag:s0], $0x2800  }
0x71: {  	[sflag:s0] =	ssyncset.done @!p0 $0x0  }
0x72: {  	[sflag:s0] =	ssyncadd.s32 @!p0 $0xFFFFD800  }
0x73: {  	_ =	swait.ge @!p0 [sflag:s0], $0x280  }
0x74: {  	[sflag:s0] =	ssyncset.done @!p0 $0x0  }
0x75: {  	s7 =	simm.s32 @!p0 $0x80;
	s8 =	simm.s32 @!p0 $0x4;
	[sflag:s0] =	ssyncadd.s32 @!p0 $0xFFFFFD80  }
0x76: {  	[spmem:s1] =	stream.indirect.scatter.add.f32 @!p0 [tilespmem:s3], [sflag:$0x4], $0x10, s6, s7, $0xb8;
	[tilespmem:$0x1E500] =	vst v63  }
0x77: {  	_ =	swait.ge @!p0 [sflag:s8], $0x800  }
0x78: {  	[sflag:s8] =	ssyncset.done @!p0 $0x0  }
0x79: {  	s0 =	simm.s32 @!p0 $0x1E300;
	s3 =	simm.s32 @!p0 $0x1C000;
	[sflag:s8] =	ssyncadd.s32 @!p0 $0xFFFFF800  }
0x7a: {  	[spmem:s1] =	stream.indirect.scatter.add.f32 @!p0 [tilespmem:s3], [sflag:$0x4], $0x10, s0, s7, $0xb8;
	[tilespmem:$0x1E500] =	vst v63  }
0x7b: {  	_ =	swait.ge @!p0 [sflag:s8], $0x800  }
0x7c: {  	[sflag:s8] =	ssyncset.done @!p0 $0x0  }
0x7d: {  	s0 =	simm.s32 @!p0 $0x1E380;
	s3 =	simm.s32 @!p0 $0x1C800;
	[sflag:s8] =	ssyncadd.s32 @!p0 $0xFFFFF800  }
0x7e: {  	[spmem:s1] =	stream.indirect.scatter.add.f32 @!p0 [tilespmem:s3], [sflag:$0x4], $0x10, s0, s7, $0xb8;
	[tilespmem:$0x1E500] =	vst v63  }
0x7f: {  	s28 =	simm.s32 $0x1400;
	_ =	swait.ge @!p0 [sflag:s8], $0x800  }
0x80: {  	s29 =	sadd.s32 $0x14000, s19;
	s30 =	smov.u32 s18;
	[sflag:s8] =	ssyncset.done @!p0 $0x0  }
0x81: {  	s0 =	simm.s32 @!p0 $0x1E400;
	s3 =	simm.s32 @!p0 $0x1D000;
	[sflag:s8] =	ssyncadd.s32 @!p0 $0xFFFFF800  }
0x82: {  	[spmem:s1] =	stream.indirect.scatter.add.f32 @!p0 [tilespmem:s3], [sflag:$0x4], $0x10, s0, s7, $0xb8;
	[tilespmem:$0x1E500] =	vst v63  }
0x83: {  	s31 =	simm.s32 @!p1 $0x1E480;
	s0 =	simm.s32 @!p1 $0x1D800;
	_ =	swait.ge @!p0 [sflag:s8], $0x800  }
.LBB2_4:
0x84: {  	[sflag:s8] =	ssyncset.done @!p0 $0x0  }
0x85: {  	s30 =	sadd.s32 $0x40, s30;
	s5 =	simm.s32 @!p0 $0x3;
	[sflag:s8] =	ssyncadd.s32 @!p0 $0xFFFFF800  }
0x86: {  	[spmem:s1] =	stream.indirect.scatter.add.f32 @!p0 [tilespmem:s0], [sflag:$0x3], $0x10, s31, s7, $0xb8;
	[tilespmem:$0x1E500] =	vst v63  }
0x87: {  	p2 =	sgt.u32 s30, $0x3E7;
	_ =	swait.ge @!p0 [sflag:s5], $0x800  }
0x88: {  	s6 =	smov.u32 s28;
	s7 =	simm.s32 @!p2 $0x0;
	[sflag:s5] =	ssyncset.done @!p0 $0x0  }
0x89: {  	s3 =	simm.s32 @!p2 $0x1B800;
	s0 =	sadd.s32 @!p2 s6, s17;
	[sflag:s5] =	ssyncadd.s32 @!p0 $0xFFFFF800  }
0x8a: {  	[tilespmem:s3], [sflag:$0x2] =	stream.linear.gather @!p2 [hbm4b:s29+s7], $0x2800, $0x38;
	[tilespmem:$0x1E500] =	vst v63  }
0x8b: {  	s8 =	sadd.s32 @!p2 $0x27B00, s0;
	s5 =	simm.s32 @!p2 $0x1E280  }
0x8c: {  	[tilespmem:s5], [sflag:$0x2] =	stream.linear.gather @!p2 [hbm4b:s8+s7], $0x280, $0x38;
	[tilespmem:$0x1E500] =	vst v63  }
0x8d: {  	_ =	swait.ge [sflag:s23], $0x2800  }
0x8e: {  	[sflag:s23] =	ssyncset.done $0x0  }
0x8f: {  	[sflag:s23] =	ssyncadd.s32 $0xFFFFD800  }
0x90: {  	_ =	swait.ge [sflag:s23], $0x280  }
0x91: {  	[sflag:s23] =	ssyncset.done $0x0  }
0x92: {  	[sflag:s23] =	ssyncadd.s32 $0xFFFFFD80  }
0x93: {  	[spmem:s1] =	stream.indirect.scatter.add.f32 [tilespmem:s20], [sflag:$0x4], $0x10, s22, s25, $0xb8;
	[tilespmem:$0x1E500] =	vst v63  }
0x94: {  	_ =	swait.ge [sflag:s26], $0x800  }
0x95: {  	s8 =	rddreg [dreg:$0x3];
	[sflag:s26] =	ssyncset.done $0x0  }
0x96: {  	s9 =	rddreg [dreg:$0x4];
	[sflag:s26] =	ssyncadd.s32 $0xFFFFF800  }
0x97: {  	[spmem:s1] =	stream.indirect.scatter.add.f32 [tilespmem:s8], [sflag:$0x4], $0x10, s9, s25, $0xb8;
	[tilespmem:$0x1E500] =	vst v63  }
0x98: {  	_ =	swait.ge [sflag:s26], $0x800  }
0x99: {  	s8 =	rddreg [dreg:$0x5];
	[sflag:s26] =	ssyncset.done $0x0  }
0x9a: {  	s9 =	rddreg [dreg:$0x6];
	[sflag:s26] =	ssyncadd.s32 $0xFFFFF800  }
0x9b: {  	[spmem:s1] =	stream.indirect.scatter.add.f32 [tilespmem:s8], [sflag:$0x4], $0x10, s9, s25, $0xb8;
	[tilespmem:$0x1E500] =	vst v63  }
0x9c: {  	_ =	swait.ge [sflag:s26], $0x800  }
0x9d: {  	s8 =	rddreg [dreg:$0x7];
	[sflag:s26] =	ssyncset.done $0x0  }
0x9e: {  	s9 =	rddreg [dreg:$0x8];
	[sflag:s26] =	ssyncadd.s32 $0xFFFFF800  }
0x9f: {  	[spmem:s1] =	stream.indirect.scatter.add.f32 [tilespmem:s8], [sflag:$0x4], $0x10, s9, s25, $0xb8;
	[tilespmem:$0x1E500] =	vst v63  }
0xa0: {  	s31 =	simm.s32 @!p2 $0x1E480;
	_ =	swait.ge [sflag:s26], $0x800  }
0xa1: {  	s0 =	simm.s32 @!p2 $0x1D800;
	s7 =	rddreg [dreg:$0x9];
	[sflag:s26] =	ssyncset.done $0x0  }
0xa2: {  	s9 =	sadd.s32 $0x20, s30;
	s8 =	rddreg [dreg:$0xa];
	[sflag:s26] =	ssyncadd.s32 $0xFFFFF800  }
0xa3: {  	[spmem:s1] =	stream.indirect.scatter.add.f32 [tilespmem:s7], [sflag:$0x4], $0x10, s8, s25, $0xb8;
	[tilespmem:$0x1E500] =	vst v63  }
0xa4: {  	p0 =	por p2, p2;
	p2 =	sgt.u32 s9, $0x3E7;
	_ =	swait.ge [sflag:s26], $0x800  }
0xa5: {  	s6 =	sadd.s32 @!p2 s6, s17;
	s9 =	simm.s32 @!p2 $0x19000;
	[sflag:s26] =	ssyncset.done $0x0  }
0xa6: {  	s7 =	sadd.s32 @!p2 $0xA000, s29;
	s8 =	simm.s32 @!p2 $0x0;
	[sflag:s26] =	ssyncadd.s32 $0xFFFFF800  }
0xa7: {  	[tilespmem:s9], [sflag:$0x1] =	stream.linear.gather @!p2 [hbm4b:s7+s8], $0x2800, $0x38;
	[tilespmem:$0x1E500] =	vst v63  }
0xa8: {  	s6 =	sadd.s32 @!p2 $0x28500, s6;
	s7 =	simm.s32 @!p2 $0x1E000;
	s9 =	simm.s32 @!p0 $0x2  }
0xa9: {  	[tilespmem:s7], [sflag:$0x1] =	stream.linear.gather @!p2 [hbm4b:s6+s8], $0x280, $0x38;
	[tilespmem:$0x1E500] =	vst v63  }
0xaa: {  	_ =	swait.ge @!p0 [sflag:s9], $0x2800  }
0xab: {  	[sflag:s9] =	ssyncset.done @!p0 $0x0  }
0xac: {  	[sflag:s9] =	ssyncadd.s32 @!p0 $0xFFFFD800  }
0xad: {  	_ =	swait.ge @!p0 [sflag:s9], $0x280  }
0xae: {  	[sflag:s9] =	ssyncset.done @!p0 $0x0  }
0xaf: {  	s7 =	simm.s32 @!p0 $0x80;
	s8 =	simm.s32 @!p0 $0x4;
	[sflag:s9] =	ssyncadd.s32 @!p0 $0xFFFFFD80  }
0xb0: {  	[spmem:s1] =	stream.indirect.scatter.add.f32 @!p0 [tilespmem:s3], [sflag:$0x4], $0x10, s5, s7, $0xb8;
	[tilespmem:$0x1E500] =	vst v63  }
0xb1: {  	_ =	swait.ge @!p0 [sflag:s8], $0x800  }
0xb2: {  	[sflag:s8] =	ssyncset.done @!p0 $0x0  }
0xb3: {  	s3 =	simm.s32 @!p0 $0x1E300;
	s5 =	simm.s32 @!p0 $0x1C000;
	[sflag:s8] =	ssyncadd.s32 @!p0 $0xFFFFF800  }
0xb4: {  	[spmem:s1] =	stream.indirect.scatter.add.f32 @!p0 [tilespmem:s5], [sflag:$0x4], $0x10, s3, s7, $0xb8;
	[tilespmem:$0x1E500] =	vst v63  }
0xb5: {  	s28 =	sadd.s32 $0x1400, s28;
	_ =	swait.ge @!p0 [sflag:s8], $0x800  }
0xb6: {  	p1 =	sne.s32 s28, $0x14000;
	[sflag:s8] =	ssyncset.done @!p0 $0x0  }
0xb7: {  	s3 =	simm.s32 @!p0 $0x1E380;
	s5 =	simm.s32 @!p0 $0x1C800;
	[sflag:s8] =	ssyncadd.s32 @!p0 $0xFFFFF800  }
0xb8: {  	[spmem:s1] =	stream.indirect.scatter.add.f32 @!p0 [tilespmem:s5], [sflag:$0x4], $0x10, s3, s7, $0xb8;
	[tilespmem:$0x1E500] =	vst v63  }
.Ltmp1:
0xb9: {  	_ =	swait.ge @!p0 [sflag:s8], $0x800;
	(pc) =	sbr.rel @p1 .LBB2_4-.Ltmp1, $4  }
0xba: {  	[sflag:s8] =	ssyncset.done @!p0 $0x0  }
0xbb: {  	s3 =	simm.s32 @!p0 $0x1E400;
	s5 =	simm.s32 @!p0 $0x1D000;
	[sflag:s8] =	ssyncadd.s32 @!p0 $0xFFFFF800  }
0xbc: {  	[spmem:s1] =	stream.indirect.scatter.add.f32 @!p0 [tilespmem:s5], [sflag:$0x4], $0x10, s3, s7, $0xb8;
	[tilespmem:$0x1E500] =	vst v63  }
0xbd: {  	s29 =	sadd.s32 $0x14000, s29;
	_ =	swait.ge @!p0 [sflag:s8], $0x800  }
0xbe: {  	[sflag:s8] =	ssyncset.done @!p0 $0x0  }
0xbf: {  	s3 =	simm.s32 @!p0 $0x3;
	[sflag:s8] =	ssyncadd.s32 @!p0 $0xFFFFF800  }
0xc0: {  	[spmem:s1] =	stream.indirect.scatter.add.f32 @!p0 [tilespmem:s0], [sflag:$0x3], $0x10, s31, s7, $0xb8;
	[tilespmem:$0x1E500] =	vst v63  }
0xc1: {  	s30 =	stileid.u32;
	_ =	swait.ge @!p0 [sflag:s3], $0x800  }
0xc2: {  	s2 =	sadd.s32 $0x1, s2;
	s0 =	sshll.u32 s30, $0x6;
	[sflag:s3] =	ssyncset.done @!p0 $0x0  }
0xc3: {  	s31 =	sshrl.u32 s4, $0x3;
	[sflag:s3] =	ssyncadd.s32 @!p0 $0xFFFFF800;
	p0 =	sne.s32 s2, s16  }
.Ltmp2:
0xc4: {  	s0 =	sor.u32 $0x1C03, s0;
	[bflag:$0x0] =	sbarrier.arrive $0xFFFF;
	(pc) =	sbr.rel @p0 .LBB2_1-.Ltmp2, $4  }
0xc5: {  	[hbm:s24], [sflag:s0] =	dma.local [spmem:s31], $0x3200  }
0xc6: {  	_ =	swait.ge [sflag:s21], $0x3200  }
0xc7: {  	[sflag:s21] =	ssyncset.done $0x0  }
0xc8: {  	[sflag:s21] =	ssyncadd.s32 $0xFFFFCE00  }
0xc9: {  	_ =	sfence.sel $0x180000  }
0xca: {  	[bflag:$0x0] =	sbarrier.arrive $0xFFFF  }
0xcb: {  	_ =	strace $0x9000004A  }
0xcc: {  	s0 =	stileid.u32;
	[bflag:$0x2] =	sbarrier.arrive $0xFFFF  }
0xcd: {  	p0 =	sne.s32 s0, $0x0;
	s0 =	rddreg [dreg:$0x2]  }
0xce: {  	s0 =	sadd.s32 @!p0 $0x100000, s0  }
0xcf: {  	[sflag:s0] =	ssyncadd.tile.s32 @!p0 $0x1;
	_ =	shalt  }
.Lfunc_end2:
_tile_overlayer_lowered:
.L_overlay_start_2:
0xd0: {  	(tag) =	ssettag $0x2  }
0xd1: {  	s0 =	rddreg [dreg:$0x0];
	s2 =	stileid.u32  }
0xd2: {  	s1 =	rddreg [dreg:$0x1];
	p0 =	sne.s32 s2, $0x0  }
0xd3: {  	s3 =	rddreg [dreg:$0x2];
	[bflag:$0x3] =	sbarrier.arrive $0xFFFF;
	s2 =	simm.s32 @!p0 $0x1C03  }
0xd4: {  	[timem:s3], [sflag:s2] =	dma.local @!p0 [hbm:s0], s1  }
0xd5: {  	s0 =	simm.s32 @!p0 $0x3  }
0xd6: {  	_ =	swait.ge @!p0 [sflag:s0], s1  }
0xd7: {  	s1 =	ssub.s32 @!p0 $0x0, s1;
	[sflag:s0] =	ssyncset.done @!p0 $0x0  }
0xd8: {  	[sflag:s0] =	ssyncadd.s32 @!p0 s1  }
0xd9: {  	[bflag:$0x3] =	sbarrier.arrive $0xFFFF  }
0xda: {  	_ =	shalt  }

// kernel: kernel.23.cloned.1.call-start
scs
__scs_entry_jumppad:
0x0: {  	(pc) =	sbr.rel $0x88, $3  }
0x1: {  	(tag) =	ssettag $0x0;
	lr =	simm.s32 $0x1  }
0x2: {  	[smem:$0x3F97] =	sst lr;
	_ =	strace $0xD0000000  }
0x3: {  	_ = 	snop  }
0x4: {  	_ = 	snop  }
0x5: {  	_ = 	snop  }
0x6: {  	_ = 	snop  }
0x7: {  	_ = 	snop  }
__scs_overlays_trampoline_lowered:
0x8: {  	[smem:$0x3FA6] =	sst s0  }
0x9: {  	[smem:$0x3FA7] =	sst s1  }
0xa: {  	[smem:$0x3FA8] =	sst s2  }
0xb: {  	[smem:$0x3FA9] =	sst s3  }
0xc: {  	[smem:$0x3FAA] =	sst s4  }
0xd: {  	[smem:$0x3FAB] =	sst s5  }
0xe: {  	[smem:$0x3FAC] =	sst s6  }
0xf: {  	[smem:$0x3FAD] =	sst s7  }
0x10: {  	[smem:$0x3FAE] =	sst s8  }
0x11: {  	[smem:$0x3FAF] =	sst s9;
	s0 =	simm.s32 @!p0 $0x0  }
0x12: {  	s1 =	sld [smem:$0x3F95];
	s0 =	simm.s32 @p0 $0x1  }
0x13: {  	[smem:$0x3FB0] =	sst s0;
	s0 =	simm.s32 @!p1 $0x0  }
0x14: {  	s2 =	sld [smem:$0x3F94];
	s0 =	simm.s32 @p1 $0x1  }
0x15: {  	[smem:$0x3FB1] =	sst s0;
	s0 =	simm.s32 @!p2 $0x0  }
0x16: {  	s3 =	sld [smem:$0x3FDB];
	s0 =	simm.s32 @p2 $0x1  }
0x17: {  	s4 =	simm.s32 $0x1BF5;
	[smem:$0x3FB3] =	sst s0  }
0x18: {  	s0 =	sld [smem:$0x3F96];
	_ =	swait.ge [sflag:s4], $0x0  }
0x19: {  	s7 =	sld [smem:$0x3F97]  }
0x1a: {  	s8 =	sadd.s32 $0xFFFFE003, lr  }
0x1b: {  	s9 =	sadd.s32 $0xFFFFFEF7, lr;
	s5 =	simm.s32 $0xFFFFFFFF;
	p2 =	slt.u32 s8, $0xFFFFF086  }
0x1c: {  	p1 =	slt.u32 s9, $0xF7A;
	s5 =	simm.s32 @!p2 $0x0  }
0x1d: {  	s5 =	simm.s32 @p1 $0x1;
	p0 =	seq.s32 s7, s2  }
0x1e: {  	s7 =	smul.u32 @!p0 $0xF7A, s2;
	p2 =	seq.s32 @!p0 s5, $0x0  }
0x1f: {  	s9 =	smul.u32 $0xF7A, s1;
	s8 =	simm.s32 @!p0 $0x1BF5;
	p2 =	por !p2, p0  }
0x20: {  	[sflag:s8] =	ssyncset.s32 @!p0 $0xFFFFF086;
	s6 =	sadd.s32 @!p0 s3, s7;
	s7 =	simm.s32 @!p0 $0x108  }
0x21: {  	s3 =	sadd.s32 s3, s9;
	s6 =	sadd.s32 @!p0 $0x88, s6;
	s7 =	simm.s32 @p2 $0x1082  }
0x22: {  	[simem:s7], [sflag:s8] =	dma.local @!p0 [hbm:s6], $0xF7A  }
0x23: {  	s9 =	sor.u32 $0xD0000000, s2;
	s6 =	simm.s32 $0x108;
	_ =	swait.ge @!p0 [sflag:s8], $0x0  }
0x24: {  	s3 =	sadd.s32 $0x88, s3;
	s6 =	simm.s32 @!p1 $0x1082;
	[sflag:s4] =	ssyncset.s32 $0xFFFFF086  }
0x25: {  	[simem:s6], [sflag:s4] =	dma.local [hbm:s3], $0xF7A  }
0x26: {  	[smem:$0x3F97] =	sst s1;
	(tag) =	ssettag s2;
	_ =	strace s9  }
0x27: {  	s1 =	sld [smem:$0x3FA7]  }
0x28: {  	s2 =	sld [smem:$0x3FA8]  }
0x29: {  	s4 =	sld [smem:$0x3FAA]  }
0x2a: {  	p0 =	seq.s32 s5, $0x0;
	s5 =	sld [smem:$0x3FAB]  }
0x2b: {  	s6 =	sld [smem:$0x3FAC]  }
0x2c: {  	s7 =	sld [smem:$0x3FAD]  }
0x2d: {  	s3 =	simm.s32 $0x108;
	s8 =	sld [smem:$0x3FAE]  }
0x2e: {  	s3 =	simm.s32 @!p0 $0x1082;
	s9 =	sld [smem:$0x3FAF]  }
0x2f: {  	lr =	sadd.s32 s0, s3;
	s0 =	sld [smem:$0x3FA6]  }
0x30: {  	s3 =	sld [smem:$0x3FA9]  }
0x31: {  	[smem:$0x3FB2] =	sst s10  }
0x32: {  	s10 =	sld [smem:$0x3FB0];
	_ =	sdelay $0x3  }
0x33: {  	p0 =	seq.s32 s10, $0x1;
	s10 =	sld [smem:$0x3FB2];
	_ =	sdelay $0x3  }
0x34: {  	[smem:$0x3FB2] =	sst s10  }
0x35: {  	s10 =	sld [smem:$0x3FB1];
	_ =	sdelay $0x3  }
0x36: {  	p1 =	seq.s32 s10, $0x1;
	s10 =	sld [smem:$0x3FB2];
	_ =	sdelay $0x3  }
0x37: {  	[smem:$0x3FB2] =	sst s10  }
0x38: {  	s10 =	sld [smem:$0x3FB3]  }
0x39: {  	_ = 	snop;
	(pc) =	sbr.ind lr, $3  }
0x3a: {  	_ = 	snop  }
0x3b: {  	_ = 	snop  }
0x3c: {  	p2 =	seq.s32 s10, $0x1;
	s10 =	sld [smem:$0x3FB2]  }
0x3d: {  	_ =	shalt  }
0x3e: {  	_ =	shalt  }
0x3f: {  	_ =	shalt  }
0x40: {  	_ =	shalt  }
0x41: {  	_ =	shalt  }
0x42: {  	_ =	shalt  }
0x43: {  	_ =	shalt  }
0x44: {  	_ =	shalt  }
0x45: {  	_ =	shalt  }
0x46: {  	_ =	shalt  }
0x47: {  	_ =	shalt  }
0x48: {  	_ =	shalt  }
0x49: {  	_ =	shalt  }
0x4a: {  	_ =	shalt  }
0x4b: {  	_ =	shalt  }
0x4c: {  	_ =	shalt  }
0x4d: {  	_ =	shalt  }
0x4e: {  	_ =	shalt  }
0x4f: {  	_ =	shalt  }
0x50: {  	_ =	shalt  }
0x51: {  	_ =	shalt  }
0x52: {  	_ =	shalt  }
0x53: {  	_ =	shalt  }
0x54: {  	_ =	shalt  }
0x55: {  	_ =	shalt  }
0x56: {  	_ =	shalt  }
0x57: {  	_ =	shalt  }
0x58: {  	_ =	shalt  }
0x59: {  	_ =	shalt  }
0x5a: {  	_ =	shalt  }
0x5b: {  	_ =	shalt  }
0x5c: {  	_ =	shalt  }
0x5d: {  	_ =	shalt  }
0x5e: {  	_ =	shalt  }
0x5f: {  	_ =	shalt  }
0x60: {  	_ =	shalt  }
0x61: {  	_ =	shalt  }
0x62: {  	_ =	shalt  }
0x63: {  	_ =	shalt  }
0x64: {  	_ =	shalt  }
0x65: {  	_ =	shalt  }
0x66: {  	_ =	shalt  }
0x67: {  	_ =	shalt  }
0x68: {  	_ =	shalt  }
0x69: {  	_ =	shalt  }
0x6a: {  	_ =	shalt  }
0x6b: {  	_ =	shalt  }
0x6c: {  	_ =	shalt  }
0x6d: {  	_ =	shalt  }
0x6e: {  	_ =	shalt  }
0x6f: {  	_ =	shalt  }
0x70: {  	_ =	shalt  }
0x71: {  	_ =	shalt  }
0x72: {  	_ =	shalt  }
0x73: {  	_ =	shalt  }
0x74: {  	_ =	shalt  }
0x75: {  	_ =	shalt  }
0x76: {  	_ =	shalt  }
0x77: {  	_ =	shalt  }
0x78: {  	_ =	shalt  }
0x79: {  	_ =	shalt  }
0x7a: {  	_ =	shalt  }
0x7b: {  	_ =	shalt  }
0x7c: {  	_ =	shalt  }
0x7d: {  	_ =	shalt  }
0x7e: {  	_ =	shalt  }
0x7f: {  	_ =	shalt  }
0x80: {  	_ =	shalt  }
0x81: {  	_ =	shalt  }
0x82: {  	_ =	shalt  }
0x83: {  	_ =	shalt  }
0x84: {  	_ =	shalt  }
0x85: {  	_ =	shalt  }
0x86: {  	_ =	shalt  }
0x87: {  	_ =	shalt  }
.Lfunc_end0:
.L_simem_size_0:
called_computation.3_lowered:
.L_overlay_start_0:
0x88: {  	s2 =	sld [smem:$0x3FD9]  }
0x89: {  	s3 =	sld [smem:$0x3FFE];
	_ =	sdelay $0x1  }
0x8a: {  	s1 =	srdreg.scid  }
0x8b: {  	s0 =	sand.u32 $0x1, s1  }
0x8c: {  	s17 =	sshll.u32 s0, $0xA;
	s2 =	sadd.s32 s3, s2  }
0x8d: {  	s2 =	sadd.s32 s2, s17  }
0x8e: {  	[smem:$0x3FBE] =	sst s2  }
0x8f: {  	_ = 	snop  }
0x90: {  	(tm) =	ssettm $0x1  }
0x91: {  	s18 =	sld [smem:$0x3FFB];
	_ =	sdelay $0x3  }
0x92: {  	_ =	strace s18  }
0x93: {  	s2 =	sld [smem:$0x3FFC];
	_ =	sdelay $0x3  }
0x94: {  	_ =	strace s2  }
0x95: {  	s2 =	sld [smem:$0x3FFD];
	_ =	sdelay $0x3  }
0x96: {  	_ =	strace s2  }
0x97: {  	_ =	strace $0x8FFFFFFF  }
0x98: {  	s19 =	sld [smem:$0x3FDB];
	_ =	sdelay $0x1  }
0x99: {  	s20 =	simm.s32 $_scs_section_size  }
0x9a: {  	s4 =	simm.s32 $_size__tile_overlayer_lowered;
	s5 =	simm.s32 $_tile_overlayer_lowered  }
0x9b: {  	s6 =	simm.s32 $0x1BFF;
	s21 =	sshll.u32 s5, $0x1;
	s3 =	sadd.s32 s20, s19  }
0x9c: {  	s22 =	simm.s32 $0x0;
	s4 =	sshll.u32 s4, $0x1;
	s5 =	sadd.s32 s21, s3  }
0x9d: {  	[timem:s22], [sflag:s6] =	dma.local [hbm:s5], s4  }
0x9e: {  	_ =	swait.ge [sflag:s6], s4  }
0x9f: {  	s4 =	ssub.s32 $0x0, s4;
	[sflag:s6] =	ssyncset.done $0x0  }
0xa0: {  	[sflag:s6] =	ssyncadd.s32 s4;
	_ =	sdelay $0x1  }
0xa1: {  	s23 =	simm.s32 $0x1B8B  }
0xa2: {  	_ =	swait.ge [sflag:s23], $0x1  }
0xa3: {  	[sflag:s23] =	ssyncset.done $0x0  }
0xa4: {  	[sflag:s23] =	ssyncadd.s32 $0xFFFFFFFF  }
0xa5: {  	s4 =	sld [smem:$0x0]  }
0xa6: {  	s5 =	sand.u32 $0xFFFFFFFE, s1  }
0xa7: {  	p0 =	sne.s32 s1, s5  }
0xa8: {  	s5 =	sshll.u32 @p0 s5, $0xE  }
0xa9: {  	s5 =	sadd.s32 @p0 $0x11B8D, s5;
	s6 =	sshll.u32 @p0 s4, $0x11  }
0xaa: {  	s5 =	sor.u32 @p0 s6, s5  }
0xab: {  	[sflag:s5] =	ssyncadd.remote.s32 @p0 $0x1;
	_ =	sdelay $0x1  }
0xac: {  	s5 =	simm.s32 @p0 $0x1B8D  }
0xad: {  	_ =	swait.eq @p0 [sflag:s5], $0x1  }
0xae: {  	[sflag:s5] =	ssyncadd.s32 @p0 $0xFFFFFFFF  }
0xaf: {  	s6 =	sshll.u32 @!p0 s1, $0xE  }
0xb0: {  	s6 =	sor.u32 @!p0 $0x4000, s6;
	s5 =	simm.s32 @!p0 $0x1B8D  }
0xb1: {  	s4 =	sshll.u32 @!p0 s4, $0x11;
	s6 =	sadd.s32 @!p0 $0x11B8D, s6;
	_ =	swait.eq @!p0 [sflag:s5], $0x1  }
0xb2: {  	s4 =	sor.u32 @!p0 s4, s6;
	[sflag:s5] =	ssyncadd.s32 @!p0 $0xFFFFFFFF  }
0xb3: {  	s25 =	simm.s32 $0x1B8E;
	s24 =	sld [smem:$0x3FFE];
	[sflag:s4] =	ssyncadd.remote.s32 @!p0 $0x1  }
0xb4: {  	s26 =	simm.s32 $execute0_lowered;
	[smem:$0x3FD2] =	sst s25  }
0xb5: {  	s5 =	sshll.u32 s26, $0x1;
	_ =	strace $0x8000004C;
	[dreg:$0x1] =	wrdreg $0xFFFFFFFF  }
0xb6: {  	s28 =	simm.s32 $_size_execute0_lowered;
	s3 =	sadd.s32 s3, s5;
	[dreg:$0x0] =	wrdreg $0x0  }
0xb7: {  	s5 =	sshll.u32 s28, $0x1;
	[dreg:$0x2] =	wrdreg s3  }
0xb8: {  	[dreg:$0x3] =	wrdreg s5  }
0xb9: {  	[dreg:$0x4] =	wrdreg $0xC0  }
0xba: {  	_ =	task [dreg:s22], $0x5FFFF  }
0xbb: {  	[dreg:$0x1] =	wrdreg $0xFFFFFFFF  }
0xbc: {  	[dreg:$0x0] =	wrdreg $0x60  }
0xbd: {  	[dreg:$0x2] =	wrdreg s24  }
0xbe: {  	[dreg:$0x3] =	wrdreg $0x0  }
0xbf: {  	[dreg:$0x4] =	wrdreg $0xC  }
0xc0: {  	_ =	task.clear_ibuf [dreg:s22], $0x5FFFF;
	_ =	strace $0x9000004C  }
0xc1: {  	s29 =	simm.s32 $0xC;
	_ =	strace $0x8000004E  }
0xc2: {  	_ =	swait.ge [sflag:s29], $0x1  }
0xc3: {  	[sflag:s29] =	ssyncadd.s32 $0xFFFFFFFF  }
0xc4: {  	_ =	strace $0x9000004E  }
0xc5: {  	_ =	sfence  }
0xc6: {  	s30 =	sld [smem:$0x0];
	_ =	sdelay $0x2  }
0xc7: {  	s31 =	sshll.u32 s1, $0xD;
	s1 =	sshrl.u32 s1, $0x2  }
0xc8: {  	s4 =	sand.u32 $0x4000, s31;
	s1 =	sadd.s32 s1, s30  }
0xc9: {  	s0 =	sor.u32 s4, s0;
	s1 =	sshll.u32 s1, $0x11  }
0xca: {  	s0 =	sor.u32 s1, s0  }
0xcb: {  	s0 =	sadd.s32 $0x8F2B, s0  }
0xcc: {  	[sflag:s0] =	ssyncadd.remote.s32 $0x1  }
0xcd: {  	_ =	sfence.sel $0xFFFF  }
0xce: {  	[dreg:$0x0] =	wrdreg $0xFFFFFFFF;
	(pc) =	sbr.abs _section_cstart, $3  }
0xcf: {  	[dreg:$0x1] =	wrdreg $0xFFFFFFFF  }
0xd0: {  	_ =	task.clear_ibuf [dreg:s22], $0x2FFFF;
	_ =	strace $0x9FFFFFFF  }
0xd1: {  	(tm) =	ssettm $0x7FFFFFFF  }
tec
execute0_lowered:
.L_overlay_start_1:
0x0: {  	(tag) =	ssettag $0x1  }
0x1: {  	s0 =	rddreg [dreg:$0x0];
	s19 =	stileid.u32  }
0x2: {  	s1 =	rddreg [dreg:$0x1];
	s2 =	simm.s32 $0x0;
	s7 =	smul.u32 $0x64000, s19  }
0x3: {  	s3 =	srdreg.scid;
	s21 =	simm.s32 $0x1E080;
	s16 =	smul.u32 $0x19000, s19  }
0x4: {  	s23 =	simm.s32 $0x19800;
	[smem:$0x7FF] =	sst s2;
	s17 =	smul.u32 $0xA0, s19  }
0x5: {  	s3 =	sand.u32 $0x1, s3;
	s5 =	sadd.s32 $0x3A1400, s0;
	s22 =	smul.u32 $0xA00, s19  }
0x6: {  	s8 =	sadd.s32 $0x6800, s0;
	s9 =	sshll.u32 s19, $0x1;
	s4 =	smul.u32 $0x32000, s3  }
0x7: {  	_ =	strace $0x8000004D;
	s18 =	sor.u32 s3, s9;
	s9 =	smul.u32 $0x50, s3  }
0x8: {  	s6 =	ssub.s32 $0x2, s3;
	[dreg:$0x4] =	wrdreg s21;
	s3 =	smul.u32 $0x500, s3  }
0x9: {  	[dreg:$0x3] =	wrdreg s23;
	s21 =	simm.s32 $0x3;
	s23 =	simm.s32 $0x1  }
0xa: {  	s24 =	sshrl.u32 s6, $0x1;
	s7 =	sshrl.u32 s7, $0x2;
	s14 =	smul.u32 $0x500, s18  }
0xb: {  	s15 =	smul.u32 $0x50, s18;
	s20 =	sadd.s32 s17, s8;
	s18 =	sor.u32 $0x20, s18  }
0xc: {  	s0 =	sadd.s32 s4, s0;
	s6 =	ssub.s32 s6, s24;
	s7 =	sadd.s32 s7, s1  }
0xd: {  	s4 =	sadd.s32 s16, s1;
	s24 =	sshrl.u32 s16, $0x3;
	s17 =	sadd.s32 s9, s20  }
0xe: {  	s20 =	simm.s32 $0x19000;
	s25 =	sadd.s32 $0x2800, s7;
	s26 =	sadd.s32 $0x5000, s7  }
0xf: {  	s28 =	sadd.s32 $0x7800, s7;
	s29 =	sadd.s32 $0xA000, s7;
	s30 =	sadd.s32 $0xC800, s7  }
0x10: {  	s10 =	sadd.s32 $0xF000, s7;
	s11 =	sadd.s32 $0x11800, s7;
	[dreg:$0xb] =	wrdreg s25  }
0x11: {  	s12 =	sadd.s32 $0x14000, s7;
	s13 =	sadd.s32 $0x16800, s7;
	[dreg:$0xc] =	wrdreg s26  }
0x12: {  	s14 =	sadd.s32 s5, s14;
	s31 =	sadd.s32 s8, s15;
	[dreg:$0xd] =	wrdreg s28  }
0x13: {  	s0 =	sadd.s32 $0x4D9C00, s0;
	s16 =	smax.u32 s6, $0x1;
	[dreg:$0xe] =	wrdreg s29  }
0x14: {  	s5 =	sadd.s32 s22, s5;
	[dreg:$0xf] =	wrdreg s30;
	s25 =	simm.s32 $0x1E100  }
0x15: {  	s22 =	simm.s32 $0x1E000;
	s26 =	simm.s32 $0x1A000;
	[dreg:$0x6] =	wrdreg s25  }
0x16: {  	s15 =	sadd.s32 $0x3A980, s31;
	s28 =	simm.s32 $0x1E180;
	[dreg:$0x5] =	wrdreg s26  }
0x17: {  	s3 =	sadd.s32 s3, s5;
	s29 =	simm.s32 $0x1A800;
	[dreg:$0x8] =	wrdreg s28  }
0x18: {  	s30 =	simm.s32 $0x1E200;
	s31 =	simm.s32 $0x1B000;
	[dreg:$0x7] =	wrdreg s29  }
0x19: {  	s24 =	sadd.s32 s24, s0;
	s19 =	sadd.s32 $0xA000, s3;
	[dreg:$0xa] =	wrdreg s30  }
0x1a: {  	v0 =	vimm.f32 $0.0e+00;
	[dreg:$0x9] =	wrdreg s31;
	s25 =	simm.s32 $0x80;
	s26 =	simm.s32 $0x4  }
.LBB2_1:
0x1b: {  	s0 =	simm.s32 $0x40;
	s3 =	simm.s32 $0x0  }
.LBB2_2:
0x1c: {  	p0 =	sne.s32 s0, $0x9FC0;
	[tilespmem:s3+$0x19000] =	vst v0;
	s3 =	smov.u32 s0;
	s0 =	sadd.s32 $0x40, s0  }
.Ltmp0:
0x1d: {  	(pc) =	sbr.rel @p0 .LBB2_2-.Ltmp0, $2  }
0x1e: {  	_ =	sdelay $0x2  }
0x1f: {  	s3 =	sshra.s32 s3, $0x2  }
0x20: {  	[tilespmem:s3+$0x19000] =	vst v0  }
0x21: {  	[spmem:s4] =	stream.linear.scatter [tilespmem:s20], [sflag:$0x3], $0x2800, $0x38;
	[tilespmem:$0x1E500] =	vst v63  }
0x22: {  	_ =	swait.ge [sflag:s21], $0x2800  }
0x23: {  	[sflag:s21] =	ssyncset.done $0x0  }
0x24: {  	s0 =	rddreg [dreg:$0xb];
	[sflag:s21] =	ssyncadd.s32 $0xFFFFD800  }
0x25: {  	[spmem:s0] =	stream.linear.scatter [tilespmem:s20], [sflag:$0x3], $0x2800, $0x38;
	[tilespmem:$0x1E500] =	vst v63  }
0x26: {  	_ =	swait.ge [sflag:s21], $0x2800  }
0x27: {  	[sflag:s21] =	ssyncset.done $0x0  }
0x28: {  	s6 =	rddreg [dreg:$0xc];
	[sflag:s21] =	ssyncadd.s32 $0xFFFFD800  }
0x29: {  	[spmem:s6] =	stream.linear.scatter [tilespmem:s20], [sflag:$0x3], $0x2800, $0x38;
	[tilespmem:$0x1E500] =	vst v63  }
0x2a: {  	_ =	swait.ge [sflag:s21], $0x2800  }
0x2b: {  	[sflag:s21] =	ssyncset.done $0x0  }
0x2c: {  	s7 =	rddreg [dreg:$0xd];
	[sflag:s21] =	ssyncadd.s32 $0xFFFFD800  }
0x2d: {  	[spmem:s7] =	stream.linear.scatter [tilespmem:s20], [sflag:$0x3], $0x2800, $0x38;
	[tilespmem:$0x1E500] =	vst v63  }
0x2e: {  	_ =	swait.ge [sflag:s21], $0x2800  }
0x2f: {  	[sflag:s21] =	ssyncset.done $0x0  }
0x30: {  	s8 =	rddreg [dreg:$0xe];
	[sflag:s21] =	ssyncadd.s32 $0xFFFFD800  }
0x31: {  	[spmem:s8] =	stream.linear.scatter [tilespmem:s20], [sflag:$0x3], $0x2800, $0x38;
	[tilespmem:$0x1E500] =	vst v63  }
0x32: {  	_ =	swait.ge [sflag:s21], $0x2800  }
0x33: {  	[sflag:s21] =	ssyncset.done $0x0  }
0x34: {  	s9 =	rddreg [dreg:$0xf];
	[sflag:s21] =	ssyncadd.s32 $0xFFFFD800  }
0x35: {  	[spmem:s9] =	stream.linear.scatter [tilespmem:s20], [sflag:$0x3], $0x2800, $0x38;
	[tilespmem:$0x1E500] =	vst v63  }
0x36: {  	_ =	swait.ge [sflag:s21], $0x2800  }
0x37: {  	[sflag:s21] =	ssyncset.done $0x0  }
0x38: {  	[sflag:s21] =	ssyncadd.s32 $0xFFFFD800  }
0x39: {  	[spmem:s10] =	stream.linear.scatter [tilespmem:s20], [sflag:$0x3], $0x2800, $0x38;
	[tilespmem:$0x1E500] =	vst v63  }
0x3a: {  	_ =	swait.ge [sflag:s21], $0x2800  }
0x3b: {  	[sflag:s21] =	ssyncset.done $0x0  }
0x3c: {  	[sflag:s21] =	ssyncadd.s32 $0xFFFFD800  }
0x3d: {  	[spmem:s11] =	stream.linear.scatter [tilespmem:s20], [sflag:$0x3], $0x2800, $0x38;
	[tilespmem:$0x1E500] =	vst v63  }
0x3e: {  	_ =	swait.ge [sflag:s21], $0x2800  }
0x3f: {  	[sflag:s21] =	ssyncset.done $0x0  }
0x40: {  	[sflag:s21] =	ssyncadd.s32 $0xFFFFD800  }
0x41: {  	[spmem:s12] =	stream.linear.scatter [tilespmem:s20], [sflag:$0x3], $0x2800, $0x38;
	[tilespmem:$0x1E500] =	vst v63  }
0x42: {  	_ =	swait.ge [sflag:s21], $0x2800  }
0x43: {  	[sflag:s21] =	ssyncset.done $0x0  }
0x44: {  	[sflag:s21] =	ssyncadd.s32 $0xFFFFD800  }
0x45: {  	[spmem:s13] =	stream.linear.scatter [tilespmem:s20], [sflag:$0x3], $0x2800, $0x38;
	[tilespmem:$0x1E500] =	vst v63  }
0x46: {  	_ =	swait.ge [sflag:s21], $0x2800  }
0x47: {  	[sflag:s21] =	ssyncset.done $0x0  }
0x48: {  	[sflag:s21] =	ssyncadd.s32 $0xFFFFD800  }
0x49: {  	s3 =	simm.s32 $0x0;
	[bflag:$0x0] =	sbarrier.arrive $0xFFFF  }
0x4a: {  	[tilespmem:s20], [sflag:$0x1] =	stream.linear.gather [hbm4b:s14+s3], $0x2800, $0x38;
	[tilespmem:$0x1E500] =	vst v63  }
0x4b: {  	p1 =	sgt.u32 s18, $0x3E7  }
0x4c: {  	[tilespmem:s22], [sflag:$0x1] =	stream.linear.gather [hbm4b:s15+s3], $0x280, $0x38;
	[tilespmem:$0x1E500] =	vst v63  }
0x4d: {  	s5 =	sadd.s32 @!p1 $0x0, s17;
	s0 =	simm.s32 @!p1 $0x0;
	s3 =	simm.s32 @!p1 $0x1B800  }
0x4e: {  	[tilespmem:s3], [sflag:$0x2] =	stream.linear.gather @!p1 [hbm4b:s19+s0], $0x2800, $0x38;
	[tilespmem:$0x1E500] =	vst v63  }
0x4f: {  	s5 =	sadd.s32 @!p1 $0x3B380, s5;
	s6 =	simm.s32 @!p1 $0x1E280  }
0x50: {  	[tilespmem:s6], [sflag:$0x2] =	stream.linear.gather @!p1 [hbm4b:s5+s0], $0x280, $0x38;
	[tilespmem:$0x1E500] =	vst v63  }
0x51: {  	_ =	swait.ge [sflag:s23], $0x2800  }
0x52: {  	[sflag:s23] =	ssyncset.done $0x0  }
0x53: {  	[sflag:s23] =	ssyncadd.s32 $0xFFFFD800  }
0x54: {  	_ =	swait.ge [sflag:s23], $0x280  }
0x55: {  	[sflag:s23] =	ssyncset.done $0x0  }
0x56: {  	[sflag:s23] =	ssyncadd.s32 $0xFFFFFD80  }
0x57: {  	[spmem:s1] =	stream.indirect.scatter.add.f32 [tilespmem:s20], [sflag:$0x4], $0x10, s22, s25, $0xb8;
	[tilespmem:$0x1E500] =	vst v63  }
0x58: {  	_ =	swait.ge [sflag:s26], $0x800  }
0x59: {  	s5 =	rddreg [dreg:$0x3];
	[sflag:s26] =	ssyncset.done $0x0  }
0x5a: {  	s7 =	rddreg [dreg:$0x4];
	[sflag:s26] =	ssyncadd.s32 $0xFFFFF800  }
0x5b: {  	[spmem:s1] =	stream.indirect.scatter.add.f32 [tilespmem:s5], [sflag:$0x4], $0x10, s7, s25, $0xb8;
	[tilespmem:$0x1E500] =	vst v63  }
0x5c: {  	_ =	swait.ge [sflag:s26], $0x800  }
0x5d: {  	s8 =	rddreg [dreg:$0x5];
	[sflag:s26] =	ssyncset.done $0x0  }
0x5e: {  	s9 =	rddreg [dreg:$0x6];
	[sflag:s26] =	ssyncadd.s32 $0xFFFFF800  }
0x5f: {  	[spmem:s1] =	stream.indirect.scatter.add.f32 [tilespmem:s8], [sflag:$0x4], $0x10, s9, s25, $0xb8;
	[tilespmem:$0x1E500] =	vst v63  }
0x60: {  	_ =	swait.ge [sflag:s26], $0x800  }
0x61: {  	s5 =	rddreg [dreg:$0x7];
	[sflag:s26] =	ssyncset.done $0x0  }
0x62: {  	s7 =	rddreg [dreg:$0x8];
	[sflag:s26] =	ssyncadd.s32 $0xFFFFF800  }
0x63: {  	[spmem:s1] =	stream.indirect.scatter.add.f32 [tilespmem:s5], [sflag:$0x4], $0x10, s7, s25, $0xb8;
	[tilespmem:$0x1E500] =	vst v63  }
0x64: {  	_ =	swait.ge [sflag:s26], $0x800  }
0x65: {  	s8 =	rddreg [dreg:$0x9];
	[sflag:s26] =	ssyncset.done $0x0  }
0x66: {  	s7 =	sadd.s32 $0x20, s18;
	s9 =	rddreg [dreg:$0xa];
	[sflag:s26] =	ssyncadd.s32 $0xFFFFF800  }
0x67: {  	[spmem:s1] =	stream.indirect.scatter.add.f32 [tilespmem:s8], [sflag:$0x4], $0x10, s9, s25, $0xb8;
	[tilespmem:$0x1E500] =	vst v63  }
0x68: {  	p0 =	sgt.u32 s7, $0x3E7;
	_ =	swait.ge [sflag:s26], $0x800  }
0x69: {  	s0 =	sadd.s32 @!p0 $0xA000, s19;
	s5 =	sadd.s32 @!p0 $0x0, s17;
	[sflag:s26] =	ssyncset.done $0x0  }
0x6a: {  	s7 =	simm.s32 @!p0 $0x0;
	s8 =	simm.s32 @!p0 $0x19000;
	[sflag:s26] =	ssyncadd.s32 $0xFFFFF800  }
0x6b: {  	[tilespmem:s8], [sflag:$0x1] =	stream.linear.gather @!p0 [hbm4b:s0+s7], $0x2800, $0x38;
	[tilespmem:$0x1E500] =	vst v63  }
0x6c: {  	s0 =	sadd.s32 @!p0 $0x3BD80, s5;
	s5 =	simm.s32 @!p0 $0x1E000  }
0x6d: {  	[tilespmem:s5], [sflag:$0x1] =	stream.linear.gather @!p0 [hbm4b:s0+s7], $0x280, $0x38;
	[tilespmem:$0x1E500] =	vst v63  }
0x6e: {  	p0 =	por p1, p1  }
0x6f: {  	s0 =	simm.s32 @!p0 $0x2  }
0x70: {  	_ =	swait.ge @!p0 [sflag:s0], $0x2800  }
0x71: {  	[sflag:s0] =	ssyncset.done @!p0 $0x0  }
0x72: {  	[sflag:s0] =	ssyncadd.s32 @!p0 $0xFFFFD800  }
0x73: {  	_ =	swait.ge @!p0 [sflag:s0], $0x280  }
0x74: {  	[sflag:s0] =	ssyncset.done @!p0 $0x0  }
0x75: {  	s7 =	simm.s32 @!p0 $0x80;
	s8 =	simm.s32 @!p0 $0x4;
	[sflag:s0] =	ssyncadd.s32 @!p0 $0xFFFFFD80  }
0x76: {  	[spmem:s1] =	stream.indirect.scatter.add.f32 @!p0 [tilespmem:s3], [sflag:$0x4], $0x10, s6, s7, $0xb8;
	[tilespmem:$0x1E500] =	vst v63  }
0x77: {  	_ =	swait.ge @!p0 [sflag:s8], $0x800  }
0x78: {  	[sflag:s8] =	ssyncset.done @!p0 $0x0  }
0x79: {  	s0 =	simm.s32 @!p0 $0x1E300;
	s3 =	simm.s32 @!p0 $0x1C000;
	[sflag:s8] =	ssyncadd.s32 @!p0 $0xFFFFF800  }
0x7a: {  	[spmem:s1] =	stream.indirect.scatter.add.f32 @!p0 [tilespmem:s3], [sflag:$0x4], $0x10, s0, s7, $0xb8;
	[tilespmem:$0x1E500] =	vst v63  }
0x7b: {  	_ =	swait.ge @!p0 [sflag:s8], $0x800  }
0x7c: {  	[sflag:s8] =	ssyncset.done @!p0 $0x0  }
0x7d: {  	s0 =	simm.s32 @!p0 $0x1E380;
	s3 =	simm.s32 @!p0 $0x1C800;
	[sflag:s8] =	ssyncadd.s32 @!p0 $0xFFFFF800  }
0x7e: {  	[spmem:s1] =	stream.indirect.scatter.add.f32 @!p0 [tilespmem:s3], [sflag:$0x4], $0x10, s0, s7, $0xb8;
	[tilespmem:$0x1E500] =	vst v63  }
0x7f: {  	s28 =	simm.s32 $0x1400;
	_ =	swait.ge @!p0 [sflag:s8], $0x800  }
0x80: {  	s29 =	sadd.s32 $0x14000, s19;
	s30 =	smov.u32 s18;
	[sflag:s8] =	ssyncset.done @!p0 $0x0  }
0x81: {  	s0 =	simm.s32 @!p0 $0x1E400;
	s3 =	simm.s32 @!p0 $0x1D000;
	[sflag:s8] =	ssyncadd.s32 @!p0 $0xFFFFF800  }
0x82: {  	[spmem:s1] =	stream.indirect.scatter.add.f32 @!p0 [tilespmem:s3], [sflag:$0x4], $0x10, s0, s7, $0xb8;
	[tilespmem:$0x1E500] =	vst v63  }
0x83: {  	s31 =	simm.s32 @!p1 $0x1E480;
	s0 =	simm.s32 @!p1 $0x1D800;
	_ =	swait.ge @!p0 [sflag:s8], $0x800  }
.LBB2_4:
0x84: {  	[sflag:s8] =	ssyncset.done @!p0 $0x0  }
0x85: {  	s30 =	sadd.s32 $0x40, s30;
	s5 =	simm.s32 @!p0 $0x3;
	[sflag:s8] =	ssyncadd.s32 @!p0 $0xFFFFF800  }
0x86: {  	[spmem:s1] =	stream.indirect.scatter.add.f32 @!p0 [tilespmem:s0], [sflag:$0x3], $0x10, s31, s7, $0xb8;
	[tilespmem:$0x1E500] =	vst v63  }
0x87: {  	p2 =	sgt.u32 s30, $0x3E7;
	_ =	swait.ge @!p0 [sflag:s5], $0x800  }
0x88: {  	s6 =	smov.u32 s28;
	s7 =	simm.s32 @!p2 $0x0;
	[sflag:s5] =	ssyncset.done @!p0 $0x0  }
0x89: {  	s3 =	simm.s32 @!p2 $0x1B800;
	s0 =	sadd.s32 @!p2 s6, s17;
	[sflag:s5] =	ssyncadd.s32 @!p0 $0xFFFFF800  }
0x8a: {  	[tilespmem:s3], [sflag:$0x2] =	stream.linear.gather @!p2 [hbm4b:s29+s7], $0x2800, $0x38;
	[tilespmem:$0x1E500] =	vst v63  }
0x8b: {  	s8 =	sadd.s32 @!p2 $0x3B380, s0;
	s5 =	simm.s32 @!p2 $0x1E280  }
0x8c: {  	[tilespmem:s5], [sflag:$0x2] =	stream.linear.gather @!p2 [hbm4b:s8+s7], $0x280, $0x38;
	[tilespmem:$0x1E500] =	vst v63  }
0x8d: {  	_ =	swait.ge [sflag:s23], $0x2800  }
0x8e: {  	[sflag:s23] =	ssyncset.done $0x0  }
0x8f: {  	[sflag:s23] =	ssyncadd.s32 $0xFFFFD800  }
0x90: {  	_ =	swait.ge [sflag:s23], $0x280  }
0x91: {  	[sflag:s23] =	ssyncset.done $0x0  }
0x92: {  	[sflag:s23] =	ssyncadd.s32 $0xFFFFFD80  }
0x93: {  	[spmem:s1] =	stream.indirect.scatter.add.f32 [tilespmem:s20], [sflag:$0x4], $0x10, s22, s25, $0xb8;
	[tilespmem:$0x1E500] =	vst v63  }
0x94: {  	_ =	swait.ge [sflag:s26], $0x800  }
0x95: {  	s8 =	rddreg [dreg:$0x3];
	[sflag:s26] =	ssyncset.done $0x0  }
0x96: {  	s9 =	rddreg [dreg:$0x4];
	[sflag:s26] =	ssyncadd.s32 $0xFFFFF800  }
0x97: {  	[spmem:s1] =	stream.indirect.scatter.add.f32 [tilespmem:s8], [sflag:$0x4], $0x10, s9, s25, $0xb8;
	[tilespmem:$0x1E500] =	vst v63  }
0x98: {  	_ =	swait.ge [sflag:s26], $0x800  }
0x99: {  	s8 =	rddreg [dreg:$0x5];
	[sflag:s26] =	ssyncset.done $0x0  }
0x9a: {  	s9 =	rddreg [dreg:$0x6];
	[sflag:s26] =	ssyncadd.s32 $0xFFFFF800  }
0x9b: {  	[spmem:s1] =	stream.indirect.scatter.add.f32 [tilespmem:s8], [sflag:$0x4], $0x10, s9, s25, $0xb8;
	[tilespmem:$0x1E500] =	vst v63  }
0x9c: {  	_ =	swait.ge [sflag:s26], $0x800  }
0x9d: {  	s8 =	rddreg [dreg:$0x7];
	[sflag:s26] =	ssyncset.done $0x0  }
0x9e: {  	s9 =	rddreg [dreg:$0x8];
	[sflag:s26] =	ssyncadd.s32 $0xFFFFF800  }
0x9f: {  	[spmem:s1] =	stream.indirect.scatter.add.f32 [tilespmem:s8], [sflag:$0x4], $0x10, s9, s25, $0xb8;
	[tilespmem:$0x1E500] =	vst v63  }
0xa0: {  	s31 =	simm.s32 @!p2 $0x1E480;
	_ =	swait.ge [sflag:s26], $0x800  }
0xa1: {  	s0 =	simm.s32 @!p2 $0x1D800;
	s7 =	rddreg [dreg:$0x9];
	[sflag:s26] =	ssyncset.done $0x0  }
0xa2: {  	s9 =	sadd.s32 $0x20, s30;
	s8 =	rddreg [dreg:$0xa];
	[sflag:s26] =	ssyncadd.s32 $0xFFFFF800  }
0xa3: {  	[spmem:s1] =	stream.indirect.scatter.add.f32 [tilespmem:s7], [sflag:$0x4], $0x10, s8, s25, $0xb8;
	[tilespmem:$0x1E500] =	vst v63  }
0xa4: {  	p0 =	por p2, p2;
	p2 =	sgt.u32 s9, $0x3E7;
	_ =	swait.ge [sflag:s26], $0x800  }
0xa5: {  	s6 =	sadd.s32 @!p2 s6, s17;
	s9 =	simm.s32 @!p2 $0x19000;
	[sflag:s26] =	ssyncset.done $0x0  }
0xa6: {  	s7 =	sadd.s32 @!p2 $0xA000, s29;
	s8 =	simm.s32 @!p2 $0x0;
	[sflag:s26] =	ssyncadd.s32 $0xFFFFF800  }
0xa7: {  	[tilespmem:s9], [sflag:$0x1] =	stream.linear.gather @!p2 [hbm4b:s7+s8], $0x2800, $0x38;
	[tilespmem:$0x1E500] =	vst v63  }
0xa8: {  	s6 =	sadd.s32 @!p2 $0x3BD80, s6;
	s7 =	simm.s32 @!p2 $0x1E000;
	s9 =	simm.s32 @!p0 $0x2  }
0xa9: {  	[tilespmem:s7], [sflag:$0x1] =	stream.linear.gather @!p2 [hbm4b:s6+s8], $0x280, $0x38;
	[tilespmem:$0x1E500] =	vst v63  }
0xaa: {  	_ =	swait.ge @!p0 [sflag:s9], $0x2800  }
0xab: {  	[sflag:s9] =	ssyncset.done @!p0 $0x0  }
0xac: {  	[sflag:s9] =	ssyncadd.s32 @!p0 $0xFFFFD800  }
0xad: {  	_ =	swait.ge @!p0 [sflag:s9], $0x280  }
0xae: {  	[sflag:s9] =	ssyncset.done @!p0 $0x0  }
0xaf: {  	s7 =	simm.s32 @!p0 $0x80;
	s8 =	simm.s32 @!p0 $0x4;
	[sflag:s9] =	ssyncadd.s32 @!p0 $0xFFFFFD80  }
0xb0: {  	[spmem:s1] =	stream.indirect.scatter.add.f32 @!p0 [tilespmem:s3], [sflag:$0x4], $0x10, s5, s7, $0xb8;
	[tilespmem:$0x1E500] =	vst v63  }
0xb1: {  	_ =	swait.ge @!p0 [sflag:s8], $0x800  }
0xb2: {  	[sflag:s8] =	ssyncset.done @!p0 $0x0  }
0xb3: {  	s3 =	simm.s32 @!p0 $0x1E300;
	s5 =	simm.s32 @!p0 $0x1C000;
	[sflag:s8] =	ssyncadd.s32 @!p0 $0xFFFFF800  }
0xb4: {  	[spmem:s1] =	stream.indirect.scatter.add.f32 @!p0 [tilespmem:s5], [sflag:$0x4], $0x10, s3, s7, $0xb8;
	[tilespmem:$0x1E500] =	vst v63  }
0xb5: {  	s28 =	sadd.s32 $0x1400, s28;
	_ =	swait.ge @!p0 [sflag:s8], $0x800  }
0xb6: {  	p1 =	sne.s32 s28, $0x14000;
	[sflag:s8] =	ssyncset.done @!p0 $0x0  }
0xb7: {  	s3 =	simm.s32 @!p0 $0x1E380;
	s5 =	simm.s32 @!p0 $0x1C800;
	[sflag:s8] =	ssyncadd.s32 @!p0 $0xFFFFF800  }
0xb8: {  	[spmem:s1] =	stream.indirect.scatter.add.f32 @!p0 [tilespmem:s5], [sflag:$0x4], $0x10, s3, s7, $0xb8;
	[tilespmem:$0x1E500] =	vst v63  }
.Ltmp1:
0xb9: {  	_ =	swait.ge @!p0 [sflag:s8], $0x800;
	(pc) =	sbr.rel @p1 .LBB2_4-.Ltmp1, $4  }
0xba: {  	[sflag:s8] =	ssyncset.done @!p0 $0x0  }
0xbb: {  	s3 =	simm.s32 @!p0 $0x1E400;
	s5 =	simm.s32 @!p0 $0x1D000;
	[sflag:s8] =	ssyncadd.s32 @!p0 $0xFFFFF800  }
0xbc: {  	[spmem:s1] =	stream.indirect.scatter.add.f32 @!p0 [tilespmem:s5], [sflag:$0x4], $0x10, s3, s7, $0xb8;
	[tilespmem:$0x1E500] =	vst v63  }
0xbd: {  	s29 =	sadd.s32 $0x14000, s29;
	_ =	swait.ge @!p0 [sflag:s8], $0x800  }
0xbe: {  	[sflag:s8] =	ssyncset.done @!p0 $0x0  }
0xbf: {  	s3 =	simm.s32 @!p0 $0x3;
	[sflag:s8] =	ssyncadd.s32 @!p0 $0xFFFFF800  }
0xc0: {  	[spmem:s1] =	stream.indirect.scatter.add.f32 @!p0 [tilespmem:s0], [sflag:$0x3], $0x10, s31, s7, $0xb8;
	[tilespmem:$0x1E500] =	vst v63  }
0xc1: {  	s30 =	stileid.u32;
	_ =	swait.ge @!p0 [sflag:s3], $0x800  }
0xc2: {  	s2 =	sadd.s32 $0x1, s2;
	s0 =	sshll.u32 s30, $0x6;
	[sflag:s3] =	ssyncset.done @!p0 $0x0  }
0xc3: {  	s31 =	sshrl.u32 s4, $0x3;
	[sflag:s3] =	ssyncadd.s32 @!p0 $0xFFFFF800;
	p0 =	sne.s32 s2, s16  }
.Ltmp2:
0xc4: {  	s0 =	sor.u32 $0x1C03, s0;
	[bflag:$0x0] =	sbarrier.arrive $0xFFFF;
	(pc) =	sbr.rel @p0 .LBB2_1-.Ltmp2, $4  }
0xc5: {  	[hbm:s24], [sflag:s0] =	dma.local [spmem:s31], $0x3200  }
0xc6: {  	_ =	swait.ge [sflag:s21], $0x3200  }
0xc7: {  	[sflag:s21] =	ssyncset.done $0x0  }
0xc8: {  	[sflag:s21] =	ssyncadd.s32 $0xFFFFCE00  }
0xc9: {  	_ =	sfence.sel $0x180000  }
0xca: {  	[bflag:$0x0] =	sbarrier.arrive $0xFFFF  }
0xcb: {  	_ =	strace $0x9000004D  }
0xcc: {  	s0 =	stileid.u32;
	[bflag:$0x2] =	sbarrier.arrive $0xFFFF  }
0xcd: {  	p0 =	sne.s32 s0, $0x0;
	s0 =	rddreg [dreg:$0x2]  }
0xce: {  	s0 =	sadd.s32 @!p0 $0x100000, s0  }
0xcf: {  	[sflag:s0] =	ssyncadd.tile.s32 @!p0 $0x1;
	_ =	shalt  }
.Lfunc_end2:
_tile_overlayer_lowered:
.L_overlay_start_2:
0xd0: {  	(tag) =	ssettag $0x2  }
0xd1: {  	s0 =	rddreg [dreg:$0x0];
	s2 =	stileid.u32  }
0xd2: {  	s1 =	rddreg [dreg:$0x1];
	p0 =	sne.s32 s2, $0x0  }
0xd3: {  	s3 =	rddreg [dreg:$0x2];
	[bflag:$0x3] =	sbarrier.arrive $0xFFFF;
	s2 =	simm.s32 @!p0 $0x1C03  }
0xd4: {  	[timem:s3], [sflag:s2] =	dma.local @!p0 [hbm:s0], s1  }
0xd5: {  	s0 =	simm.s32 @!p0 $0x3  }
0xd6: {  	_ =	swait.ge @!p0 [sflag:s0], s1  }
0xd7: {  	s1 =	ssub.s32 @!p0 $0x0, s1;
	[sflag:s0] =	ssyncset.done @!p0 $0x0  }
0xd8: {  	[sflag:s0] =	ssyncadd.s32 @!p0 s1  }
0xd9: {  	[bflag:$0x3] =	sbarrier.arrive $0xFFFF  }
0xda: {  	_ =	shalt  }

// kernel: kernel.26.cloned.1.call-start
scs
__scs_entry_jumppad:
0x0: {  	(pc) =	sbr.rel $0x88, $3  }
0x1: {  	(tag) =	ssettag $0x0;
	lr =	simm.s32 $0x1  }
0x2: {  	[smem:$0x3F97] =	sst lr;
	_ =	strace $0xD0000000  }
0x3: {  	_ = 	snop  }
0x4: {  	_ = 	snop  }
0x5: {  	_ = 	snop  }
0x6: {  	_ = 	snop  }
0x7: {  	_ = 	snop  }
__scs_overlays_trampoline_lowered:
0x8: {  	[smem:$0x3FA6] =	sst s0  }
0x9: {  	[smem:$0x3FA7] =	sst s1  }
0xa: {  	[smem:$0x3FA8] =	sst s2  }
0xb: {  	[smem:$0x3FA9] =	sst s3  }
0xc: {  	[smem:$0x3FAA] =	sst s4  }
0xd: {  	[smem:$0x3FAB] =	sst s5  }
0xe: {  	[smem:$0x3FAC] =	sst s6  }
0xf: {  	[smem:$0x3FAD] =	sst s7  }
0x10: {  	[smem:$0x3FAE] =	sst s8  }
0x11: {  	[smem:$0x3FAF] =	sst s9;
	s0 =	simm.s32 @!p0 $0x0  }
0x12: {  	s1 =	sld [smem:$0x3F95];
	s0 =	simm.s32 @p0 $0x1  }
0x13: {  	[smem:$0x3FB0] =	sst s0;
	s0 =	simm.s32 @!p1 $0x0  }
0x14: {  	s2 =	sld [smem:$0x3F94];
	s0 =	simm.s32 @p1 $0x1  }
0x15: {  	[smem:$0x3FB1] =	sst s0;
	s0 =	simm.s32 @!p2 $0x0  }
0x16: {  	s3 =	sld [smem:$0x3FDB];
	s0 =	simm.s32 @p2 $0x1  }
0x17: {  	s4 =	simm.s32 $0x1BF5;
	[smem:$0x3FB3] =	sst s0  }
0x18: {  	s0 =	sld [smem:$0x3F96];
	_ =	swait.ge [sflag:s4], $0x0  }
0x19: {  	s7 =	sld [smem:$0x3F97]  }
0x1a: {  	s8 =	sadd.s32 $0xFFFFE003, lr  }
0x1b: {  	s9 =	sadd.s32 $0xFFFFFEF7, lr;
	s5 =	simm.s32 $0xFFFFFFFF;
	p2 =	slt.u32 s8, $0xFFFFF086  }
0x1c: {  	p1 =	slt.u32 s9, $0xF7A;
	s5 =	simm.s32 @!p2 $0x0  }
0x1d: {  	s5 =	simm.s32 @p1 $0x1;
	p0 =	seq.s32 s7, s2  }
0x1e: {  	s7 =	smul.u32 @!p0 $0xF7A, s2;
	p2 =	seq.s32 @!p0 s5, $0x0  }
0x1f: {  	s9 =	smul.u32 $0xF7A, s1;
	s8 =	simm.s32 @!p0 $0x1BF5;
	p2 =	por !p2, p0  }
0x20: {  	[sflag:s8] =	ssyncset.s32 @!p0 $0xFFFFF086;
	s6 =	sadd.s32 @!p0 s3, s7;
	s7 =	simm.s32 @!p0 $0x108  }
0x21: {  	s3 =	sadd.s32 s3, s9;
	s6 =	sadd.s32 @!p0 $0x88, s6;
	s7 =	simm.s32 @p2 $0x1082  }
0x22: {  	[simem:s7], [sflag:s8] =	dma.local @!p0 [hbm:s6], $0xF7A  }
0x23: {  	s9 =	sor.u32 $0xD0000000, s2;
	s6 =	simm.s32 $0x108;
	_ =	swait.ge @!p0 [sflag:s8], $0x0  }
0x24: {  	s3 =	sadd.s32 $0x88, s3;
	s6 =	simm.s32 @!p1 $0x1082;
	[sflag:s4] =	ssyncset.s32 $0xFFFFF086  }
0x25: {  	[simem:s6], [sflag:s4] =	dma.local [hbm:s3], $0xF7A  }
0x26: {  	[smem:$0x3F97] =	sst s1;
	(tag) =	ssettag s2;
	_ =	strace s9  }
0x27: {  	s1 =	sld [smem:$0x3FA7]  }
0x28: {  	s2 =	sld [smem:$0x3FA8]  }
0x29: {  	s4 =	sld [smem:$0x3FAA]  }
0x2a: {  	p0 =	seq.s32 s5, $0x0;
	s5 =	sld [smem:$0x3FAB]  }
0x2b: {  	s6 =	sld [smem:$0x3FAC]  }
0x2c: {  	s7 =	sld [smem:$0x3FAD]  }
0x2d: {  	s3 =	simm.s32 $0x108;
	s8 =	sld [smem:$0x3FAE]  }
0x2e: {  	s3 =	simm.s32 @!p0 $0x1082;
	s9 =	sld [smem:$0x3FAF]  }
0x2f: {  	lr =	sadd.s32 s0, s3;
	s0 =	sld [smem:$0x3FA6]  }
0x30: {  	s3 =	sld [smem:$0x3FA9]  }
0x31: {  	[smem:$0x3FB2] =	sst s10  }
0x32: {  	s10 =	sld [smem:$0x3FB0];
	_ =	sdelay $0x3  }
0x33: {  	p0 =	seq.s32 s10, $0x1;
	s10 =	sld [smem:$0x3FB2];
	_ =	sdelay $0x3  }
0x34: {  	[smem:$0x3FB2] =	sst s10  }
0x35: {  	s10 =	sld [smem:$0x3FB1];
	_ =	sdelay $0x3  }
0x36: {  	p1 =	seq.s32 s10, $0x1;
	s10 =	sld [smem:$0x3FB2];
	_ =	sdelay $0x3  }
0x37: {  	[smem:$0x3FB2] =	sst s10  }
0x38: {  	s10 =	sld [smem:$0x3FB3]  }
0x39: {  	_ = 	snop;
	(pc) =	sbr.ind lr, $3  }
0x3a: {  	_ = 	snop  }
0x3b: {  	_ = 	snop  }
0x3c: {  	p2 =	seq.s32 s10, $0x1;
	s10 =	sld [smem:$0x3FB2]  }
0x3d: {  	_ =	shalt  }
0x3e: {  	_ =	shalt  }
0x3f: {  	_ =	shalt  }
0x40: {  	_ =	shalt  }
0x41: {  	_ =	shalt  }
0x42: {  	_ =	shalt  }
0x43: {  	_ =	shalt  }
0x44: {  	_ =	shalt  }
0x45: {  	_ =	shalt  }
0x46: {  	_ =	shalt  }
0x47: {  	_ =	shalt  }
0x48: {  	_ =	shalt  }
0x49: {  	_ =	shalt  }
0x4a: {  	_ =	shalt  }
0x4b: {  	_ =	shalt  }
0x4c: {  	_ =	shalt  }
0x4d: {  	_ =	shalt  }
0x4e: {  	_ =	shalt  }
0x4f: {  	_ =	shalt  }
0x50: {  	_ =	shalt  }
0x51: {  	_ =	shalt  }
0x52: {  	_ =	shalt  }
0x53: {  	_ =	shalt  }
0x54: {  	_ =	shalt  }
0x55: {  	_ =	shalt  }
0x56: {  	_ =	shalt  }
0x57: {  	_ =	shalt  }
0x58: {  	_ =	shalt  }
0x59: {  	_ =	shalt  }
0x5a: {  	_ =	shalt  }
0x5b: {  	_ =	shalt  }
0x5c: {  	_ =	shalt  }
0x5d: {  	_ =	shalt  }
0x5e: {  	_ =	shalt  }
0x5f: {  	_ =	shalt  }
0x60: {  	_ =	shalt  }
0x61: {  	_ =	shalt  }
0x62: {  	_ =	shalt  }
0x63: {  	_ =	shalt  }
0x64: {  	_ =	shalt  }
0x65: {  	_ =	shalt  }
0x66: {  	_ =	shalt  }
0x67: {  	_ =	shalt  }
0x68: {  	_ =	shalt  }
0x69: {  	_ =	shalt  }
0x6a: {  	_ =	shalt  }
0x6b: {  	_ =	shalt  }
0x6c: {  	_ =	shalt  }
0x6d: {  	_ =	shalt  }
0x6e: {  	_ =	shalt  }
0x6f: {  	_ =	shalt  }
0x70: {  	_ =	shalt  }
0x71: {  	_ =	shalt  }
0x72: {  	_ =	shalt  }
0x73: {  	_ =	shalt  }
0x74: {  	_ =	shalt  }
0x75: {  	_ =	shalt  }
0x76: {  	_ =	shalt  }
0x77: {  	_ =	shalt  }
0x78: {  	_ =	shalt  }
0x79: {  	_ =	shalt  }
0x7a: {  	_ =	shalt  }
0x7b: {  	_ =	shalt  }
0x7c: {  	_ =	shalt  }
0x7d: {  	_ =	shalt  }
0x7e: {  	_ =	shalt  }
0x7f: {  	_ =	shalt  }
0x80: {  	_ =	shalt  }
0x81: {  	_ =	shalt  }
0x82: {  	_ =	shalt  }
0x83: {  	_ =	shalt  }
0x84: {  	_ =	shalt  }
0x85: {  	_ =	shalt  }
0x86: {  	_ =	shalt  }
0x87: {  	_ =	shalt  }
.Lfunc_end0:
.L_simem_size_0:
called_computation.4_lowered:
.L_overlay_start_0:
0x88: {  	s2 =	sld [smem:$0x3FD9]  }
0x89: {  	s3 =	sld [smem:$0x3FFE];
	_ =	sdelay $0x1  }
0x8a: {  	s1 =	srdreg.scid  }
0x8b: {  	s0 =	sand.u32 $0x1, s1  }
0x8c: {  	s17 =	sshll.u32 s0, $0xA;
	s2 =	sadd.s32 s3, s2  }
0x8d: {  	s2 =	sadd.s32 s2, s17  }
0x8e: {  	[smem:$0x3FBE] =	sst s2  }
0x8f: {  	_ = 	snop  }
0x90: {  	(tm) =	ssettm $0x1  }
0x91: {  	s18 =	sld [smem:$0x3FFB];
	_ =	sdelay $0x3  }
0x92: {  	_ =	strace s18  }
0x93: {  	s2 =	sld [smem:$0x3FFC];
	_ =	sdelay $0x3  }
0x94: {  	_ =	strace s2  }
0x95: {  	s2 =	sld [smem:$0x3FFD];
	_ =	sdelay $0x3  }
0x96: {  	_ =	strace s2  }
0x97: {  	_ =	strace $0x8FFFFFFF  }
0x98: {  	s19 =	sld [smem:$0x3FDB];
	_ =	sdelay $0x1  }
0x99: {  	s20 =	simm.s32 $_scs_section_size  }
0x9a: {  	s4 =	simm.s32 $_size__tile_overlayer_lowered;
	s5 =	simm.s32 $_tile_overlayer_lowered  }
0x9b: {  	s6 =	simm.s32 $0x1BFF;
	s21 =	sshll.u32 s5, $0x1;
	s3 =	sadd.s32 s20, s19  }
0x9c: {  	s22 =	simm.s32 $0x0;
	s4 =	sshll.u32 s4, $0x1;
	s5 =	sadd.s32 s21, s3  }
0x9d: {  	[timem:s22], [sflag:s6] =	dma.local [hbm:s5], s4  }
0x9e: {  	_ =	swait.ge [sflag:s6], s4  }
0x9f: {  	s4 =	ssub.s32 $0x0, s4;
	[sflag:s6] =	ssyncset.done $0x0  }
0xa0: {  	[sflag:s6] =	ssyncadd.s32 s4;
	_ =	sdelay $0x1  }
0xa1: {  	s23 =	simm.s32 $0x1B8B  }
0xa2: {  	_ =	swait.ge [sflag:s23], $0x1  }
0xa3: {  	[sflag:s23] =	ssyncset.done $0x0  }
0xa4: {  	[sflag:s23] =	ssyncadd.s32 $0xFFFFFFFF  }
0xa5: {  	s4 =	sld [smem:$0x0]  }
0xa6: {  	s5 =	sand.u32 $0xFFFFFFFE, s1  }
0xa7: {  	p0 =	sne.s32 s1, s5  }
0xa8: {  	s5 =	sshll.u32 @p0 s5, $0xE  }
0xa9: {  	s5 =	sadd.s32 @p0 $0x11B8D, s5;
	s6 =	sshll.u32 @p0 s4, $0x11  }
0xaa: {  	s5 =	sor.u32 @p0 s6, s5  }
0xab: {  	[sflag:s5] =	ssyncadd.remote.s32 @p0 $0x1;
	_ =	sdelay $0x1  }
0xac: {  	s5 =	simm.s32 @p0 $0x1B8D  }
0xad: {  	_ =	swait.eq @p0 [sflag:s5], $0x1  }
0xae: {  	[sflag:s5] =	ssyncadd.s32 @p0 $0xFFFFFFFF  }
0xaf: {  	s6 =	sshll.u32 @!p0 s1, $0xE  }
0xb0: {  	s6 =	sor.u32 @!p0 $0x4000, s6;
	s5 =	simm.s32 @!p0 $0x1B8D  }
0xb1: {  	s4 =	sshll.u32 @!p0 s4, $0x11;
	s6 =	sadd.s32 @!p0 $0x11B8D, s6;
	_ =	swait.eq @!p0 [sflag:s5], $0x1  }
0xb2: {  	s4 =	sor.u32 @!p0 s4, s6;
	[sflag:s5] =	ssyncadd.s32 @!p0 $0xFFFFFFFF  }
0xb3: {  	s25 =	simm.s32 $0x1B8E;
	s24 =	sld [smem:$0x3FFE];
	[sflag:s4] =	ssyncadd.remote.s32 @!p0 $0x1  }
0xb4: {  	s26 =	simm.s32 $execute0_lowered;
	[smem:$0x3FD2] =	sst s25  }
0xb5: {  	s5 =	sshll.u32 s26, $0x1;
	_ =	strace $0x8000004F;
	[dreg:$0x1] =	wrdreg $0xFFFFFFFF  }
0xb6: {  	s28 =	simm.s32 $_size_execute0_lowered;
	s3 =	sadd.s32 s3, s5;
	[dreg:$0x0] =	wrdreg $0x0  }
0xb7: {  	s5 =	sshll.u32 s28, $0x1;
	[dreg:$0x2] =	wrdreg s3  }
0xb8: {  	[dreg:$0x3] =	wrdreg s5  }
0xb9: {  	[dreg:$0x4] =	wrdreg $0xC0  }
0xba: {  	_ =	task [dreg:s22], $0x5FFFF  }
0xbb: {  	[dreg:$0x1] =	wrdreg $0xFFFFFFFF  }
0xbc: {  	[dreg:$0x0] =	wrdreg $0x60  }
0xbd: {  	[dreg:$0x2] =	wrdreg s24  }
0xbe: {  	[dreg:$0x3] =	wrdreg $0x0  }
0xbf: {  	[dreg:$0x4] =	wrdreg $0xD  }
0xc0: {  	_ =	task.clear_ibuf [dreg:s22], $0x5FFFF;
	_ =	strace $0x9000004F  }
0xc1: {  	s29 =	simm.s32 $0xD;
	_ =	strace $0x80000051  }
0xc2: {  	_ =	swait.ge [sflag:s29], $0x1  }
0xc3: {  	[sflag:s29] =	ssyncadd.s32 $0xFFFFFFFF  }
0xc4: {  	_ =	strace $0x90000051  }
0xc5: {  	_ =	sfence  }
0xc6: {  	s30 =	sld [smem:$0x0];
	_ =	sdelay $0x2  }
0xc7: {  	s31 =	sshll.u32 s1, $0xD;
	s1 =	sshrl.u32 s1, $0x2  }
0xc8: {  	s4 =	sand.u32 $0x4000, s31;
	s1 =	sadd.s32 s1, s30  }
0xc9: {  	s0 =	sor.u32 s4, s0;
	s1 =	sshll.u32 s1, $0x11  }
0xca: {  	s0 =	sor.u32 s1, s0  }
0xcb: {  	s0 =	sadd.s32 $0x8F2B, s0  }
0xcc: {  	[sflag:s0] =	ssyncadd.remote.s32 $0x1  }
0xcd: {  	_ =	sfence.sel $0xFFFF  }
0xce: {  	[dreg:$0x0] =	wrdreg $0xFFFFFFFF;
	(pc) =	sbr.abs _section_cstart, $3  }
0xcf: {  	[dreg:$0x1] =	wrdreg $0xFFFFFFFF  }
0xd0: {  	_ =	task.clear_ibuf [dreg:s22], $0x2FFFF;
	_ =	strace $0x9FFFFFFF  }
0xd1: {  	(tm) =	ssettm $0x7FFFFFFF  }
tec
execute0_lowered:
.L_overlay_start_1:
0x0: {  	(tag) =	ssettag $0x1  }
0x1: {  	s0 =	rddreg [dreg:$0x0];
	s19 =	stileid.u32  }
0x2: {  	s1 =	rddreg [dreg:$0x1];
	s2 =	simm.s32 $0x0;
	s7 =	smul.u32 $0x64000, s19  }
0x3: {  	s3 =	srdreg.scid;
	s21 =	simm.s32 $0x1E080;
	s16 =	smul.u32 $0x19000, s19  }
0x4: {  	s23 =	simm.s32 $0x19800;
	[smem:$0x7FF] =	sst s2;
	s17 =	smul.u32 $0xA0, s19  }
0x5: {  	s3 =	sand.u32 $0x1, s3;
	s5 =	sadd.s32 $0x53DC00, s0;
	s22 =	smul.u32 $0xA00, s19  }
0x6: {  	s8 =	sadd.s32 $0x6800, s0;
	s9 =	sshll.u32 s19, $0x1;
	s4 =	smul.u32 $0x32000, s3  }
0x7: {  	_ =	strace $0x80000050;
	s18 =	sor.u32 s3, s9;
	s9 =	smul.u32 $0x50, s3  }
0x8: {  	s6 =	ssub.s32 $0x2, s3;
	[dreg:$0x4] =	wrdreg s21;
	s3 =	smul.u32 $0x500, s3  }
0x9: {  	[dreg:$0x3] =	wrdreg s23;
	s21 =	simm.s32 $0x3;
	s23 =	simm.s32 $0x1  }
0xa: {  	s24 =	sshrl.u32 s6, $0x1;
	s7 =	sshrl.u32 s7, $0x2;
	s14 =	smul.u32 $0x500, s18  }
0xb: {  	s15 =	smul.u32 $0x50, s18;
	s20 =	sadd.s32 s17, s8;
	s18 =	sor.u32 $0x20, s18  }
0xc: {  	s0 =	sadd.s32 s4, s0;
	s6 =	ssub.s32 s6, s24;
	s7 =	sadd.s32 s7, s1  }
0xd: {  	s4 =	sadd.s32 s16, s1;
	s24 =	sshrl.u32 s16, $0x3;
	s17 =	sadd.s32 s9, s20  }
0xe: {  	s20 =	simm.s32 $0x19000;
	s25 =	sadd.s32 $0x2800, s7;
	s26 =	sadd.s32 $0x5000, s7  }
0xf: {  	s28 =	sadd.s32 $0x7800, s7;
	s29 =	sadd.s32 $0xA000, s7;
	s30 =	sadd.s32 $0xC800, s7  }
0x10: {  	s10 =	sadd.s32 $0xF000, s7;
	s11 =	sadd.s32 $0x11800, s7;
	[dreg:$0xb] =	wrdreg s25  }
0x11: {  	s12 =	sadd.s32 $0x14000, s7;
	s13 =	sadd.s32 $0x16800, s7;
	[dreg:$0xc] =	wrdreg s26  }
0x12: {  	s14 =	sadd.s32 s5, s14;
	s31 =	sadd.s32 s8, s15;
	[dreg:$0xd] =	wrdreg s28  }
0x13: {  	s0 =	sadd.s32 $0x676400, s0;
	s16 =	smax.u32 s6, $0x1;
	[dreg:$0xe] =	wrdreg s29  }
0x14: {  	s5 =	sadd.s32 s22, s5;
	[dreg:$0xf] =	wrdreg s30;
	s25 =	simm.s32 $0x1E100  }
0x15: {  	s22 =	simm.s32 $0x1E000;
	s26 =	simm.s32 $0x1A000;
	[dreg:$0x6] =	wrdreg s25  }
0x16: {  	s15 =	sadd.s32 $0x4E200, s31;
	s28 =	simm.s32 $0x1E180;
	[dreg:$0x5] =	wrdreg s26  }
0x17: {  	s3 =	sadd.s32 s3, s5;
	s29 =	simm.s32 $0x1A800;
	[dreg:$0x8] =	wrdreg s28  }
0x18: {  	s30 =	simm.s32 $0x1E200;
	s31 =	simm.s32 $0x1B000;
	[dreg:$0x7] =	wrdreg s29  }
0x19: {  	s24 =	sadd.s32 s24, s0;
	s19 =	sadd.s32 $0xA000, s3;
	[dreg:$0xa] =	wrdreg s30  }
0x1a: {  	v0 =	vimm.f32 $0.0e+00;
	[dreg:$0x9] =	wrdreg s31;
	s25 =	simm.s32 $0x80;
	s26 =	simm.s32 $0x4  }
.LBB2_1:
0x1b: {  	s0 =	simm.s32 $0x40;
	s3 =	simm.s32 $0x0  }
.LBB2_2:
0x1c: {  	p0 =	sne.s32 s0, $0x9FC0;
	[tilespmem:s3+$0x19000] =	vst v0;
	s3 =	smov.u32 s0;
	s0 =	sadd.s32 $0x40, s0  }
.Ltmp0:
0x1d: {  	(pc) =	sbr.rel @p0 .LBB2_2-.Ltmp0, $2  }
0x1e: {  	_ =	sdelay $0x2  }
0x1f: {  	s3 =	sshra.s32 s3, $0x2  }
0x20: {  	[tilespmem:s3+$0x19000] =	vst v0  }
0x21: {  	[spmem:s4] =	stream.linear.scatter [tilespmem:s20], [sflag:$0x3], $0x2800, $0x38;
	[tilespmem:$0x1E500] =	vst v63  }
0x22: {  	_ =	swait.ge [sflag:s21], $0x2800  }
0x23: {  	[sflag:s21] =	ssyncset.done $0x0  }
0x24: {  	s0 =	rddreg [dreg:$0xb];
	[sflag:s21] =	ssyncadd.s32 $0xFFFFD800  }
0x25: {  	[spmem:s0] =	stream.linear.scatter [tilespmem:s20], [sflag:$0x3], $0x2800, $0x38;
	[tilespmem:$0x1E500] =	vst v63  }
0x26: {  	_ =	swait.ge [sflag:s21], $0x2800  }
0x27: {  	[sflag:s21] =	ssyncset.done $0x0  }
0x28: {  	s6 =	rddreg [dreg:$0xc];
	[sflag:s21] =	ssyncadd.s32 $0xFFFFD800  }
0x29: {  	[spmem:s6] =	stream.linear.scatter [tilespmem:s20], [sflag:$0x3], $0x2800, $0x38;
	[tilespmem:$0x1E500] =	vst v63  }
0x2a: {  	_ =	swait.ge [sflag:s21], $0x2800  }
0x2b: {  	[sflag:s21] =	ssyncset.done $0x0  }
0x2c: {  	s7 =	rddreg [dreg:$0xd];
	[sflag:s21] =	ssyncadd.s32 $0xFFFFD800  }
0x2d: {  	[spmem:s7] =	stream.linear.scatter [tilespmem:s20], [sflag:$0x3], $0x2800, $0x38;
	[tilespmem:$0x1E500] =	vst v63  }
0x2e: {  	_ =	swait.ge [sflag:s21], $0x2800  }
0x2f: {  	[sflag:s21] =	ssyncset.done $0x0  }
0x30: {  	s8 =	rddreg [dreg:$0xe];
	[sflag:s21] =	ssyncadd.s32 $0xFFFFD800  }
0x31: {  	[spmem:s8] =	stream.linear.scatter [tilespmem:s20], [sflag:$0x3], $0x2800, $0x38;
	[tilespmem:$0x1E500] =	vst v63  }
0x32: {  	_ =	swait.ge [sflag:s21], $0x2800  }
0x33: {  	[sflag:s21] =	ssyncset.done $0x0  }
0x34: {  	s9 =	rddreg [dreg:$0xf];
	[sflag:s21] =	ssyncadd.s32 $0xFFFFD800  }
0x35: {  	[spmem:s9] =	stream.linear.scatter [tilespmem:s20], [sflag:$0x3], $0x2800, $0x38;
	[tilespmem:$0x1E500] =	vst v63  }
0x36: {  	_ =	swait.ge [sflag:s21], $0x2800  }
0x37: {  	[sflag:s21] =	ssyncset.done $0x0  }
0x38: {  	[sflag:s21] =	ssyncadd.s32 $0xFFFFD800  }
0x39: {  	[spmem:s10] =	stream.linear.scatter [tilespmem:s20], [sflag:$0x3], $0x2800, $0x38;
	[tilespmem:$0x1E500] =	vst v63  }
0x3a: {  	_ =	swait.ge [sflag:s21], $0x2800  }
0x3b: {  	[sflag:s21] =	ssyncset.done $0x0  }
0x3c: {  	[sflag:s21] =	ssyncadd.s32 $0xFFFFD800  }
0x3d: {  	[spmem:s11] =	stream.linear.scatter [tilespmem:s20], [sflag:$0x3], $0x2800, $0x38;
	[tilespmem:$0x1E500] =	vst v63  }
0x3e: {  	_ =	swait.ge [sflag:s21], $0x2800  }
0x3f: {  	[sflag:s21] =	ssyncset.done $0x0  }
0x40: {  	[sflag:s21] =	ssyncadd.s32 $0xFFFFD800  }
0x41: {  	[spmem:s12] =	stream.linear.scatter [tilespmem:s20], [sflag:$0x3], $0x2800, $0x38;
	[tilespmem:$0x1E500] =	vst v63  }
0x42: {  	_ =	swait.ge [sflag:s21], $0x2800  }
0x43: {  	[sflag:s21] =	ssyncset.done $0x0  }
0x44: {  	[sflag:s21] =	ssyncadd.s32 $0xFFFFD800  }
0x45: {  	[spmem:s13] =	stream.linear.scatter [tilespmem:s20], [sflag:$0x3], $0x2800, $0x38;
	[tilespmem:$0x1E500] =	vst v63  }
0x46: {  	_ =	swait.ge [sflag:s21], $0x2800  }
0x47: {  	[sflag:s21] =	ssyncset.done $0x0  }
0x48: {  	[sflag:s21] =	ssyncadd.s32 $0xFFFFD800  }
0x49: {  	s3 =	simm.s32 $0x0;
	[bflag:$0x0] =	sbarrier.arrive $0xFFFF  }
0x4a: {  	[tilespmem:s20], [sflag:$0x1] =	stream.linear.gather [hbm4b:s14+s3], $0x2800, $0x38;
	[tilespmem:$0x1E500] =	vst v63  }
0x4b: {  	p1 =	sgt.u32 s18, $0x3E7  }
0x4c: {  	[tilespmem:s22], [sflag:$0x1] =	stream.linear.gather [hbm4b:s15+s3], $0x280, $0x38;
	[tilespmem:$0x1E500] =	vst v63  }
0x4d: {  	s5 =	sadd.s32 @!p1 $0x0, s17;
	s0 =	simm.s32 @!p1 $0x0;
	s3 =	simm.s32 @!p1 $0x1B800  }
0x4e: {  	[tilespmem:s3], [sflag:$0x2] =	stream.linear.gather @!p1 [hbm4b:s19+s0], $0x2800, $0x38;
	[tilespmem:$0x1E500] =	vst v63  }
0x4f: {  	s5 =	sadd.s32 @!p1 $0x4EC00, s5;
	s6 =	simm.s32 @!p1 $0x1E280  }
0x50: {  	[tilespmem:s6], [sflag:$0x2] =	stream.linear.gather @!p1 [hbm4b:s5+s0], $0x280, $0x38;
	[tilespmem:$0x1E500] =	vst v63  }
0x51: {  	_ =	swait.ge [sflag:s23], $0x2800  }
0x52: {  	[sflag:s23] =	ssyncset.done $0x0  }
0x53: {  	[sflag:s23] =	ssyncadd.s32 $0xFFFFD800  }
0x54: {  	_ =	swait.ge [sflag:s23], $0x280  }
0x55: {  	[sflag:s23] =	ssyncset.done $0x0  }
0x56: {  	[sflag:s23] =	ssyncadd.s32 $0xFFFFFD80  }
0x57: {  	[spmem:s1] =	stream.indirect.scatter.add.f32 [tilespmem:s20], [sflag:$0x4], $0x10, s22, s25, $0xb8;
	[tilespmem:$0x1E500] =	vst v63  }
0x58: {  	_ =	swait.ge [sflag:s26], $0x800  }
0x59: {  	s5 =	rddreg [dreg:$0x3];
	[sflag:s26] =	ssyncset.done $0x0  }
0x5a: {  	s7 =	rddreg [dreg:$0x4];
	[sflag:s26] =	ssyncadd.s32 $0xFFFFF800  }
0x5b: {  	[spmem:s1] =	stream.indirect.scatter.add.f32 [tilespmem:s5], [sflag:$0x4], $0x10, s7, s25, $0xb8;
	[tilespmem:$0x1E500] =	vst v63  }
0x5c: {  	_ =	swait.ge [sflag:s26], $0x800  }
0x5d: {  	s8 =	rddreg [dreg:$0x5];
	[sflag:s26] =	ssyncset.done $0x0  }
0x5e: {  	s9 =	rddreg [dreg:$0x6];
	[sflag:s26] =	ssyncadd.s32 $0xFFFFF800  }
0x5f: {  	[spmem:s1] =	stream.indirect.scatter.add.f32 [tilespmem:s8], [sflag:$0x4], $0x10, s9, s25, $0xb8;
	[tilespmem:$0x1E500] =	vst v63  }
0x60: {  	_ =	swait.ge [sflag:s26], $0x800  }
0x61: {  	s5 =	rddreg [dreg:$0x7];
	[sflag:s26] =	ssyncset.done $0x0  }
0x62: {  	s7 =	rddreg [dreg:$0x8];
	[sflag:s26] =	ssyncadd.s32 $0xFFFFF800  }
0x63: {  	[spmem:s1] =	stream.indirect.scatter.add.f32 [tilespmem:s5], [sflag:$0x4], $0x10, s7, s25, $0xb8;
	[tilespmem:$0x1E500] =	vst v63  }
0x64: {  	_ =	swait.ge [sflag:s26], $0x800  }
0x65: {  	s8 =	rddreg [dreg:$0x9];
	[sflag:s26] =	ssyncset.done $0x0  }
0x66: {  	s7 =	sadd.s32 $0x20, s18;
	s9 =	rddreg [dreg:$0xa];
	[sflag:s26] =	ssyncadd.s32 $0xFFFFF800  }
0x67: {  	[spmem:s1] =	stream.indirect.scatter.add.f32 [tilespmem:s8], [sflag:$0x4], $0x10, s9, s25, $0xb8;
	[tilespmem:$0x1E500] =	vst v63  }
0x68: {  	p0 =	sgt.u32 s7, $0x3E7;
	_ =	swait.ge [sflag:s26], $0x800  }
0x69: {  	s0 =	sadd.s32 @!p0 $0xA000, s19;
	s5 =	sadd.s32 @!p0 $0x0, s17;
	[sflag:s26] =	ssyncset.done $0x0  }
0x6a: {  	s7 =	simm.s32 @!p0 $0x0;
	s8 =	simm.s32 @!p0 $0x19000;
	[sflag:s26] =	ssyncadd.s32 $0xFFFFF800  }
0x6b: {  	[tilespmem:s8], [sflag:$0x1] =	stream.linear.gather @!p0 [hbm4b:s0+s7], $0x2800, $0x38;
	[tilespmem:$0x1E500] =	vst v63  }
0x6c: {  	s0 =	sadd.s32 @!p0 $0x4F600, s5;
	s5 =	simm.s32 @!p0 $0x1E000  }
0x6d: {  	[tilespmem:s5], [sflag:$0x1] =	stream.linear.gather @!p0 [hbm4b:s0+s7], $0x280, $0x38;
	[tilespmem:$0x1E500] =	vst v63  }
0x6e: {  	p0 =	por p1, p1  }
0x6f: {  	s0 =	simm.s32 @!p0 $0x2  }
0x70: {  	_ =	swait.ge @!p0 [sflag:s0], $0x2800  }
0x71: {  	[sflag:s0] =	ssyncset.done @!p0 $0x0  }
0x72: {  	[sflag:s0] =	ssyncadd.s32 @!p0 $0xFFFFD800  }
0x73: {  	_ =	swait.ge @!p0 [sflag:s0], $0x280  }
0x74: {  	[sflag:s0] =	ssyncset.done @!p0 $0x0  }
0x75: {  	s7 =	simm.s32 @!p0 $0x80;
	s8 =	simm.s32 @!p0 $0x4;
	[sflag:s0] =	ssyncadd.s32 @!p0 $0xFFFFFD80  }
0x76: {  	[spmem:s1] =	stream.indirect.scatter.add.f32 @!p0 [tilespmem:s3], [sflag:$0x4], $0x10, s6, s7, $0xb8;
	[tilespmem:$0x1E500] =	vst v63  }
0x77: {  	_ =	swait.ge @!p0 [sflag:s8], $0x800  }
0x78: {  	[sflag:s8] =	ssyncset.done @!p0 $0x0  }
0x79: {  	s0 =	simm.s32 @!p0 $0x1E300;
	s3 =	simm.s32 @!p0 $0x1C000;
	[sflag:s8] =	ssyncadd.s32 @!p0 $0xFFFFF800  }
0x7a: {  	[spmem:s1] =	stream.indirect.scatter.add.f32 @!p0 [tilespmem:s3], [sflag:$0x4], $0x10, s0, s7, $0xb8;
	[tilespmem:$0x1E500] =	vst v63  }
0x7b: {  	_ =	swait.ge @!p0 [sflag:s8], $0x800  }
0x7c: {  	[sflag:s8] =	ssyncset.done @!p0 $0x0  }
0x7d: {  	s0 =	simm.s32 @!p0 $0x1E380;
	s3 =	simm.s32 @!p0 $0x1C800;
	[sflag:s8] =	ssyncadd.s32 @!p0 $0xFFFFF800  }
0x7e: {  	[spmem:s1] =	stream.indirect.scatter.add.f32 @!p0 [tilespmem:s3], [sflag:$0x4], $0x10, s0, s7, $0xb8;
	[tilespmem:$0x1E500] =	vst v63  }
0x7f: {  	s28 =	simm.s32 $0x1400;
	_ =	swait.ge @!p0 [sflag:s8], $0x800  }
0x80: {  	s29 =	sadd.s32 $0x14000, s19;
	s30 =	smov.u32 s18;
	[sflag:s8] =	ssyncset.done @!p0 $0x0  }
0x81: {  	s0 =	simm.s32 @!p0 $0x1E400;
	s3 =	simm.s32 @!p0 $0x1D000;
	[sflag:s8] =	ssyncadd.s32 @!p0 $0xFFFFF800  }
0x82: {  	[spmem:s1] =	stream.indirect.scatter.add.f32 @!p0 [tilespmem:s3], [sflag:$0x4], $0x10, s0, s7, $0xb8;
	[tilespmem:$0x1E500] =	vst v63  }
0x83: {  	s31 =	simm.s32 @!p1 $0x1E480;
	s0 =	simm.s32 @!p1 $0x1D800;
	_ =	swait.ge @!p0 [sflag:s8], $0x800  }
.LBB2_4:
0x84: {  	[sflag:s8] =	ssyncset.done @!p0 $0x0  }
0x85: {  	s30 =	sadd.s32 $0x40, s30;
	s5 =	simm.s32 @!p0 $0x3;
	[sflag:s8] =	ssyncadd.s32 @!p0 $0xFFFFF800  }
0x86: {  	[spmem:s1] =	stream.indirect.scatter.add.f32 @!p0 [tilespmem:s0], [sflag:$0x3], $0x10, s31, s7, $0xb8;
	[tilespmem:$0x1E500] =	vst v63  }
0x87: {  	p2 =	sgt.u32 s30, $0x3E7;
	_ =	swait.ge @!p0 [sflag:s5], $0x800  }
0x88: {  	s6 =	smov.u32 s28;
	s7 =	simm.s32 @!p2 $0x0;
	[sflag:s5] =	ssyncset.done @!p0 $0x0  }
0x89: {  	s3 =	simm.s32 @!p2 $0x1B800;
	s0 =	sadd.s32 @!p2 s6, s17;
	[sflag:s5] =	ssyncadd.s32 @!p0 $0xFFFFF800  }
0x8a: {  	[tilespmem:s3], [sflag:$0x2] =	stream.linear.gather @!p2 [hbm4b:s29+s7], $0x2800, $0x38;
	[tilespmem:$0x1E500] =	vst v63  }
0x8b: {  	s8 =	sadd.s32 @!p2 $0x4EC00, s0;
	s5 =	simm.s32 @!p2 $0x1E280  }
0x8c: {  	[tilespmem:s5], [sflag:$0x2] =	stream.linear.gather @!p2 [hbm4b:s8+s7], $0x280, $0x38;
	[tilespmem:$0x1E500] =	vst v63  }
0x8d: {  	_ =	swait.ge [sflag:s23], $0x2800  }
0x8e: {  	[sflag:s23] =	ssyncset.done $0x0  }
0x8f: {  	[sflag:s23] =	ssyncadd.s32 $0xFFFFD800  }
0x90: {  	_ =	swait.ge [sflag:s23], $0x280  }
0x91: {  	[sflag:s23] =	ssyncset.done $0x0  }
0x92: {  	[sflag:s23] =	ssyncadd.s32 $0xFFFFFD80  }
0x93: {  	[spmem:s1] =	stream.indirect.scatter.add.f32 [tilespmem:s20], [sflag:$0x4], $0x10, s22, s25, $0xb8;
	[tilespmem:$0x1E500] =	vst v63  }
0x94: {  	_ =	swait.ge [sflag:s26], $0x800  }
0x95: {  	s8 =	rddreg [dreg:$0x3];
	[sflag:s26] =	ssyncset.done $0x0  }
0x96: {  	s9 =	rddreg [dreg:$0x4];
	[sflag:s26] =	ssyncadd.s32 $0xFFFFF800  }
0x97: {  	[spmem:s1] =	stream.indirect.scatter.add.f32 [tilespmem:s8], [sflag:$0x4], $0x10, s9, s25, $0xb8;
	[tilespmem:$0x1E500] =	vst v63  }
0x98: {  	_ =	swait.ge [sflag:s26], $0x800  }
0x99: {  	s8 =	rddreg [dreg:$0x5];
	[sflag:s26] =	ssyncset.done $0x0  }
0x9a: {  	s9 =	rddreg [dreg:$0x6];
	[sflag:s26] =	ssyncadd.s32 $0xFFFFF800  }
0x9b: {  	[spmem:s1] =	stream.indirect.scatter.add.f32 [tilespmem:s8], [sflag:$0x4], $0x10, s9, s25, $0xb8;
	[tilespmem:$0x1E500] =	vst v63  }
0x9c: {  	_ =	swait.ge [sflag:s26], $0x800  }
0x9d: {  	s8 =	rddreg [dreg:$0x7];
	[sflag:s26] =	ssyncset.done $0x0  }
0x9e: {  	s9 =	rddreg [dreg:$0x8];
	[sflag:s26] =	ssyncadd.s32 $0xFFFFF800  }
0x9f: {  	[spmem:s1] =	stream.indirect.scatter.add.f32 [tilespmem:s8], [sflag:$0x4], $0x10, s9, s25, $0xb8;
	[tilespmem:$0x1E500] =	vst v63  }
0xa0: {  	s31 =	simm.s32 @!p2 $0x1E480;
	_ =	swait.ge [sflag:s26], $0x800  }
0xa1: {  	s0 =	simm.s32 @!p2 $0x1D800;
	s7 =	rddreg [dreg:$0x9];
	[sflag:s26] =	ssyncset.done $0x0  }
0xa2: {  	s9 =	sadd.s32 $0x20, s30;
	s8 =	rddreg [dreg:$0xa];
	[sflag:s26] =	ssyncadd.s32 $0xFFFFF800  }
0xa3: {  	[spmem:s1] =	stream.indirect.scatter.add.f32 [tilespmem:s7], [sflag:$0x4], $0x10, s8, s25, $0xb8;
	[tilespmem:$0x1E500] =	vst v63  }
0xa4: {  	p0 =	por p2, p2;
	p2 =	sgt.u32 s9, $0x3E7;
	_ =	swait.ge [sflag:s26], $0x800  }
0xa5: {  	s6 =	sadd.s32 @!p2 s6, s17;
	s9 =	simm.s32 @!p2 $0x19000;
	[sflag:s26] =	ssyncset.done $0x0  }
0xa6: {  	s7 =	sadd.s32 @!p2 $0xA000, s29;
	s8 =	simm.s32 @!p2 $0x0;
	[sflag:s26] =	ssyncadd.s32 $0xFFFFF800  }
0xa7: {  	[tilespmem:s9], [sflag:$0x1] =	stream.linear.gather @!p2 [hbm4b:s7+s8], $0x2800, $0x38;
	[tilespmem:$0x1E500] =	vst v63  }
0xa8: {  	s6 =	sadd.s32 @!p2 $0x4F600, s6;
	s7 =	simm.s32 @!p2 $0x1E000;
	s9 =	simm.s32 @!p0 $0x2  }
0xa9: {  	[tilespmem:s7], [sflag:$0x1] =	stream.linear.gather @!p2 [hbm4b:s6+s8], $0x280, $0x38;
	[tilespmem:$0x1E500] =	vst v63  }
0xaa: {  	_ =	swait.ge @!p0 [sflag:s9], $0x2800  }
0xab: {  	[sflag:s9] =	ssyncset.done @!p0 $0x0  }
0xac: {  	[sflag:s9] =	ssyncadd.s32 @!p0 $0xFFFFD800  }
0xad: {  	_ =	swait.ge @!p0 [sflag:s9], $0x280  }
0xae: {  	[sflag:s9] =	ssyncset.done @!p0 $0x0  }
0xaf: {  	s7 =	simm.s32 @!p0 $0x80;
	s8 =	simm.s32 @!p0 $0x4;
	[sflag:s9] =	ssyncadd.s32 @!p0 $0xFFFFFD80  }
0xb0: {  	[spmem:s1] =	stream.indirect.scatter.add.f32 @!p0 [tilespmem:s3], [sflag:$0x4], $0x10, s5, s7, $0xb8;
	[tilespmem:$0x1E500] =	vst v63  }
0xb1: {  	_ =	swait.ge @!p0 [sflag:s8], $0x800  }
0xb2: {  	[sflag:s8] =	ssyncset.done @!p0 $0x0  }
0xb3: {  	s3 =	simm.s32 @!p0 $0x1E300;
	s5 =	simm.s32 @!p0 $0x1C000;
	[sflag:s8] =	ssyncadd.s32 @!p0 $0xFFFFF800  }
0xb4: {  	[spmem:s1] =	stream.indirect.scatter.add.f32 @!p0 [tilespmem:s5], [sflag:$0x4], $0x10, s3, s7, $0xb8;
	[tilespmem:$0x1E500] =	vst v63  }
0xb5: {  	s28 =	sadd.s32 $0x1400, s28;
	_ =	swait.ge @!p0 [sflag:s8], $0x800  }
0xb6: {  	p1 =	sne.s32 s28, $0x14000;
	[sflag:s8] =	ssyncset.done @!p0 $0x0  }
0xb7: {  	s3 =	simm.s32 @!p0 $0x1E380;
	s5 =	simm.s32 @!p0 $0x1C800;
	[sflag:s8] =	ssyncadd.s32 @!p0 $0xFFFFF800  }
0xb8: {  	[spmem:s1] =	stream.indirect.scatter.add.f32 @!p0 [tilespmem:s5], [sflag:$0x4], $0x10, s3, s7, $0xb8;
	[tilespmem:$0x1E500] =	vst v63  }
.Ltmp1:
0xb9: {  	_ =	swait.ge @!p0 [sflag:s8], $0x800;
	(pc) =	sbr.rel @p1 .LBB2_4-.Ltmp1, $4  }
0xba: {  	[sflag:s8] =	ssyncset.done @!p0 $0x0  }
0xbb: {  	s3 =	simm.s32 @!p0 $0x1E400;
	s5 =	simm.s32 @!p0 $0x1D000;
	[sflag:s8] =	ssyncadd.s32 @!p0 $0xFFFFF800  }
0xbc: {  	[spmem:s1] =	stream.indirect.scatter.add.f32 @!p0 [tilespmem:s5], [sflag:$0x4], $0x10, s3, s7, $0xb8;
	[tilespmem:$0x1E500] =	vst v63  }
0xbd: {  	s29 =	sadd.s32 $0x14000, s29;
	_ =	swait.ge @!p0 [sflag:s8], $0x800  }
0xbe: {  	[sflag:s8] =	ssyncset.done @!p0 $0x0  }
0xbf: {  	s3 =	simm.s32 @!p0 $0x3;
	[sflag:s8] =	ssyncadd.s32 @!p0 $0xFFFFF800  }
0xc0: {  	[spmem:s1] =	stream.indirect.scatter.add.f32 @!p0 [tilespmem:s0], [sflag:$0x3], $0x10, s31, s7, $0xb8;
	[tilespmem:$0x1E500] =	vst v63  }
0xc1: {  	s30 =	stileid.u32;
	_ =	swait.ge @!p0 [sflag:s3], $0x800  }
0xc2: {  	s2 =	sadd.s32 $0x1, s2;
	s0 =	sshll.u32 s30, $0x6;
	[sflag:s3] =	ssyncset.done @!p0 $0x0  }
0xc3: {  	s31 =	sshrl.u32 s4, $0x3;
	[sflag:s3] =	ssyncadd.s32 @!p0 $0xFFFFF800;
	p0 =	sne.s32 s2, s16  }
.Ltmp2:
0xc4: {  	s0 =	sor.u32 $0x1C03, s0;
	[bflag:$0x0] =	sbarrier.arrive $0xFFFF;
	(pc) =	sbr.rel @p0 .LBB2_1-.Ltmp2, $4  }
0xc5: {  	[hbm:s24], [sflag:s0] =	dma.local [spmem:s31], $0x3200  }
0xc6: {  	_ =	swait.ge [sflag:s21], $0x3200  }
0xc7: {  	[sflag:s21] =	ssyncset.done $0x0  }
0xc8: {  	[sflag:s21] =	ssyncadd.s32 $0xFFFFCE00  }
0xc9: {  	_ =	sfence.sel $0x180000  }
0xca: {  	[bflag:$0x0] =	sbarrier.arrive $0xFFFF  }
0xcb: {  	_ =	strace $0x90000050  }
0xcc: {  	s0 =	stileid.u32;
	[bflag:$0x2] =	sbarrier.arrive $0xFFFF  }
0xcd: {  	p0 =	sne.s32 s0, $0x0;
	s0 =	rddreg [dreg:$0x2]  }
0xce: {  	s0 =	sadd.s32 @!p0 $0x100000, s0  }
0xcf: {  	[sflag:s0] =	ssyncadd.tile.s32 @!p0 $0x1;
	_ =	shalt  }
.Lfunc_end2:
_tile_overlayer_lowered:
.L_overlay_start_2:
0xd0: {  	(tag) =	ssettag $0x2  }
0xd1: {  	s0 =	rddreg [dreg:$0x0];
	s2 =	stileid.u32  }
0xd2: {  	s1 =	rddreg [dreg:$0x1];
	p0 =	sne.s32 s2, $0x0  }
0xd3: {  	s3 =	rddreg [dreg:$0x2];
	[bflag:$0x3] =	sbarrier.arrive $0xFFFF;
	s2 =	simm.s32 @!p0 $0x1C03  }
0xd4: {  	[timem:s3], [sflag:s2] =	dma.local @!p0 [hbm:s0], s1  }
0xd5: {  	s0 =	simm.s32 @!p0 $0x3  }
0xd6: {  	_ =	swait.ge @!p0 [sflag:s0], s1  }
0xd7: {  	s1 =	ssub.s32 @!p0 $0x0, s1;
	[sflag:s0] =	ssyncset.done @!p0 $0x0  }
0xd8: {  	[sflag:s0] =	ssyncadd.s32 @!p0 s1  }
0xd9: {  	[bflag:$0x3] =	sbarrier.arrive $0xFFFF  }
0xda: {  	_ =	shalt  }

</sc_bundles>
